<compile_context>
chip_gen: v7x
topology: tpu7x:2x2x1
jax: 0.10.2.dev20260603
libtpu: 0.0.44.dev20260713+nightly
codegen_flags: <defaults>
</compile_context>

<pallas_src>
import functools

import jax
import jax.numpy as jnp
from jax import lax
from jax.experimental import pallas as pl
from jax.experimental.pallas import tpu as pltpu
from jax.experimental.pallas import tpu_sc as plsc

HID = 128
H = 4
D = 32
N_P = 1024
N_I = 4096
NW = 32
SW = 65536


def _edge_counts(e_p2i, e_i2p):
    E = e_p2i.shape[1]
    EPT = E // 16
    NQ = 8
    QW = N_I * N_P // NQ
    SHW = QW // 16

    mesh = plsc.VectorSubcoreMesh(core_axis_name="c", subcore_axis_name="s")

    @functools.partial(
        pl.kernel,
        out_type=(jax.ShapeDtypeStruct((N_I * N_P,), jnp.float32),
                  jax.ShapeDtypeStruct((N_P * N_I,), jnp.float32)),
        mesh=mesh,
        scratch_types=[pltpu.VMEM_SHARED((QW,), jnp.float32),
                       pltpu.VMEM((EPT,), jnp.int32),
                       pltpu.VMEM((EPT,), jnp.int32),
                       pltpu.VMEM((EPT,), jnp.int32),
                       pltpu.VMEM((EPT,), jnp.float32),
                       pltpu.VMEM((SHW // 4,), jnp.float32)],
        compiler_params=pltpu.CompilerParams(needs_layout_passes=False),
    )
    def count_kernel(ep_hbm, ei_hbm, out_p2i, out_i2p,
                     quarter, sbuf, dbuf, idxbuf, ones_vals, zbuf):
        cid = lax.axis_index("c")
        sid = lax.axis_index("s")
        ones16 = jnp.ones((16,), jnp.float32)
        zeros16 = jnp.zeros((16,), jnp.float32)

        def initbody(i, _):
            for u in range(8):
                ones_vals[pl.ds(i * 128 + u * 16, 16)] = ones16
            for u in range(2):
                zbuf[pl.ds(i * 32 + u * 16, 16)] = zeros16
            return 0
        lax.fori_loop(0, EPT // 128, initbody, 0)

        for e_hbm, out_hbm, rows, width in ((ep_hbm, out_p2i, N_I, N_P),
                                            (ei_hbm, out_i2p, N_P, N_I)):
            pltpu.sync_copy(e_hbm.at[0, pl.ds(sid * EPT, EPT)], sbuf)
            pltpu.sync_copy(e_hbm.at[1, pl.ds(sid * EPT, EPT)], dbuf)

            def fbody(i, _, width=width):
                for u in range(8):
                    sl = pl.ds(i * 128 + u * 16, 16)
                    dbuf[sl] = dbuf[sl] * width + sbuf[sl]
                return 0
            lax.fori_loop(0, EPT // 128, fbody, 0)

            for pss in range(NQ // 2):
                q = pss * 2 + cid
                qbase = q * QW
                qtop = qbase + QW

                for j in range(4):
                    pltpu.sync_copy(
                        zbuf, quarter.at[pl.ds(sid * SHW + j * (SHW // 4),
                                               SHW // 4)])
                plsc.subcore_barrier()

                def ibody(i, _, qbase=qbase, qtop=qtop):
                    for u in range(8):
                        sl = pl.ds(i * 128 + u * 16, 16)
                        f = dbuf[sl]
                        msk = (f >= qbase) & (f < qtop)
                        idxbuf[sl] = jnp.where(msk, f - qbase, -1)
                    return 0
                lax.fori_loop(0, EPT // 128, ibody, 0)
                pltpu.sync_copy(
                    ones_vals,
                    quarter.at[plsc.Indices(idxbuf, ignored_value=-1)],
                    add=True)
                plsc.subcore_barrier()

                pltpu.sync_copy(
                    quarter.at[pl.ds(sid * SHW, SHW)],
                    out_hbm.at[pl.ds(q * QW + sid * SHW, SHW)])
                plsc.subcore_barrier()

    cp, ci = count_kernel(e_p2i, e_i2p)
    return cp.reshape(N_I, N_P), ci.reshape(N_P, N_I)


def _log_counts(c1, c2):
    g = 8
    b1, b2 = c1.shape[0] // g, c2.shape[0] // g

    def body(c1_ref, c2_ref, o1_ref, o2_ref):
        o1_ref[...] = jnp.log(c1_ref[...]).astype(jnp.bfloat16)
        o2_ref[...] = jnp.log(c2_ref[...]).astype(jnp.bfloat16)

    return pl.pallas_call(
        body, grid=(g,),
        in_specs=[pl.BlockSpec((b1, c1.shape[1]), lambda i: (i, 0)),
                  pl.BlockSpec((b2, c2.shape[1]), lambda i: (i, 0))],
        out_specs=[pl.BlockSpec((b1, c1.shape[1]), lambda i: (i, 0)),
                   pl.BlockSpec((b2, c2.shape[1]), lambda i: (i, 0))],
        out_shape=(jax.ShapeDtypeStruct(c1.shape, jnp.bfloat16),
                   jax.ShapeDtypeStruct(c2.shape, jnp.bfloat16)),
    )(c1, c2)


def _linear_body(x_ref, w_ref, b_ref, o_ref):
    o_ref[...] = (jnp.dot(x_ref[...], w_ref[...],
                          preferred_element_type=jnp.float32) + b_ref[...])


def _linear(x, w, b):
    n, dout = x.shape[0], w.shape[1]
    return pl.pallas_call(
        _linear_body,
        out_shape=jax.ShapeDtypeStruct((n, dout), jnp.float32),
    )(x, w, b.reshape(1, dout))


def _prep(h, wq, bq, wk, bk, abd, wv, bv, mbd, extras):
    n = h.shape[0]
    nx = len(extras)

    def body(*refs):
        h_ref, wq_ref, bq_ref, wk_ref, bk_ref, abd_ref, wv_ref, bv_ref, \
            mbd_ref = refs[:9]
        xw = refs[9:9 + 2 * nx]
        q_ref, krel_ref, vrel_ref = refs[9 + 2 * nx:12 + 2 * nx]
        xout = refs[12 + 2 * nx:]
        hv = h_ref[...]
        q_ref[...] = (jnp.dot(hv, wq_ref[...],
                              preferred_element_type=jnp.float32) + bq_ref[...])
        k = (jnp.dot(hv, wk_ref[...],
                     preferred_element_type=jnp.float32) + bk_ref[...])
        krel_ref[...] = jnp.dot(k, abd_ref[...],
                                preferred_element_type=jnp.float32)
        v = (jnp.dot(hv, wv_ref[...],
                     preferred_element_type=jnp.float32) + bv_ref[...])
        vrel_ref[...] = jnp.dot(v, mbd_ref[...],
                                preferred_element_type=jnp.float32)
        for t in range(nx):
            xout[t][...] = (jnp.dot(hv, xw[2 * t][...],
                                    preferred_element_type=jnp.float32)
                            + xw[2 * t + 1][...])

    out = jax.ShapeDtypeStruct((n, HID), jnp.float32)
    xargs = []
    for w, b in extras:
        xargs += [w, b.reshape(1, HID)]
    return pl.pallas_call(
        body, out_shape=(out,) * (3 + nx),
    )(h, wq, bq.reshape(1, HID), wk, bk.reshape(1, HID), abd,
      wv, bv.reshape(1, HID), mbd, *xargs)


def _heads_attend(q, k, v, lc):
    cols = []
    kb = k.astype(jnp.bfloat16)
    vb = v.astype(jnp.bfloat16)
    qb = q.astype(jnp.bfloat16)
    ones_col = jnp.ones((v.shape[0], 1), jnp.bfloat16)
    for h in range(H):
        sl = slice(h * D, (h + 1) * D)
        s = lax.dot_general(qb[:, sl], kb[:, sl], (((1,), (1,)), ((), ())),
                            preferred_element_type=jnp.float32)
        if lc is not None:
            s = s + lc.astype(jnp.float32)
        e = jnp.exp(s).astype(jnp.bfloat16)
        vext = jnp.concatenate([vb[:, sl], ones_col], axis=1)
        ohx = jnp.dot(e, vext, preferred_element_type=jnp.float32)
        cols.append(ohx[:, :D] / (ohx[:, D:D + 1] + 1e-16))
    return jnp.concatenate(cols, axis=1)


def _residual_ln(h, y, g, bl):
    z = h + y
    mu = jnp.mean(z, axis=1, keepdims=True)
    var = jnp.mean((z - mu) ** 2, axis=1, keepdims=True)
    return jax.nn.gelu((z - mu) / jnp.sqrt(var + 1e-5) * g + bl)


def _item_layer(h_i, q_i, q_ca, krel, vrel, k_ca, v_ca, c, cp_a, ln, alpha,
                ca_o, out_lin):
    n, ns = h_i.shape[0], krel.shape[0]
    blk = 512
    final = out_lin is not None

    def body(h_ref, qi_ref, qc_ref, k_ref, v_ref, kc_ref, vc_ref, c_ref,
             wa_ref, ba_ref, g_ref, bl_ref, al_ref, wo_ref, bo_ref,
             *rest):
        if final:
            wout_ref, bout_ref, o_ref = rest
        else:
            (o_ref,) = rest
        msg = _heads_attend(qi_ref[...], k_ref[...], v_ref[...], c_ref[...])
        cross = _heads_attend(qc_ref[...], kc_ref[...], vc_ref[...], None)
        t = (jnp.dot(jax.nn.gelu(msg), wa_ref[...],
                     preferred_element_type=jnp.float32) + ba_ref[...])
        a = al_ref[0, 0]
        y = a * t + (1.0 - a) * h_ref[...]
        y = y + (jnp.dot(cross, wo_ref[...],
                         preferred_element_type=jnp.float32) + bo_ref[...])
        hn = _residual_ln(h_ref[...], y, g_ref[...], bl_ref[...])
        if final:
            o_ref[...] = (jnp.dot(hn, wout_ref[...],
                                  preferred_element_type=jnp.float32)
                          + bout_ref[...])
        else:
            o_ref[...] = hn

    rspec = pl.BlockSpec((blk, HID), lambda i: (i, 0))
    fspec = pl.BlockSpec((ns, HID), lambda i: (0, 0))
    wspec = pl.BlockSpec((HID, HID), lambda i: (0, 0))
    bspec = pl.BlockSpec((1, HID), lambda i: (0, 0))
    sspec = pl.BlockSpec((1, 1), lambda i: (0, 0))
    cspec = pl.BlockSpec((blk, ns), lambda i: (i, 0))
    in_specs = [rspec, rspec, rspec, fspec, fspec, fspec, fspec, cspec,
                wspec, bspec, bspec, bspec, sspec, wspec, bspec]
    args = [h_i, q_i, q_ca, krel, vrel, k_ca, v_ca, c,
            cp_a['W'], cp_a['b'].reshape(1, HID), ln['g'].reshape(1, HID),
            ln['b'].reshape(1, HID), alpha.reshape(1, 1),
            ca_o['W'], ca_o['b'].reshape(1, HID)]
    if final:
        in_specs += [wspec, bspec]
        args += [out_lin['W'], out_lin['b'].reshape(1, HID)]
    return pl.pallas_call(
        body, grid=(n // blk,), in_specs=in_specs, out_specs=rspec,
        out_shape=jax.ShapeDtypeStruct((n, HID), jnp.float32),
    )(*args)


def _part_layer(h_p, q_p, krel, vrel, c, cp_a, ln, alpha, out_lin):
    n, ns = h_p.shape[0], krel.shape[0]
    blk = 256
    final = out_lin is not None

    def body(h_ref, qp_ref, k_ref, v_ref, c_ref, wa_ref, ba_ref, g_ref,
             bl_ref, al_ref, *rest):
        if final:
            wout_ref, bout_ref, o_ref = rest
        else:
            (o_ref,) = rest
        msg = _heads_attend(qp_ref[...], k_ref[...], v_ref[...], c_ref[...])
        t = (jnp.dot(jax.nn.gelu(msg), wa_ref[...],
                     preferred_element_type=jnp.float32) + ba_ref[...])
        a = al_ref[0, 0]
        y = a * t + (1.0 - a) * h_ref[...]
        hn = _residual_ln(h_ref[...], y, g_ref[...], bl_ref[...])
        if final:
            o_ref[...] = (jnp.dot(hn, wout_ref[...],
                                  preferred_element_type=jnp.float32)
                          + bout_ref[...])
        else:
            o_ref[...] = hn

    rspec = pl.BlockSpec((blk, HID), lambda i: (i, 0))
    fspec = pl.BlockSpec((ns, HID), lambda i: (0, 0))
    wspec = pl.BlockSpec((HID, HID), lambda i: (0, 0))
    bspec = pl.BlockSpec((1, HID), lambda i: (0, 0))
    sspec = pl.BlockSpec((1, 1), lambda i: (0, 0))
    cspec = pl.BlockSpec((blk, ns), lambda i: (i, 0))
    in_specs = [rspec, rspec, fspec, fspec, cspec,
                wspec, bspec, bspec, bspec, sspec]
    args = [h_p, q_p, krel, vrel, c,
            cp_a['W'], cp_a['b'].reshape(1, HID), ln['g'].reshape(1, HID),
            ln['b'].reshape(1, HID), alpha.reshape(1, 1)]
    if final:
        in_specs += [wspec, bspec]
        args += [out_lin['W'], out_lin['b'].reshape(1, HID)]
    return pl.pallas_call(
        body, grid=(n // blk,), in_specs=in_specs, out_specs=rspec,
        out_shape=jax.ShapeDtypeStruct((n, HID), jnp.float32),
    )(*args)


def _block_diag(a):
    eye = jnp.eye(H, dtype=a.dtype)[:, None, :, None]
    return (eye * a[:, :, None, :]).reshape(H * D, H * D)


def _forward_dense(x_p, x_i, c_p2i, c_i2p, params):
    p = params
    ca = p['ca_i']
    inv_sqrt_d = float(D) ** -0.5
    nl = len(p['convs'])

    h_p = _linear(x_p, p['in_p']['W'], p['in_p']['b'])
    h_i = _linear(x_i, p['in_i']['W'], p['in_i']['b'])
    c_p2i, c_i2p = _log_counts(c_p2i, c_i2p)

    for l in range(nl):
        cp = p['convs'][l]
        last = l == nl - 1
        abd_p2i = _block_diag(cp['att_p2i']
                              * (cp['pri_p2i'] * inv_sqrt_d)[:, None, None])
        mbd_p2i = _block_diag(cp['msg_p2i'])
        abd_i2p = _block_diag(cp['att_i2p']
                              * (cp['pri_i2p'] * inv_sqrt_d)[:, None, None])
        mbd_i2p = _block_diag(cp['msg_i2p'])
        a_p = jax.nn.sigmoid(cp['skip_p'])
        a_i = jax.nn.sigmoid(cp['skip_i'])

        q_p, krel_p2i, vrel_p2i, k_ca, v_ca = _prep(
            h_p, cp['q_p']['W'], cp['q_p']['b'], cp['k_p']['W'], cp['k_p']['b'],
            abd_p2i, cp['v_p']['W'], cp['v_p']['b'], mbd_p2i,
            [(ca['k']['W'], ca['k']['b']), (ca['v']['W'], ca['v']['b'])])
        q_i, krel_i2p, vrel_i2p, q_ca = _prep(
            h_i, cp['q_i']['W'], cp['q_i']['b'], cp['k_i']['W'], cp['k_i']['b'],
            abd_i2p, cp['v_i']['W'], cp['v_i']['b'], mbd_i2p,
            [(ca['q']['W'] * inv_sqrt_d, ca['q']['b'] * inv_sqrt_d)])

        h_p = _part_layer(h_p, q_p, krel_i2p, vrel_i2p, c_i2p,
                          cp['a_p'], p['ln_p'], a_p,
                          p['out_p'] if last else None)
        h_i = _item_layer(h_i, q_i, q_ca, krel_p2i, vrel_p2i, k_ca, v_ca,
                          c_p2i, cp['a_i'], p['ln_i'], a_i, ca['o'],
                          p['out_i'] if last else None)

    return h_p, h_i


def kernel(x_participant, x_item, edge_index_p2i, edge_index_i2p, params):
    c_p2i, c_i2p = _edge_counts(edge_index_p2i, edge_index_i2p)
    return _forward_dense(x_participant, x_item, c_p2i, c_i2p, params)

# --- scband reference (transcript-rebuilt; emitter-appended) ---
"""Pipeline reference for scband-heterogeneous-graph-transformer-with-cross-attention-71588514890090 (READ-ONLY COPY).

The authoritative reference and input builder live on the scoring server;
editing this copy changes nothing except your own understanding.
"""

import jax, jax.numpy as jnp
import numpy as np

HID = 128
H = 4
D = 32
OUT = 128
N_P = 1024
N_I = 4096
E = 262144
L = 2


def _lin_params(rng, din, dout):
    return {'W': jnp.asarray(rng.normal(0.0, 0.02, (din, dout)), jnp.float32),
            'b': jnp.zeros((dout,), jnp.float32)}


def _conv_params(rng):
    c = {}
    for t in ('p', 'i'):
        c['k_' + t] = _lin_params(rng, HID, HID)
        c['q_' + t] = _lin_params(rng, HID, HID)
        c['v_' + t] = _lin_params(rng, HID, HID)
        c['a_' + t] = _lin_params(rng, HID, HID)
        c['skip_' + t] = jnp.ones((), jnp.float32)
    for e in ('p2i', 'i2p'):
        c['att_' + e] = jnp.asarray(rng.normal(0.0, 0.05, (H, D, D)), jnp.float32)
        c['msg_' + e] = jnp.asarray(rng.normal(0.0, 0.05, (H, D, D)), jnp.float32)
        c['pri_' + e] = jnp.ones((H,), jnp.float32)
    return c


def setup_inputs():
    rng = np.random.default_rng(0)
    x_p = jnp.asarray(rng.normal(0.0, 1.0, (N_P, 128)), jnp.float32)
    x_i = jnp.asarray(rng.normal(0.0, 1.0, (N_I, 128)), jnp.float32)
    e_p2i = jnp.asarray(np.stack([rng.integers(0, N_P, E), rng.integers(0, N_I, E)]), jnp.int32)
    e_i2p = jnp.asarray(np.stack([rng.integers(0, N_I, E), rng.integers(0, N_P, E)]), jnp.int32)
    params = {
        'in_p': _lin_params(rng, 128, HID),
        'in_i': _lin_params(rng, 128, HID),
        'convs': [_conv_params(rng) for _ in range(L)],
        'ca_i': {'q': _lin_params(rng, HID, HID), 'k': _lin_params(rng, HID, HID),
                 'v': _lin_params(rng, HID, HID), 'o': _lin_params(rng, HID, HID)},
        'ln_p': {'g': jnp.ones((HID,), jnp.float32), 'b': jnp.zeros((HID,), jnp.float32)},
        'ln_i': {'g': jnp.ones((HID,), jnp.float32), 'b': jnp.zeros((HID,), jnp.float32)},
        'out_p': _lin_params(rng, HID, OUT),
        'out_i': _lin_params(rng, HID, OUT),
    }
    return {'x_participant': x_p, 'x_item': x_i,
            'edge_index_p2i': e_p2i, 'edge_index_i2p': e_i2p, 'params': params}


def _apply_lin(p, x):
    return x @ p['W'] + p['b']


def _seg_softmax(alpha, dst, n):
    m = jax.ops.segment_max(alpha, dst, num_segments=n)
    m = jnp.where(jnp.isfinite(m), m, 0.0)
    ex = jnp.exp(alpha - m[dst])
    den = jax.ops.segment_sum(ex, dst, num_segments=n)
    return ex / (den[dst] + 1e-16)


def _hgt_edge(k_src, q_dst, v_src, edge, att, msg, pri, n_dst):
    krel = jnp.einsum('nhd,hde->nhe', k_src, att)
    vrel = jnp.einsum('nhd,hde->nhe', v_src, msg)
    s, d = edge[0], edge[1]
    alpha = (krel[s] * q_dst[d]).sum(-1) * pri / jnp.sqrt(float(D))
    w = _seg_softmax(alpha, d, n_dst)
    out = jax.ops.segment_sum(vrel[s] * w[:, :, None], d, num_segments=n_dst)
    return out.reshape(n_dst, H * D)


def _hgt_conv(cp, h_p, h_i, e_p2i, e_i2p):
    k_p = _apply_lin(cp['k_p'], h_p).reshape(-1, H, D)
    q_p = _apply_lin(cp['q_p'], h_p).reshape(-1, H, D)
    v_p = _apply_lin(cp['v_p'], h_p).reshape(-1, H, D)
    k_i = _apply_lin(cp['k_i'], h_i).reshape(-1, H, D)
    q_i = _apply_lin(cp['q_i'], h_i).reshape(-1, H, D)
    v_i = _apply_lin(cp['v_i'], h_i).reshape(-1, H, D)
    out_i = _hgt_edge(k_p, q_i, v_p, e_p2i, cp['att_p2i'], cp['msg_p2i'], cp['pri_p2i'], N_I)
    out_p = _hgt_edge(k_i, q_p, v_i, e_i2p, cp['att_i2p'], cp['msg_i2p'], cp['pri_i2p'], N_P)
    out_p = _apply_lin(cp['a_p'], jax.nn.gelu(out_p))
    out_i = _apply_lin(cp['a_i'], jax.nn.gelu(out_i))
    a_p = jax.nn.sigmoid(cp['skip_p'])
    a_i = jax.nn.sigmoid(cp['skip_i'])
    return a_p * out_p + (1.0 - a_p) * h_p, a_i * out_i + (1.0 - a_i) * h_i


def _cross_attn(ca, query, kv):
    q = _apply_lin(ca['q'], query).reshape(-1, H, D).transpose(1, 0, 2)
    k = _apply_lin(ca['k'], kv).reshape(-1, H, D).transpose(1, 0, 2)
    v = _apply_lin(ca['v'], kv).reshape(-1, H, D).transpose(1, 0, 2)
    att = jnp.einsum('hqd,hkd->hqk', q, k) * (float(D) ** -0.5)
    p = jax.nn.softmax(att, axis=-1)
    o = jnp.einsum('hqk,hkd->hqd', p, v).transpose(1, 0, 2).reshape(-1, H * D)
    return _apply_lin(ca['o'], o)


def _ln(p, x):
    mu = x.mean(-1, keepdims=True)
    var = ((x - mu) ** 2).mean(-1, keepdims=True)
    return (x - mu) / jnp.sqrt(var + 1e-5) * p['g'] + p['b']


def _forward(params, x_p, x_i, e_p2i, e_i2p):
    h_p = _apply_lin(params['in_p'], x_p)
    h_i = _apply_lin(params['in_i'], x_i)
    for l in range(L):
        new_p, new_i = _hgt_conv(params['convs'][l], h_p, h_i, e_p2i, e_i2p)
        cross_i = _cross_attn(params['ca_i'], h_i, h_p)
        new_i = new_i + cross_i
        h_p = jax.nn.gelu(_ln(params['ln_p'], h_p + new_p))
        h_i = jax.nn.gelu(_ln(params['ln_i'], h_i + new_i))
    return _apply_lin(params['out_p'], h_p), _apply_lin(params['out_i'], h_i)


def reference(x_participant, x_item, edge_index_p2i, edge_index_i2p, params):
    return _forward(params, x_participant, x_item, edge_index_p2i, edge_index_i2p)

if __name__ == "__main__":
    import jax
    _d = setup_inputs()
    print(jax.jit(kernel)(*tuple(_d.values())))

</pallas_src>

<mosaic_0001>
#map = affine_map<(d0, d1) -> (0, 0)>
#map1 = affine_map<(d0, d1) -> (0)>
module attributes {stable_mosaic.version = 14 : i64} {
  func.func @count_kernel(%arg0: i32, %arg1: i32, %arg2: memref<2x262144xi32, #tpu.memory_space<hbm>>, %arg3: memref<2x262144xi32, #tpu.memory_space<hbm>>, %arg4: memref<4194304xf32, #tpu.memory_space<hbm>>, %arg5: memref<4194304xf32, #tpu.memory_space<hbm>>, %arg6: memref<524288xf32, #tpu.memory_space<vmem_shared>>, %arg7: memref<16384xi32, #tpu.memory_space<vmem>>, %arg8: memref<16384xi32, #tpu.memory_space<vmem>>, %arg9: memref<16384xi32, #tpu.memory_space<vmem>>, %arg10: memref<16384xf32, #tpu.memory_space<vmem>>, %arg11: memref<8192xf32, #tpu.memory_space<vmem>>) attributes {dimension_semantics = [#tpu.dimension_semantics<core_parallel>, #tpu.dimension_semantics<subcore_parallel>], iteration_bounds = array<i64: 2, 16>, scalar_prefetch = 0 : i64, scratch_operands = 6 : i64, tpu.core_type = #tpu.core_type<sc_vector_subcore>, window_params = [{transform_indices = #map}, {transform_indices = #map}, {transform_indices = #map1}, {transform_indices = #map1}]} {
    %broadcast_in_dim3A = arith.constant 1.000000e+00 : f32
    %broadcast_in_dim3A_0 = vector.broadcast %broadcast_in_dim3A : f32 to vector<16xf32>
    %broadcast_in_dim3A_1 = arith.constant 0.000000e+00 : f32
    %broadcast_in_dim3A_2 = vector.broadcast %broadcast_in_dim3A_1 : f32 to vector<16xf32>
    %scan3A = arith.constant 0 : i32
    %scan3A_3 = arith.constant 0 : i32
    %scan3A_4 = arith.constant 128 : i32
    %scan3A_5 = arith.addi %scan3A_3, %scan3A_4 : i32
    %scan3A_6 = arith.constant 1 : i32
    %scan3A_7 = scf.for %scan3A_343 = %scan3A_3 to %scan3A_5 step %scan3A_6 iter_args(%scan3A_344 = %scan3A) -> (i32)  : i32 {
      %mul3A_345 = arith.constant 128 : i32
      %mul3A_346 = arith.muli %scan3A_343, %mul3A_345 : i32
      %add3A_347 = arith.constant 0 : i32
      %add3A_348 = arith.addi %mul3A_346, %add3A_347 : i32
      %swap3A = arith.index_cast %add3A_348 : i32 to index
      %swap3A_349 = tpu.vector_load %arg10[%swap3A] {strides = array<i32>} : memref<16384xf32, #tpu.memory_space<vmem>>, vector<16xf32>,
      tpu.vector_store %arg10[%swap3A], %broadcast_in_dim3A_0 {strides = array<i32>} : memref<16384xf32, #tpu.memory_space<vmem>>, vector<16xf32>,
      %mul3A_350 = arith.constant 128 : i32
      %mul3A_351 = arith.muli %scan3A_343, %mul3A_350 : i32
      %add3A_352 = arith.constant 16 : i32
      %add3A_353 = arith.addi %mul3A_351, %add3A_352 : i32
      %swap3A_354 = arith.index_cast %add3A_353 : i32 to index
      %swap3A_355 = tpu.vector_load %arg10[%swap3A_354] {strides = array<i32>} : memref<16384xf32, #tpu.memory_space<vmem>>, vector<16xf32>,
      tpu.vector_store %arg10[%swap3A_354], %broadcast_in_dim3A_0 {strides = array<i32>} : memref<16384xf32, #tpu.memory_space<vmem>>, vector<16xf32>,
      %mul3A_356 = arith.constant 128 : i32
      %mul3A_357 = arith.muli %scan3A_343, %mul3A_356 : i32
      %add3A_358 = arith.constant 32 : i32
      %add3A_359 = arith.addi %mul3A_357, %add3A_358 : i32
      %swap3A_360 = arith.index_cast %add3A_359 : i32 to index
      %swap3A_361 = tpu.vector_load %arg10[%swap3A_360] {strides = array<i32>} : memref<16384xf32, #tpu.memory_space<vmem>>, vector<16xf32>,
      tpu.vector_store %arg10[%swap3A_360], %broadcast_in_dim3A_0 {strides = array<i32>} : memref<16384xf32, #tpu.memory_space<vmem>>, vector<16xf32>,
      %mul3A_362 = arith.constant 128 : i32
      %mul3A_363 = arith.muli %scan3A_343, %mul3A_362 : i32
      %add3A_364 = arith.constant 48 : i32
      %add3A_365 = arith.addi %mul3A_363, %add3A_364 : i32
      %swap3A_366 = arith.index_cast %add3A_365 : i32 to index
      %swap3A_367 = tpu.vector_load %arg10[%swap3A_366] {strides = array<i32>} : memref<16384xf32, #tpu.memory_space<vmem>>, vector<16xf32>,
      tpu.vector_store %arg10[%swap3A_366], %broadcast_in_dim3A_0 {strides = array<i32>} : memref<16384xf32, #tpu.memory_space<vmem>>, vector<16xf32>,
      %mul3A_368 = arith.constant 128 : i32
      %mul3A_369 = arith.muli %scan3A_343, %mul3A_368 : i32
      %add3A_370 = arith.constant 64 : i32
      %add3A_371 = arith.addi %mul3A_369, %add3A_370 : i32
      %swap3A_372 = arith.index_cast %add3A_371 : i32 to index
      %swap3A_373 = tpu.vector_load %arg10[%swap3A_372] {strides = array<i32>} : memref<16384xf32, #tpu.memory_space<vmem>>, vector<16xf32>,
      tpu.vector_store %arg10[%swap3A_372], %broadcast_in_dim3A_0 {strides = array<i32>} : memref<16384xf32, #tpu.memory_space<vmem>>, vector<16xf32>,
      %mul3A_374 = arith.constant 128 : i32
      %mul3A_375 = arith.muli %scan3A_343, %mul3A_374 : i32
      %add3A_376 = arith.constant 80 : i32
      %add3A_377 = arith.addi %mul3A_375, %add3A_376 : i32
      %swap3A_378 = arith.index_cast %add3A_377 : i32 to index
      %swap3A_379 = tpu.vector_load %arg10[%swap3A_378] {strides = array<i32>} : memref<16384xf32, #tpu.memory_space<vmem>>, vector<16xf32>,
      tpu.vector_store %arg10[%swap3A_378], %broadcast_in_dim3A_0 {strides = array<i32>} : memref<16384xf32, #tpu.memory_space<vmem>>, vector<16xf32>,
      %mul3A_380 = arith.constant 128 : i32
      %mul3A_381 = arith.muli %scan3A_343, %mul3A_380 : i32
      %add3A_382 = arith.constant 96 : i32
      %add3A_383 = arith.addi %mul3A_381, %add3A_382 : i32
      %swap3A_384 = arith.index_cast %add3A_383 : i32 to index
      %swap3A_385 = tpu.vector_load %arg10[%swap3A_384] {strides = array<i32>} : memref<16384xf32, #tpu.memory_space<vmem>>, vector<16xf32>,
      tpu.vector_store %arg10[%swap3A_384], %broadcast_in_dim3A_0 {strides = array<i32>} : memref<16384xf32, #tpu.memory_space<vmem>>, vector<16xf32>,
      %mul3A_386 = arith.constant 128 : i32
      %mul3A_387 = arith.muli %scan3A_343, %mul3A_386 : i32
      %add3A_388 = arith.constant 112 : i32
      %add3A_389 = arith.addi %mul3A_387, %add3A_388 : i32
      %swap3A_390 = arith.index_cast %add3A_389 : i32 to index
      %swap3A_391 = tpu.vector_load %arg10[%swap3A_390] {strides = array<i32>} : memref<16384xf32, #tpu.memory_space<vmem>>, vector<16xf32>,
      tpu.vector_store %arg10[%swap3A_390], %broadcast_in_dim3A_0 {strides = array<i32>} : memref<16384xf32, #tpu.memory_space<vmem>>, vector<16xf32>,
      %mul3A_392 = arith.constant 32 : i32
      %mul3A_393 = arith.muli %scan3A_343, %mul3A_392 : i32
      %add3A_394 = arith.constant 0 : i32
      %add3A_395 = arith.addi %mul3A_393, %add3A_394 : i32
      %swap3A_396 = arith.index_cast %add3A_395 : i32 to index
      %swap3A_397 = tpu.vector_load %arg11[%swap3A_396] {strides = array<i32>} : memref<8192xf32, #tpu.memory_space<vmem>>, vector<16xf32>,
      tpu.vector_store %arg11[%swap3A_396], %broadcast_in_dim3A_2 {strides = array<i32>} : memref<8192xf32, #tpu.memory_space<vmem>>, vector<16xf32>,
      %mul3A_398 = arith.constant 32 : i32
      %mul3A_399 = arith.muli %scan3A_343, %mul3A_398 : i32
      %add3A_400 = arith.constant 16 : i32
      %add3A_401 = arith.addi %mul3A_399, %add3A_400 : i32
      %swap3A_402 = arith.index_cast %add3A_401 : i32 to index
      %swap3A_403 = tpu.vector_load %arg11[%swap3A_402] {strides = array<i32>} : memref<8192xf32, #tpu.memory_space<vmem>>, vector<16xf32>,
      tpu.vector_store %arg11[%swap3A_402], %broadcast_in_dim3A_2 {strides = array<i32>} : memref<8192xf32, #tpu.memory_space<vmem>>, vector<16xf32>,
      %scan3A_404 = arith.constant 0 : i32
      scf.yield %scan3A_404 : i32
    }
    %scan3A_8 = arith.constant 128 : i32
    %mul3A = arith.constant 16384 : i32
    %mul3A_9 = arith.muli %arg1, %mul3A : i32
    %run_scoped3A = arith.constant 0 : i32
    "tpu.region"() ({
      %run_scoped3A_343 = tpu.sem_alloc : memref<!tpu.dma_semaphore, #tpu.memory_space<semaphore_mem>>
      %dma_start3A = tpu.memref_slice %arg2[%run_scoped3A, %mul3A_9] : memref<2x262144xi32, #tpu.memory_space<hbm>> -> memref<1x16384xi32, #tpu.memory_space<hbm>>
      %dma_start3A_344 = tpu.memref_squeeze %dma_start3A : memref<1x16384xi32, #tpu.memory_space<hbm>> -> memref<16384xi32, #tpu.memory_space<hbm>>
      %dma_start3A_345 = tpu.memref_slice %arg2[%run_scoped3A, %mul3A_9] : memref<2x262144xi32, #tpu.memory_space<hbm>> -> memref<1x16384xi32, #tpu.memory_space<hbm>>
      %dma_start3A_346 = tpu.memref_squeeze %dma_start3A_345 : memref<1x16384xi32, #tpu.memory_space<hbm>> -> memref<16384xi32, #tpu.memory_space<hbm>>
      tpu.enqueue_dma source(%dma_start3A_346 : memref<16384xi32, #tpu.memory_space<hbm>>) target(%arg7 : memref<16384xi32, #tpu.memory_space<vmem>>) target_semaphore(%run_scoped3A_343 : memref<!tpu.dma_semaphore, #tpu.memory_space<semaphore_mem>>)
      %dma_wait3A = tpu.memref_slice %arg2[%run_scoped3A, %mul3A_9] : memref<2x262144xi32, #tpu.memory_space<hbm>> -> memref<1x16384xi32, #tpu.memory_space<hbm>>
      %dma_wait3A_347 = tpu.memref_squeeze %dma_wait3A : memref<1x16384xi32, #tpu.memory_space<hbm>> -> memref<16384xi32, #tpu.memory_space<hbm>>
      %dma_wait3A_348 = tpu.memref_slice %arg2[%run_scoped3A, %mul3A_9] : memref<2x262144xi32, #tpu.memory_space<hbm>> -> memref<1x16384xi32, #tpu.memory_space<hbm>>
      %dma_wait3A_349 = tpu.memref_squeeze %dma_wait3A_348 : memref<1x16384xi32, #tpu.memory_space<hbm>> -> memref<16384xi32, #tpu.memory_space<hbm>>
      tpu.wait_dma2 semaphore(%run_scoped3A_343 : memref<!tpu.dma_semaphore, #tpu.memory_space<semaphore_mem>>) src(%dma_wait3A_349 : memref<16384xi32, #tpu.memory_space<hbm>>) dst(%arg7 : memref<16384xi32, #tpu.memory_space<vmem>>)
      tpu.yield
    }) : () -> ()
    %mul3A_10 = arith.constant 16384 : i32
    %mul3A_11 = arith.muli %arg1, %mul3A_10 : i32
    %run_scoped3A_12 = arith.constant 1 : i32
    "tpu.region"() ({
      %run_scoped3A_343 = tpu.sem_alloc : memref<!tpu.dma_semaphore, #tpu.memory_space<semaphore_mem>>
      %dma_start3A = tpu.memref_slice %arg2[%run_scoped3A_12, %mul3A_11] : memref<2x262144xi32, #tpu.memory_space<hbm>> -> memref<1x16384xi32, #tpu.memory_space<hbm>>
      %dma_start3A_344 = tpu.memref_squeeze %dma_start3A : memref<1x16384xi32, #tpu.memory_space<hbm>> -> memref<16384xi32, #tpu.memory_space<hbm>>
      %dma_start3A_345 = tpu.memref_slice %arg2[%run_scoped3A_12, %mul3A_11] : memref<2x262144xi32, #tpu.memory_space<hbm>> -> memref<1x16384xi32, #tpu.memory_space<hbm>>
      %dma_start3A_346 = tpu.memref_squeeze %dma_start3A_345 : memref<1x16384xi32, #tpu.memory_space<hbm>> -> memref<16384xi32, #tpu.memory_space<hbm>>
      tpu.enqueue_dma source(%dma_start3A_346 : memref<16384xi32, #tpu.memory_space<hbm>>) target(%arg8 : memref<16384xi32, #tpu.memory_space<vmem>>) target_semaphore(%run_scoped3A_343 : memref<!tpu.dma_semaphore, #tpu.memory_space<semaphore_mem>>)
      %dma_wait3A = tpu.memref_slice %arg2[%run_scoped3A_12, %mul3A_11] : memref<2x262144xi32, #tpu.memory_space<hbm>> -> memref<1x16384xi32, #tpu.memory_space<hbm>>
      %dma_wait3A_347 = tpu.memref_squeeze %dma_wait3A : memref<1x16384xi32, #tpu.memory_space<hbm>> -> memref<16384xi32, #tpu.memory_space<hbm>>
      %dma_wait3A_348 = tpu.memref_slice %arg2[%run_scoped3A_12, %mul3A_11] : memref<2x262144xi32, #tpu.memory_space<hbm>> -> memref<1x16384xi32, #tpu.memory_space<hbm>>
      %dma_wait3A_349 = tpu.memref_squeeze %dma_wait3A_348 : memref<1x16384xi32, #tpu.memory_space<hbm>> -> memref<16384xi32, #tpu.memory_space<hbm>>
      tpu.wait_dma2 semaphore(%run_scoped3A_343 : memref<!tpu.dma_semaphore, #tpu.memory_space<semaphore_mem>>) src(%dma_wait3A_349 : memref<16384xi32, #tpu.memory_space<hbm>>) dst(%arg8 : memref<16384xi32, #tpu.memory_space<vmem>>)
      tpu.yield
    }) : () -> ()
    %scan3A_13 = arith.constant 0 : i32
    %scan3A_14 = arith.constant 0 : i32
    %scan3A_15 = arith.constant 128 : i32
    %scan3A_16 = arith.addi %scan3A_14, %scan3A_15 : i32
    %scan3A_17 = arith.constant 1 : i32
    %scan3A_18 = scf.for %scan3A_343 = %scan3A_14 to %scan3A_16 step %scan3A_17 iter_args(%scan3A_344 = %scan3A_13) -> (i32)  : i32 {
      %mul3A_345 = arith.constant 128 : i32
      %mul3A_346 = arith.muli %scan3A_343, %mul3A_345 : i32
      %add3A_347 = arith.constant 0 : i32
      %add3A_348 = arith.addi %mul3A_346, %add3A_347 : i32
      %get3A = arith.index_cast %add3A_348 : i32 to index
      %get3A_349 = tpu.vector_load %arg8[%get3A] {strides = array<i32>} : memref<16384xi32, #tpu.memory_space<vmem>>, vector<16xi32>,
      %mul3A_350 = arith.constant 1024 : i32
      %mul3A_351 = vector.broadcast %mul3A_350 : i32 to vector<16xi32>
      %mul3A_352 = arith.muli %get3A_349, %mul3A_351 : vector<16xi32>
      %get3A_353 = arith.index_cast %add3A_348 : i32 to index
      %get3A_354 = tpu.vector_load %arg7[%get3A_353] {strides = array<i32>} : memref<16384xi32, #tpu.memory_space<vmem>>, vector<16xi32>,
      %add3A_355 = arith.addi %mul3A_352, %get3A_354 : vector<16xi32>
      %swap3A = arith.index_cast %add3A_348 : i32 to index
      %swap3A_356 = tpu.vector_load %arg8[%swap3A] {strides = array<i32>} : memref<16384xi32, #tpu.memory_space<vmem>>, vector<16xi32>,
      tpu.vector_store %arg8[%swap3A], %add3A_355 {strides = array<i32>} : memref<16384xi32, #tpu.memory_space<vmem>>, vector<16xi32>,
      %mul3A_357 = arith.constant 128 : i32
      %mul3A_358 = arith.muli %scan3A_343, %mul3A_357 : i32
      %add3A_359 = arith.constant 16 : i32
      %add3A_360 = arith.addi %mul3A_358, %add3A_359 : i32
      %get3A_361 = arith.index_cast %add3A_360 : i32 to index
      %get3A_362 = tpu.vector_load %arg8[%get3A_361] {strides = array<i32>} : memref<16384xi32, #tpu.memory_space<vmem>>, vector<16xi32>,
      %mul3A_363 = arith.constant 1024 : i32
      %mul3A_364 = vector.broadcast %mul3A_363 : i32 to vector<16xi32>
      %mul3A_365 = arith.muli %get3A_362, %mul3A_364 : vector<16xi32>
      %get3A_366 = arith.index_cast %add3A_360 : i32 to index
      %get3A_367 = tpu.vector_load %arg7[%get3A_366] {strides = array<i32>} : memref<16384xi32, #tpu.memory_space<vmem>>, vector<16xi32>,
      %add3A_368 = arith.addi %mul3A_365, %get3A_367 : vector<16xi32>
      %swap3A_369 = arith.index_cast %add3A_360 : i32 to index
      %swap3A_370 = tpu.vector_load %arg8[%swap3A_369] {strides = array<i32>} : memref<16384xi32, #tpu.memory_space<vmem>>, vector<16xi32>,
      tpu.vector_store %arg8[%swap3A_369], %add3A_368 {strides = array<i32>} : memref<16384xi32, #tpu.memory_space<vmem>>, vector<16xi32>,
      %mul3A_371 = arith.constant 128 : i32
      %mul3A_372 = arith.muli %scan3A_343, %mul3A_371 : i32
      %add3A_373 = arith.constant 32 : i32
      %add3A_374 = arith.addi %mul3A_372, %add3A_373 : i32
      %get3A_375 = arith.index_cast %add3A_374 : i32 to index
      %get3A_376 = tpu.vector_load %arg8[%get3A_375] {strides = array<i32>} : memref<16384xi32, #tpu.memory_space<vmem>>, vector<16xi32>,
      %mul3A_377 = arith.constant 1024 : i32
      %mul3A_378 = vector.broadcast %mul3A_377 : i32 to vector<16xi32>
      %mul3A_379 = arith.muli %get3A_376, %mul3A_378 : vector<16xi32>
      %get3A_380 = arith.index_cast %add3A_374 : i32 to index
      %get3A_381 = tpu.vector_load %arg7[%get3A_380] {strides = array<i32>} : memref<16384xi32, #tpu.memory_space<vmem>>, vector<16xi32>,
      %add3A_382 = arith.addi %mul3A_379, %get3A_381 : vector<16xi32>
      %swap3A_383 = arith.index_cast %add3A_374 : i32 to index
      %swap3A_384 = tpu.vector_load %arg8[%swap3A_383] {strides = array<i32>} : memref<16384xi32, #tpu.memory_space<vmem>>, vector<16xi32>,
      tpu.vector_store %arg8[%swap3A_383], %add3A_382 {strides = array<i32>} : memref<16384xi32, #tpu.memory_space<vmem>>, vector<16xi32>,
      %mul3A_385 = arith.constant 128 : i32
      %mul3A_386 = arith.muli %scan3A_343, %mul3A_385 : i32
      %add3A_387 = arith.constant 48 : i32
      %add3A_388 = arith.addi %mul3A_386, %add3A_387 : i32
      %get3A_389 = arith.index_cast %add3A_388 : i32 to index
      %get3A_390 = tpu.vector_load %arg8[%get3A_389] {strides = array<i32>} : memref<16384xi32, #tpu.memory_space<vmem>>, vector<16xi32>,
      %mul3A_391 = arith.constant 1024 : i32
      %mul3A_392 = vector.broadcast %mul3A_391 : i32 to vector<16xi32>
      %mul3A_393 = arith.muli %get3A_390, %mul3A_392 : vector<16xi32>
      %get3A_394 = arith.index_cast %add3A_388 : i32 to index
      %get3A_395 = tpu.vector_load %arg7[%get3A_394] {strides = array<i32>} : memref<16384xi32, #tpu.memory_space<vmem>>, vector<16xi32>,
      %add3A_396 = arith.addi %mul3A_393, %get3A_395 : vector<16xi32>
      %swap3A_397 = arith.index_cast %add3A_388 : i32 to index
      %swap3A_398 = tpu.vector_load %arg8[%swap3A_397] {strides = array<i32>} : memref<16384xi32, #tpu.memory_space<vmem>>, vector<16xi32>,
      tpu.vector_store %arg8[%swap3A_397], %add3A_396 {strides = array<i32>} : memref<16384xi32, #tpu.memory_space<vmem>>, vector<16xi32>,
      %mul3A_399 = arith.constant 128 : i32
      %mul3A_400 = arith.muli %scan3A_343, %mul3A_399 : i32
      %add3A_401 = arith.constant 64 : i32
      %add3A_402 = arith.addi %mul3A_400, %add3A_401 : i32
      %get3A_403 = arith.index_cast %add3A_402 : i32 to index
      %get3A_404 = tpu.vector_load %arg8[%get3A_403] {strides = array<i32>} : memref<16384xi32, #tpu.memory_space<vmem>>, vector<16xi32>,
      %mul3A_405 = arith.constant 1024 : i32
      %mul3A_406 = vector.broadcast %mul3A_405 : i32 to vector<16xi32>
      %mul3A_407 = arith.muli %get3A_404, %mul3A_406 : vector<16xi32>
      %get3A_408 = arith.index_cast %add3A_402 : i32 to index
      %get3A_409 = tpu.vector_load %arg7[%get3A_408] {strides = array<i32>} : memref<16384xi32, #tpu.memory_space<vmem>>, vector<16xi32>,
      %add3A_410 = arith.addi %mul3A_407, %get3A_409 : vector<16xi32>
      %swap3A_411 = arith.index_cast %add3A_402 : i32 to index
      %swap3A_412 = tpu.vector_load %arg8[%swap3A_411] {strides = array<i32>} : memref<16384xi32, #tpu.memory_space<vmem>>, vector<16xi32>,
      tpu.vector_store %arg8[%swap3A_411], %add3A_410 {strides = array<i32>} : memref<16384xi32, #tpu.memory_space<vmem>>, vector<16xi32>,
      %mul3A_413 = arith.constant 128 : i32
      %mul3A_414 = arith.muli %scan3A_343, %mul3A_413 : i32
      %add3A_415 = arith.constant 80 : i32
      %add3A_416 = arith.addi %mul3A_414, %add3A_415 : i32
      %get3A_417 = arith.index_cast %add3A_416 : i32 to index
      %get3A_418 = tpu.vector_load %arg8[%get3A_417] {strides = array<i32>} : memref<16384xi32, #tpu.memory_space<vmem>>, vector<16xi32>,
      %mul3A_419 = arith.constant 1024 : i32
      %mul3A_420 = vector.broadcast %mul3A_419 : i32 to vector<16xi32>
      %mul3A_421 = arith.muli %get3A_418, %mul3A_420 : vector<16xi32>
      %get3A_422 = arith.index_cast %add3A_416 : i32 to index
      %get3A_423 = tpu.vector_load %arg7[%get3A_422] {strides = array<i32>} : memref<16384xi32, #tpu.memory_space<vmem>>, vector<16xi32>,
      %add3A_424 = arith.addi %mul3A_421, %get3A_423 : vector<16xi32>
      %swap3A_425 = arith.index_cast %add3A_416 : i32 to index
      %swap3A_426 = tpu.vector_load %arg8[%swap3A_425] {strides = array<i32>} : memref<16384xi32, #tpu.memory_space<vmem>>, vector<16xi32>,
      tpu.vector_store %arg8[%swap3A_425], %add3A_424 {strides = array<i32>} : memref<16384xi32, #tpu.memory_space<vmem>>, vector<16xi32>,
      %mul3A_427 = arith.constant 128 : i32
      %mul3A_428 = arith.muli %scan3A_343, %mul3A_427 : i32
      %add3A_429 = arith.constant 96 : i32
      %add3A_430 = arith.addi %mul3A_428, %add3A_429 : i32
      %get3A_431 = arith.index_cast %add3A_430 : i32 to index
      %get3A_432 = tpu.vector_load %arg8[%get3A_431] {strides = array<i32>} : memref<16384xi32, #tpu.memory_space<vmem>>, vector<16xi32>,
      %mul3A_433 = arith.constant 1024 : i32
      %mul3A_434 = vector.broadcast %mul3A_433 : i32 to vector<16xi32>
      %mul3A_435 = arith.muli %get3A_432, %mul3A_434 : vector<16xi32>
      %get3A_436 = arith.index_cast %add3A_430 : i32 to index
      %get3A_437 = tpu.vector_load %arg7[%get3A_436] {strides = array<i32>} : memref<16384xi32, #tpu.memory_space<vmem>>, vector<16xi32>,
      %add3A_438 = arith.addi %mul3A_435, %get3A_437 : vector<16xi32>
      %swap3A_439 = arith.index_cast %add3A_430 : i32 to index
      %swap3A_440 = tpu.vector_load %arg8[%swap3A_439] {strides = array<i32>} : memref<16384xi32, #tpu.memory_space<vmem>>, vector<16xi32>,
      tpu.vector_store %arg8[%swap3A_439], %add3A_438 {strides = array<i32>} : memref<16384xi32, #tpu.memory_space<vmem>>, vector<16xi32>,
      %mul3A_441 = arith.constant 128 : i32
      %mul3A_442 = arith.muli %scan3A_343, %mul3A_441 : i32
      %add3A_443 = arith.constant 112 : i32
      %add3A_444 = arith.addi %mul3A_442, %add3A_443 : i32
      %get3A_445 = arith.index_cast %add3A_444 : i32 to index
      %get3A_446 = tpu.vector_load %arg8[%get3A_445] {strides = array<i32>} : memref<16384xi32, #tpu.memory_space<vmem>>, vector<16xi32>,
      %mul3A_447 = arith.constant 1024 : i32
      %mul3A_448 = vector.broadcast %mul3A_447 : i32 to vector<16xi32>
      %mul3A_449 = arith.muli %get3A_446, %mul3A_448 : vector<16xi32>
      %get3A_450 = arith.index_cast %add3A_444 : i32 to index
      %get3A_451 = tpu.vector_load %arg7[%get3A_450] {strides = array<i32>} : memref<16384xi32, #tpu.memory_space<vmem>>, vector<16xi32>,
      %add3A_452 = arith.addi %mul3A_449, %get3A_451 : vector<16xi32>
      %swap3A_453 = arith.index_cast %add3A_444 : i32 to index
      %swap3A_454 = tpu.vector_load %arg8[%swap3A_453] {strides = array<i32>} : memref<16384xi32, #tpu.memory_space<vmem>>, vector<16xi32>,
      tpu.vector_store %arg8[%swap3A_453], %add3A_452 {strides = array<i32>} : memref<16384xi32, #tpu.memory_space<vmem>>, vector<16xi32>,
      %scan3A_455 = arith.constant 0 : i32
      scf.yield %scan3A_455 : i32
    }
    %scan3A_19 = arith.constant 128 : i32
    %add3A = arith.constant 0 : i32
    %add3A_20 = arith.addi %add3A, %arg0 : i32
    %mul3A_21 = arith.constant 524288 : i32
    %mul3A_22 = arith.muli %add3A_20, %mul3A_21 : i32
    %add3A_23 = arith.constant 524288 : i32
    %add3A_24 = arith.addi %mul3A_22, %add3A_23 : i32
    %mul3A_25 = arith.constant 32768 : i32
    %mul3A_26 = arith.muli %arg1, %mul3A_25 : i32
    %add3A_27 = arith.constant 0 : i32
    %add3A_28 = arith.addi %mul3A_26, %add3A_27 : i32
    "tpu.region"() ({
      %run_scoped3A_343 = tpu.sem_alloc : memref<!tpu.dma_semaphore, #tpu.memory_space<semaphore_mem>>
      %dma_start3A = tpu.memref_slice %arg6[%add3A_28] : memref<524288xf32, #tpu.memory_space<vmem_shared>> -> memref<8192xf32, #tpu.memory_space<vmem_shared>>
      %dma_start3A_344 = tpu.memref_slice %arg6[%add3A_28] : memref<524288xf32, #tpu.memory_space<vmem_shared>> -> memref<8192xf32, #tpu.memory_space<vmem_shared>>
      tpu.enqueue_dma source(%arg11 : memref<8192xf32, #tpu.memory_space<vmem>>) target(%dma_start3A_344 : memref<8192xf32, #tpu.memory_space<vmem_shared>>) target_semaphore(%run_scoped3A_343 : memref<!tpu.dma_semaphore, #tpu.memory_space<semaphore_mem>>)
      %dma_wait3A = tpu.memref_slice %arg6[%add3A_28] : memref<524288xf32, #tpu.memory_space<vmem_shared>> -> memref<8192xf32, #tpu.memory_space<vmem_shared>>
      %dma_wait3A_345 = tpu.memref_slice %arg6[%add3A_28] : memref<524288xf32, #tpu.memory_space<vmem_shared>> -> memref<8192xf32, #tpu.memory_space<vmem_shared>>
      tpu.wait_dma2 semaphore(%run_scoped3A_343 : memref<!tpu.dma_semaphore, #tpu.memory_space<semaphore_mem>>) src(%arg11 : memref<8192xf32, #tpu.memory_space<vmem>>) dst(%dma_wait3A_345 : memref<8192xf32, #tpu.memory_space<vmem_shared>>)
      tpu.yield
    }) : () -> ()
    %mul3A_29 = arith.constant 32768 : i32
    %mul3A_30 = arith.muli %arg1, %mul3A_29 : i32
    %add3A_31 = arith.constant 8192 : i32
    %add3A_32 = arith.addi %mul3A_30, %add3A_31 : i32
    "tpu.region"() ({
      %run_scoped3A_343 = tpu.sem_alloc : memref<!tpu.dma_semaphore, #tpu.memory_space<semaphore_mem>>
      %dma_start3A = tpu.memref_slice %arg6[%add3A_32] : memref<524288xf32, #tpu.memory_space<vmem_shared>> -> memref<8192xf32, #tpu.memory_space<vmem_shared>>
      %dma_start3A_344 = tpu.memref_slice %arg6[%add3A_32] : memref<524288xf32, #tpu.memory_space<vmem_shared>> -> memref<8192xf32, #tpu.memory_space<vmem_shared>>
      tpu.enqueue_dma source(%arg11 : memref<8192xf32, #tpu.memory_space<vmem>>) target(%dma_start3A_344 : memref<8192xf32, #tpu.memory_space<vmem_shared>>) target_semaphore(%run_scoped3A_343 : memref<!tpu.dma_semaphore, #tpu.memory_space<semaphore_mem>>)
      %dma_wait3A = tpu.memref_slice %arg6[%add3A_32] : memref<524288xf32, #tpu.memory_space<vmem_shared>> -> memref<8192xf32, #tpu.memory_space<vmem_shared>>
      %dma_wait3A_345 = tpu.memref_slice %arg6[%add3A_32] : memref<524288xf32, #tpu.memory_space<vmem_shared>> -> memref<8192xf32, #tpu.memory_space<vmem_shared>>
      tpu.wait_dma2 semaphore(%run_scoped3A_343 : memref<!tpu.dma_semaphore, #tpu.memory_space<semaphore_mem>>) src(%arg11 : memref<8192xf32, #tpu.memory_space<vmem>>) dst(%dma_wait3A_345 : memref<8192xf32, #tpu.memory_space<vmem_shared>>)
      tpu.yield
    }) : () -> ()
    %mul3A_33 = arith.constant 32768 : i32
    %mul3A_34 = arith.muli %arg1, %mul3A_33 : i32
    %add3A_35 = arith.constant 16384 : i32
    %add3A_36 = arith.addi %mul3A_34, %add3A_35 : i32
    "tpu.region"() ({
      %run_scoped3A_343 = tpu.sem_alloc : memref<!tpu.dma_semaphore, #tpu.memory_space<semaphore_mem>>
      %dma_start3A = tpu.memref_slice %arg6[%add3A_36] : memref<524288xf32, #tpu.memory_space<vmem_shared>> -> memref<8192xf32, #tpu.memory_space<vmem_shared>>
      %dma_start3A_344 = tpu.memref_slice %arg6[%add3A_36] : memref<524288xf32, #tpu.memory_space<vmem_shared>> -> memref<8192xf32, #tpu.memory_space<vmem_shared>>
      tpu.enqueue_dma source(%arg11 : memref<8192xf32, #tpu.memory_space<vmem>>) target(%dma_start3A_344 : memref<8192xf32, #tpu.memory_space<vmem_shared>>) target_semaphore(%run_scoped3A_343 : memref<!tpu.dma_semaphore, #tpu.memory_space<semaphore_mem>>)
      %dma_wait3A = tpu.memref_slice %arg6[%add3A_36] : memref<524288xf32, #tpu.memory_space<vmem_shared>> -> memref<8192xf32, #tpu.memory_space<vmem_shared>>
      %dma_wait3A_345 = tpu.memref_slice %arg6[%add3A_36] : memref<524288xf32, #tpu.memory_space<vmem_shared>> -> memref<8192xf32, #tpu.memory_space<vmem_shared>>
      tpu.wait_dma2 semaphore(%run_scoped3A_343 : memref<!tpu.dma_semaphore, #tpu.memory_space<semaphore_mem>>) src(%arg11 : memref<8192xf32, #tpu.memory_space<vmem>>) dst(%dma_wait3A_345 : memref<8192xf32, #tpu.memory_space<vmem_shared>>)
      tpu.yield
    }) : () -> ()
    %mul3A_37 = arith.constant 32768 : i32
    %mul3A_38 = arith.muli %arg1, %mul3A_37 : i32
    %add3A_39 = arith.constant 24576 : i32
    %add3A_40 = arith.addi %mul3A_38, %add3A_39 : i32
    "tpu.region"() ({
      %run_scoped3A_343 = tpu.sem_alloc : memref<!tpu.dma_semaphore, #tpu.memory_space<semaphore_mem>>
      %dma_start3A = tpu.memref_slice %arg6[%add3A_40] : memref<524288xf32, #tpu.memory_space<vmem_shared>> -> memref<8192xf32, #tpu.memory_space<vmem_shared>>
      %dma_start3A_344 = tpu.memref_slice %arg6[%add3A_40] : memref<524288xf32, #tpu.memory_space<vmem_shared>> -> memref<8192xf32, #tpu.memory_space<vmem_shared>>
      tpu.enqueue_dma source(%arg11 : memref<8192xf32, #tpu.memory_space<vmem>>) target(%dma_start3A_344 : memref<8192xf32, #tpu.memory_space<vmem_shared>>) target_semaphore(%run_scoped3A_343 : memref<!tpu.dma_semaphore, #tpu.memory_space<semaphore_mem>>)
      %dma_wait3A = tpu.memref_slice %arg6[%add3A_40] : memref<524288xf32, #tpu.memory_space<vmem_shared>> -> memref<8192xf32, #tpu.memory_space<vmem_shared>>
      %dma_wait3A_345 = tpu.memref_slice %arg6[%add3A_40] : memref<524288xf32, #tpu.memory_space<vmem_shared>> -> memref<8192xf32, #tpu.memory_space<vmem_shared>>
      tpu.wait_dma2 semaphore(%run_scoped3A_343 : memref<!tpu.dma_semaphore, #tpu.memory_space<semaphore_mem>>) src(%arg11 : memref<8192xf32, #tpu.memory_space<vmem>>) dst(%dma_wait3A_345 : memref<8192xf32, #tpu.memory_space<vmem_shared>>)
      tpu.yield
    }) : () -> ()
    %barrier3A = arith.constant 0 : index
    tpu.barrier barrier_id(%barrier3A)
    %scan3A_41 = arith.constant 0 : i32
    %scan3A_42 = arith.constant 0 : i32
    %scan3A_43 = arith.constant 128 : i32
    %scan3A_44 = arith.addi %scan3A_42, %scan3A_43 : i32
    %scan3A_45 = arith.constant 1 : i32
    %scan3A_46 = scf.for %scan3A_343 = %scan3A_42 to %scan3A_44 step %scan3A_45 iter_args(%scan3A_344 = %scan3A_41) -> (i32)  : i32 {
      %mul3A_345 = arith.constant 128 : i32
      %mul3A_346 = arith.muli %scan3A_343, %mul3A_345 : i32
      %add3A_347 = arith.constant 0 : i32
      %add3A_348 = arith.addi %mul3A_346, %add3A_347 : i32
      %get3A = arith.index_cast %add3A_348 : i32 to index
      %get3A_349 = tpu.vector_load %arg8[%get3A] {strides = array<i32>} : memref<16384xi32, #tpu.memory_space<vmem>>, vector<16xi32>,
      %ge3A = vector.broadcast %mul3A_22 : i32 to vector<16xi32>
      %ge3A_350 = arith.cmpi sge, %get3A_349, %ge3A : vector<16xi32>
      %lt3A = vector.broadcast %add3A_24 : i32 to vector<16xi32>
      %lt3A_351 = arith.cmpi slt, %get3A_349, %lt3A : vector<16xi32>
      %and3A = arith.andi %ge3A_350, %lt3A_351 : vector<16xi1>
      %sub3A = vector.broadcast %mul3A_22 : i32 to vector<16xi32>
      %sub3A_352 = arith.subi %get3A_349, %sub3A : vector<16xi32>
      %jit3A = arith.constant -1 : i32
      %broadcast_in_dim3A_353 = vector.broadcast %jit3A : i32 to vector<16xi32>
      %select_n3A = arith.select %and3A, %sub3A_352, %broadcast_in_dim3A_353 : vector<16xi1>, vector<16xi32>
      %swap3A = arith.index_cast %add3A_348 : i32 to index
      %swap3A_354 = tpu.vector_load %arg9[%swap3A] {strides = array<i32>} : memref<16384xi32, #tpu.memory_space<vmem>>, vector<16xi32>,
      tpu.vector_store %arg9[%swap3A], %select_n3A {strides = array<i32>} : memref<16384xi32, #tpu.memory_space<vmem>>, vector<16xi32>,
      %mul3A_355 = arith.constant 128 : i32
      %mul3A_356 = arith.muli %scan3A_343, %mul3A_355 : i32
      %add3A_357 = arith.constant 16 : i32
      %add3A_358 = arith.addi %mul3A_356, %add3A_357 : i32
      %get3A_359 = arith.index_cast %add3A_358 : i32 to index
      %get3A_360 = tpu.vector_load %arg8[%get3A_359] {strides = array<i32>} : memref<16384xi32, #tpu.memory_space<vmem>>, vector<16xi32>,
      %ge3A_361 = vector.broadcast %mul3A_22 : i32 to vector<16xi32>
      %ge3A_362 = arith.cmpi sge, %get3A_360, %ge3A_361 : vector<16xi32>
      %lt3A_363 = vector.broadcast %add3A_24 : i32 to vector<16xi32>
      %lt3A_364 = arith.cmpi slt, %get3A_360, %lt3A_363 : vector<16xi32>
      %and3A_365 = arith.andi %ge3A_362, %lt3A_364 : vector<16xi1>
      %sub3A_366 = vector.broadcast %mul3A_22 : i32 to vector<16xi32>
      %sub3A_367 = arith.subi %get3A_360, %sub3A_366 : vector<16xi32>
      %jit3A_368 = arith.constant -1 : i32
      %broadcast_in_dim3A_369 = vector.broadcast %jit3A_368 : i32 to vector<16xi32>
      %select_n3A_370 = arith.select %and3A_365, %sub3A_367, %broadcast_in_dim3A_369 : vector<16xi1>, vector<16xi32>
      %swap3A_371 = arith.index_cast %add3A_358 : i32 to index
      %swap3A_372 = tpu.vector_load %arg9[%swap3A_371] {strides = array<i32>} : memref<16384xi32, #tpu.memory_space<vmem>>, vector<16xi32>,
      tpu.vector_store %arg9[%swap3A_371], %select_n3A_370 {strides = array<i32>} : memref<16384xi32, #tpu.memory_space<vmem>>, vector<16xi32>,
      %mul3A_373 = arith.constant 128 : i32
      %mul3A_374 = arith.muli %scan3A_343, %mul3A_373 : i32
      %add3A_375 = arith.constant 32 : i32
      %add3A_376 = arith.addi %mul3A_374, %add3A_375 : i32
      %get3A_377 = arith.index_cast %add3A_376 : i32 to index
      %get3A_378 = tpu.vector_load %arg8[%get3A_377] {strides = array<i32>} : memref<16384xi32, #tpu.memory_space<vmem>>, vector<16xi32>,
      %ge3A_379 = vector.broadcast %mul3A_22 : i32 to vector<16xi32>
      %ge3A_380 = arith.cmpi sge, %get3A_378, %ge3A_379 : vector<16xi32>
      %lt3A_381 = vector.broadcast %add3A_24 : i32 to vector<16xi32>
      %lt3A_382 = arith.cmpi slt, %get3A_378, %lt3A_381 : vector<16xi32>
      %and3A_383 = arith.andi %ge3A_380, %lt3A_382 : vector<16xi1>
      %sub3A_384 = vector.broadcast %mul3A_22 : i32 to vector<16xi32>
      %sub3A_385 = arith.subi %get3A_378, %sub3A_384 : vector<16xi32>
      %jit3A_386 = arith.constant -1 : i32
      %broadcast_in_dim3A_387 = vector.broadcast %jit3A_386 : i32 to vector<16xi32>
      %select_n3A_388 = arith.select %and3A_383, %sub3A_385, %broadcast_in_dim3A_387 : vector<16xi1>, vector<16xi32>
      %swap3A_389 = arith.index_cast %add3A_376 : i32 to index
      %swap3A_390 = tpu.vector_load %arg9[%swap3A_389] {strides = array<i32>} : memref<16384xi32, #tpu.memory_space<vmem>>, vector<16xi32>,
      tpu.vector_store %arg9[%swap3A_389], %select_n3A_388 {strides = array<i32>} : memref<16384xi32, #tpu.memory_space<vmem>>, vector<16xi32>,
      %mul3A_391 = arith.constant 128 : i32
      %mul3A_392 = arith.muli %scan3A_343, %mul3A_391 : i32
      %add3A_393 = arith.constant 48 : i32
      %add3A_394 = arith.addi %mul3A_392, %add3A_393 : i32
      %get3A_395 = arith.index_cast %add3A_394 : i32 to index
      %get3A_396 = tpu.vector_load %arg8[%get3A_395] {strides = array<i32>} : memref<16384xi32, #tpu.memory_space<vmem>>, vector<16xi32>,
      %ge3A_397 = vector.broadcast %mul3A_22 : i32 to vector<16xi32>
      %ge3A_398 = arith.cmpi sge, %get3A_396, %ge3A_397 : vector<16xi32>
      %lt3A_399 = vector.broadcast %add3A_24 : i32 to vector<16xi32>
      %lt3A_400 = arith.cmpi slt, %get3A_396, %lt3A_399 : vector<16xi32>
      %and3A_401 = arith.andi %ge3A_398, %lt3A_400 : vector<16xi1>
      %sub3A_402 = vector.broadcast %mul3A_22 : i32 to vector<16xi32>
      %sub3A_403 = arith.subi %get3A_396, %sub3A_402 : vector<16xi32>
      %jit3A_404 = arith.constant -1 : i32
      %broadcast_in_dim3A_405 = vector.broadcast %jit3A_404 : i32 to vector<16xi32>
      %select_n3A_406 = arith.select %and3A_401, %sub3A_403, %broadcast_in_dim3A_405 : vector<16xi1>, vector<16xi32>
      %swap3A_407 = arith.index_cast %add3A_394 : i32 to index
      %swap3A_408 = tpu.vector_load %arg9[%swap3A_407] {strides = array<i32>} : memref<16384xi32, #tpu.memory_space<vmem>>, vector<16xi32>,
      tpu.vector_store %arg9[%swap3A_407], %select_n3A_406 {strides = array<i32>} : memref<16384xi32, #tpu.memory_space<vmem>>, vector<16xi32>,
      %mul3A_409 = arith.constant 128 : i32
      %mul3A_410 = arith.muli %scan3A_343, %mul3A_409 : i32
      %add3A_411 = arith.constant 64 : i32
      %add3A_412 = arith.addi %mul3A_410, %add3A_411 : i32
      %get3A_413 = arith.index_cast %add3A_412 : i32 to index
      %get3A_414 = tpu.vector_load %arg8[%get3A_413] {strides = array<i32>} : memref<16384xi32, #tpu.memory_space<vmem>>, vector<16xi32>,
      %ge3A_415 = vector.broadcast %mul3A_22 : i32 to vector<16xi32>
      %ge3A_416 = arith.cmpi sge, %get3A_414, %ge3A_415 : vector<16xi32>
      %lt3A_417 = vector.broadcast %add3A_24 : i32 to vector<16xi32>
      %lt3A_418 = arith.cmpi slt, %get3A_414, %lt3A_417 : vector<16xi32>
      %and3A_419 = arith.andi %ge3A_416, %lt3A_418 : vector<16xi1>
      %sub3A_420 = vector.broadcast %mul3A_22 : i32 to vector<16xi32>
      %sub3A_421 = arith.subi %get3A_414, %sub3A_420 : vector<16xi32>
      %jit3A_422 = arith.constant -1 : i32
      %broadcast_in_dim3A_423 = vector.broadcast %jit3A_422 : i32 to vector<16xi32>
      %select_n3A_424 = arith.select %and3A_419, %sub3A_421, %broadcast_in_dim3A_423 : vector<16xi1>, vector<16xi32>
      %swap3A_425 = arith.index_cast %add3A_412 : i32 to index
      %swap3A_426 = tpu.vector_load %arg9[%swap3A_425] {strides = array<i32>} : memref<16384xi32, #tpu.memory_space<vmem>>, vector<16xi32>,
      tpu.vector_store %arg9[%swap3A_425], %select_n3A_424 {strides = array<i32>} : memref<16384xi32, #tpu.memory_space<vmem>>, vector<16xi32>,
      %mul3A_427 = arith.constant 128 : i32
      %mul3A_428 = arith.muli %scan3A_343, %mul3A_427 : i32
      %add3A_429 = arith.constant 80 : i32
      %add3A_430 = arith.addi %mul3A_428, %add3A_429 : i32
      %get3A_431 = arith.index_cast %add3A_430 : i32 to index
      %get3A_432 = tpu.vector_load %arg8[%get3A_431] {strides = array<i32>} : memref<16384xi32, #tpu.memory_space<vmem>>, vector<16xi32>,
      %ge3A_433 = vector.broadcast %mul3A_22 : i32 to vector<16xi32>
      %ge3A_434 = arith.cmpi sge, %get3A_432, %ge3A_433 : vector<16xi32>
      %lt3A_435 = vector.broadcast %add3A_24 : i32 to vector<16xi32>
      %lt3A_436 = arith.cmpi slt, %get3A_432, %lt3A_435 : vector<16xi32>
      %and3A_437 = arith.andi %ge3A_434, %lt3A_436 : vector<16xi1>
      %sub3A_438 = vector.broadcast %mul3A_22 : i32 to vector<16xi32>
      %sub3A_439 = arith.subi %get3A_432, %sub3A_438 : vector<16xi32>
      %jit3A_440 = arith.constant -1 : i32
      %broadcast_in_dim3A_441 = vector.broadcast %jit3A_440 : i32 to vector<16xi32>
      %select_n3A_442 = arith.select %and3A_437, %sub3A_439, %broadcast_in_dim3A_441 : vector<16xi1>, vector<16xi32>
      %swap3A_443 = arith.index_cast %add3A_430 : i32 to index
      %swap3A_444 = tpu.vector_load %arg9[%swap3A_443] {strides = array<i32>} : memref<16384xi32, #tpu.memory_space<vmem>>, vector<16xi32>,
      tpu.vector_store %arg9[%swap3A_443], %select_n3A_442 {strides = array<i32>} : memref<16384xi32, #tpu.memory_space<vmem>>, vector<16xi32>,
      %mul3A_445 = arith.constant 128 : i32
      %mul3A_446 = arith.muli %scan3A_343, %mul3A_445 : i32
      %add3A_447 = arith.constant 96 : i32
      %add3A_448 = arith.addi %mul3A_446, %add3A_447 : i32
      %get3A_449 = arith.index_cast %add3A_448 : i32 to index
      %get3A_450 = tpu.vector_load %arg8[%get3A_449] {strides = array<i32>} : memref<16384xi32, #tpu.memory_space<vmem>>, vector<16xi32>,
      %ge3A_451 = vector.broadcast %mul3A_22 : i32 to vector<16xi32>
      %ge3A_452 = arith.cmpi sge, %get3A_450, %ge3A_451 : vector<16xi32>
      %lt3A_453 = vector.broadcast %add3A_24 : i32 to vector<16xi32>
      %lt3A_454 = arith.cmpi slt, %get3A_450, %lt3A_453 : vector<16xi32>
      %and3A_455 = arith.andi %ge3A_452, %lt3A_454 : vector<16xi1>
      %sub3A_456 = vector.broadcast %mul3A_22 : i32 to vector<16xi32>
      %sub3A_457 = arith.subi %get3A_450, %sub3A_456 : vector<16xi32>
      %jit3A_458 = arith.constant -1 : i32
      %broadcast_in_dim3A_459 = vector.broadcast %jit3A_458 : i32 to vector<16xi32>
      %select_n3A_460 = arith.select %and3A_455, %sub3A_457, %broadcast_in_dim3A_459 : vector<16xi1>, vector<16xi32>
      %swap3A_461 = arith.index_cast %add3A_448 : i32 to index
      %swap3A_462 = tpu.vector_load %arg9[%swap3A_461] {strides = array<i32>} : memref<16384xi32, #tpu.memory_space<vmem>>, vector<16xi32>,
      tpu.vector_store %arg9[%swap3A_461], %select_n3A_460 {strides = array<i32>} : memref<16384xi32, #tpu.memory_space<vmem>>, vector<16xi32>,
      %mul3A_463 = arith.constant 128 : i32
      %mul3A_464 = arith.muli %scan3A_343, %mul3A_463 : i32
      %add3A_465 = arith.constant 112 : i32
      %add3A_466 = arith.addi %mul3A_464, %add3A_465 : i32
      %get3A_467 = arith.index_cast %add3A_466 : i32 to index
      %get3A_468 = tpu.vector_load %arg8[%get3A_467] {strides = array<i32>} : memref<16384xi32, #tpu.memory_space<vmem>>, vector<16xi32>,
      %ge3A_469 = vector.broadcast %mul3A_22 : i32 to vector<16xi32>
      %ge3A_470 = arith.cmpi sge, %get3A_468, %ge3A_469 : vector<16xi32>
      %lt3A_471 = vector.broadcast %add3A_24 : i32 to vector<16xi32>
      %lt3A_472 = arith.cmpi slt, %get3A_468, %lt3A_471 : vector<16xi32>
      %and3A_473 = arith.andi %ge3A_470, %lt3A_472 : vector<16xi1>
      %sub3A_474 = vector.broadcast %mul3A_22 : i32 to vector<16xi32>
      %sub3A_475 = arith.subi %get3A_468, %sub3A_474 : vector<16xi32>
      %jit3A_476 = arith.constant -1 : i32
      %broadcast_in_dim3A_477 = vector.broadcast %jit3A_476 : i32 to vector<16xi32>
      %select_n3A_478 = arith.select %and3A_473, %sub3A_475, %broadcast_in_dim3A_477 : vector<16xi1>, vector<16xi32>
      %swap3A_479 = arith.index_cast %add3A_466 : i32 to index
      %swap3A_480 = tpu.vector_load %arg9[%swap3A_479] {strides = array<i32>} : memref<16384xi32, #tpu.memory_space<vmem>>, vector<16xi32>,
      tpu.vector_store %arg9[%swap3A_479], %select_n3A_478 {strides = array<i32>} : memref<16384xi32, #tpu.memory_space<vmem>>, vector<16xi32>,
      %scan3A_481 = arith.constant 0 : i32
      scf.yield %scan3A_481 : i32
    }
    %scan3A_47 = arith.constant 128 : i32
    "tpu.region"() ({
      %run_scoped3A_343 = tpu.sem_alloc : memref<!tpu.dma_semaphore, #tpu.memory_space<semaphore_mem>>
      %dma_start3A = arith.constant 0 : i32
      %dma_start3A_344 = tpu.memref_slice %arg6[%dma_start3A] : memref<524288xf32, #tpu.memory_space<vmem_shared>> -> memref<524288xf32, #tpu.memory_space<vmem_shared>>
      %dma_start3A_345 = arith.constant -1 : i32
      tpu.enqueue_indirect_dma source(%arg10 : memref<16384xf32, #tpu.memory_space<vmem>>) target(%dma_start3A_344 : memref<524288xf32, #tpu.memory_space<vmem_shared>>) offsets(%arg9 : memref<16384xi32, #tpu.memory_space<vmem>>) offset_filter(%dma_start3A_345) semaphore(%run_scoped3A_343 : memref<!tpu.dma_semaphore, #tpu.memory_space<semaphore_mem>>) {add = true}
      %dma_wait3A = arith.constant 0 : i32
      %dma_wait3A_346 = tpu.memref_slice %arg6[%dma_wait3A] : memref<524288xf32, #tpu.memory_space<vmem_shared>> -> memref<524288xf32, #tpu.memory_space<vmem_shared>>
      tpu.wait_indirect_dma semaphore(%run_scoped3A_343 : memref<!tpu.dma_semaphore, #tpu.memory_space<semaphore_mem>>) src(%arg10 : memref<16384xf32, #tpu.memory_space<vmem>>) dst(%dma_wait3A_346 : memref<524288xf32, #tpu.memory_space<vmem_shared>>)
      tpu.yield
    }) : () -> ()
    %barrier3A_48 = arith.constant 0 : index
    tpu.barrier barrier_id(%barrier3A_48)
    %mul3A_49 = arith.constant 32768 : i32
    %mul3A_50 = arith.muli %arg1, %mul3A_49 : i32
    %mul3A_51 = arith.constant 524288 : i32
    %mul3A_52 = arith.muli %add3A_20, %mul3A_51 : i32
    %mul3A_53 = arith.constant 32768 : i32
    %mul3A_54 = arith.muli %arg1, %mul3A_53 : i32
    %add3A_55 = arith.addi %mul3A_52, %mul3A_54 : i32
    "tpu.region"() ({
      %run_scoped3A_343 = tpu.sem_alloc : memref<!tpu.dma_semaphore, #tpu.memory_space<semaphore_mem>>
      %dma_start3A = tpu.memref_slice %arg4[%add3A_55] : memref<4194304xf32, #tpu.memory_space<hbm>> -> memref<32768xf32, #tpu.memory_space<hbm>>
      %dma_start3A_344 = tpu.memref_slice %arg6[%mul3A_50] : memref<524288xf32, #tpu.memory_space<vmem_shared>> -> memref<32768xf32, #tpu.memory_space<vmem_shared>>
      tpu.enqueue_dma source(%dma_start3A_344 : memref<32768xf32, #tpu.memory_space<vmem_shared>>) target(%dma_start3A : memref<32768xf32, #tpu.memory_space<hbm>>) target_semaphore(%run_scoped3A_343 : memref<!tpu.dma_semaphore, #tpu.memory_space<semaphore_mem>>)
      %dma_wait3A = tpu.memref_slice %arg4[%add3A_55] : memref<4194304xf32, #tpu.memory_space<hbm>> -> memref<32768xf32, #tpu.memory_space<hbm>>
      %dma_wait3A_345 = tpu.memref_slice %arg6[%mul3A_50] : memref<524288xf32, #tpu.memory_space<vmem_shared>> -> memref<32768xf32, #tpu.memory_space<vmem_shared>>
      tpu.wait_dma2 semaphore(%run_scoped3A_343 : memref<!tpu.dma_semaphore, #tpu.memory_space<semaphore_mem>>) src(%dma_wait3A_345 : memref<32768xf32, #tpu.memory_space<vmem_shared>>) dst(%dma_wait3A : memref<32768xf32, #tpu.memory_space<hbm>>)
      tpu.yield
    }) : () -> ()
    %barrier3A_56 = arith.constant 0 : index
    tpu.barrier barrier_id(%barrier3A_56)
    %add3A_57 = arith.constant 2 : i32
    %add3A_58 = arith.addi %add3A_57, %arg0 : i32
    %mul3A_59 = arith.constant 524288 : i32
    %mul3A_60 = arith.muli %add3A_58, %mul3A_59 : i32
    %add3A_61 = arith.constant 524288 : i32
    %add3A_62 = arith.addi %mul3A_60, %add3A_61 : i32
    %mul3A_63 = arith.constant 32768 : i32
    %mul3A_64 = arith.muli %arg1, %mul3A_63 : i32
    %add3A_65 = arith.constant 0 : i32
    %add3A_66 = arith.addi %mul3A_64, %add3A_65 : i32
    "tpu.region"() ({
      %run_scoped3A_343 = tpu.sem_alloc : memref<!tpu.dma_semaphore, #tpu.memory_space<semaphore_mem>>
      %dma_start3A = tpu.memref_slice %arg6[%add3A_66] : memref<524288xf32, #tpu.memory_space<vmem_shared>> -> memref<8192xf32, #tpu.memory_space<vmem_shared>>
      %dma_start3A_344 = tpu.memref_slice %arg6[%add3A_66] : memref<524288xf32, #tpu.memory_space<vmem_shared>> -> memref<8192xf32, #tpu.memory_space<vmem_shared>>
      tpu.enqueue_dma source(%arg11 : memref<8192xf32, #tpu.memory_space<vmem>>) target(%dma_start3A_344 : memref<8192xf32, #tpu.memory_space<vmem_shared>>) target_semaphore(%run_scoped3A_343 : memref<!tpu.dma_semaphore, #tpu.memory_space<semaphore_mem>>)
      %dma_wait3A = tpu.memref_slice %arg6[%add3A_66] : memref<524288xf32, #tpu.memory_space<vmem_shared>> -> memref<8192xf32, #tpu.memory_space<vmem_shared>>
      %dma_wait3A_345 = tpu.memref_slice %arg6[%add3A_66] : memref<524288xf32, #tpu.memory_space<vmem_shared>> -> memref<8192xf32, #tpu.memory_space<vmem_shared>>
      tpu.wait_dma2 semaphore(%run_scoped3A_343 : memref<!tpu.dma_semaphore, #tpu.memory_space<semaphore_mem>>) src(%arg11 : memref<8192xf32, #tpu.memory_space<vmem>>) dst(%dma_wait3A_345 : memref<8192xf32, #tpu.memory_space<vmem_shared>>)
      tpu.yield
    }) : () -> ()
    %mul3A_67 = arith.constant 32768 : i32
    %mul3A_68 = arith.muli %arg1, %mul3A_67 : i32
    %add3A_69 = arith.constant 8192 : i32
    %add3A_70 = arith.addi %mul3A_68, %add3A_69 : i32
    "tpu.region"() ({
      %run_scoped3A_343 = tpu.sem_alloc : memref<!tpu.dma_semaphore, #tpu.memory_space<semaphore_mem>>
      %dma_start3A = tpu.memref_slice %arg6[%add3A_70] : memref<524288xf32, #tpu.memory_space<vmem_shared>> -> memref<8192xf32, #tpu.memory_space<vmem_shared>>
      %dma_start3A_344 = tpu.memref_slice %arg6[%add3A_70] : memref<524288xf32, #tpu.memory_space<vmem_shared>> -> memref<8192xf32, #tpu.memory_space<vmem_shared>>
      tpu.enqueue_dma source(%arg11 : memref<8192xf32, #tpu.memory_space<vmem>>) target(%dma_start3A_344 : memref<8192xf32, #tpu.memory_space<vmem_shared>>) target_semaphore(%run_scoped3A_343 : memref<!tpu.dma_semaphore, #tpu.memory_space<semaphore_mem>>)
      %dma_wait3A = tpu.memref_slice %arg6[%add3A_70] : memref<524288xf32, #tpu.memory_space<vmem_shared>> -> memref<8192xf32, #tpu.memory_space<vmem_shared>>
      %dma_wait3A_345 = tpu.memref_slice %arg6[%add3A_70] : memref<524288xf32, #tpu.memory_space<vmem_shared>> -> memref<8192xf32, #tpu.memory_space<vmem_shared>>
      tpu.wait_dma2 semaphore(%run_scoped3A_343 : memref<!tpu.dma_semaphore, #tpu.memory_space<semaphore_mem>>) src(%arg11 : memref<8192xf32, #tpu.memory_space<vmem>>) dst(%dma_wait3A_345 : memref<8192xf32, #tpu.memory_space<vmem_shared>>)
      tpu.yield
    }) : () -> ()
    %mul3A_71 = arith.constant 32768 : i32
    %mul3A_72 = arith.muli %arg1, %mul3A_71 : i32
    %add3A_73 = arith.constant 16384 : i32
    %add3A_74 = arith.addi %mul3A_72, %add3A_73 : i32
    "tpu.region"() ({
      %run_scoped3A_343 = tpu.sem_alloc : memref<!tpu.dma_semaphore, #tpu.memory_space<semaphore_mem>>
      %dma_start3A = tpu.memref_slice %arg6[%add3A_74] : memref<524288xf32, #tpu.memory_space<vmem_shared>> -> memref<8192xf32, #tpu.memory_space<vmem_shared>>
      %dma_start3A_344 = tpu.memref_slice %arg6[%add3A_74] : memref<524288xf32, #tpu.memory_space<vmem_shared>> -> memref<8192xf32, #tpu.memory_space<vmem_shared>>
      tpu.enqueue_dma source(%arg11 : memref<8192xf32, #tpu.memory_space<vmem>>) target(%dma_start3A_344 : memref<8192xf32, #tpu.memory_space<vmem_shared>>) target_semaphore(%run_scoped3A_343 : memref<!tpu.dma_semaphore, #tpu.memory_space<semaphore_mem>>)
      %dma_wait3A = tpu.memref_slice %arg6[%add3A_74] : memref<524288xf32, #tpu.memory_space<vmem_shared>> -> memref<8192xf32, #tpu.memory_space<vmem_shared>>
      %dma_wait3A_345 = tpu.memref_slice %arg6[%add3A_74] : memref<524288xf32, #tpu.memory_space<vmem_shared>> -> memref<8192xf32, #tpu.memory_space<vmem_shared>>
      tpu.wait_dma2 semaphore(%run_scoped3A_343 : memref<!tpu.dma_semaphore, #tpu.memory_space<semaphore_mem>>) src(%arg11 : memref<8192xf32, #tpu.memory_space<vmem>>) dst(%dma_wait3A_345 : memref<8192xf32, #tpu.memory_space<vmem_shared>>)
      tpu.yield
    }) : () -> ()
    %mul3A_75 = arith.constant 32768 : i32
    %mul3A_76 = arith.muli %arg1, %mul3A_75 : i32
    %add3A_77 = arith.constant 24576 : i32
    %add3A_78 = arith.addi %mul3A_76, %add3A_77 : i32
    "tpu.region"() ({
      %run_scoped3A_343 = tpu.sem_alloc : memref<!tpu.dma_semaphore, #tpu.memory_space<semaphore_mem>>
      %dma_start3A = tpu.memref_slice %arg6[%add3A_78] : memref<524288xf32, #tpu.memory_space<vmem_shared>> -> memref<8192xf32, #tpu.memory_space<vmem_shared>>
      %dma_start3A_344 = tpu.memref_slice %arg6[%add3A_78] : memref<524288xf32, #tpu.memory_space<vmem_shared>> -> memref<8192xf32, #tpu.memory_space<vmem_shared>>
      tpu.enqueue_dma source(%arg11 : memref<8192xf32, #tpu.memory_space<vmem>>) target(%dma_start3A_344 : memref<8192xf32, #tpu.memory_space<vmem_shared>>) target_semaphore(%run_scoped3A_343 : memref<!tpu.dma_semaphore, #tpu.memory_space<semaphore_mem>>)
      %dma_wait3A = tpu.memref_slice %arg6[%add3A_78] : memref<524288xf32, #tpu.memory_space<vmem_shared>> -> memref<8192xf32, #tpu.memory_space<vmem_shared>>
      %dma_wait3A_345 = tpu.memref_slice %arg6[%add3A_78] : memref<524288xf32, #tpu.memory_space<vmem_shared>> -> memref<8192xf32, #tpu.memory_space<vmem_shared>>
      tpu.wait_dma2 semaphore(%run_scoped3A_343 : memref<!tpu.dma_semaphore, #tpu.memory_space<semaphore_mem>>) src(%arg11 : memref<8192xf32, #tpu.memory_space<vmem>>) dst(%dma_wait3A_345 : memref<8192xf32, #tpu.memory_space<vmem_shared>>)
      tpu.yield
    }) : () -> ()
    %barrier3A_79 = arith.constant 0 : index
    tpu.barrier barrier_id(%barrier3A_79)
    %scan3A_80 = arith.constant 0 : i32
    %scan3A_81 = arith.constant 0 : i32
    %scan3A_82 = arith.constant 128 : i32
    %scan3A_83 = arith.addi %scan3A_81, %scan3A_82 : i32
    %scan3A_84 = arith.constant 1 : i32
    %scan3A_85 = scf.for %scan3A_343 = %scan3A_81 to %scan3A_83 step %scan3A_84 iter_args(%scan3A_344 = %scan3A_80) -> (i32)  : i32 {
      %mul3A_345 = arith.constant 128 : i32
      %mul3A_346 = arith.muli %scan3A_343, %mul3A_345 : i32
      %add3A_347 = arith.constant 0 : i32
      %add3A_348 = arith.addi %mul3A_346, %add3A_347 : i32
      %get3A = arith.index_cast %add3A_348 : i32 to index
      %get3A_349 = tpu.vector_load %arg8[%get3A] {strides = array<i32>} : memref<16384xi32, #tpu.memory_space<vmem>>, vector<16xi32>,
      %ge3A = vector.broadcast %mul3A_60 : i32 to vector<16xi32>
      %ge3A_350 = arith.cmpi sge, %get3A_349, %ge3A : vector<16xi32>
      %lt3A = vector.broadcast %add3A_62 : i32 to vector<16xi32>
      %lt3A_351 = arith.cmpi slt, %get3A_349, %lt3A : vector<16xi32>
      %and3A = arith.andi %ge3A_350, %lt3A_351 : vector<16xi1>
      %sub3A = vector.broadcast %mul3A_60 : i32 to vector<16xi32>
      %sub3A_352 = arith.subi %get3A_349, %sub3A : vector<16xi32>
      %jit3A = arith.constant -1 : i32
      %broadcast_in_dim3A_353 = vector.broadcast %jit3A : i32 to vector<16xi32>
      %select_n3A = arith.select %and3A, %sub3A_352, %broadcast_in_dim3A_353 : vector<16xi1>, vector<16xi32>
      %swap3A = arith.index_cast %add3A_348 : i32 to index
      %swap3A_354 = tpu.vector_load %arg9[%swap3A] {strides = array<i32>} : memref<16384xi32, #tpu.memory_space<vmem>>, vector<16xi32>,
      tpu.vector_store %arg9[%swap3A], %select_n3A {strides = array<i32>} : memref<16384xi32, #tpu.memory_space<vmem>>, vector<16xi32>,
      %mul3A_355 = arith.constant 128 : i32
      %mul3A_356 = arith.muli %scan3A_343, %mul3A_355 : i32
      %add3A_357 = arith.constant 16 : i32
      %add3A_358 = arith.addi %mul3A_356, %add3A_357 : i32
      %get3A_359 = arith.index_cast %add3A_358 : i32 to index
      %get3A_360 = tpu.vector_load %arg8[%get3A_359] {strides = array<i32>} : memref<16384xi32, #tpu.memory_space<vmem>>, vector<16xi32>,
      %ge3A_361 = vector.broadcast %mul3A_60 : i32 to vector<16xi32>
      %ge3A_362 = arith.cmpi sge, %get3A_360, %ge3A_361 : vector<16xi32>
      %lt3A_363 = vector.broadcast %add3A_62 : i32 to vector<16xi32>
      %lt3A_364 = arith.cmpi slt, %get3A_360, %lt3A_363 : vector<16xi32>
      %and3A_365 = arith.andi %ge3A_362, %lt3A_364 : vector<16xi1>
      %sub3A_366 = vector.broadcast %mul3A_60 : i32 to vector<16xi32>
      %sub3A_367 = arith.subi %get3A_360, %sub3A_366 : vector<16xi32>
      %jit3A_368 = arith.constant -1 : i32
      %broadcast_in_dim3A_369 = vector.broadcast %jit3A_368 : i32 to vector<16xi32>
      %select_n3A_370 = arith.select %and3A_365, %sub3A_367, %broadcast_in_dim3A_369 : vector<16xi1>, vector<16xi32>
      %swap3A_371 = arith.index_cast %add3A_358 : i32 to index
      %swap3A_372 = tpu.vector_load %arg9[%swap3A_371] {strides = array<i32>} : memref<16384xi32, #tpu.memory_space<vmem>>, vector<16xi32>,
      tpu.vector_store %arg9[%swap3A_371], %select_n3A_370 {strides = array<i32>} : memref<16384xi32, #tpu.memory_space<vmem>>, vector<16xi32>,
      %mul3A_373 = arith.constant 128 : i32
      %mul3A_374 = arith.muli %scan3A_343, %mul3A_373 : i32
      %add3A_375 = arith.constant 32 : i32
      %add3A_376 = arith.addi %mul3A_374, %add3A_375 : i32
      %get3A_377 = arith.index_cast %add3A_376 : i32 to index
      %get3A_378 = tpu.vector_load %arg8[%get3A_377] {strides = array<i32>} : memref<16384xi32, #tpu.memory_space<vmem>>, vector<16xi32>,
      %ge3A_379 = vector.broadcast %mul3A_60 : i32 to vector<16xi32>
      %ge3A_380 = arith.cmpi sge, %get3A_378, %ge3A_379 : vector<16xi32>
      %lt3A_381 = vector.broadcast %add3A_62 : i32 to vector<16xi32>
      %lt3A_382 = arith.cmpi slt, %get3A_378, %lt3A_381 : vector<16xi32>
      %and3A_383 = arith.andi %ge3A_380, %lt3A_382 : vector<16xi1>
      %sub3A_384 = vector.broadcast %mul3A_60 : i32 to vector<16xi32>
      %sub3A_385 = arith.subi %get3A_378, %sub3A_384 : vector<16xi32>
      %jit3A_386 = arith.constant -1 : i32
      %broadcast_in_dim3A_387 = vector.broadcast %jit3A_386 : i32 to vector<16xi32>
      %select_n3A_388 = arith.select %and3A_383, %sub3A_385, %broadcast_in_dim3A_387 : vector<16xi1>, vector<16xi32>
      %swap3A_389 = arith.index_cast %add3A_376 : i32 to index
      %swap3A_390 = tpu.vector_load %arg9[%swap3A_389] {strides = array<i32>} : memref<16384xi32, #tpu.memory_space<vmem>>, vector<16xi32>,
      tpu.vector_store %arg9[%swap3A_389], %select_n3A_388 {strides = array<i32>} : memref<16384xi32, #tpu.memory_space<vmem>>, vector<16xi32>,
      %mul3A_391 = arith.constant 128 : i32
      %mul3A_392 = arith.muli %scan3A_343, %mul3A_391 : i32
      %add3A_393 = arith.constant 48 : i32
      %add3A_394 = arith.addi %mul3A_392, %add3A_393 : i32
      %get3A_395 = arith.index_cast %add3A_394 : i32 to index
      %get3A_396 = tpu.vector_load %arg8[%get3A_395] {strides = array<i32>} : memref<16384xi32, #tpu.memory_space<vmem>>, vector<16xi32>,
      %ge3A_397 = vector.broadcast %mul3A_60 : i32 to vector<16xi32>
      %ge3A_398 = arith.cmpi sge, %get3A_396, %ge3A_397 : vector<16xi32>
      %lt3A_399 = vector.broadcast %add3A_62 : i32 to vector<16xi32>
      %lt3A_400 = arith.cmpi slt, %get3A_396, %lt3A_399 : vector<16xi32>
      %and3A_401 = arith.andi %ge3A_398, %lt3A_400 : vector<16xi1>
      %sub3A_402 = vector.broadcast %mul3A_60 : i32 to vector<16xi32>
      %sub3A_403 = arith.subi %get3A_396, %sub3A_402 : vector<16xi32>
      %jit3A_404 = arith.constant -1 : i32
      %broadcast_in_dim3A_405 = vector.broadcast %jit3A_404 : i32 to vector<16xi32>
      %select_n3A_406 = arith.select %and3A_401, %sub3A_403, %broadcast_in_dim3A_405 : vector<16xi1>, vector<16xi32>
      %swap3A_407 = arith.index_cast %add3A_394 : i32 to index
      %swap3A_408 = tpu.vector_load %arg9[%swap3A_407] {strides = array<i32>} : memref<16384xi32, #tpu.memory_space<vmem>>, vector<16xi32>,
      tpu.vector_store %arg9[%swap3A_407], %select_n3A_406 {strides = array<i32>} : memref<16384xi32, #tpu.memory_space<vmem>>, vector<16xi32>,
      %mul3A_409 = arith.constant 128 : i32
      %mul3A_410 = arith.muli %scan3A_343, %mul3A_409 : i32
      %add3A_411 = arith.constant 64 : i32
      %add3A_412 = arith.addi %mul3A_410, %add3A_411 : i32
      %get3A_413 = arith.index_cast %add3A_412 : i32 to index
      %get3A_414 = tpu.vector_load %arg8[%get3A_413] {strides = array<i32>} : memref<16384xi32, #tpu.memory_space<vmem>>, vector<16xi32>,
      %ge3A_415 = vector.broadcast %mul3A_60 : i32 to vector<16xi32>
      %ge3A_416 = arith.cmpi sge, %get3A_414, %ge3A_415 : vector<16xi32>
      %lt3A_417 = vector.broadcast %add3A_62 : i32 to vector<16xi32>
      %lt3A_418 = arith.cmpi slt, %get3A_414, %lt3A_417 : vector<16xi32>
      %and3A_419 = arith.andi %ge3A_416, %lt3A_418 : vector<16xi1>
      %sub3A_420 = vector.broadcast %mul3A_60 : i32 to vector<16xi32>
      %sub3A_421 = arith.subi %get3A_414, %sub3A_420 : vector<16xi32>
      %jit3A_422 = arith.constant -1 : i32
      %broadcast_in_dim3A_423 = vector.broadcast %jit3A_422 : i32 to vector<16xi32>
      %select_n3A_424 = arith.select %and3A_419, %sub3A_421, %broadcast_in_dim3A_423 : vector<16xi1>, vector<16xi32>
      %swap3A_425 = arith.index_cast %add3A_412 : i32 to index
      %swap3A_426 = tpu.vector_load %arg9[%swap3A_425] {strides = array<i32>} : memref<16384xi32, #tpu.memory_space<vmem>>, vector<16xi32>,
      tpu.vector_store %arg9[%swap3A_425], %select_n3A_424 {strides = array<i32>} : memref<16384xi32, #tpu.memory_space<vmem>>, vector<16xi32>,
      %mul3A_427 = arith.constant 128 : i32
      %mul3A_428 = arith.muli %scan3A_343, %mul3A_427 : i32
      %add3A_429 = arith.constant 80 : i32
      %add3A_430 = arith.addi %mul3A_428, %add3A_429 : i32
      %get3A_431 = arith.index_cast %add3A_430 : i32 to index
      %get3A_432 = tpu.vector_load %arg8[%get3A_431] {strides = array<i32>} : memref<16384xi32, #tpu.memory_space<vmem>>, vector<16xi32>,
      %ge3A_433 = vector.broadcast %mul3A_60 : i32 to vector<16xi32>
      %ge3A_434 = arith.cmpi sge, %get3A_432, %ge3A_433 : vector<16xi32>
      %lt3A_435 = vector.broadcast %add3A_62 : i32 to vector<16xi32>
      %lt3A_436 = arith.cmpi slt, %get3A_432, %lt3A_435 : vector<16xi32>
      %and3A_437 = arith.andi %ge3A_434, %lt3A_436 : vector<16xi1>
      %sub3A_438 = vector.broadcast %mul3A_60 : i32 to vector<16xi32>
      %sub3A_439 = arith.subi %get3A_432, %sub3A_438 : vector<16xi32>
      %jit3A_440 = arith.constant -1 : i32
      %broadcast_in_dim3A_441 = vector.broadcast %jit3A_440 : i32 to vector<16xi32>
      %select_n3A_442 = arith.select %and3A_437, %sub3A_439, %broadcast_in_dim3A_441 : vector<16xi1>, vector<16xi32>
      %swap3A_443 = arith.index_cast %add3A_430 : i32 to index
      %swap3A_444 = tpu.vector_load %arg9[%swap3A_443] {strides = array<i32>} : memref<16384xi32, #tpu.memory_space<vmem>>, vector<16xi32>,
      tpu.vector_store %arg9[%swap3A_443], %select_n3A_442 {strides = array<i32>} : memref<16384xi32, #tpu.memory_space<vmem>>, vector<16xi32>,
      %mul3A_445 = arith.constant 128 : i32
      %mul3A_446 = arith.muli %scan3A_343, %mul3A_445 : i32
      %add3A_447 = arith.constant 96 : i32
      %add3A_448 = arith.addi %mul3A_446, %add3A_447 : i32
      %get3A_449 = arith.index_cast %add3A_448 : i32 to index
      %get3A_450 = tpu.vector_load %arg8[%get3A_449] {strides = array<i32>} : memref<16384xi32, #tpu.memory_space<vmem>>, vector<16xi32>,
      %ge3A_451 = vector.broadcast %mul3A_60 : i32 to vector<16xi32>
      %ge3A_452 = arith.cmpi sge, %get3A_450, %ge3A_451 : vector<16xi32>
      %lt3A_453 = vector.broadcast %add3A_62 : i32 to vector<16xi32>
      %lt3A_454 = arith.cmpi slt, %get3A_450, %lt3A_453 : vector<16xi32>
      %and3A_455 = arith.andi %ge3A_452, %lt3A_454 : vector<16xi1>
      %sub3A_456 = vector.broadcast %mul3A_60 : i32 to vector<16xi32>
      %sub3A_457 = arith.subi %get3A_450, %sub3A_456 : vector<16xi32>
      %jit3A_458 = arith.constant -1 : i32
      %broadcast_in_dim3A_459 = vector.broadcast %jit3A_458 : i32 to vector<16xi32>
      %select_n3A_460 = arith.select %and3A_455, %sub3A_457, %broadcast_in_dim3A_459 : vector<16xi1>, vector<16xi32>
      %swap3A_461 = arith.index_cast %add3A_448 : i32 to index
      %swap3A_462 = tpu.vector_load %arg9[%swap3A_461] {strides = array<i32>} : memref<16384xi32, #tpu.memory_space<vmem>>, vector<16xi32>,
      tpu.vector_store %arg9[%swap3A_461], %select_n3A_460 {strides = array<i32>} : memref<16384xi32, #tpu.memory_space<vmem>>, vector<16xi32>,
      %mul3A_463 = arith.constant 128 : i32
      %mul3A_464 = arith.muli %scan3A_343, %mul3A_463 : i32
      %add3A_465 = arith.constant 112 : i32
      %add3A_466 = arith.addi %mul3A_464, %add3A_465 : i32
      %get3A_467 = arith.index_cast %add3A_466 : i32 to index
      %get3A_468 = tpu.vector_load %arg8[%get3A_467] {strides = array<i32>} : memref<16384xi32, #tpu.memory_space<vmem>>, vector<16xi32>,
      %ge3A_469 = vector.broadcast %mul3A_60 : i32 to vector<16xi32>
      %ge3A_470 = arith.cmpi sge, %get3A_468, %ge3A_469 : vector<16xi32>
      %lt3A_471 = vector.broadcast %add3A_62 : i32 to vector<16xi32>
      %lt3A_472 = arith.cmpi slt, %get3A_468, %lt3A_471 : vector<16xi32>
      %and3A_473 = arith.andi %ge3A_470, %lt3A_472 : vector<16xi1>
      %sub3A_474 = vector.broadcast %mul3A_60 : i32 to vector<16xi32>
      %sub3A_475 = arith.subi %get3A_468, %sub3A_474 : vector<16xi32>
      %jit3A_476 = arith.constant -1 : i32
      %broadcast_in_dim3A_477 = vector.broadcast %jit3A_476 : i32 to vector<16xi32>
      %select_n3A_478 = arith.select %and3A_473, %sub3A_475, %broadcast_in_dim3A_477 : vector<16xi1>, vector<16xi32>
      %swap3A_479 = arith.index_cast %add3A_466 : i32 to index
      %swap3A_480 = tpu.vector_load %arg9[%swap3A_479] {strides = array<i32>} : memref<16384xi32, #tpu.memory_space<vmem>>, vector<16xi32>,
      tpu.vector_store %arg9[%swap3A_479], %select_n3A_478 {strides = array<i32>} : memref<16384xi32, #tpu.memory_space<vmem>>, vector<16xi32>,
      %scan3A_481 = arith.constant 0 : i32
      scf.yield %scan3A_481 : i32
    }
    %scan3A_86 = arith.constant 128 : i32
    "tpu.region"() ({
      %run_scoped3A_343 = tpu.sem_alloc : memref<!tpu.dma_semaphore, #tpu.memory_space<semaphore_mem>>
      %dma_start3A = arith.constant 0 : i32
      %dma_start3A_344 = tpu.memref_slice %arg6[%dma_start3A] : memref<524288xf32, #tpu.memory_space<vmem_shared>> -> memref<524288xf32, #tpu.memory_space<vmem_shared>>
      %dma_start3A_345 = arith.constant -1 : i32
      tpu.enqueue_indirect_dma source(%arg10 : memref<16384xf32, #tpu.memory_space<vmem>>) target(%dma_start3A_344 : memref<524288xf32, #tpu.memory_space<vmem_shared>>) offsets(%arg9 : memref<16384xi32, #tpu.memory_space<vmem>>) offset_filter(%dma_start3A_345) semaphore(%run_scoped3A_343 : memref<!tpu.dma_semaphore, #tpu.memory_space<semaphore_mem>>) {add = true}
      %dma_wait3A = arith.constant 0 : i32
      %dma_wait3A_346 = tpu.memref_slice %arg6[%dma_wait3A] : memref<524288xf32, #tpu.memory_space<vmem_shared>> -> memref<524288xf32, #tpu.memory_space<vmem_shared>>
      tpu.wait_indirect_dma semaphore(%run_scoped3A_343 : memref<!tpu.dma_semaphore, #tpu.memory_space<semaphore_mem>>) src(%arg10 : memref<16384xf32, #tpu.memory_space<vmem>>) dst(%dma_wait3A_346 : memref<524288xf32, #tpu.memory_space<vmem_shared>>)
      tpu.yield
    }) : () -> ()
    %barrier3A_87 = arith.constant 0 : index
    tpu.barrier barrier_id(%barrier3A_87)
    %mul3A_88 = arith.constant 32768 : i32
    %mul3A_89 = arith.muli %arg1, %mul3A_88 : i32
    %mul3A_90 = arith.constant 524288 : i32
    %mul3A_91 = arith.muli %add3A_58, %mul3A_90 : i32
    %mul3A_92 = arith.constant 32768 : i32
    %mul3A_93 = arith.muli %arg1, %mul3A_92 : i32
    %add3A_94 = arith.addi %mul3A_91, %mul3A_93 : i32
    "tpu.region"() ({
      %run_scoped3A_343 = tpu.sem_alloc : memref<!tpu.dma_semaphore, #tpu.memory_space<semaphore_mem>>
      %dma_start3A = tpu.memref_slice %arg4[%add3A_94] : memref<4194304xf32, #tpu.memory_space<hbm>> -> memref<32768xf32, #tpu.memory_space<hbm>>
      %dma_start3A_344 = tpu.memref_slice %arg6[%mul3A_89] : memref<524288xf32, #tpu.memory_space<vmem_shared>> -> memref<32768xf32, #tpu.memory_space<vmem_shared>>
      tpu.enqueue_dma source(%dma_start3A_344 : memref<32768xf32, #tpu.memory_space<vmem_shared>>) target(%dma_start3A : memref<32768xf32, #tpu.memory_space<hbm>>) target_semaphore(%run_scoped3A_343 : memref<!tpu.dma_semaphore, #tpu.memory_space<semaphore_mem>>)
      %dma_wait3A = tpu.memref_slice %arg4[%add3A_94] : memref<4194304xf32, #tpu.memory_space<hbm>> -> memref<32768xf32, #tpu.memory_space<hbm>>
      %dma_wait3A_345 = tpu.memref_slice %arg6[%mul3A_89] : memref<524288xf32, #tpu.memory_space<vmem_shared>> -> memref<32768xf32, #tpu.memory_space<vmem_shared>>
      tpu.wait_dma2 semaphore(%run_scoped3A_343 : memref<!tpu.dma_semaphore, #tpu.memory_space<semaphore_mem>>) src(%dma_wait3A_345 : memref<32768xf32, #tpu.memory_space<vmem_shared>>) dst(%dma_wait3A : memref<32768xf32, #tpu.memory_space<hbm>>)
      tpu.yield
    }) : () -> ()
    %barrier3A_95 = arith.constant 0 : index
    tpu.barrier barrier_id(%barrier3A_95)
    %add3A_96 = arith.constant 4 : i32
    %add3A_97 = arith.addi %add3A_96, %arg0 : i32
    %mul3A_98 = arith.constant 524288 : i32
    %mul3A_99 = arith.muli %add3A_97, %mul3A_98 : i32
    %add3A_100 = arith.constant 524288 : i32
    %add3A_101 = arith.addi %mul3A_99, %add3A_100 : i32
    %mul3A_102 = arith.constant 32768 : i32
    %mul3A_103 = arith.muli %arg1, %mul3A_102 : i32
    %add3A_104 = arith.constant 0 : i32
    %add3A_105 = arith.addi %mul3A_103, %add3A_104 : i32
    "tpu.region"() ({
      %run_scoped3A_343 = tpu.sem_alloc : memref<!tpu.dma_semaphore, #tpu.memory_space<semaphore_mem>>
      %dma_start3A = tpu.memref_slice %arg6[%add3A_105] : memref<524288xf32, #tpu.memory_space<vmem_shared>> -> memref<8192xf32, #tpu.memory_space<vmem_shared>>
      %dma_start3A_344 = tpu.memref_slice %arg6[%add3A_105] : memref<524288xf32, #tpu.memory_space<vmem_shared>> -> memref<8192xf32, #tpu.memory_space<vmem_shared>>
      tpu.enqueue_dma source(%arg11 : memref<8192xf32, #tpu.memory_space<vmem>>) target(%dma_start3A_344 : memref<8192xf32, #tpu.memory_space<vmem_shared>>) target_semaphore(%run_scoped3A_343 : memref<!tpu.dma_semaphore, #tpu.memory_space<semaphore_mem>>)
      %dma_wait3A = tpu.memref_slice %arg6[%add3A_105] : memref<524288xf32, #tpu.memory_space<vmem_shared>> -> memref<8192xf32, #tpu.memory_space<vmem_shared>>
      %dma_wait3A_345 = tpu.memref_slice %arg6[%add3A_105] : memref<524288xf32, #tpu.memory_space<vmem_shared>> -> memref<8192xf32, #tpu.memory_space<vmem_shared>>
      tpu.wait_dma2 semaphore(%run_scoped3A_343 : memref<!tpu.dma_semaphore, #tpu.memory_space<semaphore_mem>>) src(%arg11 : memref<8192xf32, #tpu.memory_space<vmem>>) dst(%dma_wait3A_345 : memref<8192xf32, #tpu.memory_space<vmem_shared>>)
      tpu.yield
    }) : () -> ()
    %mul3A_106 = arith.constant 32768 : i32
    %mul3A_107 = arith.muli %arg1, %mul3A_106 : i32
    %add3A_108 = arith.constant 8192 : i32
    %add3A_109 = arith.addi %mul3A_107, %add3A_108 : i32
    "tpu.region"() ({
      %run_scoped3A_343 = tpu.sem_alloc : memref<!tpu.dma_semaphore, #tpu.memory_space<semaphore_mem>>
      %dma_start3A = tpu.memref_slice %arg6[%add3A_109] : memref<524288xf32, #tpu.memory_space<vmem_shared>> -> memref<8192xf32, #tpu.memory_space<vmem_shared>>
      %dma_start3A_344 = tpu.memref_slice %arg6[%add3A_109] : memref<524288xf32, #tpu.memory_space<vmem_shared>> -> memref<8192xf32, #tpu.memory_space<vmem_shared>>
      tpu.enqueue_dma source(%arg11 : memref<8192xf32, #tpu.memory_space<vmem>>) target(%dma_start3A_344 : memref<8192xf32, #tpu.memory_space<vmem_shared>>) target_semaphore(%run_scoped3A_343 : memref<!tpu.dma_semaphore, #tpu.memory_space<semaphore_mem>>)
      %dma_wait3A = tpu.memref_slice %arg6[%add3A_109] : memref<524288xf32, #tpu.memory_space<vmem_shared>> -> memref<8192xf32, #tpu.memory_space<vmem_shared>>
      %dma_wait3A_345 = tpu.memref_slice %arg6[%add3A_109] : memref<524288xf32, #tpu.memory_space<vmem_shared>> -> memref<8192xf32, #tpu.memory_space<vmem_shared>>
      tpu.wait_dma2 semaphore(%run_scoped3A_343 : memref<!tpu.dma_semaphore, #tpu.memory_space<semaphore_mem>>) src(%arg11 : memref<8192xf32, #tpu.memory_space<vmem>>) dst(%dma_wait3A_345 : memref<8192xf32, #tpu.memory_space<vmem_shared>>)
      tpu.yield
    }) : () -> ()
    %mul3A_110 = arith.constant 32768 : i32
    %mul3A_111 = arith.muli %arg1, %mul3A_110 : i32
    %add3A_112 = arith.constant 16384 : i32
    %add3A_113 = arith.addi %mul3A_111, %add3A_112 : i32
    "tpu.region"() ({
      %run_scoped3A_343 = tpu.sem_alloc : memref<!tpu.dma_semaphore, #tpu.memory_space<semaphore_mem>>
      %dma_start3A = tpu.memref_slice %arg6[%add3A_113] : memref<524288xf32, #tpu.memory_space<vmem_shared>> -> memref<8192xf32, #tpu.memory_space<vmem_shared>>
      %dma_start3A_344 = tpu.memref_slice %arg6[%add3A_113] : memref<524288xf32, #tpu.memory_space<vmem_shared>> -> memref<8192xf32, #tpu.memory_space<vmem_shared>>
      tpu.enqueue_dma source(%arg11 : memref<8192xf32, #tpu.memory_space<vmem>>) target(%dma_start3A_344 : memref<8192xf32, #tpu.memory_space<vmem_shared>>) target_semaphore(%run_scoped3A_343 : memref<!tpu.dma_semaphore, #tpu.memory_space<semaphore_mem>>)
      %dma_wait3A = tpu.memref_slice %arg6[%add3A_113] : memref<524288xf32, #tpu.memory_space<vmem_shared>> -> memref<8192xf32, #tpu.memory_space<vmem_shared>>
      %dma_wait3A_345 = tpu.memref_slice %arg6[%add3A_113] : memref<524288xf32, #tpu.memory_space<vmem_shared>> -> memref<8192xf32, #tpu.memory_space<vmem_shared>>
      tpu.wait_dma2 semaphore(%run_scoped3A_343 : memref<!tpu.dma_semaphore, #tpu.memory_space<semaphore_mem>>) src(%arg11 : memref<8192xf32, #tpu.memory_space<vmem>>) dst(%dma_wait3A_345 : memref<8192xf32, #tpu.memory_space<vmem_shared>>)
      tpu.yield
    }) : () -> ()
    %mul3A_114 = arith.constant 32768 : i32
    %mul3A_115 = arith.muli %arg1, %mul3A_114 : i32
    %add3A_116 = arith.constant 24576 : i32
    %add3A_117 = arith.addi %mul3A_115, %add3A_116 : i32
    "tpu.region"() ({
      %run_scoped3A_343 = tpu.sem_alloc : memref<!tpu.dma_semaphore, #tpu.memory_space<semaphore_mem>>
      %dma_start3A = tpu.memref_slice %arg6[%add3A_117] : memref<524288xf32, #tpu.memory_space<vmem_shared>> -> memref<8192xf32, #tpu.memory_space<vmem_shared>>
      %dma_start3A_344 = tpu.memref_slice %arg6[%add3A_117] : memref<524288xf32, #tpu.memory_space<vmem_shared>> -> memref<8192xf32, #tpu.memory_space<vmem_shared>>
      tpu.enqueue_dma source(%arg11 : memref<8192xf32, #tpu.memory_space<vmem>>) target(%dma_start3A_344 : memref<8192xf32, #tpu.memory_space<vmem_shared>>) target_semaphore(%run_scoped3A_343 : memref<!tpu.dma_semaphore, #tpu.memory_space<semaphore_mem>>)
      %dma_wait3A = tpu.memref_slice %arg6[%add3A_117] : memref<524288xf32, #tpu.memory_space<vmem_shared>> -> memref<8192xf32, #tpu.memory_space<vmem_shared>>
      %dma_wait3A_345 = tpu.memref_slice %arg6[%add3A_117] : memref<524288xf32, #tpu.memory_space<vmem_shared>> -> memref<8192xf32, #tpu.memory_space<vmem_shared>>
      tpu.wait_dma2 semaphore(%run_scoped3A_343 : memref<!tpu.dma_semaphore, #tpu.memory_space<semaphore_mem>>) src(%arg11 : memref<8192xf32, #tpu.memory_space<vmem>>) dst(%dma_wait3A_345 : memref<8192xf32, #tpu.memory_space<vmem_shared>>)
      tpu.yield
    }) : () -> ()
    %barrier3A_118 = arith.constant 0 : index
    tpu.barrier barrier_id(%barrier3A_118)
    %scan3A_119 = arith.constant 0 : i32
    %scan3A_120 = arith.constant 0 : i32
    %scan3A_121 = arith.constant 128 : i32
    %scan3A_122 = arith.addi %scan3A_120, %scan3A_121 : i32
    %scan3A_123 = arith.constant 1 : i32
    %scan3A_124 = scf.for %scan3A_343 = %scan3A_120 to %scan3A_122 step %scan3A_123 iter_args(%scan3A_344 = %scan3A_119) -> (i32)  : i32 {
      %mul3A_345 = arith.constant 128 : i32
      %mul3A_346 = arith.muli %scan3A_343, %mul3A_345 : i32
      %add3A_347 = arith.constant 0 : i32
      %add3A_348 = arith.addi %mul3A_346, %add3A_347 : i32
      %get3A = arith.index_cast %add3A_348 : i32 to index
      %get3A_349 = tpu.vector_load %arg8[%get3A] {strides = array<i32>} : memref<16384xi32, #tpu.memory_space<vmem>>, vector<16xi32>,
      %ge3A = vector.broadcast %mul3A_99 : i32 to vector<16xi32>
      %ge3A_350 = arith.cmpi sge, %get3A_349, %ge3A : vector<16xi32>
      %lt3A = vector.broadcast %add3A_101 : i32 to vector<16xi32>
      %lt3A_351 = arith.cmpi slt, %get3A_349, %lt3A : vector<16xi32>
      %and3A = arith.andi %ge3A_350, %lt3A_351 : vector<16xi1>
      %sub3A = vector.broadcast %mul3A_99 : i32 to vector<16xi32>
      %sub3A_352 = arith.subi %get3A_349, %sub3A : vector<16xi32>
      %jit3A = arith.constant -1 : i32
      %broadcast_in_dim3A_353 = vector.broadcast %jit3A : i32 to vector<16xi32>
      %select_n3A = arith.select %and3A, %sub3A_352, %broadcast_in_dim3A_353 : vector<16xi1>, vector<16xi32>
      %swap3A = arith.index_cast %add3A_348 : i32 to index
      %swap3A_354 = tpu.vector_load %arg9[%swap3A] {strides = array<i32>} : memref<16384xi32, #tpu.memory_space<vmem>>, vector<16xi32>,
      tpu.vector_store %arg9[%swap3A], %select_n3A {strides = array<i32>} : memref<16384xi32, #tpu.memory_space<vmem>>, vector<16xi32>,
      %mul3A_355 = arith.constant 128 : i32
      %mul3A_356 = arith.muli %scan3A_343, %mul3A_355 : i32
      %add3A_357 = arith.constant 16 : i32
      %add3A_358 = arith.addi %mul3A_356, %add3A_357 : i32
      %get3A_359 = arith.index_cast %add3A_358 : i32 to index
      %get3A_360 = tpu.vector_load %arg8[%get3A_359] {strides = array<i32>} : memref<16384xi32, #tpu.memory_space<vmem>>, vector<16xi32>,
      %ge3A_361 = vector.broadcast %mul3A_99 : i32 to vector<16xi32>
      %ge3A_362 = arith.cmpi sge, %get3A_360, %ge3A_361 : vector<16xi32>
      %lt3A_363 = vector.broadcast %add3A_101 : i32 to vector<16xi32>
      %lt3A_364 = arith.cmpi slt, %get3A_360, %lt3A_363 : vector<16xi32>
      %and3A_365 = arith.andi %ge3A_362, %lt3A_364 : vector<16xi1>
      %sub3A_366 = vector.broadcast %mul3A_99 : i32 to vector<16xi32>
      %sub3A_367 = arith.subi %get3A_360, %sub3A_366 : vector<16xi32>
      %jit3A_368 = arith.constant -1 : i32
      %broadcast_in_dim3A_369 = vector.broadcast %jit3A_368 : i32 to vector<16xi32>
      %select_n3A_370 = arith.select %and3A_365, %sub3A_367, %broadcast_in_dim3A_369 : vector<16xi1>, vector<16xi32>
      %swap3A_371 = arith.index_cast %add3A_358 : i32 to index
      %swap3A_372 = tpu.vector_load %arg9[%swap3A_371] {strides = array<i32>} : memref<16384xi32, #tpu.memory_space<vmem>>, vector<16xi32>,
      tpu.vector_store %arg9[%swap3A_371], %select_n3A_370 {strides = array<i32>} : memref<16384xi32, #tpu.memory_space<vmem>>, vector<16xi32>,
      %mul3A_373 = arith.constant 128 : i32
      %mul3A_374 = arith.muli %scan3A_343, %mul3A_373 : i32
      %add3A_375 = arith.constant 32 : i32
      %add3A_376 = arith.addi %mul3A_374, %add3A_375 : i32
      %get3A_377 = arith.index_cast %add3A_376 : i32 to index
      %get3A_378 = tpu.vector_load %arg8[%get3A_377] {strides = array<i32>} : memref<16384xi32, #tpu.memory_space<vmem>>, vector<16xi32>,
      %ge3A_379 = vector.broadcast %mul3A_99 : i32 to vector<16xi32>
      %ge3A_380 = arith.cmpi sge, %get3A_378, %ge3A_379 : vector<16xi32>
      %lt3A_381 = vector.broadcast %add3A_101 : i32 to vector<16xi32>
      %lt3A_382 = arith.cmpi slt, %get3A_378, %lt3A_381 : vector<16xi32>
      %and3A_383 = arith.andi %ge3A_380, %lt3A_382 : vector<16xi1>
      %sub3A_384 = vector.broadcast %mul3A_99 : i32 to vector<16xi32>
      %sub3A_385 = arith.subi %get3A_378, %sub3A_384 : vector<16xi32>
      %jit3A_386 = arith.constant -1 : i32
      %broadcast_in_dim3A_387 = vector.broadcast %jit3A_386 : i32 to vector<16xi32>
      %select_n3A_388 = arith.select %and3A_383, %sub3A_385, %broadcast_in_dim3A_387 : vector<16xi1>, vector<16xi32>
      %swap3A_389 = arith.index_cast %add3A_376 : i32 to index
      %swap3A_390 = tpu.vector_load %arg9[%swap3A_389] {strides = array<i32>} : memref<16384xi32, #tpu.memory_space<vmem>>, vector<16xi32>,
      tpu.vector_store %arg9[%swap3A_389], %select_n3A_388 {strides = array<i32>} : memref<16384xi32, #tpu.memory_space<vmem>>, vector<16xi32>,
      %mul3A_391 = arith.constant 128 : i32
      %mul3A_392 = arith.muli %scan3A_343, %mul3A_391 : i32
      %add3A_393 = arith.constant 48 : i32
      %add3A_394 = arith.addi %mul3A_392, %add3A_393 : i32
      %get3A_395 = arith.index_cast %add3A_394 : i32 to index
      %get3A_396 = tpu.vector_load %arg8[%get3A_395] {strides = array<i32>} : memref<16384xi32, #tpu.memory_space<vmem>>, vector<16xi32>,
      %ge3A_397 = vector.broadcast %mul3A_99 : i32 to vector<16xi32>
      %ge3A_398 = arith.cmpi sge, %get3A_396, %ge3A_397 : vector<16xi32>
      %lt3A_399 = vector.broadcast %add3A_101 : i32 to vector<16xi32>
      %lt3A_400 = arith.cmpi slt, %get3A_396, %lt3A_399 : vector<16xi32>
      %and3A_401 = arith.andi %ge3A_398, %lt3A_400 : vector<16xi1>
      %sub3A_402 = vector.broadcast %mul3A_99 : i32 to vector<16xi32>
      %sub3A_403 = arith.subi %get3A_396, %sub3A_402 : vector<16xi32>
      %jit3A_404 = arith.constant -1 : i32
      %broadcast_in_dim3A_405 = vector.broadcast %jit3A_404 : i32 to vector<16xi32>
      %select_n3A_406 = arith.select %and3A_401, %sub3A_403, %broadcast_in_dim3A_405 : vector<16xi1>, vector<16xi32>
      %swap3A_407 = arith.index_cast %add3A_394 : i32 to index
      %swap3A_408 = tpu.vector_load %arg9[%swap3A_407] {strides = array<i32>} : memref<16384xi32, #tpu.memory_space<vmem>>, vector<16xi32>,
      tpu.vector_store %arg9[%swap3A_407], %select_n3A_406 {strides = array<i32>} : memref<16384xi32, #tpu.memory_space<vmem>>, vector<16xi32>,
      %mul3A_409 = arith.constant 128 : i32
      %mul3A_410 = arith.muli %scan3A_343, %mul3A_409 : i32
      %add3A_411 = arith.constant 64 : i32
      %add3A_412 = arith.addi %mul3A_410, %add3A_411 : i32
      %get3A_413 = arith.index_cast %add3A_412 : i32 to index
      %get3A_414 = tpu.vector_load %arg8[%get3A_413] {strides = array<i32>} : memref<16384xi32, #tpu.memory_space<vmem>>, vector<16xi32>,
      %ge3A_415 = vector.broadcast %mul3A_99 : i32 to vector<16xi32>
      %ge3A_416 = arith.cmpi sge, %get3A_414, %ge3A_415 : vector<16xi32>
      %lt3A_417 = vector.broadcast %add3A_101 : i32 to vector<16xi32>
      %lt3A_418 = arith.cmpi slt, %get3A_414, %lt3A_417 : vector<16xi32>
      %and3A_419 = arith.andi %ge3A_416, %lt3A_418 : vector<16xi1>
      %sub3A_420 = vector.broadcast %mul3A_99 : i32 to vector<16xi32>
      %sub3A_421 = arith.subi %get3A_414, %sub3A_420 : vector<16xi32>
      %jit3A_422 = arith.constant -1 : i32
      %broadcast_in_dim3A_423 = vector.broadcast %jit3A_422 : i32 to vector<16xi32>
      %select_n3A_424 = arith.select %and3A_419, %sub3A_421, %broadcast_in_dim3A_423 : vector<16xi1>, vector<16xi32>
      %swap3A_425 = arith.index_cast %add3A_412 : i32 to index
      %swap3A_426 = tpu.vector_load %arg9[%swap3A_425] {strides = array<i32>} : memref<16384xi32, #tpu.memory_space<vmem>>, vector<16xi32>,
      tpu.vector_store %arg9[%swap3A_425], %select_n3A_424 {strides = array<i32>} : memref<16384xi32, #tpu.memory_space<vmem>>, vector<16xi32>,
      %mul3A_427 = arith.constant 128 : i32
      %mul3A_428 = arith.muli %scan3A_343, %mul3A_427 : i32
      %add3A_429 = arith.constant 80 : i32
      %add3A_430 = arith.addi %mul3A_428, %add3A_429 : i32
      %get3A_431 = arith.index_cast %add3A_430 : i32 to index
      %get3A_432 = tpu.vector_load %arg8[%get3A_431] {strides = array<i32>} : memref<16384xi32, #tpu.memory_space<vmem>>, vector<16xi32>,
      %ge3A_433 = vector.broadcast %mul3A_99 : i32 to vector<16xi32>
      %ge3A_434 = arith.cmpi sge, %get3A_432, %ge3A_433 : vector<16xi32>
      %lt3A_435 = vector.broadcast %add3A_101 : i32 to vector<16xi32>
      %lt3A_436 = arith.cmpi slt, %get3A_432, %lt3A_435 : vector<16xi32>
      %and3A_437 = arith.andi %ge3A_434, %lt3A_436 : vector<16xi1>
      %sub3A_438 = vector.broadcast %mul3A_99 : i32 to vector<16xi32>
      %sub3A_439 = arith.subi %get3A_432, %sub3A_438 : vector<16xi32>
      %jit3A_440 = arith.constant -1 : i32
      %broadcast_in_dim3A_441 = vector.broadcast %jit3A_440 : i32 to vector<16xi32>
      %select_n3A_442 = arith.select %and3A_437, %sub3A_439, %broadcast_in_dim3A_441 : vector<16xi1>, vector<16xi32>
      %swap3A_443 = arith.index_cast %add3A_430 : i32 to index
      %swap3A_444 = tpu.vector_load %arg9[%swap3A_443] {strides = array<i32>} : memref<16384xi32, #tpu.memory_space<vmem>>, vector<16xi32>,
      tpu.vector_store %arg9[%swap3A_443], %select_n3A_442 {strides = array<i32>} : memref<16384xi32, #tpu.memory_space<vmem>>, vector<16xi32>,
      %mul3A_445 = arith.constant 128 : i32
      %mul3A_446 = arith.muli %scan3A_343, %mul3A_445 : i32
      %add3A_447 = arith.constant 96 : i32
      %add3A_448 = arith.addi %mul3A_446, %add3A_447 : i32
      %get3A_449 = arith.index_cast %add3A_448 : i32 to index
      %get3A_450 = tpu.vector_load %arg8[%get3A_449] {strides = array<i32>} : memref<16384xi32, #tpu.memory_space<vmem>>, vector<16xi32>,
      %ge3A_451 = vector.broadcast %mul3A_99 : i32 to vector<16xi32>
      %ge3A_452 = arith.cmpi sge, %get3A_450, %ge3A_451 : vector<16xi32>
      %lt3A_453 = vector.broadcast %add3A_101 : i32 to vector<16xi32>
      %lt3A_454 = arith.cmpi slt, %get3A_450, %lt3A_453 : vector<16xi32>
      %and3A_455 = arith.andi %ge3A_452, %lt3A_454 : vector<16xi1>
      %sub3A_456 = vector.broadcast %mul3A_99 : i32 to vector<16xi32>
      %sub3A_457 = arith.subi %get3A_450, %sub3A_456 : vector<16xi32>
      %jit3A_458 = arith.constant -1 : i32
      %broadcast_in_dim3A_459 = vector.broadcast %jit3A_458 : i32 to vector<16xi32>
      %select_n3A_460 = arith.select %and3A_455, %sub3A_457, %broadcast_in_dim3A_459 : vector<16xi1>, vector<16xi32>
      %swap3A_461 = arith.index_cast %add3A_448 : i32 to index
      %swap3A_462 = tpu.vector_load %arg9[%swap3A_461] {strides = array<i32>} : memref<16384xi32, #tpu.memory_space<vmem>>, vector<16xi32>,
      tpu.vector_store %arg9[%swap3A_461], %select_n3A_460 {strides = array<i32>} : memref<16384xi32, #tpu.memory_space<vmem>>, vector<16xi32>,
      %mul3A_463 = arith.constant 128 : i32
      %mul3A_464 = arith.muli %scan3A_343, %mul3A_463 : i32
      %add3A_465 = arith.constant 112 : i32
      %add3A_466 = arith.addi %mul3A_464, %add3A_465 : i32
      %get3A_467 = arith.index_cast %add3A_466 : i32 to index
      %get3A_468 = tpu.vector_load %arg8[%get3A_467] {strides = array<i32>} : memref<16384xi32, #tpu.memory_space<vmem>>, vector<16xi32>,
      %ge3A_469 = vector.broadcast %mul3A_99 : i32 to vector<16xi32>
      %ge3A_470 = arith.cmpi sge, %get3A_468, %ge3A_469 : vector<16xi32>
      %lt3A_471 = vector.broadcast %add3A_101 : i32 to vector<16xi32>
      %lt3A_472 = arith.cmpi slt, %get3A_468, %lt3A_471 : vector<16xi32>
      %and3A_473 = arith.andi %ge3A_470, %lt3A_472 : vector<16xi1>
      %sub3A_474 = vector.broadcast %mul3A_99 : i32 to vector<16xi32>
      %sub3A_475 = arith.subi %get3A_468, %sub3A_474 : vector<16xi32>
      %jit3A_476 = arith.constant -1 : i32
      %broadcast_in_dim3A_477 = vector.broadcast %jit3A_476 : i32 to vector<16xi32>
      %select_n3A_478 = arith.select %and3A_473, %sub3A_475, %broadcast_in_dim3A_477 : vector<16xi1>, vector<16xi32>
      %swap3A_479 = arith.index_cast %add3A_466 : i32 to index
      %swap3A_480 = tpu.vector_load %arg9[%swap3A_479] {strides = array<i32>} : memref<16384xi32, #tpu.memory_space<vmem>>, vector<16xi32>,
      tpu.vector_store %arg9[%swap3A_479], %select_n3A_478 {strides = array<i32>} : memref<16384xi32, #tpu.memory_space<vmem>>, vector<16xi32>,
      %scan3A_481 = arith.constant 0 : i32
      scf.yield %scan3A_481 : i32
    }
    %scan3A_125 = arith.constant 128 : i32
    "tpu.region"() ({
      %run_scoped3A_343 = tpu.sem_alloc : memref<!tpu.dma_semaphore, #tpu.memory_space<semaphore_mem>>
      %dma_start3A = arith.constant 0 : i32
      %dma_start3A_344 = tpu.memref_slice %arg6[%dma_start3A] : memref<524288xf32, #tpu.memory_space<vmem_shared>> -> memref<524288xf32, #tpu.memory_space<vmem_shared>>
      %dma_start3A_345 = arith.constant -1 : i32
      tpu.enqueue_indirect_dma source(%arg10 : memref<16384xf32, #tpu.memory_space<vmem>>) target(%dma_start3A_344 : memref<524288xf32, #tpu.memory_space<vmem_shared>>) offsets(%arg9 : memref<16384xi32, #tpu.memory_space<vmem>>) offset_filter(%dma_start3A_345) semaphore(%run_scoped3A_343 : memref<!tpu.dma_semaphore, #tpu.memory_space<semaphore_mem>>) {add = true}
      %dma_wait3A = arith.constant 0 : i32
      %dma_wait3A_346 = tpu.memref_slice %arg6[%dma_wait3A] : memref<524288xf32, #tpu.memory_space<vmem_shared>> -> memref<524288xf32, #tpu.memory_space<vmem_shared>>
      tpu.wait_indirect_dma semaphore(%run_scoped3A_343 : memref<!tpu.dma_semaphore, #tpu.memory_space<semaphore_mem>>) src(%arg10 : memref<16384xf32, #tpu.memory_space<vmem>>) dst(%dma_wait3A_346 : memref<524288xf32, #tpu.memory_space<vmem_shared>>)
      tpu.yield
    }) : () -> ()
    %barrier3A_126 = arith.constant 0 : index
    tpu.barrier barrier_id(%barrier3A_126)
    %mul3A_127 = arith.constant 32768 : i32
    %mul3A_128 = arith.muli %arg1, %mul3A_127 : i32
    %mul3A_129 = arith.constant 524288 : i32
    %mul3A_130 = arith.muli %add3A_97, %mul3A_129 : i32
    %mul3A_131 = arith.constant 32768 : i32
    %mul3A_132 = arith.muli %arg1, %mul3A_131 : i32
    %add3A_133 = arith.addi %mul3A_130, %mul3A_132 : i32
    "tpu.region"() ({
      %run_scoped3A_343 = tpu.sem_alloc : memref<!tpu.dma_semaphore, #tpu.memory_space<semaphore_mem>>
      %dma_start3A = tpu.memref_slice %arg4[%add3A_133] : memref<4194304xf32, #tpu.memory_space<hbm>> -> memref<32768xf32, #tpu.memory_space<hbm>>
      %dma_start3A_344 = tpu.memref_slice %arg6[%mul3A_128] : memref<524288xf32, #tpu.memory_space<vmem_shared>> -> memref<32768xf32, #tpu.memory_space<vmem_shared>>
      tpu.enqueue_dma source(%dma_start3A_344 : memref<32768xf32, #tpu.memory_space<vmem_shared>>) target(%dma_start3A : memref<32768xf32, #tpu.memory_space<hbm>>) target_semaphore(%run_scoped3A_343 : memref<!tpu.dma_semaphore, #tpu.memory_space<semaphore_mem>>)
      %dma_wait3A = tpu.memref_slice %arg4[%add3A_133] : memref<4194304xf32, #tpu.memory_space<hbm>> -> memref<32768xf32, #tpu.memory_space<hbm>>
      %dma_wait3A_345 = tpu.memref_slice %arg6[%mul3A_128] : memref<524288xf32, #tpu.memory_space<vmem_shared>> -> memref<32768xf32, #tpu.memory_space<vmem_shared>>
      tpu.wait_dma2 semaphore(%run_scoped3A_343 : memref<!tpu.dma_semaphore, #tpu.memory_space<semaphore_mem>>) src(%dma_wait3A_345 : memref<32768xf32, #tpu.memory_space<vmem_shared>>) dst(%dma_wait3A : memref<32768xf32, #tpu.memory_space<hbm>>)
      tpu.yield
    }) : () -> ()
    %barrier3A_134 = arith.constant 0 : index
    tpu.barrier barrier_id(%barrier3A_134)
    %add3A_135 = arith.constant 6 : i32
    %add3A_136 = arith.addi %add3A_135, %arg0 : i32
    %mul3A_137 = arith.constant 524288 : i32
    %mul3A_138 = arith.muli %add3A_136, %mul3A_137 : i32
    %add3A_139 = arith.constant 524288 : i32
    %add3A_140 = arith.addi %mul3A_138, %add3A_139 : i32
    %mul3A_141 = arith.constant 32768 : i32
    %mul3A_142 = arith.muli %arg1, %mul3A_141 : i32
    %add3A_143 = arith.constant 0 : i32
    %add3A_144 = arith.addi %mul3A_142, %add3A_143 : i32
    "tpu.region"() ({
      %run_scoped3A_343 = tpu.sem_alloc : memref<!tpu.dma_semaphore, #tpu.memory_space<semaphore_mem>>
      %dma_start3A = tpu.memref_slice %arg6[%add3A_144] : memref<524288xf32, #tpu.memory_space<vmem_shared>> -> memref<8192xf32, #tpu.memory_space<vmem_shared>>
      %dma_start3A_344 = tpu.memref_slice %arg6[%add3A_144] : memref<524288xf32, #tpu.memory_space<vmem_shared>> -> memref<8192xf32, #tpu.memory_space<vmem_shared>>
      tpu.enqueue_dma source(%arg11 : memref<8192xf32, #tpu.memory_space<vmem>>) target(%dma_start3A_344 : memref<8192xf32, #tpu.memory_space<vmem_shared>>) target_semaphore(%run_scoped3A_343 : memref<!tpu.dma_semaphore, #tpu.memory_space<semaphore_mem>>)
      %dma_wait3A = tpu.memref_slice %arg6[%add3A_144] : memref<524288xf32, #tpu.memory_space<vmem_shared>> -> memref<8192xf32, #tpu.memory_space<vmem_shared>>
      %dma_wait3A_345 = tpu.memref_slice %arg6[%add3A_144] : memref<524288xf32, #tpu.memory_space<vmem_shared>> -> memref<8192xf32, #tpu.memory_space<vmem_shared>>
      tpu.wait_dma2 semaphore(%run_scoped3A_343 : memref<!tpu.dma_semaphore, #tpu.memory_space<semaphore_mem>>) src(%arg11 : memref<8192xf32, #tpu.memory_space<vmem>>) dst(%dma_wait3A_345 : memref<8192xf32, #tpu.memory_space<vmem_shared>>)
      tpu.yield
    }) : () -> ()
    %mul3A_145 = arith.constant 32768 : i32
    %mul3A_146 = arith.muli %arg1, %mul3A_145 : i32
    %add3A_147 = arith.constant 8192 : i32
    %add3A_148 = arith.addi %mul3A_146, %add3A_147 : i32
    "tpu.region"() ({
      %run_scoped3A_343 = tpu.sem_alloc : memref<!tpu.dma_semaphore, #tpu.memory_space<semaphore_mem>>
      %dma_start3A = tpu.memref_slice %arg6[%add3A_148] : memref<524288xf32, #tpu.memory_space<vmem_shared>> -> memref<8192xf32, #tpu.memory_space<vmem_shared>>
      %dma_start3A_344 = tpu.memref_slice %arg6[%add3A_148] : memref<524288xf32, #tpu.memory_space<vmem_shared>> -> memref<8192xf32, #tpu.memory_space<vmem_shared>>
      tpu.enqueue_dma source(%arg11 : memref<8192xf32, #tpu.memory_space<vmem>>) target(%dma_start3A_344 : memref<8192xf32, #tpu.memory_space<vmem_shared>>) target_semaphore(%run_scoped3A_343 : memref<!tpu.dma_semaphore, #tpu.memory_space<semaphore_mem>>)
      %dma_wait3A = tpu.memref_slice %arg6[%add3A_148] : memref<524288xf32, #tpu.memory_space<vmem_shared>> -> memref<8192xf32, #tpu.memory_space<vmem_shared>>
      %dma_wait3A_345 = tpu.memref_slice %arg6[%add3A_148] : memref<524288xf32, #tpu.memory_space<vmem_shared>> -> memref<8192xf32, #tpu.memory_space<vmem_shared>>
      tpu.wait_dma2 semaphore(%run_scoped3A_343 : memref<!tpu.dma_semaphore, #tpu.memory_space<semaphore_mem>>) src(%arg11 : memref<8192xf32, #tpu.memory_space<vmem>>) dst(%dma_wait3A_345 : memref<8192xf32, #tpu.memory_space<vmem_shared>>)
      tpu.yield
    }) : () -> ()
    %mul3A_149 = arith.constant 32768 : i32
    %mul3A_150 = arith.muli %arg1, %mul3A_149 : i32
    %add3A_151 = arith.constant 16384 : i32
    %add3A_152 = arith.addi %mul3A_150, %add3A_151 : i32
    "tpu.region"() ({
      %run_scoped3A_343 = tpu.sem_alloc : memref<!tpu.dma_semaphore, #tpu.memory_space<semaphore_mem>>
      %dma_start3A = tpu.memref_slice %arg6[%add3A_152] : memref<524288xf32, #tpu.memory_space<vmem_shared>> -> memref<8192xf32, #tpu.memory_space<vmem_shared>>
      %dma_start3A_344 = tpu.memref_slice %arg6[%add3A_152] : memref<524288xf32, #tpu.memory_space<vmem_shared>> -> memref<8192xf32, #tpu.memory_space<vmem_shared>>
      tpu.enqueue_dma source(%arg11 : memref<8192xf32, #tpu.memory_space<vmem>>) target(%dma_start3A_344 : memref<8192xf32, #tpu.memory_space<vmem_shared>>) target_semaphore(%run_scoped3A_343 : memref<!tpu.dma_semaphore, #tpu.memory_space<semaphore_mem>>)
      %dma_wait3A = tpu.memref_slice %arg6[%add3A_152] : memref<524288xf32, #tpu.memory_space<vmem_shared>> -> memref<8192xf32, #tpu.memory_space<vmem_shared>>
      %dma_wait3A_345 = tpu.memref_slice %arg6[%add3A_152] : memref<524288xf32, #tpu.memory_space<vmem_shared>> -> memref<8192xf32, #tpu.memory_space<vmem_shared>>
      tpu.wait_dma2 semaphore(%run_scoped3A_343 : memref<!tpu.dma_semaphore, #tpu.memory_space<semaphore_mem>>) src(%arg11 : memref<8192xf32, #tpu.memory_space<vmem>>) dst(%dma_wait3A_345 : memref<8192xf32, #tpu.memory_space<vmem_shared>>)
      tpu.yield
    }) : () -> ()
    %mul3A_153 = arith.constant 32768 : i32
    %mul3A_154 = arith.muli %arg1, %mul3A_153 : i32
    %add3A_155 = arith.constant 24576 : i32
    %add3A_156 = arith.addi %mul3A_154, %add3A_155 : i32
    "tpu.region"() ({
      %run_scoped3A_343 = tpu.sem_alloc : memref<!tpu.dma_semaphore, #tpu.memory_space<semaphore_mem>>
      %dma_start3A = tpu.memref_slice %arg6[%add3A_156] : memref<524288xf32, #tpu.memory_space<vmem_shared>> -> memref<8192xf32, #tpu.memory_space<vmem_shared>>
      %dma_start3A_344 = tpu.memref_slice %arg6[%add3A_156] : memref<524288xf32, #tpu.memory_space<vmem_shared>> -> memref<8192xf32, #tpu.memory_space<vmem_shared>>
      tpu.enqueue_dma source(%arg11 : memref<8192xf32, #tpu.memory_space<vmem>>) target(%dma_start3A_344 : memref<8192xf32, #tpu.memory_space<vmem_shared>>) target_semaphore(%run_scoped3A_343 : memref<!tpu.dma_semaphore, #tpu.memory_space<semaphore_mem>>)
      %dma_wait3A = tpu.memref_slice %arg6[%add3A_156] : memref<524288xf32, #tpu.memory_space<vmem_shared>> -> memref<8192xf32, #tpu.memory_space<vmem_shared>>
      %dma_wait3A_345 = tpu.memref_slice %arg6[%add3A_156] : memref<524288xf32, #tpu.memory_space<vmem_shared>> -> memref<8192xf32, #tpu.memory_space<vmem_shared>>
      tpu.wait_dma2 semaphore(%run_scoped3A_343 : memref<!tpu.dma_semaphore, #tpu.memory_space<semaphore_mem>>) src(%arg11 : memref<8192xf32, #tpu.memory_space<vmem>>) dst(%dma_wait3A_345 : memref<8192xf32, #tpu.memory_space<vmem_shared>>)
      tpu.yield
    }) : () -> ()
    %barrier3A_157 = arith.constant 0 : index
    tpu.barrier barrier_id(%barrier3A_157)
    %scan3A_158 = arith.constant 0 : i32
    %scan3A_159 = arith.constant 0 : i32
    %scan3A_160 = arith.constant 128 : i32
    %scan3A_161 = arith.addi %scan3A_159, %scan3A_160 : i32
    %scan3A_162 = arith.constant 1 : i32
    %scan3A_163 = scf.for %scan3A_343 = %scan3A_159 to %scan3A_161 step %scan3A_162 iter_args(%scan3A_344 = %scan3A_158) -> (i32)  : i32 {
      %mul3A_345 = arith.constant 128 : i32
      %mul3A_346 = arith.muli %scan3A_343, %mul3A_345 : i32
      %add3A_347 = arith.constant 0 : i32
      %add3A_348 = arith.addi %mul3A_346, %add3A_347 : i32
      %get3A = arith.index_cast %add3A_348 : i32 to index
      %get3A_349 = tpu.vector_load %arg8[%get3A] {strides = array<i32>} : memref<16384xi32, #tpu.memory_space<vmem>>, vector<16xi32>,
      %ge3A = vector.broadcast %mul3A_138 : i32 to vector<16xi32>
      %ge3A_350 = arith.cmpi sge, %get3A_349, %ge3A : vector<16xi32>
      %lt3A = vector.broadcast %add3A_140 : i32 to vector<16xi32>
      %lt3A_351 = arith.cmpi slt, %get3A_349, %lt3A : vector<16xi32>
      %and3A = arith.andi %ge3A_350, %lt3A_351 : vector<16xi1>
      %sub3A = vector.broadcast %mul3A_138 : i32 to vector<16xi32>
      %sub3A_352 = arith.subi %get3A_349, %sub3A : vector<16xi32>
      %jit3A = arith.constant -1 : i32
      %broadcast_in_dim3A_353 = vector.broadcast %jit3A : i32 to vector<16xi32>
      %select_n3A = arith.select %and3A, %sub3A_352, %broadcast_in_dim3A_353 : vector<16xi1>, vector<16xi32>
      %swap3A = arith.index_cast %add3A_348 : i32 to index
      %swap3A_354 = tpu.vector_load %arg9[%swap3A] {strides = array<i32>} : memref<16384xi32, #tpu.memory_space<vmem>>, vector<16xi32>,
      tpu.vector_store %arg9[%swap3A], %select_n3A {strides = array<i32>} : memref<16384xi32, #tpu.memory_space<vmem>>, vector<16xi32>,
      %mul3A_355 = arith.constant 128 : i32
      %mul3A_356 = arith.muli %scan3A_343, %mul3A_355 : i32
      %add3A_357 = arith.constant 16 : i32
      %add3A_358 = arith.addi %mul3A_356, %add3A_357 : i32
      %get3A_359 = arith.index_cast %add3A_358 : i32 to index
      %get3A_360 = tpu.vector_load %arg8[%get3A_359] {strides = array<i32>} : memref<16384xi32, #tpu.memory_space<vmem>>, vector<16xi32>,
      %ge3A_361 = vector.broadcast %mul3A_138 : i32 to vector<16xi32>
      %ge3A_362 = arith.cmpi sge, %get3A_360, %ge3A_361 : vector<16xi32>
      %lt3A_363 = vector.broadcast %add3A_140 : i32 to vector<16xi32>
      %lt3A_364 = arith.cmpi slt, %get3A_360, %lt3A_363 : vector<16xi32>
      %and3A_365 = arith.andi %ge3A_362, %lt3A_364 : vector<16xi1>
      %sub3A_366 = vector.broadcast %mul3A_138 : i32 to vector<16xi32>
      %sub3A_367 = arith.subi %get3A_360, %sub3A_366 : vector<16xi32>
      %jit3A_368 = arith.constant -1 : i32
      %broadcast_in_dim3A_369 = vector.broadcast %jit3A_368 : i32 to vector<16xi32>
      %select_n3A_370 = arith.select %and3A_365, %sub3A_367, %broadcast_in_dim3A_369 : vector<16xi1>, vector<16xi32>
      %swap3A_371 = arith.index_cast %add3A_358 : i32 to index
      %swap3A_372 = tpu.vector_load %arg9[%swap3A_371] {strides = array<i32>} : memref<16384xi32, #tpu.memory_space<vmem>>, vector<16xi32>,
      tpu.vector_store %arg9[%swap3A_371], %select_n3A_370 {strides = array<i32>} : memref<16384xi32, #tpu.memory_space<vmem>>, vector<16xi32>,
      %mul3A_373 = arith.constant 128 : i32
      %mul3A_374 = arith.muli %scan3A_343, %mul3A_373 : i32
      %add3A_375 = arith.constant 32 : i32
      %add3A_376 = arith.addi %mul3A_374, %add3A_375 : i32
      %get3A_377 = arith.index_cast %add3A_376 : i32 to index
      %get3A_378 = tpu.vector_load %arg8[%get3A_377] {strides = array<i32>} : memref<16384xi32, #tpu.memory_space<vmem>>, vector<16xi32>,
      %ge3A_379 = vector.broadcast %mul3A_138 : i32 to vector<16xi32>
      %ge3A_380 = arith.cmpi sge, %get3A_378, %ge3A_379 : vector<16xi32>
      %lt3A_381 = vector.broadcast %add3A_140 : i32 to vector<16xi32>
      %lt3A_382 = arith.cmpi slt, %get3A_378, %lt3A_381 : vector<16xi32>
      %and3A_383 = arith.andi %ge3A_380, %lt3A_382 : vector<16xi1>
      %sub3A_384 = vector.broadcast %mul3A_138 : i32 to vector<16xi32>
      %sub3A_385 = arith.subi %get3A_378, %sub3A_384 : vector<16xi32>
      %jit3A_386 = arith.constant -1 : i32
      %broadcast_in_dim3A_387 = vector.broadcast %jit3A_386 : i32 to vector<16xi32>
      %select_n3A_388 = arith.select %and3A_383, %sub3A_385, %broadcast_in_dim3A_387 : vector<16xi1>, vector<16xi32>
      %swap3A_389 = arith.index_cast %add3A_376 : i32 to index
      %swap3A_390 = tpu.vector_load %arg9[%swap3A_389] {strides = array<i32>} : memref<16384xi32, #tpu.memory_space<vmem>>, vector<16xi32>,
      tpu.vector_store %arg9[%swap3A_389], %select_n3A_388 {strides = array<i32>} : memref<16384xi32, #tpu.memory_space<vmem>>, vector<16xi32>,
      %mul3A_391 = arith.constant 128 : i32
      %mul3A_392 = arith.muli %scan3A_343, %mul3A_391 : i32
      %add3A_393 = arith.constant 48 : i32
      %add3A_394 = arith.addi %mul3A_392, %add3A_393 : i32
      %get3A_395 = arith.index_cast %add3A_394 : i32 to index
      %get3A_396 = tpu.vector_load %arg8[%get3A_395] {strides = array<i32>} : memref<16384xi32, #tpu.memory_space<vmem>>, vector<16xi32>,
      %ge3A_397 = vector.broadcast %mul3A_138 : i32 to vector<16xi32>
      %ge3A_398 = arith.cmpi sge, %get3A_396, %ge3A_397 : vector<16xi32>
      %lt3A_399 = vector.broadcast %add3A_140 : i32 to vector<16xi32>
      %lt3A_400 = arith.cmpi slt, %get3A_396, %lt3A_399 : vector<16xi32>
      %and3A_401 = arith.andi %ge3A_398, %lt3A_400 : vector<16xi1>
      %sub3A_402 = vector.broadcast %mul3A_138 : i32 to vector<16xi32>
      %sub3A_403 = arith.subi %get3A_396, %sub3A_402 : vector<16xi32>
      %jit3A_404 = arith.constant -1 : i32
      %broadcast_in_dim3A_405 = vector.broadcast %jit3A_404 : i32 to vector<16xi32>
      %select_n3A_406 = arith.select %and3A_401, %sub3A_403, %broadcast_in_dim3A_405 : vector<16xi1>, vector<16xi32>
      %swap3A_407 = arith.index_cast %add3A_394 : i32 to index
      %swap3A_408 = tpu.vector_load %arg9[%swap3A_407] {strides = array<i32>} : memref<16384xi32, #tpu.memory_space<vmem>>, vector<16xi32>,
      tpu.vector_store %arg9[%swap3A_407], %select_n3A_406 {strides = array<i32>} : memref<16384xi32, #tpu.memory_space<vmem>>, vector<16xi32>,
      %mul3A_409 = arith.constant 128 : i32
      %mul3A_410 = arith.muli %scan3A_343, %mul3A_409 : i32
      %add3A_411 = arith.constant 64 : i32
      %add3A_412 = arith.addi %mul3A_410, %add3A_411 : i32
      %get3A_413 = arith.index_cast %add3A_412 : i32 to index
      %get3A_414 = tpu.vector_load %arg8[%get3A_413] {strides = array<i32>} : memref<16384xi32, #tpu.memory_space<vmem>>, vector<16xi32>,
      %ge3A_415 = vector.broadcast %mul3A_138 : i32 to vector<16xi32>
      %ge3A_416 = arith.cmpi sge, %get3A_414, %ge3A_415 : vector<16xi32>
      %lt3A_417 = vector.broadcast %add3A_140 : i32 to vector<16xi32>
      %lt3A_418 = arith.cmpi slt, %get3A_414, %lt3A_417 : vector<16xi32>
      %and3A_419 = arith.andi %ge3A_416, %lt3A_418 : vector<16xi1>
      %sub3A_420 = vector.broadcast %mul3A_138 : i32 to vector<16xi32>
      %sub3A_421 = arith.subi %get3A_414, %sub3A_420 : vector<16xi32>
      %jit3A_422 = arith.constant -1 : i32
      %broadcast_in_dim3A_423 = vector.broadcast %jit3A_422 : i32 to vector<16xi32>
      %select_n3A_424 = arith.select %and3A_419, %sub3A_421, %broadcast_in_dim3A_423 : vector<16xi1>, vector<16xi32>
      %swap3A_425 = arith.index_cast %add3A_412 : i32 to index
      %swap3A_426 = tpu.vector_load %arg9[%swap3A_425] {strides = array<i32>} : memref<16384xi32, #tpu.memory_space<vmem>>, vector<16xi32>,
      tpu.vector_store %arg9[%swap3A_425], %select_n3A_424 {strides = array<i32>} : memref<16384xi32, #tpu.memory_space<vmem>>, vector<16xi32>,
      %mul3A_427 = arith.constant 128 : i32
      %mul3A_428 = arith.muli %scan3A_343, %mul3A_427 : i32
      %add3A_429 = arith.constant 80 : i32
      %add3A_430 = arith.addi %mul3A_428, %add3A_429 : i32
      %get3A_431 = arith.index_cast %add3A_430 : i32 to index
      %get3A_432 = tpu.vector_load %arg8[%get3A_431] {strides = array<i32>} : memref<16384xi32, #tpu.memory_space<vmem>>, vector<16xi32>,
      %ge3A_433 = vector.broadcast %mul3A_138 : i32 to vector<16xi32>
      %ge3A_434 = arith.cmpi sge, %get3A_432, %ge3A_433 : vector<16xi32>
      %lt3A_435 = vector.broadcast %add3A_140 : i32 to vector<16xi32>
      %lt3A_436 = arith.cmpi slt, %get3A_432, %lt3A_435 : vector<16xi32>
      %and3A_437 = arith.andi %ge3A_434, %lt3A_436 : vector<16xi1>
      %sub3A_438 = vector.broadcast %mul3A_138 : i32 to vector<16xi32>
      %sub3A_439 = arith.subi %get3A_432, %sub3A_438 : vector<16xi32>
      %jit3A_440 = arith.constant -1 : i32
      %broadcast_in_dim3A_441 = vector.broadcast %jit3A_440 : i32 to vector<16xi32>
      %select_n3A_442 = arith.select %and3A_437, %sub3A_439, %broadcast_in_dim3A_441 : vector<16xi1>, vector<16xi32>
      %swap3A_443 = arith.index_cast %add3A_430 : i32 to index
      %swap3A_444 = tpu.vector_load %arg9[%swap3A_443] {strides = array<i32>} : memref<16384xi32, #tpu.memory_space<vmem>>, vector<16xi32>,
      tpu.vector_store %arg9[%swap3A_443], %select_n3A_442 {strides = array<i32>} : memref<16384xi32, #tpu.memory_space<vmem>>, vector<16xi32>,
      %mul3A_445 = arith.constant 128 : i32
      %mul3A_446 = arith.muli %scan3A_343, %mul3A_445 : i32
      %add3A_447 = arith.constant 96 : i32
      %add3A_448 = arith.addi %mul3A_446, %add3A_447 : i32
      %get3A_449 = arith.index_cast %add3A_448 : i32 to index
      %get3A_450 = tpu.vector_load %arg8[%get3A_449] {strides = array<i32>} : memref<16384xi32, #tpu.memory_space<vmem>>, vector<16xi32>,
      %ge3A_451 = vector.broadcast %mul3A_138 : i32 to vector<16xi32>
      %ge3A_452 = arith.cmpi sge, %get3A_450, %ge3A_451 : vector<16xi32>
      %lt3A_453 = vector.broadcast %add3A_140 : i32 to vector<16xi32>
      %lt3A_454 = arith.cmpi slt, %get3A_450, %lt3A_453 : vector<16xi32>
      %and3A_455 = arith.andi %ge3A_452, %lt3A_454 : vector<16xi1>
      %sub3A_456 = vector.broadcast %mul3A_138 : i32 to vector<16xi32>
      %sub3A_457 = arith.subi %get3A_450, %sub3A_456 : vector<16xi32>
      %jit3A_458 = arith.constant -1 : i32
      %broadcast_in_dim3A_459 = vector.broadcast %jit3A_458 : i32 to vector<16xi32>
      %select_n3A_460 = arith.select %and3A_455, %sub3A_457, %broadcast_in_dim3A_459 : vector<16xi1>, vector<16xi32>
      %swap3A_461 = arith.index_cast %add3A_448 : i32 to index
      %swap3A_462 = tpu.vector_load %arg9[%swap3A_461] {strides = array<i32>} : memref<16384xi32, #tpu.memory_space<vmem>>, vector<16xi32>,
      tpu.vector_store %arg9[%swap3A_461], %select_n3A_460 {strides = array<i32>} : memref<16384xi32, #tpu.memory_space<vmem>>, vector<16xi32>,
      %mul3A_463 = arith.constant 128 : i32
      %mul3A_464 = arith.muli %scan3A_343, %mul3A_463 : i32
      %add3A_465 = arith.constant 112 : i32
      %add3A_466 = arith.addi %mul3A_464, %add3A_465 : i32
      %get3A_467 = arith.index_cast %add3A_466 : i32 to index
      %get3A_468 = tpu.vector_load %arg8[%get3A_467] {strides = array<i32>} : memref<16384xi32, #tpu.memory_space<vmem>>, vector<16xi32>,
      %ge3A_469 = vector.broadcast %mul3A_138 : i32 to vector<16xi32>
      %ge3A_470 = arith.cmpi sge, %get3A_468, %ge3A_469 : vector<16xi32>
      %lt3A_471 = vector.broadcast %add3A_140 : i32 to vector<16xi32>
      %lt3A_472 = arith.cmpi slt, %get3A_468, %lt3A_471 : vector<16xi32>
      %and3A_473 = arith.andi %ge3A_470, %lt3A_472 : vector<16xi1>
      %sub3A_474 = vector.broadcast %mul3A_138 : i32 to vector<16xi32>
      %sub3A_475 = arith.subi %get3A_468, %sub3A_474 : vector<16xi32>
      %jit3A_476 = arith.constant -1 : i32
      %broadcast_in_dim3A_477 = vector.broadcast %jit3A_476 : i32 to vector<16xi32>
      %select_n3A_478 = arith.select %and3A_473, %sub3A_475, %broadcast_in_dim3A_477 : vector<16xi1>, vector<16xi32>
      %swap3A_479 = arith.index_cast %add3A_466 : i32 to index
      %swap3A_480 = tpu.vector_load %arg9[%swap3A_479] {strides = array<i32>} : memref<16384xi32, #tpu.memory_space<vmem>>, vector<16xi32>,
      tpu.vector_store %arg9[%swap3A_479], %select_n3A_478 {strides = array<i32>} : memref<16384xi32, #tpu.memory_space<vmem>>, vector<16xi32>,
      %scan3A_481 = arith.constant 0 : i32
      scf.yield %scan3A_481 : i32
    }
    %scan3A_164 = arith.constant 128 : i32
    "tpu.region"() ({
      %run_scoped3A_343 = tpu.sem_alloc : memref<!tpu.dma_semaphore, #tpu.memory_space<semaphore_mem>>
      %dma_start3A = arith.constant 0 : i32
      %dma_start3A_344 = tpu.memref_slice %arg6[%dma_start3A] : memref<524288xf32, #tpu.memory_space<vmem_shared>> -> memref<524288xf32, #tpu.memory_space<vmem_shared>>
      %dma_start3A_345 = arith.constant -1 : i32
      tpu.enqueue_indirect_dma source(%arg10 : memref<16384xf32, #tpu.memory_space<vmem>>) target(%dma_start3A_344 : memref<524288xf32, #tpu.memory_space<vmem_shared>>) offsets(%arg9 : memref<16384xi32, #tpu.memory_space<vmem>>) offset_filter(%dma_start3A_345) semaphore(%run_scoped3A_343 : memref<!tpu.dma_semaphore, #tpu.memory_space<semaphore_mem>>) {add = true}
      %dma_wait3A = arith.constant 0 : i32
      %dma_wait3A_346 = tpu.memref_slice %arg6[%dma_wait3A] : memref<524288xf32, #tpu.memory_space<vmem_shared>> -> memref<524288xf32, #tpu.memory_space<vmem_shared>>
      tpu.wait_indirect_dma semaphore(%run_scoped3A_343 : memref<!tpu.dma_semaphore, #tpu.memory_space<semaphore_mem>>) src(%arg10 : memref<16384xf32, #tpu.memory_space<vmem>>) dst(%dma_wait3A_346 : memref<524288xf32, #tpu.memory_space<vmem_shared>>)
      tpu.yield
    }) : () -> ()
    %barrier3A_165 = arith.constant 0 : index
    tpu.barrier barrier_id(%barrier3A_165)
    %mul3A_166 = arith.constant 32768 : i32
    %mul3A_167 = arith.muli %arg1, %mul3A_166 : i32
    %mul3A_168 = arith.constant 524288 : i32
    %mul3A_169 = arith.muli %add3A_136, %mul3A_168 : i32
    %mul3A_170 = arith.constant 32768 : i32
    %mul3A_171 = arith.muli %arg1, %mul3A_170 : i32
    %add3A_172 = arith.addi %mul3A_169, %mul3A_171 : i32
    "tpu.region"() ({
      %run_scoped3A_343 = tpu.sem_alloc : memref<!tpu.dma_semaphore, #tpu.memory_space<semaphore_mem>>
      %dma_start3A = tpu.memref_slice %arg4[%add3A_172] : memref<4194304xf32, #tpu.memory_space<hbm>> -> memref<32768xf32, #tpu.memory_space<hbm>>
      %dma_start3A_344 = tpu.memref_slice %arg6[%mul3A_167] : memref<524288xf32, #tpu.memory_space<vmem_shared>> -> memref<32768xf32, #tpu.memory_space<vmem_shared>>
      tpu.enqueue_dma source(%dma_start3A_344 : memref<32768xf32, #tpu.memory_space<vmem_shared>>) target(%dma_start3A : memref<32768xf32, #tpu.memory_space<hbm>>) target_semaphore(%run_scoped3A_343 : memref<!tpu.dma_semaphore, #tpu.memory_space<semaphore_mem>>)
      %dma_wait3A = tpu.memref_slice %arg4[%add3A_172] : memref<4194304xf32, #tpu.memory_space<hbm>> -> memref<32768xf32, #tpu.memory_space<hbm>>
      %dma_wait3A_345 = tpu.memref_slice %arg6[%mul3A_167] : memref<524288xf32, #tpu.memory_space<vmem_shared>> -> memref<32768xf32, #tpu.memory_space<vmem_shared>>
      tpu.wait_dma2 semaphore(%run_scoped3A_343 : memref<!tpu.dma_semaphore, #tpu.memory_space<semaphore_mem>>) src(%dma_wait3A_345 : memref<32768xf32, #tpu.memory_space<vmem_shared>>) dst(%dma_wait3A : memref<32768xf32, #tpu.memory_space<hbm>>)
      tpu.yield
    }) : () -> ()
    %barrier3A_173 = arith.constant 0 : index
    tpu.barrier barrier_id(%barrier3A_173)
    %mul3A_174 = arith.constant 16384 : i32
    %mul3A_175 = arith.muli %arg1, %mul3A_174 : i32
    %run_scoped3A_176 = arith.constant 0 : i32
    "tpu.region"() ({
      %run_scoped3A_343 = tpu.sem_alloc : memref<!tpu.dma_semaphore, #tpu.memory_space<semaphore_mem>>
      %dma_start3A = tpu.memref_slice %arg3[%run_scoped3A_176, %mul3A_175] : memref<2x262144xi32, #tpu.memory_space<hbm>> -> memref<1x16384xi32, #tpu.memory_space<hbm>>
      %dma_start3A_344 = tpu.memref_squeeze %dma_start3A : memref<1x16384xi32, #tpu.memory_space<hbm>> -> memref<16384xi32, #tpu.memory_space<hbm>>
      %dma_start3A_345 = tpu.memref_slice %arg3[%run_scoped3A_176, %mul3A_175] : memref<2x262144xi32, #tpu.memory_space<hbm>> -> memref<1x16384xi32, #tpu.memory_space<hbm>>
      %dma_start3A_346 = tpu.memref_squeeze %dma_start3A_345 : memref<1x16384xi32, #tpu.memory_space<hbm>> -> memref<16384xi32, #tpu.memory_space<hbm>>
      tpu.enqueue_dma source(%dma_start3A_346 : memref<16384xi32, #tpu.memory_space<hbm>>) target(%arg7 : memref<16384xi32, #tpu.memory_space<vmem>>) target_semaphore(%run_scoped3A_343 : memref<!tpu.dma_semaphore, #tpu.memory_space<semaphore_mem>>)
      %dma_wait3A = tpu.memref_slice %arg3[%run_scoped3A_176, %mul3A_175] : memref<2x262144xi32, #tpu.memory_space<hbm>> -> memref<1x16384xi32, #tpu.memory_space<hbm>>
      %dma_wait3A_347 = tpu.memref_squeeze %dma_wait3A : memref<1x16384xi32, #tpu.memory_space<hbm>> -> memref<16384xi32, #tpu.memory_space<hbm>>
      %dma_wait3A_348 = tpu.memref_slice %arg3[%run_scoped3A_176, %mul3A_175] : memref<2x262144xi32, #tpu.memory_space<hbm>> -> memref<1x16384xi32, #tpu.memory_space<hbm>>
      %dma_wait3A_349 = tpu.memref_squeeze %dma_wait3A_348 : memref<1x16384xi32, #tpu.memory_space<hbm>> -> memref<16384xi32, #tpu.memory_space<hbm>>
      tpu.wait_dma2 semaphore(%run_scoped3A_343 : memref<!tpu.dma_semaphore, #tpu.memory_space<semaphore_mem>>) src(%dma_wait3A_349 : memref<16384xi32, #tpu.memory_space<hbm>>) dst(%arg7 : memref<16384xi32, #tpu.memory_space<vmem>>)
      tpu.yield
    }) : () -> ()
    %mul3A_177 = arith.constant 16384 : i32
    %mul3A_178 = arith.muli %arg1, %mul3A_177 : i32
    %run_scoped3A_179 = arith.constant 1 : i32
    "tpu.region"() ({
      %run_scoped3A_343 = tpu.sem_alloc : memref<!tpu.dma_semaphore, #tpu.memory_space<semaphore_mem>>
      %dma_start3A = tpu.memref_slice %arg3[%run_scoped3A_179, %mul3A_178] : memref<2x262144xi32, #tpu.memory_space<hbm>> -> memref<1x16384xi32, #tpu.memory_space<hbm>>
      %dma_start3A_344 = tpu.memref_squeeze %dma_start3A : memref<1x16384xi32, #tpu.memory_space<hbm>> -> memref<16384xi32, #tpu.memory_space<hbm>>
      %dma_start3A_345 = tpu.memref_slice %arg3[%run_scoped3A_179, %mul3A_178] : memref<2x262144xi32, #tpu.memory_space<hbm>> -> memref<1x16384xi32, #tpu.memory_space<hbm>>
      %dma_start3A_346 = tpu.memref_squeeze %dma_start3A_345 : memref<1x16384xi32, #tpu.memory_space<hbm>> -> memref<16384xi32, #tpu.memory_space<hbm>>
      tpu.enqueue_dma source(%dma_start3A_346 : memref<16384xi32, #tpu.memory_space<hbm>>) target(%arg8 : memref<16384xi32, #tpu.memory_space<vmem>>) target_semaphore(%run_scoped3A_343 : memref<!tpu.dma_semaphore, #tpu.memory_space<semaphore_mem>>)
      %dma_wait3A = tpu.memref_slice %arg3[%run_scoped3A_179, %mul3A_178] : memref<2x262144xi32, #tpu.memory_space<hbm>> -> memref<1x16384xi32, #tpu.memory_space<hbm>>
      %dma_wait3A_347 = tpu.memref_squeeze %dma_wait3A : memref<1x16384xi32, #tpu.memory_space<hbm>> -> memref<16384xi32, #tpu.memory_space<hbm>>
      %dma_wait3A_348 = tpu.memref_slice %arg3[%run_scoped3A_179, %mul3A_178] : memref<2x262144xi32, #tpu.memory_space<hbm>> -> memref<1x16384xi32, #tpu.memory_space<hbm>>
      %dma_wait3A_349 = tpu.memref_squeeze %dma_wait3A_348 : memref<1x16384xi32, #tpu.memory_space<hbm>> -> memref<16384xi32, #tpu.memory_space<hbm>>
      tpu.wait_dma2 semaphore(%run_scoped3A_343 : memref<!tpu.dma_semaphore, #tpu.memory_space<semaphore_mem>>) src(%dma_wait3A_349 : memref<16384xi32, #tpu.memory_space<hbm>>) dst(%arg8 : memref<16384xi32, #tpu.memory_space<vmem>>)
      tpu.yield
    }) : () -> ()
    %scan3A_180 = arith.constant 0 : i32
    %scan3A_181 = arith.constant 0 : i32
    %scan3A_182 = arith.constant 128 : i32
    %scan3A_183 = arith.addi %scan3A_181, %scan3A_182 : i32
    %scan3A_184 = arith.constant 1 : i32
    %scan3A_185 = scf.for %scan3A_343 = %scan3A_181 to %scan3A_183 step %scan3A_184 iter_args(%scan3A_344 = %scan3A_180) -> (i32)  : i32 {
      %mul3A_345 = arith.constant 128 : i32
      %mul3A_346 = arith.muli %scan3A_343, %mul3A_345 : i32
      %add3A_347 = arith.constant 0 : i32
      %add3A_348 = arith.addi %mul3A_346, %add3A_347 : i32
      %get3A = arith.index_cast %add3A_348 : i32 to index
      %get3A_349 = tpu.vector_load %arg8[%get3A] {strides = array<i32>} : memref<16384xi32, #tpu.memory_space<vmem>>, vector<16xi32>,
      %mul3A_350 = arith.constant 4096 : i32
      %mul3A_351 = vector.broadcast %mul3A_350 : i32 to vector<16xi32>
      %mul3A_352 = arith.muli %get3A_349, %mul3A_351 : vector<16xi32>
      %get3A_353 = arith.index_cast %add3A_348 : i32 to index
      %get3A_354 = tpu.vector_load %arg7[%get3A_353] {strides = array<i32>} : memref<16384xi32, #tpu.memory_space<vmem>>, vector<16xi32>,
      %add3A_355 = arith.addi %mul3A_352, %get3A_354 : vector<16xi32>
      %swap3A = arith.index_cast %add3A_348 : i32 to index
      %swap3A_356 = tpu.vector_load %arg8[%swap3A] {strides = array<i32>} : memref<16384xi32, #tpu.memory_space<vmem>>, vector<16xi32>,
      tpu.vector_store %arg8[%swap3A], %add3A_355 {strides = array<i32>} : memref<16384xi32, #tpu.memory_space<vmem>>, vector<16xi32>,
      %mul3A_357 = arith.constant 128 : i32
      %mul3A_358 = arith.muli %scan3A_343, %mul3A_357 : i32
      %add3A_359 = arith.constant 16 : i32
      %add3A_360 = arith.addi %mul3A_358, %add3A_359 : i32
      %get3A_361 = arith.index_cast %add3A_360 : i32 to index
      %get3A_362 = tpu.vector_load %arg8[%get3A_361] {strides = array<i32>} : memref<16384xi32, #tpu.memory_space<vmem>>, vector<16xi32>,
      %mul3A_363 = arith.constant 4096 : i32
      %mul3A_364 = vector.broadcast %mul3A_363 : i32 to vector<16xi32>
      %mul3A_365 = arith.muli %get3A_362, %mul3A_364 : vector<16xi32>
      %get3A_366 = arith.index_cast %add3A_360 : i32 to index
      %get3A_367 = tpu.vector_load %arg7[%get3A_366] {strides = array<i32>} : memref<16384xi32, #tpu.memory_space<vmem>>, vector<16xi32>,
      %add3A_368 = arith.addi %mul3A_365, %get3A_367 : vector<16xi32>
      %swap3A_369 = arith.index_cast %add3A_360 : i32 to index
      %swap3A_370 = tpu.vector_load %arg8[%swap3A_369] {strides = array<i32>} : memref<16384xi32, #tpu.memory_space<vmem>>, vector<16xi32>,
      tpu.vector_store %arg8[%swap3A_369], %add3A_368 {strides = array<i32>} : memref<16384xi32, #tpu.memory_space<vmem>>, vector<16xi32>,
      %mul3A_371 = arith.constant 128 : i32
      %mul3A_372 = arith.muli %scan3A_343, %mul3A_371 : i32
      %add3A_373 = arith.constant 32 : i32
      %add3A_374 = arith.addi %mul3A_372, %add3A_373 : i32
      %get3A_375 = arith.index_cast %add3A_374 : i32 to index
      %get3A_376 = tpu.vector_load %arg8[%get3A_375] {strides = array<i32>} : memref<16384xi32, #tpu.memory_space<vmem>>, vector<16xi32>,
      %mul3A_377 = arith.constant 4096 : i32
      %mul3A_378 = vector.broadcast %mul3A_377 : i32 to vector<16xi32>
      %mul3A_379 = arith.muli %get3A_376, %mul3A_378 : vector<16xi32>
      %get3A_380 = arith.index_cast %add3A_374 : i32 to index
      %get3A_381 = tpu.vector_load %arg7[%get3A_380] {strides = array<i32>} : memref<16384xi32, #tpu.memory_space<vmem>>, vector<16xi32>,
      %add3A_382 = arith.addi %mul3A_379, %get3A_381 : vector<16xi32>
      %swap3A_383 = arith.index_cast %add3A_374 : i32 to index
      %swap3A_384 = tpu.vector_load %arg8[%swap3A_383] {strides = array<i32>} : memref<16384xi32, #tpu.memory_space<vmem>>, vector<16xi32>,
      tpu.vector_store %arg8[%swap3A_383], %add3A_382 {strides = array<i32>} : memref<16384xi32, #tpu.memory_space<vmem>>, vector<16xi32>,
      %mul3A_385 = arith.constant 128 : i32
      %mul3A_386 = arith.muli %scan3A_343, %mul3A_385 : i32
      %add3A_387 = arith.constant 48 : i32
      %add3A_388 = arith.addi %mul3A_386, %add3A_387 : i32
      %get3A_389 = arith.index_cast %add3A_388 : i32 to index
      %get3A_390 = tpu.vector_load %arg8[%get3A_389] {strides = array<i32>} : memref<16384xi32, #tpu.memory_space<vmem>>, vector<16xi32>,
      %mul3A_391 = arith.constant 4096 : i32
      %mul3A_392 = vector.broadcast %mul3A_391 : i32 to vector<16xi32>
      %mul3A_393 = arith.muli %get3A_390, %mul3A_392 : vector<16xi32>
      %get3A_394 = arith.index_cast %add3A_388 : i32 to index
      %get3A_395 = tpu.vector_load %arg7[%get3A_394] {strides = array<i32>} : memref<16384xi32, #tpu.memory_space<vmem>>, vector<16xi32>,
      %add3A_396 = arith.addi %mul3A_393, %get3A_395 : vector<16xi32>
      %swap3A_397 = arith.index_cast %add3A_388 : i32 to index
      %swap3A_398 = tpu.vector_load %arg8[%swap3A_397] {strides = array<i32>} : memref<16384xi32, #tpu.memory_space<vmem>>, vector<16xi32>,
      tpu.vector_store %arg8[%swap3A_397], %add3A_396 {strides = array<i32>} : memref<16384xi32, #tpu.memory_space<vmem>>, vector<16xi32>,
      %mul3A_399 = arith.constant 128 : i32
      %mul3A_400 = arith.muli %scan3A_343, %mul3A_399 : i32
      %add3A_401 = arith.constant 64 : i32
      %add3A_402 = arith.addi %mul3A_400, %add3A_401 : i32
      %get3A_403 = arith.index_cast %add3A_402 : i32 to index
      %get3A_404 = tpu.vector_load %arg8[%get3A_403] {strides = array<i32>} : memref<16384xi32, #tpu.memory_space<vmem>>, vector<16xi32>,
      %mul3A_405 = arith.constant 4096 : i32
      %mul3A_406 = vector.broadcast %mul3A_405 : i32 to vector<16xi32>
      %mul3A_407 = arith.muli %get3A_404, %mul3A_406 : vector<16xi32>
      %get3A_408 = arith.index_cast %add3A_402 : i32 to index
      %get3A_409 = tpu.vector_load %arg7[%get3A_408] {strides = array<i32>} : memref<16384xi32, #tpu.memory_space<vmem>>, vector<16xi32>,
      %add3A_410 = arith.addi %mul3A_407, %get3A_409 : vector<16xi32>
      %swap3A_411 = arith.index_cast %add3A_402 : i32 to index
      %swap3A_412 = tpu.vector_load %arg8[%swap3A_411] {strides = array<i32>} : memref<16384xi32, #tpu.memory_space<vmem>>, vector<16xi32>,
      tpu.vector_store %arg8[%swap3A_411], %add3A_410 {strides = array<i32>} : memref<16384xi32, #tpu.memory_space<vmem>>, vector<16xi32>,
      %mul3A_413 = arith.constant 128 : i32
      %mul3A_414 = arith.muli %scan3A_343, %mul3A_413 : i32
      %add3A_415 = arith.constant 80 : i32
      %add3A_416 = arith.addi %mul3A_414, %add3A_415 : i32
      %get3A_417 = arith.index_cast %add3A_416 : i32 to index
      %get3A_418 = tpu.vector_load %arg8[%get3A_417] {strides = array<i32>} : memref<16384xi32, #tpu.memory_space<vmem>>, vector<16xi32>,
      %mul3A_419 = arith.constant 4096 : i32
      %mul3A_420 = vector.broadcast %mul3A_419 : i32 to vector<16xi32>
      %mul3A_421 = arith.muli %get3A_418, %mul3A_420 : vector<16xi32>
      %get3A_422 = arith.index_cast %add3A_416 : i32 to index
      %get3A_423 = tpu.vector_load %arg7[%get3A_422] {strides = array<i32>} : memref<16384xi32, #tpu.memory_space<vmem>>, vector<16xi32>,
      %add3A_424 = arith.addi %mul3A_421, %get3A_423 : vector<16xi32>
      %swap3A_425 = arith.index_cast %add3A_416 : i32 to index
      %swap3A_426 = tpu.vector_load %arg8[%swap3A_425] {strides = array<i32>} : memref<16384xi32, #tpu.memory_space<vmem>>, vector<16xi32>,
      tpu.vector_store %arg8[%swap3A_425], %add3A_424 {strides = array<i32>} : memref<16384xi32, #tpu.memory_space<vmem>>, vector<16xi32>,
      %mul3A_427 = arith.constant 128 : i32
      %mul3A_428 = arith.muli %scan3A_343, %mul3A_427 : i32
      %add3A_429 = arith.constant 96 : i32
      %add3A_430 = arith.addi %mul3A_428, %add3A_429 : i32
      %get3A_431 = arith.index_cast %add3A_430 : i32 to index
      %get3A_432 = tpu.vector_load %arg8[%get3A_431] {strides = array<i32>} : memref<16384xi32, #tpu.memory_space<vmem>>, vector<16xi32>,
      %mul3A_433 = arith.constant 4096 : i32
      %mul3A_434 = vector.broadcast %mul3A_433 : i32 to vector<16xi32>
      %mul3A_435 = arith.muli %get3A_432, %mul3A_434 : vector<16xi32>
      %get3A_436 = arith.index_cast %add3A_430 : i32 to index
      %get3A_437 = tpu.vector_load %arg7[%get3A_436] {strides = array<i32>} : memref<16384xi32, #tpu.memory_space<vmem>>, vector<16xi32>,
      %add3A_438 = arith.addi %mul3A_435, %get3A_437 : vector<16xi32>
      %swap3A_439 = arith.index_cast %add3A_430 : i32 to index
      %swap3A_440 = tpu.vector_load %arg8[%swap3A_439] {strides = array<i32>} : memref<16384xi32, #tpu.memory_space<vmem>>, vector<16xi32>,
      tpu.vector_store %arg8[%swap3A_439], %add3A_438 {strides = array<i32>} : memref<16384xi32, #tpu.memory_space<vmem>>, vector<16xi32>,
      %mul3A_441 = arith.constant 128 : i32
      %mul3A_442 = arith.muli %scan3A_343, %mul3A_441 : i32
      %add3A_443 = arith.constant 112 : i32
      %add3A_444 = arith.addi %mul3A_442, %add3A_443 : i32
      %get3A_445 = arith.index_cast %add3A_444 : i32 to index
      %get3A_446 = tpu.vector_load %arg8[%get3A_445] {strides = array<i32>} : memref<16384xi32, #tpu.memory_space<vmem>>, vector<16xi32>,
      %mul3A_447 = arith.constant 4096 : i32
      %mul3A_448 = vector.broadcast %mul3A_447 : i32 to vector<16xi32>
      %mul3A_449 = arith.muli %get3A_446, %mul3A_448 : vector<16xi32>
      %get3A_450 = arith.index_cast %add3A_444 : i32 to index
      %get3A_451 = tpu.vector_load %arg7[%get3A_450] {strides = array<i32>} : memref<16384xi32, #tpu.memory_space<vmem>>, vector<16xi32>,
      %add3A_452 = arith.addi %mul3A_449, %get3A_451 : vector<16xi32>
      %swap3A_453 = arith.index_cast %add3A_444 : i32 to index
      %swap3A_454 = tpu.vector_load %arg8[%swap3A_453] {strides = array<i32>} : memref<16384xi32, #tpu.memory_space<vmem>>, vector<16xi32>,
      tpu.vector_store %arg8[%swap3A_453], %add3A_452 {strides = array<i32>} : memref<16384xi32, #tpu.memory_space<vmem>>, vector<16xi32>,
      %scan3A_455 = arith.constant 0 : i32
      scf.yield %scan3A_455 : i32
    }
    %scan3A_186 = arith.constant 128 : i32
    %add3A_187 = arith.constant 0 : i32
    %add3A_188 = arith.addi %add3A_187, %arg0 : i32
    %mul3A_189 = arith.constant 524288 : i32
    %mul3A_190 = arith.muli %add3A_188, %mul3A_189 : i32
    %add3A_191 = arith.constant 524288 : i32
    %add3A_192 = arith.addi %mul3A_190, %add3A_191 : i32
    %mul3A_193 = arith.constant 32768 : i32
    %mul3A_194 = arith.muli %arg1, %mul3A_193 : i32
    %add3A_195 = arith.constant 0 : i32
    %add3A_196 = arith.addi %mul3A_194, %add3A_195 : i32
    "tpu.region"() ({
      %run_scoped3A_343 = tpu.sem_alloc : memref<!tpu.dma_semaphore, #tpu.memory_space<semaphore_mem>>
      %dma_start3A = tpu.memref_slice %arg6[%add3A_196] : memref<524288xf32, #tpu.memory_space<vmem_shared>> -> memref<8192xf32, #tpu.memory_space<vmem_shared>>
      %dma_start3A_344 = tpu.memref_slice %arg6[%add3A_196] : memref<524288xf32, #tpu.memory_space<vmem_shared>> -> memref<8192xf32, #tpu.memory_space<vmem_shared>>
      tpu.enqueue_dma source(%arg11 : memref<8192xf32, #tpu.memory_space<vmem>>) target(%dma_start3A_344 : memref<8192xf32, #tpu.memory_space<vmem_shared>>) target_semaphore(%run_scoped3A_343 : memref<!tpu.dma_semaphore, #tpu.memory_space<semaphore_mem>>)
      %dma_wait3A = tpu.memref_slice %arg6[%add3A_196] : memref<524288xf32, #tpu.memory_space<vmem_shared>> -> memref<8192xf32, #tpu.memory_space<vmem_shared>>
      %dma_wait3A_345 = tpu.memref_slice %arg6[%add3A_196] : memref<524288xf32, #tpu.memory_space<vmem_shared>> -> memref<8192xf32, #tpu.memory_space<vmem_shared>>
      tpu.wait_dma2 semaphore(%run_scoped3A_343 : memref<!tpu.dma_semaphore, #tpu.memory_space<semaphore_mem>>) src(%arg11 : memref<8192xf32, #tpu.memory_space<vmem>>) dst(%dma_wait3A_345 : memref<8192xf32, #tpu.memory_space<vmem_shared>>)
      tpu.yield
    }) : () -> ()
    %mul3A_197 = arith.constant 32768 : i32
    %mul3A_198 = arith.muli %arg1, %mul3A_197 : i32
    %add3A_199 = arith.constant 8192 : i32
    %add3A_200 = arith.addi %mul3A_198, %add3A_199 : i32
    "tpu.region"() ({
      %run_scoped3A_343 = tpu.sem_alloc : memref<!tpu.dma_semaphore, #tpu.memory_space<semaphore_mem>>
      %dma_start3A = tpu.memref_slice %arg6[%add3A_200] : memref<524288xf32, #tpu.memory_space<vmem_shared>> -> memref<8192xf32, #tpu.memory_space<vmem_shared>>
      %dma_start3A_344 = tpu.memref_slice %arg6[%add3A_200] : memref<524288xf32, #tpu.memory_space<vmem_shared>> -> memref<8192xf32, #tpu.memory_space<vmem_shared>>
      tpu.enqueue_dma source(%arg11 : memref<8192xf32, #tpu.memory_space<vmem>>) target(%dma_start3A_344 : memref<8192xf32, #tpu.memory_space<vmem_shared>>) target_semaphore(%run_scoped3A_343 : memref<!tpu.dma_semaphore, #tpu.memory_space<semaphore_mem>>)
      %dma_wait3A = tpu.memref_slice %arg6[%add3A_200] : memref<524288xf32, #tpu.memory_space<vmem_shared>> -> memref<8192xf32, #tpu.memory_space<vmem_shared>>
      %dma_wait3A_345 = tpu.memref_slice %arg6[%add3A_200] : memref<524288xf32, #tpu.memory_space<vmem_shared>> -> memref<8192xf32, #tpu.memory_space<vmem_shared>>
      tpu.wait_dma2 semaphore(%run_scoped3A_343 : memref<!tpu.dma_semaphore, #tpu.memory_space<semaphore_mem>>) src(%arg11 : memref<8192xf32, #tpu.memory_space<vmem>>) dst(%dma_wait3A_345 : memref<8192xf32, #tpu.memory_space<vmem_shared>>)
      tpu.yield
    }) : () -> ()
    %mul3A_201 = arith.constant 32768 : i32
    %mul3A_202 = arith.muli %arg1, %mul3A_201 : i32
    %add3A_203 = arith.constant 16384 : i32
    %add3A_204 = arith.addi %mul3A_202, %add3A_203 : i32
    "tpu.region"() ({
      %run_scoped3A_343 = tpu.sem_alloc : memref<!tpu.dma_semaphore, #tpu.memory_space<semaphore_mem>>
      %dma_start3A = tpu.memref_slice %arg6[%add3A_204] : memref<524288xf32, #tpu.memory_space<vmem_shared>> -> memref<8192xf32, #tpu.memory_space<vmem_shared>>
      %dma_start3A_344 = tpu.memref_slice %arg6[%add3A_204] : memref<524288xf32, #tpu.memory_space<vmem_shared>> -> memref<8192xf32, #tpu.memory_space<vmem_shared>>
      tpu.enqueue_dma source(%arg11 : memref<8192xf32, #tpu.memory_space<vmem>>) target(%dma_start3A_344 : memref<8192xf32, #tpu.memory_space<vmem_shared>>) target_semaphore(%run_scoped3A_343 : memref<!tpu.dma_semaphore, #tpu.memory_space<semaphore_mem>>)
      %dma_wait3A = tpu.memref_slice %arg6[%add3A_204] : memref<524288xf32, #tpu.memory_space<vmem_shared>> -> memref<8192xf32, #tpu.memory_space<vmem_shared>>
      %dma_wait3A_345 = tpu.memref_slice %arg6[%add3A_204] : memref<524288xf32, #tpu.memory_space<vmem_shared>> -> memref<8192xf32, #tpu.memory_space<vmem_shared>>
      tpu.wait_dma2 semaphore(%run_scoped3A_343 : memref<!tpu.dma_semaphore, #tpu.memory_space<semaphore_mem>>) src(%arg11 : memref<8192xf32, #tpu.memory_space<vmem>>) dst(%dma_wait3A_345 : memref<8192xf32, #tpu.memory_space<vmem_shared>>)
      tpu.yield
    }) : () -> ()
    %mul3A_205 = arith.constant 32768 : i32
    %mul3A_206 = arith.muli %arg1, %mul3A_205 : i32
    %add3A_207 = arith.constant 24576 : i32
    %add3A_208 = arith.addi %mul3A_206, %add3A_207 : i32
    "tpu.region"() ({
      %run_scoped3A_343 = tpu.sem_alloc : memref<!tpu.dma_semaphore, #tpu.memory_space<semaphore_mem>>
      %dma_start3A = tpu.memref_slice %arg6[%add3A_208] : memref<524288xf32, #tpu.memory_space<vmem_shared>> -> memref<8192xf32, #tpu.memory_space<vmem_shared>>
      %dma_start3A_344 = tpu.memref_slice %arg6[%add3A_208] : memref<524288xf32, #tpu.memory_space<vmem_shared>> -> memref<8192xf32, #tpu.memory_space<vmem_shared>>
      tpu.enqueue_dma source(%arg11 : memref<8192xf32, #tpu.memory_space<vmem>>) target(%dma_start3A_344 : memref<8192xf32, #tpu.memory_space<vmem_shared>>) target_semaphore(%run_scoped3A_343 : memref<!tpu.dma_semaphore, #tpu.memory_space<semaphore_mem>>)
      %dma_wait3A = tpu.memref_slice %arg6[%add3A_208] : memref<524288xf32, #tpu.memory_space<vmem_shared>> -> memref<8192xf32, #tpu.memory_space<vmem_shared>>
      %dma_wait3A_345 = tpu.memref_slice %arg6[%add3A_208] : memref<524288xf32, #tpu.memory_space<vmem_shared>> -> memref<8192xf32, #tpu.memory_space<vmem_shared>>
      tpu.wait_dma2 semaphore(%run_scoped3A_343 : memref<!tpu.dma_semaphore, #tpu.memory_space<semaphore_mem>>) src(%arg11 : memref<8192xf32, #tpu.memory_space<vmem>>) dst(%dma_wait3A_345 : memref<8192xf32, #tpu.memory_space<vmem_shared>>)
      tpu.yield
    }) : () -> ()
    %barrier3A_209 = arith.constant 0 : index
    tpu.barrier barrier_id(%barrier3A_209)
    %scan3A_210 = arith.constant 0 : i32
    %scan3A_211 = arith.constant 0 : i32
    %scan3A_212 = arith.constant 128 : i32
    %scan3A_213 = arith.addi %scan3A_211, %scan3A_212 : i32
    %scan3A_214 = arith.constant 1 : i32
    %scan3A_215 = scf.for %scan3A_343 = %scan3A_211 to %scan3A_213 step %scan3A_214 iter_args(%scan3A_344 = %scan3A_210) -> (i32)  : i32 {
      %mul3A_345 = arith.constant 128 : i32
      %mul3A_346 = arith.muli %scan3A_343, %mul3A_345 : i32
      %add3A_347 = arith.constant 0 : i32
      %add3A_348 = arith.addi %mul3A_346, %add3A_347 : i32
      %get3A = arith.index_cast %add3A_348 : i32 to index
      %get3A_349 = tpu.vector_load %arg8[%get3A] {strides = array<i32>} : memref<16384xi32, #tpu.memory_space<vmem>>, vector<16xi32>,
      %ge3A = vector.broadcast %mul3A_190 : i32 to vector<16xi32>
      %ge3A_350 = arith.cmpi sge, %get3A_349, %ge3A : vector<16xi32>
      %lt3A = vector.broadcast %add3A_192 : i32 to vector<16xi32>
      %lt3A_351 = arith.cmpi slt, %get3A_349, %lt3A : vector<16xi32>
      %and3A = arith.andi %ge3A_350, %lt3A_351 : vector<16xi1>
      %sub3A = vector.broadcast %mul3A_190 : i32 to vector<16xi32>
      %sub3A_352 = arith.subi %get3A_349, %sub3A : vector<16xi32>
      %jit3A = arith.constant -1 : i32
      %broadcast_in_dim3A_353 = vector.broadcast %jit3A : i32 to vector<16xi32>
      %select_n3A = arith.select %and3A, %sub3A_352, %broadcast_in_dim3A_353 : vector<16xi1>, vector<16xi32>
      %swap3A = arith.index_cast %add3A_348 : i32 to index
      %swap3A_354 = tpu.vector_load %arg9[%swap3A] {strides = array<i32>} : memref<16384xi32, #tpu.memory_space<vmem>>, vector<16xi32>,
      tpu.vector_store %arg9[%swap3A], %select_n3A {strides = array<i32>} : memref<16384xi32, #tpu.memory_space<vmem>>, vector<16xi32>,
      %mul3A_355 = arith.constant 128 : i32
      %mul3A_356 = arith.muli %scan3A_343, %mul3A_355 : i32
      %add3A_357 = arith.constant 16 : i32
      %add3A_358 = arith.addi %mul3A_356, %add3A_357 : i32
      %get3A_359 = arith.index_cast %add3A_358 : i32 to index
      %get3A_360 = tpu.vector_load %arg8[%get3A_359] {strides = array<i32>} : memref<16384xi32, #tpu.memory_space<vmem>>, vector<16xi32>,
      %ge3A_361 = vector.broadcast %mul3A_190 : i32 to vector<16xi32>
      %ge3A_362 = arith.cmpi sge, %get3A_360, %ge3A_361 : vector<16xi32>
      %lt3A_363 = vector.broadcast %add3A_192 : i32 to vector<16xi32>
      %lt3A_364 = arith.cmpi slt, %get3A_360, %lt3A_363 : vector<16xi32>
      %and3A_365 = arith.andi %ge3A_362, %lt3A_364 : vector<16xi1>
      %sub3A_366 = vector.broadcast %mul3A_190 : i32 to vector<16xi32>
      %sub3A_367 = arith.subi %get3A_360, %sub3A_366 : vector<16xi32>
      %jit3A_368 = arith.constant -1 : i32
      %broadcast_in_dim3A_369 = vector.broadcast %jit3A_368 : i32 to vector<16xi32>
      %select_n3A_370 = arith.select %and3A_365, %sub3A_367, %broadcast_in_dim3A_369 : vector<16xi1>, vector<16xi32>
      %swap3A_371 = arith.index_cast %add3A_358 : i32 to index
      %swap3A_372 = tpu.vector_load %arg9[%swap3A_371] {strides = array<i32>} : memref<16384xi32, #tpu.memory_space<vmem>>, vector<16xi32>,
      tpu.vector_store %arg9[%swap3A_371], %select_n3A_370 {strides = array<i32>} : memref<16384xi32, #tpu.memory_space<vmem>>, vector<16xi32>,
      %mul3A_373 = arith.constant 128 : i32
      %mul3A_374 = arith.muli %scan3A_343, %mul3A_373 : i32
      %add3A_375 = arith.constant 32 : i32
      %add3A_376 = arith.addi %mul3A_374, %add3A_375 : i32
      %get3A_377 = arith.index_cast %add3A_376 : i32 to index
      %get3A_378 = tpu.vector_load %arg8[%get3A_377] {strides = array<i32>} : memref<16384xi32, #tpu.memory_space<vmem>>, vector<16xi32>,
      %ge3A_379 = vector.broadcast %mul3A_190 : i32 to vector<16xi32>
      %ge3A_380 = arith.cmpi sge, %get3A_378, %ge3A_379 : vector<16xi32>
      %lt3A_381 = vector.broadcast %add3A_192 : i32 to vector<16xi32>
      %lt3A_382 = arith.cmpi slt, %get3A_378, %lt3A_381 : vector<16xi32>
      %and3A_383 = arith.andi %ge3A_380, %lt3A_382 : vector<16xi1>
      %sub3A_384 = vector.broadcast %mul3A_190 : i32 to vector<16xi32>
      %sub3A_385 = arith.subi %get3A_378, %sub3A_384 : vector<16xi32>
      %jit3A_386 = arith.constant -1 : i32
      %broadcast_in_dim3A_387 = vector.broadcast %jit3A_386 : i32 to vector<16xi32>
      %select_n3A_388 = arith.select %and3A_383, %sub3A_385, %broadcast_in_dim3A_387 : vector<16xi1>, vector<16xi32>
      %swap3A_389 = arith.index_cast %add3A_376 : i32 to index
      %swap3A_390 = tpu.vector_load %arg9[%swap3A_389] {strides = array<i32>} : memref<16384xi32, #tpu.memory_space<vmem>>, vector<16xi32>,
      tpu.vector_store %arg9[%swap3A_389], %select_n3A_388 {strides = array<i32>} : memref<16384xi32, #tpu.memory_space<vmem>>, vector<16xi32>,
      %mul3A_391 = arith.constant 128 : i32
      %mul3A_392 = arith.muli %scan3A_343, %mul3A_391 : i32
      %add3A_393 = arith.constant 48 : i32
      %add3A_394 = arith.addi %mul3A_392, %add3A_393 : i32
      %get3A_395 = arith.index_cast %add3A_394 : i32 to index
      %get3A_396 = tpu.vector_load %arg8[%get3A_395] {strides = array<i32>} : memref<16384xi32, #tpu.memory_space<vmem>>, vector<16xi32>,
      %ge3A_397 = vector.broadcast %mul3A_190 : i32 to vector<16xi32>
      %ge3A_398 = arith.cmpi sge, %get3A_396, %ge3A_397 : vector<16xi32>
      %lt3A_399 = vector.broadcast %add3A_192 : i32 to vector<16xi32>
      %lt3A_400 = arith.cmpi slt, %get3A_396, %lt3A_399 : vector<16xi32>
      %and3A_401 = arith.andi %ge3A_398, %lt3A_400 : vector<16xi1>
      %sub3A_402 = vector.broadcast %mul3A_190 : i32 to vector<16xi32>
      %sub3A_403 = arith.subi %get3A_396, %sub3A_402 : vector<16xi32>
      %jit3A_404 = arith.constant -1 : i32
      %broadcast_in_dim3A_405 = vector.broadcast %jit3A_404 : i32 to vector<16xi32>
      %select_n3A_406 = arith.select %and3A_401, %sub3A_403, %broadcast_in_dim3A_405 : vector<16xi1>, vector<16xi32>
      %swap3A_407 = arith.index_cast %add3A_394 : i32 to index
      %swap3A_408 = tpu.vector_load %arg9[%swap3A_407] {strides = array<i32>} : memref<16384xi32, #tpu.memory_space<vmem>>, vector<16xi32>,
      tpu.vector_store %arg9[%swap3A_407], %select_n3A_406 {strides = array<i32>} : memref<16384xi32, #tpu.memory_space<vmem>>, vector<16xi32>,
      %mul3A_409 = arith.constant 128 : i32
      %mul3A_410 = arith.muli %scan3A_343, %mul3A_409 : i32
      %add3A_411 = arith.constant 64 : i32
      %add3A_412 = arith.addi %mul3A_410, %add3A_411 : i32
      %get3A_413 = arith.index_cast %add3A_412 : i32 to index
      %get3A_414 = tpu.vector_load %arg8[%get3A_413] {strides = array<i32>} : memref<16384xi32, #tpu.memory_space<vmem>>, vector<16xi32>,
      %ge3A_415 = vector.broadcast %mul3A_190 : i32 to vector<16xi32>
      %ge3A_416 = arith.cmpi sge, %get3A_414, %ge3A_415 : vector<16xi32>
      %lt3A_417 = vector.broadcast %add3A_192 : i32 to vector<16xi32>
      %lt3A_418 = arith.cmpi slt, %get3A_414, %lt3A_417 : vector<16xi32>
      %and3A_419 = arith.andi %ge3A_416, %lt3A_418 : vector<16xi1>
      %sub3A_420 = vector.broadcast %mul3A_190 : i32 to vector<16xi32>
      %sub3A_421 = arith.subi %get3A_414, %sub3A_420 : vector<16xi32>
      %jit3A_422 = arith.constant -1 : i32
      %broadcast_in_dim3A_423 = vector.broadcast %jit3A_422 : i32 to vector<16xi32>
      %select_n3A_424 = arith.select %and3A_419, %sub3A_421, %broadcast_in_dim3A_423 : vector<16xi1>, vector<16xi32>
      %swap3A_425 = arith.index_cast %add3A_412 : i32 to index
      %swap3A_426 = tpu.vector_load %arg9[%swap3A_425] {strides = array<i32>} : memref<16384xi32, #tpu.memory_space<vmem>>, vector<16xi32>,
      tpu.vector_store %arg9[%swap3A_425], %select_n3A_424 {strides = array<i32>} : memref<16384xi32, #tpu.memory_space<vmem>>, vector<16xi32>,
      %mul3A_427 = arith.constant 128 : i32
      %mul3A_428 = arith.muli %scan3A_343, %mul3A_427 : i32
      %add3A_429 = arith.constant 80 : i32
      %add3A_430 = arith.addi %mul3A_428, %add3A_429 : i32
      %get3A_431 = arith.index_cast %add3A_430 : i32 to index
      %get3A_432 = tpu.vector_load %arg8[%get3A_431] {strides = array<i32>} : memref<16384xi32, #tpu.memory_space<vmem>>, vector<16xi32>,
      %ge3A_433 = vector.broadcast %mul3A_190 : i32 to vector<16xi32>
      %ge3A_434 = arith.cmpi sge, %get3A_432, %ge3A_433 : vector<16xi32>
      %lt3A_435 = vector.broadcast %add3A_192 : i32 to vector<16xi32>
      %lt3A_436 = arith.cmpi slt, %get3A_432, %lt3A_435 : vector<16xi32>
      %and3A_437 = arith.andi %ge3A_434, %lt3A_436 : vector<16xi1>
      %sub3A_438 = vector.broadcast %mul3A_190 : i32 to vector<16xi32>
      %sub3A_439 = arith.subi %get3A_432, %sub3A_438 : vector<16xi32>
      %jit3A_440 = arith.constant -1 : i32
      %broadcast_in_dim3A_441 = vector.broadcast %jit3A_440 : i32 to vector<16xi32>
      %select_n3A_442 = arith.select %and3A_437, %sub3A_439, %broadcast_in_dim3A_441 : vector<16xi1>, vector<16xi32>
      %swap3A_443 = arith.index_cast %add3A_430 : i32 to index
      %swap3A_444 = tpu.vector_load %arg9[%swap3A_443] {strides = array<i32>} : memref<16384xi32, #tpu.memory_space<vmem>>, vector<16xi32>,
      tpu.vector_store %arg9[%swap3A_443], %select_n3A_442 {strides = array<i32>} : memref<16384xi32, #tpu.memory_space<vmem>>, vector<16xi32>,
      %mul3A_445 = arith.constant 128 : i32
      %mul3A_446 = arith.muli %scan3A_343, %mul3A_445 : i32
      %add3A_447 = arith.constant 96 : i32
      %add3A_448 = arith.addi %mul3A_446, %add3A_447 : i32
      %get3A_449 = arith.index_cast %add3A_448 : i32 to index
      %get3A_450 = tpu.vector_load %arg8[%get3A_449] {strides = array<i32>} : memref<16384xi32, #tpu.memory_space<vmem>>, vector<16xi32>,
      %ge3A_451 = vector.broadcast %mul3A_190 : i32 to vector<16xi32>
      %ge3A_452 = arith.cmpi sge, %get3A_450, %ge3A_451 : vector<16xi32>
      %lt3A_453 = vector.broadcast %add3A_192 : i32 to vector<16xi32>
      %lt3A_454 = arith.cmpi slt, %get3A_450, %lt3A_453 : vector<16xi32>
      %and3A_455 = arith.andi %ge3A_452, %lt3A_454 : vector<16xi1>
      %sub3A_456 = vector.broadcast %mul3A_190 : i32 to vector<16xi32>
      %sub3A_457 = arith.subi %get3A_450, %sub3A_456 : vector<16xi32>
      %jit3A_458 = arith.constant -1 : i32
      %broadcast_in_dim3A_459 = vector.broadcast %jit3A_458 : i32 to vector<16xi32>
      %select_n3A_460 = arith.select %and3A_455, %sub3A_457, %broadcast_in_dim3A_459 : vector<16xi1>, vector<16xi32>
      %swap3A_461 = arith.index_cast %add3A_448 : i32 to index
      %swap3A_462 = tpu.vector_load %arg9[%swap3A_461] {strides = array<i32>} : memref<16384xi32, #tpu.memory_space<vmem>>, vector<16xi32>,
      tpu.vector_store %arg9[%swap3A_461], %select_n3A_460 {strides = array<i32>} : memref<16384xi32, #tpu.memory_space<vmem>>, vector<16xi32>,
      %mul3A_463 = arith.constant 128 : i32
      %mul3A_464 = arith.muli %scan3A_343, %mul3A_463 : i32
      %add3A_465 = arith.constant 112 : i32
      %add3A_466 = arith.addi %mul3A_464, %add3A_465 : i32
      %get3A_467 = arith.index_cast %add3A_466 : i32 to index
      %get3A_468 = tpu.vector_load %arg8[%get3A_467] {strides = array<i32>} : memref<16384xi32, #tpu.memory_space<vmem>>, vector<16xi32>,
      %ge3A_469 = vector.broadcast %mul3A_190 : i32 to vector<16xi32>
      %ge3A_470 = arith.cmpi sge, %get3A_468, %ge3A_469 : vector<16xi32>
      %lt3A_471 = vector.broadcast %add3A_192 : i32 to vector<16xi32>
      %lt3A_472 = arith.cmpi slt, %get3A_468, %lt3A_471 : vector<16xi32>
      %and3A_473 = arith.andi %ge3A_470, %lt3A_472 : vector<16xi1>
      %sub3A_474 = vector.broadcast %mul3A_190 : i32 to vector<16xi32>
      %sub3A_475 = arith.subi %get3A_468, %sub3A_474 : vector<16xi32>
      %jit3A_476 = arith.constant -1 : i32
      %broadcast_in_dim3A_477 = vector.broadcast %jit3A_476 : i32 to vector<16xi32>
      %select_n3A_478 = arith.select %and3A_473, %sub3A_475, %broadcast_in_dim3A_477 : vector<16xi1>, vector<16xi32>
      %swap3A_479 = arith.index_cast %add3A_466 : i32 to index
      %swap3A_480 = tpu.vector_load %arg9[%swap3A_479] {strides = array<i32>} : memref<16384xi32, #tpu.memory_space<vmem>>, vector<16xi32>,
      tpu.vector_store %arg9[%swap3A_479], %select_n3A_478 {strides = array<i32>} : memref<16384xi32, #tpu.memory_space<vmem>>, vector<16xi32>,
      %scan3A_481 = arith.constant 0 : i32
      scf.yield %scan3A_481 : i32
    }
    %scan3A_216 = arith.constant 128 : i32
    "tpu.region"() ({
      %run_scoped3A_343 = tpu.sem_alloc : memref<!tpu.dma_semaphore, #tpu.memory_space<semaphore_mem>>
      %dma_start3A = arith.constant 0 : i32
      %dma_start3A_344 = tpu.memref_slice %arg6[%dma_start3A] : memref<524288xf32, #tpu.memory_space<vmem_shared>> -> memref<524288xf32, #tpu.memory_space<vmem_shared>>
      %dma_start3A_345 = arith.constant -1 : i32
      tpu.enqueue_indirect_dma source(%arg10 : memref<16384xf32, #tpu.memory_space<vmem>>) target(%dma_start3A_344 : memref<524288xf32, #tpu.memory_space<vmem_shared>>) offsets(%arg9 : memref<16384xi32, #tpu.memory_space<vmem>>) offset_filter(%dma_start3A_345) semaphore(%run_scoped3A_343 : memref<!tpu.dma_semaphore, #tpu.memory_space<semaphore_mem>>) {add = true}
      %dma_wait3A = arith.constant 0 : i32
      %dma_wait3A_346 = tpu.memref_slice %arg6[%dma_wait3A] : memref<524288xf32, #tpu.memory_space<vmem_shared>> -> memref<524288xf32, #tpu.memory_space<vmem_shared>>
      tpu.wait_indirect_dma semaphore(%run_scoped3A_343 : memref<!tpu.dma_semaphore, #tpu.memory_space<semaphore_mem>>) src(%arg10 : memref<16384xf32, #tpu.memory_space<vmem>>) dst(%dma_wait3A_346 : memref<524288xf32, #tpu.memory_space<vmem_shared>>)
      tpu.yield
    }) : () -> ()
    %barrier3A_217 = arith.constant 0 : index
    tpu.barrier barrier_id(%barrier3A_217)
    %mul3A_218 = arith.constant 32768 : i32
    %mul3A_219 = arith.muli %arg1, %mul3A_218 : i32
    %mul3A_220 = arith.constant 524288 : i32
    %mul3A_221 = arith.muli %add3A_188, %mul3A_220 : i32
    %mul3A_222 = arith.constant 32768 : i32
    %mul3A_223 = arith.muli %arg1, %mul3A_222 : i32
    %add3A_224 = arith.addi %mul3A_221, %mul3A_223 : i32
    "tpu.region"() ({
      %run_scoped3A_343 = tpu.sem_alloc : memref<!tpu.dma_semaphore, #tpu.memory_space<semaphore_mem>>
      %dma_start3A = tpu.memref_slice %arg5[%add3A_224] : memref<4194304xf32, #tpu.memory_space<hbm>> -> memref<32768xf32, #tpu.memory_space<hbm>>
      %dma_start3A_344 = tpu.memref_slice %arg6[%mul3A_219] : memref<524288xf32, #tpu.memory_space<vmem_shared>> -> memref<32768xf32, #tpu.memory_space<vmem_shared>>
      tpu.enqueue_dma source(%dma_start3A_344 : memref<32768xf32, #tpu.memory_space<vmem_shared>>) target(%dma_start3A : memref<32768xf32, #tpu.memory_space<hbm>>) target_semaphore(%run_scoped3A_343 : memref<!tpu.dma_semaphore, #tpu.memory_space<semaphore_mem>>)
      %dma_wait3A = tpu.memref_slice %arg5[%add3A_224] : memref<4194304xf32, #tpu.memory_space<hbm>> -> memref<32768xf32, #tpu.memory_space<hbm>>
      %dma_wait3A_345 = tpu.memref_slice %arg6[%mul3A_219] : memref<524288xf32, #tpu.memory_space<vmem_shared>> -> memref<32768xf32, #tpu.memory_space<vmem_shared>>
      tpu.wait_dma2 semaphore(%run_scoped3A_343 : memref<!tpu.dma_semaphore, #tpu.memory_space<semaphore_mem>>) src(%dma_wait3A_345 : memref<32768xf32, #tpu.memory_space<vmem_shared>>) dst(%dma_wait3A : memref<32768xf32, #tpu.memory_space<hbm>>)
      tpu.yield
    }) : () -> ()
    %barrier3A_225 = arith.constant 0 : index
    tpu.barrier barrier_id(%barrier3A_225)
    %add3A_226 = arith.constant 2 : i32
    %add3A_227 = arith.addi %add3A_226, %arg0 : i32
    %mul3A_228 = arith.constant 524288 : i32
    %mul3A_229 = arith.muli %add3A_227, %mul3A_228 : i32
    %add3A_230 = arith.constant 524288 : i32
    %add3A_231 = arith.addi %mul3A_229, %add3A_230 : i32
    %mul3A_232 = arith.constant 32768 : i32
    %mul3A_233 = arith.muli %arg1, %mul3A_232 : i32
    %add3A_234 = arith.constant 0 : i32
    %add3A_235 = arith.addi %mul3A_233, %add3A_234 : i32
    "tpu.region"() ({
      %run_scoped3A_343 = tpu.sem_alloc : memref<!tpu.dma_semaphore, #tpu.memory_space<semaphore_mem>>
      %dma_start3A = tpu.memref_slice %arg6[%add3A_235] : memref<524288xf32, #tpu.memory_space<vmem_shared>> -> memref<8192xf32, #tpu.memory_space<vmem_shared>>
      %dma_start3A_344 = tpu.memref_slice %arg6[%add3A_235] : memref<524288xf32, #tpu.memory_space<vmem_shared>> -> memref<8192xf32, #tpu.memory_space<vmem_shared>>
      tpu.enqueue_dma source(%arg11 : memref<8192xf32, #tpu.memory_space<vmem>>) target(%dma_start3A_344 : memref<8192xf32, #tpu.memory_space<vmem_shared>>) target_semaphore(%run_scoped3A_343 : memref<!tpu.dma_semaphore, #tpu.memory_space<semaphore_mem>>)
      %dma_wait3A = tpu.memref_slice %arg6[%add3A_235] : memref<524288xf32, #tpu.memory_space<vmem_shared>> -> memref<8192xf32, #tpu.memory_space<vmem_shared>>
      %dma_wait3A_345 = tpu.memref_slice %arg6[%add3A_235] : memref<524288xf32, #tpu.memory_space<vmem_shared>> -> memref<8192xf32, #tpu.memory_space<vmem_shared>>
      tpu.wait_dma2 semaphore(%run_scoped3A_343 : memref<!tpu.dma_semaphore, #tpu.memory_space<semaphore_mem>>) src(%arg11 : memref<8192xf32, #tpu.memory_space<vmem>>) dst(%dma_wait3A_345 : memref<8192xf32, #tpu.memory_space<vmem_shared>>)
      tpu.yield
    }) : () -> ()
    %mul3A_236 = arith.constant 32768 : i32
    %mul3A_237 = arith.muli %arg1, %mul3A_236 : i32
    %add3A_238 = arith.constant 8192 : i32
    %add3A_239 = arith.addi %mul3A_237, %add3A_238 : i32
    "tpu.region"() ({
      %run_scoped3A_343 = tpu.sem_alloc : memref<!tpu.dma_semaphore, #tpu.memory_space<semaphore_mem>>
      %dma_start3A = tpu.memref_slice %arg6[%add3A_239] : memref<524288xf32, #tpu.memory_space<vmem_shared>> -> memref<8192xf32, #tpu.memory_space<vmem_shared>>
      %dma_start3A_344 = tpu.memref_slice %arg6[%add3A_239] : memref<524288xf32, #tpu.memory_space<vmem_shared>> -> memref<8192xf32, #tpu.memory_space<vmem_shared>>
      tpu.enqueue_dma source(%arg11 : memref<8192xf32, #tpu.memory_space<vmem>>) target(%dma_start3A_344 : memref<8192xf32, #tpu.memory_space<vmem_shared>>) target_semaphore(%run_scoped3A_343 : memref<!tpu.dma_semaphore, #tpu.memory_space<semaphore_mem>>)
      %dma_wait3A = tpu.memref_slice %arg6[%add3A_239] : memref<524288xf32, #tpu.memory_space<vmem_shared>> -> memref<8192xf32, #tpu.memory_space<vmem_shared>>
      %dma_wait3A_345 = tpu.memref_slice %arg6[%add3A_239] : memref<524288xf32, #tpu.memory_space<vmem_shared>> -> memref<8192xf32, #tpu.memory_space<vmem_shared>>
      tpu.wait_dma2 semaphore(%run_scoped3A_343 : memref<!tpu.dma_semaphore, #tpu.memory_space<semaphore_mem>>) src(%arg11 : memref<8192xf32, #tpu.memory_space<vmem>>) dst(%dma_wait3A_345 : memref<8192xf32, #tpu.memory_space<vmem_shared>>)
      tpu.yield
    }) : () -> ()
    %mul3A_240 = arith.constant 32768 : i32
    %mul3A_241 = arith.muli %arg1, %mul3A_240 : i32
    %add3A_242 = arith.constant 16384 : i32
    %add3A_243 = arith.addi %mul3A_241, %add3A_242 : i32
    "tpu.region"() ({
      %run_scoped3A_343 = tpu.sem_alloc : memref<!tpu.dma_semaphore, #tpu.memory_space<semaphore_mem>>
      %dma_start3A = tpu.memref_slice %arg6[%add3A_243] : memref<524288xf32, #tpu.memory_space<vmem_shared>> -> memref<8192xf32, #tpu.memory_space<vmem_shared>>
      %dma_start3A_344 = tpu.memref_slice %arg6[%add3A_243] : memref<524288xf32, #tpu.memory_space<vmem_shared>> -> memref<8192xf32, #tpu.memory_space<vmem_shared>>
      tpu.enqueue_dma source(%arg11 : memref<8192xf32, #tpu.memory_space<vmem>>) target(%dma_start3A_344 : memref<8192xf32, #tpu.memory_space<vmem_shared>>) target_semaphore(%run_scoped3A_343 : memref<!tpu.dma_semaphore, #tpu.memory_space<semaphore_mem>>)
      %dma_wait3A = tpu.memref_slice %arg6[%add3A_243] : memref<524288xf32, #tpu.memory_space<vmem_shared>> -> memref<8192xf32, #tpu.memory_space<vmem_shared>>
      %dma_wait3A_345 = tpu.memref_slice %arg6[%add3A_243] : memref<524288xf32, #tpu.memory_space<vmem_shared>> -> memref<8192xf32, #tpu.memory_space<vmem_shared>>
      tpu.wait_dma2 semaphore(%run_scoped3A_343 : memref<!tpu.dma_semaphore, #tpu.memory_space<semaphore_mem>>) src(%arg11 : memref<8192xf32, #tpu.memory_space<vmem>>) dst(%dma_wait3A_345 : memref<8192xf32, #tpu.memory_space<vmem_shared>>)
      tpu.yield
    }) : () -> ()
    %mul3A_244 = arith.constant 32768 : i32
    %mul3A_245 = arith.muli %arg1, %mul3A_244 : i32
    %add3A_246 = arith.constant 24576 : i32
    %add3A_247 = arith.addi %mul3A_245, %add3A_246 : i32
    "tpu.region"() ({
      %run_scoped3A_343 = tpu.sem_alloc : memref<!tpu.dma_semaphore, #tpu.memory_space<semaphore_mem>>
      %dma_start3A = tpu.memref_slice %arg6[%add3A_247] : memref<524288xf32, #tpu.memory_space<vmem_shared>> -> memref<8192xf32, #tpu.memory_space<vmem_shared>>
      %dma_start3A_344 = tpu.memref_slice %arg6[%add3A_247] : memref<524288xf32, #tpu.memory_space<vmem_shared>> -> memref<8192xf32, #tpu.memory_space<vmem_shared>>
      tpu.enqueue_dma source(%arg11 : memref<8192xf32, #tpu.memory_space<vmem>>) target(%dma_start3A_344 : memref<8192xf32, #tpu.memory_space<vmem_shared>>) target_semaphore(%run_scoped3A_343 : memref<!tpu.dma_semaphore, #tpu.memory_space<semaphore_mem>>)
      %dma_wait3A = tpu.memref_slice %arg6[%add3A_247] : memref<524288xf32, #tpu.memory_space<vmem_shared>> -> memref<8192xf32, #tpu.memory_space<vmem_shared>>
      %dma_wait3A_345 = tpu.memref_slice %arg6[%add3A_247] : memref<524288xf32, #tpu.memory_space<vmem_shared>> -> memref<8192xf32, #tpu.memory_space<vmem_shared>>
      tpu.wait_dma2 semaphore(%run_scoped3A_343 : memref<!tpu.dma_semaphore, #tpu.memory_space<semaphore_mem>>) src(%arg11 : memref<8192xf32, #tpu.memory_space<vmem>>) dst(%dma_wait3A_345 : memref<8192xf32, #tpu.memory_space<vmem_shared>>)
      tpu.yield
    }) : () -> ()
    %barrier3A_248 = arith.constant 0 : index
    tpu.barrier barrier_id(%barrier3A_248)
    %scan3A_249 = arith.constant 0 : i32
    %scan3A_250 = arith.constant 0 : i32
    %scan3A_251 = arith.constant 128 : i32
    %scan3A_252 = arith.addi %scan3A_250, %scan3A_251 : i32
    %scan3A_253 = arith.constant 1 : i32
    %scan3A_254 = scf.for %scan3A_343 = %scan3A_250 to %scan3A_252 step %scan3A_253 iter_args(%scan3A_344 = %scan3A_249) -> (i32)  : i32 {
      %mul3A_345 = arith.constant 128 : i32
      %mul3A_346 = arith.muli %scan3A_343, %mul3A_345 : i32
      %add3A_347 = arith.constant 0 : i32
      %add3A_348 = arith.addi %mul3A_346, %add3A_347 : i32
      %get3A = arith.index_cast %add3A_348 : i32 to index
      %get3A_349 = tpu.vector_load %arg8[%get3A] {strides = array<i32>} : memref<16384xi32, #tpu.memory_space<vmem>>, vector<16xi32>,
      %ge3A = vector.broadcast %mul3A_229 : i32 to vector<16xi32>
      %ge3A_350 = arith.cmpi sge, %get3A_349, %ge3A : vector<16xi32>
      %lt3A = vector.broadcast %add3A_231 : i32 to vector<16xi32>
      %lt3A_351 = arith.cmpi slt, %get3A_349, %lt3A : vector<16xi32>
      %and3A = arith.andi %ge3A_350, %lt3A_351 : vector<16xi1>
      %sub3A = vector.broadcast %mul3A_229 : i32 to vector<16xi32>
      %sub3A_352 = arith.subi %get3A_349, %sub3A : vector<16xi32>
      %jit3A = arith.constant -1 : i32
      %broadcast_in_dim3A_353 = vector.broadcast %jit3A : i32 to vector<16xi32>
      %select_n3A = arith.select %and3A, %sub3A_352, %broadcast_in_dim3A_353 : vector<16xi1>, vector<16xi32>
      %swap3A = arith.index_cast %add3A_348 : i32 to index
      %swap3A_354 = tpu.vector_load %arg9[%swap3A] {strides = array<i32>} : memref<16384xi32, #tpu.memory_space<vmem>>, vector<16xi32>,
      tpu.vector_store %arg9[%swap3A], %select_n3A {strides = array<i32>} : memref<16384xi32, #tpu.memory_space<vmem>>, vector<16xi32>,
      %mul3A_355 = arith.constant 128 : i32
      %mul3A_356 = arith.muli %scan3A_343, %mul3A_355 : i32
      %add3A_357 = arith.constant 16 : i32
      %add3A_358 = arith.addi %mul3A_356, %add3A_357 : i32
      %get3A_359 = arith.index_cast %add3A_358 : i32 to index
      %get3A_360 = tpu.vector_load %arg8[%get3A_359] {strides = array<i32>} : memref<16384xi32, #tpu.memory_space<vmem>>, vector<16xi32>,
      %ge3A_361 = vector.broadcast %mul3A_229 : i32 to vector<16xi32>
      %ge3A_362 = arith.cmpi sge, %get3A_360, %ge3A_361 : vector<16xi32>
      %lt3A_363 = vector.broadcast %add3A_231 : i32 to vector<16xi32>
      %lt3A_364 = arith.cmpi slt, %get3A_360, %lt3A_363 : vector<16xi32>
      %and3A_365 = arith.andi %ge3A_362, %lt3A_364 : vector<16xi1>
      %sub3A_366 = vector.broadcast %mul3A_229 : i32 to vector<16xi32>
      %sub3A_367 = arith.subi %get3A_360, %sub3A_366 : vector<16xi32>
      %jit3A_368 = arith.constant -1 : i32
      %broadcast_in_dim3A_369 = vector.broadcast %jit3A_368 : i32 to vector<16xi32>
      %select_n3A_370 = arith.select %and3A_365, %sub3A_367, %broadcast_in_dim3A_369 : vector<16xi1>, vector<16xi32>
      %swap3A_371 = arith.index_cast %add3A_358 : i32 to index
      %swap3A_372 = tpu.vector_load %arg9[%swap3A_371] {strides = array<i32>} : memref<16384xi32, #tpu.memory_space<vmem>>, vector<16xi32>,
      tpu.vector_store %arg9[%swap3A_371], %select_n3A_370 {strides = array<i32>} : memref<16384xi32, #tpu.memory_space<vmem>>, vector<16xi32>,
      %mul3A_373 = arith.constant 128 : i32
      %mul3A_374 = arith.muli %scan3A_343, %mul3A_373 : i32
      %add3A_375 = arith.constant 32 : i32
      %add3A_376 = arith.addi %mul3A_374, %add3A_375 : i32
      %get3A_377 = arith.index_cast %add3A_376 : i32 to index
      %get3A_378 = tpu.vector_load %arg8[%get3A_377] {strides = array<i32>} : memref<16384xi32, #tpu.memory_space<vmem>>, vector<16xi32>,
      %ge3A_379 = vector.broadcast %mul3A_229 : i32 to vector<16xi32>
      %ge3A_380 = arith.cmpi sge, %get3A_378, %ge3A_379 : vector<16xi32>
      %lt3A_381 = vector.broadcast %add3A_231 : i32 to vector<16xi32>
      %lt3A_382 = arith.cmpi slt, %get3A_378, %lt3A_381 : vector<16xi32>
      %and3A_383 = arith.andi %ge3A_380, %lt3A_382 : vector<16xi1>
      %sub3A_384 = vector.broadcast %mul3A_229 : i32 to vector<16xi32>
      %sub3A_385 = arith.subi %get3A_378, %sub3A_384 : vector<16xi32>
      %jit3A_386 = arith.constant -1 : i32
      %broadcast_in_dim3A_387 = vector.broadcast %jit3A_386 : i32 to vector<16xi32>
      %select_n3A_388 = arith.select %and3A_383, %sub3A_385, %broadcast_in_dim3A_387 : vector<16xi1>, vector<16xi32>
      %swap3A_389 = arith.index_cast %add3A_376 : i32 to index
      %swap3A_390 = tpu.vector_load %arg9[%swap3A_389] {strides = array<i32>} : memref<16384xi32, #tpu.memory_space<vmem>>, vector<16xi32>,
      tpu.vector_store %arg9[%swap3A_389], %select_n3A_388 {strides = array<i32>} : memref<16384xi32, #tpu.memory_space<vmem>>, vector<16xi32>,
      %mul3A_391 = arith.constant 128 : i32
      %mul3A_392 = arith.muli %scan3A_343, %mul3A_391 : i32
      %add3A_393 = arith.constant 48 : i32
      %add3A_394 = arith.addi %mul3A_392, %add3A_393 : i32
      %get3A_395 = arith.index_cast %add3A_394 : i32 to index
      %get3A_396 = tpu.vector_load %arg8[%get3A_395] {strides = array<i32>} : memref<16384xi32, #tpu.memory_space<vmem>>, vector<16xi32>,
      %ge3A_397 = vector.broadcast %mul3A_229 : i32 to vector<16xi32>
      %ge3A_398 = arith.cmpi sge, %get3A_396, %ge3A_397 : vector<16xi32>
      %lt3A_399 = vector.broadcast %add3A_231 : i32 to vector<16xi32>
      %lt3A_400 = arith.cmpi slt, %get3A_396, %lt3A_399 : vector<16xi32>
      %and3A_401 = arith.andi %ge3A_398, %lt3A_400 : vector<16xi1>
      %sub3A_402 = vector.broadcast %mul3A_229 : i32 to vector<16xi32>
      %sub3A_403 = arith.subi %get3A_396, %sub3A_402 : vector<16xi32>
      %jit3A_404 = arith.constant -1 : i32
      %broadcast_in_dim3A_405 = vector.broadcast %jit3A_404 : i32 to vector<16xi32>
      %select_n3A_406 = arith.select %and3A_401, %sub3A_403, %broadcast_in_dim3A_405 : vector<16xi1>, vector<16xi32>
      %swap3A_407 = arith.index_cast %add3A_394 : i32 to index
      %swap3A_408 = tpu.vector_load %arg9[%swap3A_407] {strides = array<i32>} : memref<16384xi32, #tpu.memory_space<vmem>>, vector<16xi32>,
      tpu.vector_store %arg9[%swap3A_407], %select_n3A_406 {strides = array<i32>} : memref<16384xi32, #tpu.memory_space<vmem>>, vector<16xi32>,
      %mul3A_409 = arith.constant 128 : i32
      %mul3A_410 = arith.muli %scan3A_343, %mul3A_409 : i32
      %add3A_411 = arith.constant 64 : i32
      %add3A_412 = arith.addi %mul3A_410, %add3A_411 : i32
      %get3A_413 = arith.index_cast %add3A_412 : i32 to index
      %get3A_414 = tpu.vector_load %arg8[%get3A_413] {strides = array<i32>} : memref<16384xi32, #tpu.memory_space<vmem>>, vector<16xi32>,
      %ge3A_415 = vector.broadcast %mul3A_229 : i32 to vector<16xi32>
      %ge3A_416 = arith.cmpi sge, %get3A_414, %ge3A_415 : vector<16xi32>
      %lt3A_417 = vector.broadcast %add3A_231 : i32 to vector<16xi32>
      %lt3A_418 = arith.cmpi slt, %get3A_414, %lt3A_417 : vector<16xi32>
      %and3A_419 = arith.andi %ge3A_416, %lt3A_418 : vector<16xi1>
      %sub3A_420 = vector.broadcast %mul3A_229 : i32 to vector<16xi32>
      %sub3A_421 = arith.subi %get3A_414, %sub3A_420 : vector<16xi32>
      %jit3A_422 = arith.constant -1 : i32
      %broadcast_in_dim3A_423 = vector.broadcast %jit3A_422 : i32 to vector<16xi32>
      %select_n3A_424 = arith.select %and3A_419, %sub3A_421, %broadcast_in_dim3A_423 : vector<16xi1>, vector<16xi32>
      %swap3A_425 = arith.index_cast %add3A_412 : i32 to index
      %swap3A_426 = tpu.vector_load %arg9[%swap3A_425] {strides = array<i32>} : memref<16384xi32, #tpu.memory_space<vmem>>, vector<16xi32>,
      tpu.vector_store %arg9[%swap3A_425], %select_n3A_424 {strides = array<i32>} : memref<16384xi32, #tpu.memory_space<vmem>>, vector<16xi32>,
      %mul3A_427 = arith.constant 128 : i32
      %mul3A_428 = arith.muli %scan3A_343, %mul3A_427 : i32
      %add3A_429 = arith.constant 80 : i32
      %add3A_430 = arith.addi %mul3A_428, %add3A_429 : i32
      %get3A_431 = arith.index_cast %add3A_430 : i32 to index
      %get3A_432 = tpu.vector_load %arg8[%get3A_431] {strides = array<i32>} : memref<16384xi32, #tpu.memory_space<vmem>>, vector<16xi32>,
      %ge3A_433 = vector.broadcast %mul3A_229 : i32 to vector<16xi32>
      %ge3A_434 = arith.cmpi sge, %get3A_432, %ge3A_433 : vector<16xi32>
      %lt3A_435 = vector.broadcast %add3A_231 : i32 to vector<16xi32>
      %lt3A_436 = arith.cmpi slt, %get3A_432, %lt3A_435 : vector<16xi32>
      %and3A_437 = arith.andi %ge3A_434, %lt3A_436 : vector<16xi1>
      %sub3A_438 = vector.broadcast %mul3A_229 : i32 to vector<16xi32>
      %sub3A_439 = arith.subi %get3A_432, %sub3A_438 : vector<16xi32>
      %jit3A_440 = arith.constant -1 : i32
      %broadcast_in_dim3A_441 = vector.broadcast %jit3A_440 : i32 to vector<16xi32>
      %select_n3A_442 = arith.select %and3A_437, %sub3A_439, %broadcast_in_dim3A_441 : vector<16xi1>, vector<16xi32>
      %swap3A_443 = arith.index_cast %add3A_430 : i32 to index
      %swap3A_444 = tpu.vector_load %arg9[%swap3A_443] {strides = array<i32>} : memref<16384xi32, #tpu.memory_space<vmem>>, vector<16xi32>,
      tpu.vector_store %arg9[%swap3A_443], %select_n3A_442 {strides = array<i32>} : memref<16384xi32, #tpu.memory_space<vmem>>, vector<16xi32>,
      %mul3A_445 = arith.constant 128 : i32
      %mul3A_446 = arith.muli %scan3A_343, %mul3A_445 : i32
      %add3A_447 = arith.constant 96 : i32
      %add3A_448 = arith.addi %mul3A_446, %add3A_447 : i32
      %get3A_449 = arith.index_cast %add3A_448 : i32 to index
      %get3A_450 = tpu.vector_load %arg8[%get3A_449] {strides = array<i32>} : memref<16384xi32, #tpu.memory_space<vmem>>, vector<16xi32>,
      %ge3A_451 = vector.broadcast %mul3A_229 : i32 to vector<16xi32>
      %ge3A_452 = arith.cmpi sge, %get3A_450, %ge3A_451 : vector<16xi32>
      %lt3A_453 = vector.broadcast %add3A_231 : i32 to vector<16xi32>
      %lt3A_454 = arith.cmpi slt, %get3A_450, %lt3A_453 : vector<16xi32>
      %and3A_455 = arith.andi %ge3A_452, %lt3A_454 : vector<16xi1>
      %sub3A_456 = vector.broadcast %mul3A_229 : i32 to vector<16xi32>
      %sub3A_457 = arith.subi %get3A_450, %sub3A_456 : vector<16xi32>
      %jit3A_458 = arith.constant -1 : i32
      %broadcast_in_dim3A_459 = vector.broadcast %jit3A_458 : i32 to vector<16xi32>
      %select_n3A_460 = arith.select %and3A_455, %sub3A_457, %broadcast_in_dim3A_459 : vector<16xi1>, vector<16xi32>
      %swap3A_461 = arith.index_cast %add3A_448 : i32 to index
      %swap3A_462 = tpu.vector_load %arg9[%swap3A_461] {strides = array<i32>} : memref<16384xi32, #tpu.memory_space<vmem>>, vector<16xi32>,
      tpu.vector_store %arg9[%swap3A_461], %select_n3A_460 {strides = array<i32>} : memref<16384xi32, #tpu.memory_space<vmem>>, vector<16xi32>,
      %mul3A_463 = arith.constant 128 : i32
      %mul3A_464 = arith.muli %scan3A_343, %mul3A_463 : i32
      %add3A_465 = arith.constant 112 : i32
      %add3A_466 = arith.addi %mul3A_464, %add3A_465 : i32
      %get3A_467 = arith.index_cast %add3A_466 : i32 to index
      %get3A_468 = tpu.vector_load %arg8[%get3A_467] {strides = array<i32>} : memref<16384xi32, #tpu.memory_space<vmem>>, vector<16xi32>,
      %ge3A_469 = vector.broadcast %mul3A_229 : i32 to vector<16xi32>
      %ge3A_470 = arith.cmpi sge, %get3A_468, %ge3A_469 : vector<16xi32>
      %lt3A_471 = vector.broadcast %add3A_231 : i32 to vector<16xi32>
      %lt3A_472 = arith.cmpi slt, %get3A_468, %lt3A_471 : vector<16xi32>
      %and3A_473 = arith.andi %ge3A_470, %lt3A_472 : vector<16xi1>
      %sub3A_474 = vector.broadcast %mul3A_229 : i32 to vector<16xi32>
      %sub3A_475 = arith.subi %get3A_468, %sub3A_474 : vector<16xi32>
      %jit3A_476 = arith.constant -1 : i32
      %broadcast_in_dim3A_477 = vector.broadcast %jit3A_476 : i32 to vector<16xi32>
      %select_n3A_478 = arith.select %and3A_473, %sub3A_475, %broadcast_in_dim3A_477 : vector<16xi1>, vector<16xi32>
      %swap3A_479 = arith.index_cast %add3A_466 : i32 to index
      %swap3A_480 = tpu.vector_load %arg9[%swap3A_479] {strides = array<i32>} : memref<16384xi32, #tpu.memory_space<vmem>>, vector<16xi32>,
      tpu.vector_store %arg9[%swap3A_479], %select_n3A_478 {strides = array<i32>} : memref<16384xi32, #tpu.memory_space<vmem>>, vector<16xi32>,
      %scan3A_481 = arith.constant 0 : i32
      scf.yield %scan3A_481 : i32
    }
    %scan3A_255 = arith.constant 128 : i32
    "tpu.region"() ({
      %run_scoped3A_343 = tpu.sem_alloc : memref<!tpu.dma_semaphore, #tpu.memory_space<semaphore_mem>>
      %dma_start3A = arith.constant 0 : i32
      %dma_start3A_344 = tpu.memref_slice %arg6[%dma_start3A] : memref<524288xf32, #tpu.memory_space<vmem_shared>> -> memref<524288xf32, #tpu.memory_space<vmem_shared>>
      %dma_start3A_345 = arith.constant -1 : i32
      tpu.enqueue_indirect_dma source(%arg10 : memref<16384xf32, #tpu.memory_space<vmem>>) target(%dma_start3A_344 : memref<524288xf32, #tpu.memory_space<vmem_shared>>) offsets(%arg9 : memref<16384xi32, #tpu.memory_space<vmem>>) offset_filter(%dma_start3A_345) semaphore(%run_scoped3A_343 : memref<!tpu.dma_semaphore, #tpu.memory_space<semaphore_mem>>) {add = true}
      %dma_wait3A = arith.constant 0 : i32
      %dma_wait3A_346 = tpu.memref_slice %arg6[%dma_wait3A] : memref<524288xf32, #tpu.memory_space<vmem_shared>> -> memref<524288xf32, #tpu.memory_space<vmem_shared>>
      tpu.wait_indirect_dma semaphore(%run_scoped3A_343 : memref<!tpu.dma_semaphore, #tpu.memory_space<semaphore_mem>>) src(%arg10 : memref<16384xf32, #tpu.memory_space<vmem>>) dst(%dma_wait3A_346 : memref<524288xf32, #tpu.memory_space<vmem_shared>>)
      tpu.yield
    }) : () -> ()
    %barrier3A_256 = arith.constant 0 : index
    tpu.barrier barrier_id(%barrier3A_256)
    %mul3A_257 = arith.constant 32768 : i32
    %mul3A_258 = arith.muli %arg1, %mul3A_257 : i32
    %mul3A_259 = arith.constant 524288 : i32
    %mul3A_260 = arith.muli %add3A_227, %mul3A_259 : i32
    %mul3A_261 = arith.constant 32768 : i32
    %mul3A_262 = arith.muli %arg1, %mul3A_261 : i32
    %add3A_263 = arith.addi %mul3A_260, %mul3A_262 : i32
    "tpu.region"() ({
      %run_scoped3A_343 = tpu.sem_alloc : memref<!tpu.dma_semaphore, #tpu.memory_space<semaphore_mem>>
      %dma_start3A = tpu.memref_slice %arg5[%add3A_263] : memref<4194304xf32, #tpu.memory_space<hbm>> -> memref<32768xf32, #tpu.memory_space<hbm>>
      %dma_start3A_344 = tpu.memref_slice %arg6[%mul3A_258] : memref<524288xf32, #tpu.memory_space<vmem_shared>> -> memref<32768xf32, #tpu.memory_space<vmem_shared>>
      tpu.enqueue_dma source(%dma_start3A_344 : memref<32768xf32, #tpu.memory_space<vmem_shared>>) target(%dma_start3A : memref<32768xf32, #tpu.memory_space<hbm>>) target_semaphore(%run_scoped3A_343 : memref<!tpu.dma_semaphore, #tpu.memory_space<semaphore_mem>>)
      %dma_wait3A = tpu.memref_slice %arg5[%add3A_263] : memref<4194304xf32, #tpu.memory_space<hbm>> -> memref<32768xf32, #tpu.memory_space<hbm>>
      %dma_wait3A_345 = tpu.memref_slice %arg6[%mul3A_258] : memref<524288xf32, #tpu.memory_space<vmem_shared>> -> memref<32768xf32, #tpu.memory_space<vmem_shared>>
      tpu.wait_dma2 semaphore(%run_scoped3A_343 : memref<!tpu.dma_semaphore, #tpu.memory_space<semaphore_mem>>) src(%dma_wait3A_345 : memref<32768xf32, #tpu.memory_space<vmem_shared>>) dst(%dma_wait3A : memref<32768xf32, #tpu.memory_space<hbm>>)
      tpu.yield
    }) : () -> ()
    %barrier3A_264 = arith.constant 0 : index
    tpu.barrier barrier_id(%barrier3A_264)
    %add3A_265 = arith.constant 4 : i32
    %add3A_266 = arith.addi %add3A_265, %arg0 : i32
    %mul3A_267 = arith.constant 524288 : i32
    %mul3A_268 = arith.muli %add3A_266, %mul3A_267 : i32
    %add3A_269 = arith.constant 524288 : i32
    %add3A_270 = arith.addi %mul3A_268, %add3A_269 : i32
    %mul3A_271 = arith.constant 32768 : i32
    %mul3A_272 = arith.muli %arg1, %mul3A_271 : i32
    %add3A_273 = arith.constant 0 : i32
    %add3A_274 = arith.addi %mul3A_272, %add3A_273 : i32
    "tpu.region"() ({
      %run_scoped3A_343 = tpu.sem_alloc : memref<!tpu.dma_semaphore, #tpu.memory_space<semaphore_mem>>
      %dma_start3A = tpu.memref_slice %arg6[%add3A_274] : memref<524288xf32, #tpu.memory_space<vmem_shared>> -> memref<8192xf32, #tpu.memory_space<vmem_shared>>
      %dma_start3A_344 = tpu.memref_slice %arg6[%add3A_274] : memref<524288xf32, #tpu.memory_space<vmem_shared>> -> memref<8192xf32, #tpu.memory_space<vmem_shared>>
      tpu.enqueue_dma source(%arg11 : memref<8192xf32, #tpu.memory_space<vmem>>) target(%dma_start3A_344 : memref<8192xf32, #tpu.memory_space<vmem_shared>>) target_semaphore(%run_scoped3A_343 : memref<!tpu.dma_semaphore, #tpu.memory_space<semaphore_mem>>)
      %dma_wait3A = tpu.memref_slice %arg6[%add3A_274] : memref<524288xf32, #tpu.memory_space<vmem_shared>> -> memref<8192xf32, #tpu.memory_space<vmem_shared>>
      %dma_wait3A_345 = tpu.memref_slice %arg6[%add3A_274] : memref<524288xf32, #tpu.memory_space<vmem_shared>> -> memref<8192xf32, #tpu.memory_space<vmem_shared>>
      tpu.wait_dma2 semaphore(%run_scoped3A_343 : memref<!tpu.dma_semaphore, #tpu.memory_space<semaphore_mem>>) src(%arg11 : memref<8192xf32, #tpu.memory_space<vmem>>) dst(%dma_wait3A_345 : memref<8192xf32, #tpu.memory_space<vmem_shared>>)
      tpu.yield
    }) : () -> ()
    %mul3A_275 = arith.constant 32768 : i32
    %mul3A_276 = arith.muli %arg1, %mul3A_275 : i32
    %add3A_277 = arith.constant 8192 : i32
    %add3A_278 = arith.addi %mul3A_276, %add3A_277 : i32
    "tpu.region"() ({
      %run_scoped3A_343 = tpu.sem_alloc : memref<!tpu.dma_semaphore, #tpu.memory_space<semaphore_mem>>
      %dma_start3A = tpu.memref_slice %arg6[%add3A_278] : memref<524288xf32, #tpu.memory_space<vmem_shared>> -> memref<8192xf32, #tpu.memory_space<vmem_shared>>
      %dma_start3A_344 = tpu.memref_slice %arg6[%add3A_278] : memref<524288xf32, #tpu.memory_space<vmem_shared>> -> memref<8192xf32, #tpu.memory_space<vmem_shared>>
      tpu.enqueue_dma source(%arg11 : memref<8192xf32, #tpu.memory_space<vmem>>) target(%dma_start3A_344 : memref<8192xf32, #tpu.memory_space<vmem_shared>>) target_semaphore(%run_scoped3A_343 : memref<!tpu.dma_semaphore, #tpu.memory_space<semaphore_mem>>)
      %dma_wait3A = tpu.memref_slice %arg6[%add3A_278] : memref<524288xf32, #tpu.memory_space<vmem_shared>> -> memref<8192xf32, #tpu.memory_space<vmem_shared>>
      %dma_wait3A_345 = tpu.memref_slice %arg6[%add3A_278] : memref<524288xf32, #tpu.memory_space<vmem_shared>> -> memref<8192xf32, #tpu.memory_space<vmem_shared>>
      tpu.wait_dma2 semaphore(%run_scoped3A_343 : memref<!tpu.dma_semaphore, #tpu.memory_space<semaphore_mem>>) src(%arg11 : memref<8192xf32, #tpu.memory_space<vmem>>) dst(%dma_wait3A_345 : memref<8192xf32, #tpu.memory_space<vmem_shared>>)
      tpu.yield
    }) : () -> ()
    %mul3A_279 = arith.constant 32768 : i32
    %mul3A_280 = arith.muli %arg1, %mul3A_279 : i32
    %add3A_281 = arith.constant 16384 : i32
    %add3A_282 = arith.addi %mul3A_280, %add3A_281 : i32
    "tpu.region"() ({
      %run_scoped3A_343 = tpu.sem_alloc : memref<!tpu.dma_semaphore, #tpu.memory_space<semaphore_mem>>
      %dma_start3A = tpu.memref_slice %arg6[%add3A_282] : memref<524288xf32, #tpu.memory_space<vmem_shared>> -> memref<8192xf32, #tpu.memory_space<vmem_shared>>
      %dma_start3A_344 = tpu.memref_slice %arg6[%add3A_282] : memref<524288xf32, #tpu.memory_space<vmem_shared>> -> memref<8192xf32, #tpu.memory_space<vmem_shared>>
      tpu.enqueue_dma source(%arg11 : memref<8192xf32, #tpu.memory_space<vmem>>) target(%dma_start3A_344 : memref<8192xf32, #tpu.memory_space<vmem_shared>>) target_semaphore(%run_scoped3A_343 : memref<!tpu.dma_semaphore, #tpu.memory_space<semaphore_mem>>)
      %dma_wait3A = tpu.memref_slice %arg6[%add3A_282] : memref<524288xf32, #tpu.memory_space<vmem_shared>> -> memref<8192xf32, #tpu.memory_space<vmem_shared>>
      %dma_wait3A_345 = tpu.memref_slice %arg6[%add3A_282] : memref<524288xf32, #tpu.memory_space<vmem_shared>> -> memref<8192xf32, #tpu.memory_space<vmem_shared>>
      tpu.wait_dma2 semaphore(%run_scoped3A_343 : memref<!tpu.dma_semaphore, #tpu.memory_space<semaphore_mem>>) src(%arg11 : memref<8192xf32, #tpu.memory_space<vmem>>) dst(%dma_wait3A_345 : memref<8192xf32, #tpu.memory_space<vmem_shared>>)
      tpu.yield
    }) : () -> ()
    %mul3A_283 = arith.constant 32768 : i32
    %mul3A_284 = arith.muli %arg1, %mul3A_283 : i32
    %add3A_285 = arith.constant 24576 : i32
    %add3A_286 = arith.addi %mul3A_284, %add3A_285 : i32
    "tpu.region"() ({
      %run_scoped3A_343 = tpu.sem_alloc : memref<!tpu.dma_semaphore, #tpu.memory_space<semaphore_mem>>
      %dma_start3A = tpu.memref_slice %arg6[%add3A_286] : memref<524288xf32, #tpu.memory_space<vmem_shared>> -> memref<8192xf32, #tpu.memory_space<vmem_shared>>
      %dma_start3A_344 = tpu.memref_slice %arg6[%add3A_286] : memref<524288xf32, #tpu.memory_space<vmem_shared>> -> memref<8192xf32, #tpu.memory_space<vmem_shared>>
      tpu.enqueue_dma source(%arg11 : memref<8192xf32, #tpu.memory_space<vmem>>) target(%dma_start3A_344 : memref<8192xf32, #tpu.memory_space<vmem_shared>>) target_semaphore(%run_scoped3A_343 : memref<!tpu.dma_semaphore, #tpu.memory_space<semaphore_mem>>)
      %dma_wait3A = tpu.memref_slice %arg6[%add3A_286] : memref<524288xf32, #tpu.memory_space<vmem_shared>> -> memref<8192xf32, #tpu.memory_space<vmem_shared>>
      %dma_wait3A_345 = tpu.memref_slice %arg6[%add3A_286] : memref<524288xf32, #tpu.memory_space<vmem_shared>> -> memref<8192xf32, #tpu.memory_space<vmem_shared>>
      tpu.wait_dma2 semaphore(%run_scoped3A_343 : memref<!tpu.dma_semaphore, #tpu.memory_space<semaphore_mem>>) src(%arg11 : memref<8192xf32, #tpu.memory_space<vmem>>) dst(%dma_wait3A_345 : memref<8192xf32, #tpu.memory_space<vmem_shared>>)
      tpu.yield
    }) : () -> ()
    %barrier3A_287 = arith.constant 0 : index
    tpu.barrier barrier_id(%barrier3A_287)
    %scan3A_288 = arith.constant 0 : i32
    %scan3A_289 = arith.constant 0 : i32
    %scan3A_290 = arith.constant 128 : i32
    %scan3A_291 = arith.addi %scan3A_289, %scan3A_290 : i32
    %scan3A_292 = arith.constant 1 : i32
    %scan3A_293 = scf.for %scan3A_343 = %scan3A_289 to %scan3A_291 step %scan3A_292 iter_args(%scan3A_344 = %scan3A_288) -> (i32)  : i32 {
      %mul3A_345 = arith.constant 128 : i32
      %mul3A_346 = arith.muli %scan3A_343, %mul3A_345 : i32
      %add3A_347 = arith.constant 0 : i32
      %add3A_348 = arith.addi %mul3A_346, %add3A_347 : i32
      %get3A = arith.index_cast %add3A_348 : i32 to index
      %get3A_349 = tpu.vector_load %arg8[%get3A] {strides = array<i32>} : memref<16384xi32, #tpu.memory_space<vmem>>, vector<16xi32>,
      %ge3A = vector.broadcast %mul3A_268 : i32 to vector<16xi32>
      %ge3A_350 = arith.cmpi sge, %get3A_349, %ge3A : vector<16xi32>
      %lt3A = vector.broadcast %add3A_270 : i32 to vector<16xi32>
      %lt3A_351 = arith.cmpi slt, %get3A_349, %lt3A : vector<16xi32>
      %and3A = arith.andi %ge3A_350, %lt3A_351 : vector<16xi1>
      %sub3A = vector.broadcast %mul3A_268 : i32 to vector<16xi32>
      %sub3A_352 = arith.subi %get3A_349, %sub3A : vector<16xi32>
      %jit3A = arith.constant -1 : i32
      %broadcast_in_dim3A_353 = vector.broadcast %jit3A : i32 to vector<16xi32>
      %select_n3A = arith.select %and3A, %sub3A_352, %broadcast_in_dim3A_353 : vector<16xi1>, vector<16xi32>
      %swap3A = arith.index_cast %add3A_348 : i32 to index
      %swap3A_354 = tpu.vector_load %arg9[%swap3A] {strides = array<i32>} : memref<16384xi32, #tpu.memory_space<vmem>>, vector<16xi32>,
      tpu.vector_store %arg9[%swap3A], %select_n3A {strides = array<i32>} : memref<16384xi32, #tpu.memory_space<vmem>>, vector<16xi32>,
      %mul3A_355 = arith.constant 128 : i32
      %mul3A_356 = arith.muli %scan3A_343, %mul3A_355 : i32
      %add3A_357 = arith.constant 16 : i32
      %add3A_358 = arith.addi %mul3A_356, %add3A_357 : i32
      %get3A_359 = arith.index_cast %add3A_358 : i32 to index
      %get3A_360 = tpu.vector_load %arg8[%get3A_359] {strides = array<i32>} : memref<16384xi32, #tpu.memory_space<vmem>>, vector<16xi32>,
      %ge3A_361 = vector.broadcast %mul3A_268 : i32 to vector<16xi32>
      %ge3A_362 = arith.cmpi sge, %get3A_360, %ge3A_361 : vector<16xi32>
      %lt3A_363 = vector.broadcast %add3A_270 : i32 to vector<16xi32>
      %lt3A_364 = arith.cmpi slt, %get3A_360, %lt3A_363 : vector<16xi32>
      %and3A_365 = arith.andi %ge3A_362, %lt3A_364 : vector<16xi1>
      %sub3A_366 = vector.broadcast %mul3A_268 : i32 to vector<16xi32>
      %sub3A_367 = arith.subi %get3A_360, %sub3A_366 : vector<16xi32>
      %jit3A_368 = arith.constant -1 : i32
      %broadcast_in_dim3A_369 = vector.broadcast %jit3A_368 : i32 to vector<16xi32>
      %select_n3A_370 = arith.select %and3A_365, %sub3A_367, %broadcast_in_dim3A_369 : vector<16xi1>, vector<16xi32>
      %swap3A_371 = arith.index_cast %add3A_358 : i32 to index
      %swap3A_372 = tpu.vector_load %arg9[%swap3A_371] {strides = array<i32>} : memref<16384xi32, #tpu.memory_space<vmem>>, vector<16xi32>,
      tpu.vector_store %arg9[%swap3A_371], %select_n3A_370 {strides = array<i32>} : memref<16384xi32, #tpu.memory_space<vmem>>, vector<16xi32>,
      %mul3A_373 = arith.constant 128 : i32
      %mul3A_374 = arith.muli %scan3A_343, %mul3A_373 : i32
      %add3A_375 = arith.constant 32 : i32
      %add3A_376 = arith.addi %mul3A_374, %add3A_375 : i32
      %get3A_377 = arith.index_cast %add3A_376 : i32 to index
      %get3A_378 = tpu.vector_load %arg8[%get3A_377] {strides = array<i32>} : memref<16384xi32, #tpu.memory_space<vmem>>, vector<16xi32>,
      %ge3A_379 = vector.broadcast %mul3A_268 : i32 to vector<16xi32>
      %ge3A_380 = arith.cmpi sge, %get3A_378, %ge3A_379 : vector<16xi32>
      %lt3A_381 = vector.broadcast %add3A_270 : i32 to vector<16xi32>
      %lt3A_382 = arith.cmpi slt, %get3A_378, %lt3A_381 : vector<16xi32>
      %and3A_383 = arith.andi %ge3A_380, %lt3A_382 : vector<16xi1>
      %sub3A_384 = vector.broadcast %mul3A_268 : i32 to vector<16xi32>
      %sub3A_385 = arith.subi %get3A_378, %sub3A_384 : vector<16xi32>
      %jit3A_386 = arith.constant -1 : i32
      %broadcast_in_dim3A_387 = vector.broadcast %jit3A_386 : i32 to vector<16xi32>
      %select_n3A_388 = arith.select %and3A_383, %sub3A_385, %broadcast_in_dim3A_387 : vector<16xi1>, vector<16xi32>
      %swap3A_389 = arith.index_cast %add3A_376 : i32 to index
      %swap3A_390 = tpu.vector_load %arg9[%swap3A_389] {strides = array<i32>} : memref<16384xi32, #tpu.memory_space<vmem>>, vector<16xi32>,
      tpu.vector_store %arg9[%swap3A_389], %select_n3A_388 {strides = array<i32>} : memref<16384xi32, #tpu.memory_space<vmem>>, vector<16xi32>,
      %mul3A_391 = arith.constant 128 : i32
      %mul3A_392 = arith.muli %scan3A_343, %mul3A_391 : i32
      %add3A_393 = arith.constant 48 : i32
      %add3A_394 = arith.addi %mul3A_392, %add3A_393 : i32
      %get3A_395 = arith.index_cast %add3A_394 : i32 to index
      %get3A_396 = tpu.vector_load %arg8[%get3A_395] {strides = array<i32>} : memref<16384xi32, #tpu.memory_space<vmem>>, vector<16xi32>,
      %ge3A_397 = vector.broadcast %mul3A_268 : i32 to vector<16xi32>
      %ge3A_398 = arith.cmpi sge, %get3A_396, %ge3A_397 : vector<16xi32>
      %lt3A_399 = vector.broadcast %add3A_270 : i32 to vector<16xi32>
      %lt3A_400 = arith.cmpi slt, %get3A_396, %lt3A_399 : vector<16xi32>
      %and3A_401 = arith.andi %ge3A_398, %lt3A_400 : vector<16xi1>
      %sub3A_402 = vector.broadcast %mul3A_268 : i32 to vector<16xi32>
      %sub3A_403 = arith.subi %get3A_396, %sub3A_402 : vector<16xi32>
      %jit3A_404 = arith.constant -1 : i32
      %broadcast_in_dim3A_405 = vector.broadcast %jit3A_404 : i32 to vector<16xi32>
      %select_n3A_406 = arith.select %and3A_401, %sub3A_403, %broadcast_in_dim3A_405 : vector<16xi1>, vector<16xi32>
      %swap3A_407 = arith.index_cast %add3A_394 : i32 to index
      %swap3A_408 = tpu.vector_load %arg9[%swap3A_407] {strides = array<i32>} : memref<16384xi32, #tpu.memory_space<vmem>>, vector<16xi32>,
      tpu.vector_store %arg9[%swap3A_407], %select_n3A_406 {strides = array<i32>} : memref<16384xi32, #tpu.memory_space<vmem>>, vector<16xi32>,
      %mul3A_409 = arith.constant 128 : i32
      %mul3A_410 = arith.muli %scan3A_343, %mul3A_409 : i32
      %add3A_411 = arith.constant 64 : i32
      %add3A_412 = arith.addi %mul3A_410, %add3A_411 : i32
      %get3A_413 = arith.index_cast %add3A_412 : i32 to index
      %get3A_414 = tpu.vector_load %arg8[%get3A_413] {strides = array<i32>} : memref<16384xi32, #tpu.memory_space<vmem>>, vector<16xi32>,
      %ge3A_415 = vector.broadcast %mul3A_268 : i32 to vector<16xi32>
      %ge3A_416 = arith.cmpi sge, %get3A_414, %ge3A_415 : vector<16xi32>
      %lt3A_417 = vector.broadcast %add3A_270 : i32 to vector<16xi32>
      %lt3A_418 = arith.cmpi slt, %get3A_414, %lt3A_417 : vector<16xi32>
      %and3A_419 = arith.andi %ge3A_416, %lt3A_418 : vector<16xi1>
      %sub3A_420 = vector.broadcast %mul3A_268 : i32 to vector<16xi32>
      %sub3A_421 = arith.subi %get3A_414, %sub3A_420 : vector<16xi32>
      %jit3A_422 = arith.constant -1 : i32
      %broadcast_in_dim3A_423 = vector.broadcast %jit3A_422 : i32 to vector<16xi32>
      %select_n3A_424 = arith.select %and3A_419, %sub3A_421, %broadcast_in_dim3A_423 : vector<16xi1>, vector<16xi32>
      %swap3A_425 = arith.index_cast %add3A_412 : i32 to index
      %swap3A_426 = tpu.vector_load %arg9[%swap3A_425] {strides = array<i32>} : memref<16384xi32, #tpu.memory_space<vmem>>, vector<16xi32>,
      tpu.vector_store %arg9[%swap3A_425], %select_n3A_424 {strides = array<i32>} : memref<16384xi32, #tpu.memory_space<vmem>>, vector<16xi32>,
      %mul3A_427 = arith.constant 128 : i32
      %mul3A_428 = arith.muli %scan3A_343, %mul3A_427 : i32
      %add3A_429 = arith.constant 80 : i32
      %add3A_430 = arith.addi %mul3A_428, %add3A_429 : i32
      %get3A_431 = arith.index_cast %add3A_430 : i32 to index
      %get3A_432 = tpu.vector_load %arg8[%get3A_431] {strides = array<i32>} : memref<16384xi32, #tpu.memory_space<vmem>>, vector<16xi32>,
      %ge3A_433 = vector.broadcast %mul3A_268 : i32 to vector<16xi32>
      %ge3A_434 = arith.cmpi sge, %get3A_432, %ge3A_433 : vector<16xi32>
      %lt3A_435 = vector.broadcast %add3A_270 : i32 to vector<16xi32>
      %lt3A_436 = arith.cmpi slt, %get3A_432, %lt3A_435 : vector<16xi32>
      %and3A_437 = arith.andi %ge3A_434, %lt3A_436 : vector<16xi1>
      %sub3A_438 = vector.broadcast %mul3A_268 : i32 to vector<16xi32>
      %sub3A_439 = arith.subi %get3A_432, %sub3A_438 : vector<16xi32>
      %jit3A_440 = arith.constant -1 : i32
      %broadcast_in_dim3A_441 = vector.broadcast %jit3A_440 : i32 to vector<16xi32>
      %select_n3A_442 = arith.select %and3A_437, %sub3A_439, %broadcast_in_dim3A_441 : vector<16xi1>, vector<16xi32>
      %swap3A_443 = arith.index_cast %add3A_430 : i32 to index
      %swap3A_444 = tpu.vector_load %arg9[%swap3A_443] {strides = array<i32>} : memref<16384xi32, #tpu.memory_space<vmem>>, vector<16xi32>,
      tpu.vector_store %arg9[%swap3A_443], %select_n3A_442 {strides = array<i32>} : memref<16384xi32, #tpu.memory_space<vmem>>, vector<16xi32>,
      %mul3A_445 = arith.constant 128 : i32
      %mul3A_446 = arith.muli %scan3A_343, %mul3A_445 : i32
      %add3A_447 = arith.constant 96 : i32
      %add3A_448 = arith.addi %mul3A_446, %add3A_447 : i32
      %get3A_449 = arith.index_cast %add3A_448 : i32 to index
      %get3A_450 = tpu.vector_load %arg8[%get3A_449] {strides = array<i32>} : memref<16384xi32, #tpu.memory_space<vmem>>, vector<16xi32>,
      %ge3A_451 = vector.broadcast %mul3A_268 : i32 to vector<16xi32>
      %ge3A_452 = arith.cmpi sge, %get3A_450, %ge3A_451 : vector<16xi32>
      %lt3A_453 = vector.broadcast %add3A_270 : i32 to vector<16xi32>
      %lt3A_454 = arith.cmpi slt, %get3A_450, %lt3A_453 : vector<16xi32>
      %and3A_455 = arith.andi %ge3A_452, %lt3A_454 : vector<16xi1>
      %sub3A_456 = vector.broadcast %mul3A_268 : i32 to vector<16xi32>
      %sub3A_457 = arith.subi %get3A_450, %sub3A_456 : vector<16xi32>
      %jit3A_458 = arith.constant -1 : i32
      %broadcast_in_dim3A_459 = vector.broadcast %jit3A_458 : i32 to vector<16xi32>
      %select_n3A_460 = arith.select %and3A_455, %sub3A_457, %broadcast_in_dim3A_459 : vector<16xi1>, vector<16xi32>
      %swap3A_461 = arith.index_cast %add3A_448 : i32 to index
      %swap3A_462 = tpu.vector_load %arg9[%swap3A_461] {strides = array<i32>} : memref<16384xi32, #tpu.memory_space<vmem>>, vector<16xi32>,
      tpu.vector_store %arg9[%swap3A_461], %select_n3A_460 {strides = array<i32>} : memref<16384xi32, #tpu.memory_space<vmem>>, vector<16xi32>,
      %mul3A_463 = arith.constant 128 : i32
      %mul3A_464 = arith.muli %scan3A_343, %mul3A_463 : i32
      %add3A_465 = arith.constant 112 : i32
      %add3A_466 = arith.addi %mul3A_464, %add3A_465 : i32
      %get3A_467 = arith.index_cast %add3A_466 : i32 to index
      %get3A_468 = tpu.vector_load %arg8[%get3A_467] {strides = array<i32>} : memref<16384xi32, #tpu.memory_space<vmem>>, vector<16xi32>,
      %ge3A_469 = vector.broadcast %mul3A_268 : i32 to vector<16xi32>
      %ge3A_470 = arith.cmpi sge, %get3A_468, %ge3A_469 : vector<16xi32>
      %lt3A_471 = vector.broadcast %add3A_270 : i32 to vector<16xi32>
      %lt3A_472 = arith.cmpi slt, %get3A_468, %lt3A_471 : vector<16xi32>
      %and3A_473 = arith.andi %ge3A_470, %lt3A_472 : vector<16xi1>
      %sub3A_474 = vector.broadcast %mul3A_268 : i32 to vector<16xi32>
      %sub3A_475 = arith.subi %get3A_468, %sub3A_474 : vector<16xi32>
      %jit3A_476 = arith.constant -1 : i32
      %broadcast_in_dim3A_477 = vector.broadcast %jit3A_476 : i32 to vector<16xi32>
      %select_n3A_478 = arith.select %and3A_473, %sub3A_475, %broadcast_in_dim3A_477 : vector<16xi1>, vector<16xi32>
      %swap3A_479 = arith.index_cast %add3A_466 : i32 to index
      %swap3A_480 = tpu.vector_load %arg9[%swap3A_479] {strides = array<i32>} : memref<16384xi32, #tpu.memory_space<vmem>>, vector<16xi32>,
      tpu.vector_store %arg9[%swap3A_479], %select_n3A_478 {strides = array<i32>} : memref<16384xi32, #tpu.memory_space<vmem>>, vector<16xi32>,
      %scan3A_481 = arith.constant 0 : i32
      scf.yield %scan3A_481 : i32
    }
    %scan3A_294 = arith.constant 128 : i32
    "tpu.region"() ({
      %run_scoped3A_343 = tpu.sem_alloc : memref<!tpu.dma_semaphore, #tpu.memory_space<semaphore_mem>>
      %dma_start3A = arith.constant 0 : i32
      %dma_start3A_344 = tpu.memref_slice %arg6[%dma_start3A] : memref<524288xf32, #tpu.memory_space<vmem_shared>> -> memref<524288xf32, #tpu.memory_space<vmem_shared>>
      %dma_start3A_345 = arith.constant -1 : i32
      tpu.enqueue_indirect_dma source(%arg10 : memref<16384xf32, #tpu.memory_space<vmem>>) target(%dma_start3A_344 : memref<524288xf32, #tpu.memory_space<vmem_shared>>) offsets(%arg9 : memref<16384xi32, #tpu.memory_space<vmem>>) offset_filter(%dma_start3A_345) semaphore(%run_scoped3A_343 : memref<!tpu.dma_semaphore, #tpu.memory_space<semaphore_mem>>) {add = true}
      %dma_wait3A = arith.constant 0 : i32
      %dma_wait3A_346 = tpu.memref_slice %arg6[%dma_wait3A] : memref<524288xf32, #tpu.memory_space<vmem_shared>> -> memref<524288xf32, #tpu.memory_space<vmem_shared>>
      tpu.wait_indirect_dma semaphore(%run_scoped3A_343 : memref<!tpu.dma_semaphore, #tpu.memory_space<semaphore_mem>>) src(%arg10 : memref<16384xf32, #tpu.memory_space<vmem>>) dst(%dma_wait3A_346 : memref<524288xf32, #tpu.memory_space<vmem_shared>>)
      tpu.yield
    }) : () -> ()
    %barrier3A_295 = arith.constant 0 : index
    tpu.barrier barrier_id(%barrier3A_295)
    %mul3A_296 = arith.constant 32768 : i32
    %mul3A_297 = arith.muli %arg1, %mul3A_296 : i32
    %mul3A_298 = arith.constant 524288 : i32
    %mul3A_299 = arith.muli %add3A_266, %mul3A_298 : i32
    %mul3A_300 = arith.constant 32768 : i32
    %mul3A_301 = arith.muli %arg1, %mul3A_300 : i32
    %add3A_302 = arith.addi %mul3A_299, %mul3A_301 : i32
    "tpu.region"() ({
      %run_scoped3A_343 = tpu.sem_alloc : memref<!tpu.dma_semaphore, #tpu.memory_space<semaphore_mem>>
      %dma_start3A = tpu.memref_slice %arg5[%add3A_302] : memref<4194304xf32, #tpu.memory_space<hbm>> -> memref<32768xf32, #tpu.memory_space<hbm>>
      %dma_start3A_344 = tpu.memref_slice %arg6[%mul3A_297] : memref<524288xf32, #tpu.memory_space<vmem_shared>> -> memref<32768xf32, #tpu.memory_space<vmem_shared>>
      tpu.enqueue_dma source(%dma_start3A_344 : memref<32768xf32, #tpu.memory_space<vmem_shared>>) target(%dma_start3A : memref<32768xf32, #tpu.memory_space<hbm>>) target_semaphore(%run_scoped3A_343 : memref<!tpu.dma_semaphore, #tpu.memory_space<semaphore_mem>>)
      %dma_wait3A = tpu.memref_slice %arg5[%add3A_302] : memref<4194304xf32, #tpu.memory_space<hbm>> -> memref<32768xf32, #tpu.memory_space<hbm>>
      %dma_wait3A_345 = tpu.memref_slice %arg6[%mul3A_297] : memref<524288xf32, #tpu.memory_space<vmem_shared>> -> memref<32768xf32, #tpu.memory_space<vmem_shared>>
      tpu.wait_dma2 semaphore(%run_scoped3A_343 : memref<!tpu.dma_semaphore, #tpu.memory_space<semaphore_mem>>) src(%dma_wait3A_345 : memref<32768xf32, #tpu.memory_space<vmem_shared>>) dst(%dma_wait3A : memref<32768xf32, #tpu.memory_space<hbm>>)
      tpu.yield
    }) : () -> ()
    %barrier3A_303 = arith.constant 0 : index
    tpu.barrier barrier_id(%barrier3A_303)
    %add3A_304 = arith.constant 6 : i32
    %add3A_305 = arith.addi %add3A_304, %arg0 : i32
    %mul3A_306 = arith.constant 524288 : i32
    %mul3A_307 = arith.muli %add3A_305, %mul3A_306 : i32
    %add3A_308 = arith.constant 524288 : i32
    %add3A_309 = arith.addi %mul3A_307, %add3A_308 : i32
    %mul3A_310 = arith.constant 32768 : i32
    %mul3A_311 = arith.muli %arg1, %mul3A_310 : i32
    %add3A_312 = arith.constant 0 : i32
    %add3A_313 = arith.addi %mul3A_311, %add3A_312 : i32
    "tpu.region"() ({
      %run_scoped3A_343 = tpu.sem_alloc : memref<!tpu.dma_semaphore, #tpu.memory_space<semaphore_mem>>
      %dma_start3A = tpu.memref_slice %arg6[%add3A_313] : memref<524288xf32, #tpu.memory_space<vmem_shared>> -> memref<8192xf32, #tpu.memory_space<vmem_shared>>
      %dma_start3A_344 = tpu.memref_slice %arg6[%add3A_313] : memref<524288xf32, #tpu.memory_space<vmem_shared>> -> memref<8192xf32, #tpu.memory_space<vmem_shared>>
      tpu.enqueue_dma source(%arg11 : memref<8192xf32, #tpu.memory_space<vmem>>) target(%dma_start3A_344 : memref<8192xf32, #tpu.memory_space<vmem_shared>>) target_semaphore(%run_scoped3A_343 : memref<!tpu.dma_semaphore, #tpu.memory_space<semaphore_mem>>)
      %dma_wait3A = tpu.memref_slice %arg6[%add3A_313] : memref<524288xf32, #tpu.memory_space<vmem_shared>> -> memref<8192xf32, #tpu.memory_space<vmem_shared>>
      %dma_wait3A_345 = tpu.memref_slice %arg6[%add3A_313] : memref<524288xf32, #tpu.memory_space<vmem_shared>> -> memref<8192xf32, #tpu.memory_space<vmem_shared>>
      tpu.wait_dma2 semaphore(%run_scoped3A_343 : memref<!tpu.dma_semaphore, #tpu.memory_space<semaphore_mem>>) src(%arg11 : memref<8192xf32, #tpu.memory_space<vmem>>) dst(%dma_wait3A_345 : memref<8192xf32, #tpu.memory_space<vmem_shared>>)
      tpu.yield
    }) : () -> ()
    %mul3A_314 = arith.constant 32768 : i32
    %mul3A_315 = arith.muli %arg1, %mul3A_314 : i32
    %add3A_316 = arith.constant 8192 : i32
    %add3A_317 = arith.addi %mul3A_315, %add3A_316 : i32
    "tpu.region"() ({
      %run_scoped3A_343 = tpu.sem_alloc : memref<!tpu.dma_semaphore, #tpu.memory_space<semaphore_mem>>
      %dma_start3A = tpu.memref_slice %arg6[%add3A_317] : memref<524288xf32, #tpu.memory_space<vmem_shared>> -> memref<8192xf32, #tpu.memory_space<vmem_shared>>
      %dma_start3A_344 = tpu.memref_slice %arg6[%add3A_317] : memref<524288xf32, #tpu.memory_space<vmem_shared>> -> memref<8192xf32, #tpu.memory_space<vmem_shared>>
      tpu.enqueue_dma source(%arg11 : memref<8192xf32, #tpu.memory_space<vmem>>) target(%dma_start3A_344 : memref<8192xf32, #tpu.memory_space<vmem_shared>>) target_semaphore(%run_scoped3A_343 : memref<!tpu.dma_semaphore, #tpu.memory_space<semaphore_mem>>)
      %dma_wait3A = tpu.memref_slice %arg6[%add3A_317] : memref<524288xf32, #tpu.memory_space<vmem_shared>> -> memref<8192xf32, #tpu.memory_space<vmem_shared>>
      %dma_wait3A_345 = tpu.memref_slice %arg6[%add3A_317] : memref<524288xf32, #tpu.memory_space<vmem_shared>> -> memref<8192xf32, #tpu.memory_space<vmem_shared>>
      tpu.wait_dma2 semaphore(%run_scoped3A_343 : memref<!tpu.dma_semaphore, #tpu.memory_space<semaphore_mem>>) src(%arg11 : memref<8192xf32, #tpu.memory_space<vmem>>) dst(%dma_wait3A_345 : memref<8192xf32, #tpu.memory_space<vmem_shared>>)
      tpu.yield
    }) : () -> ()
    %mul3A_318 = arith.constant 32768 : i32
    %mul3A_319 = arith.muli %arg1, %mul3A_318 : i32
    %add3A_320 = arith.constant 16384 : i32
    %add3A_321 = arith.addi %mul3A_319, %add3A_320 : i32
    "tpu.region"() ({
      %run_scoped3A_343 = tpu.sem_alloc : memref<!tpu.dma_semaphore, #tpu.memory_space<semaphore_mem>>
      %dma_start3A = tpu.memref_slice %arg6[%add3A_321] : memref<524288xf32, #tpu.memory_space<vmem_shared>> -> memref<8192xf32, #tpu.memory_space<vmem_shared>>
      %dma_start3A_344 = tpu.memref_slice %arg6[%add3A_321] : memref<524288xf32, #tpu.memory_space<vmem_shared>> -> memref<8192xf32, #tpu.memory_space<vmem_shared>>
      tpu.enqueue_dma source(%arg11 : memref<8192xf32, #tpu.memory_space<vmem>>) target(%dma_start3A_344 : memref<8192xf32, #tpu.memory_space<vmem_shared>>) target_semaphore(%run_scoped3A_343 : memref<!tpu.dma_semaphore, #tpu.memory_space<semaphore_mem>>)
      %dma_wait3A = tpu.memref_slice %arg6[%add3A_321] : memref<524288xf32, #tpu.memory_space<vmem_shared>> -> memref<8192xf32, #tpu.memory_space<vmem_shared>>
      %dma_wait3A_345 = tpu.memref_slice %arg6[%add3A_321] : memref<524288xf32, #tpu.memory_space<vmem_shared>> -> memref<8192xf32, #tpu.memory_space<vmem_shared>>
      tpu.wait_dma2 semaphore(%run_scoped3A_343 : memref<!tpu.dma_semaphore, #tpu.memory_space<semaphore_mem>>) src(%arg11 : memref<8192xf32, #tpu.memory_space<vmem>>) dst(%dma_wait3A_345 : memref<8192xf32, #tpu.memory_space<vmem_shared>>)
      tpu.yield
    }) : () -> ()
    %mul3A_322 = arith.constant 32768 : i32
    %mul3A_323 = arith.muli %arg1, %mul3A_322 : i32
    %add3A_324 = arith.constant 24576 : i32
    %add3A_325 = arith.addi %mul3A_323, %add3A_324 : i32
    "tpu.region"() ({
      %run_scoped3A_343 = tpu.sem_alloc : memref<!tpu.dma_semaphore, #tpu.memory_space<semaphore_mem>>
      %dma_start3A = tpu.memref_slice %arg6[%add3A_325] : memref<524288xf32, #tpu.memory_space<vmem_shared>> -> memref<8192xf32, #tpu.memory_space<vmem_shared>>
      %dma_start3A_344 = tpu.memref_slice %arg6[%add3A_325] : memref<524288xf32, #tpu.memory_space<vmem_shared>> -> memref<8192xf32, #tpu.memory_space<vmem_shared>>
      tpu.enqueue_dma source(%arg11 : memref<8192xf32, #tpu.memory_space<vmem>>) target(%dma_start3A_344 : memref<8192xf32, #tpu.memory_space<vmem_shared>>) target_semaphore(%run_scoped3A_343 : memref<!tpu.dma_semaphore, #tpu.memory_space<semaphore_mem>>)
      %dma_wait3A = tpu.memref_slice %arg6[%add3A_325] : memref<524288xf32, #tpu.memory_space<vmem_shared>> -> memref<8192xf32, #tpu.memory_space<vmem_shared>>
      %dma_wait3A_345 = tpu.memref_slice %arg6[%add3A_325] : memref<524288xf32, #tpu.memory_space<vmem_shared>> -> memref<8192xf32, #tpu.memory_space<vmem_shared>>
      tpu.wait_dma2 semaphore(%run_scoped3A_343 : memref<!tpu.dma_semaphore, #tpu.memory_space<semaphore_mem>>) src(%arg11 : memref<8192xf32, #tpu.memory_space<vmem>>) dst(%dma_wait3A_345 : memref<8192xf32, #tpu.memory_space<vmem_shared>>)
      tpu.yield
    }) : () -> ()
    %barrier3A_326 = arith.constant 0 : index
    tpu.barrier barrier_id(%barrier3A_326)
    %scan3A_327 = arith.constant 0 : i32
    %scan3A_328 = arith.constant 0 : i32
    %scan3A_329 = arith.constant 128 : i32
    %scan3A_330 = arith.addi %scan3A_328, %scan3A_329 : i32
    %scan3A_331 = arith.constant 1 : i32
    %scan3A_332 = scf.for %scan3A_343 = %scan3A_328 to %scan3A_330 step %scan3A_331 iter_args(%scan3A_344 = %scan3A_327) -> (i32)  : i32 {
      %mul3A_345 = arith.constant 128 : i32
      %mul3A_346 = arith.muli %scan3A_343, %mul3A_345 : i32
      %add3A_347 = arith.constant 0 : i32
      %add3A_348 = arith.addi %mul3A_346, %add3A_347 : i32
      %get3A = arith.index_cast %add3A_348 : i32 to index
      %get3A_349 = tpu.vector_load %arg8[%get3A] {strides = array<i32>} : memref<16384xi32, #tpu.memory_space<vmem>>, vector<16xi32>,
      %ge3A = vector.broadcast %mul3A_307 : i32 to vector<16xi32>
      %ge3A_350 = arith.cmpi sge, %get3A_349, %ge3A : vector<16xi32>
      %lt3A = vector.broadcast %add3A_309 : i32 to vector<16xi32>
      %lt3A_351 = arith.cmpi slt, %get3A_349, %lt3A : vector<16xi32>
      %and3A = arith.andi %ge3A_350, %lt3A_351 : vector<16xi1>
      %sub3A = vector.broadcast %mul3A_307 : i32 to vector<16xi32>
      %sub3A_352 = arith.subi %get3A_349, %sub3A : vector<16xi32>
      %jit3A = arith.constant -1 : i32
      %broadcast_in_dim3A_353 = vector.broadcast %jit3A : i32 to vector<16xi32>
      %select_n3A = arith.select %and3A, %sub3A_352, %broadcast_in_dim3A_353 : vector<16xi1>, vector<16xi32>
      %swap3A = arith.index_cast %add3A_348 : i32 to index
      %swap3A_354 = tpu.vector_load %arg9[%swap3A] {strides = array<i32>} : memref<16384xi32, #tpu.memory_space<vmem>>, vector<16xi32>,
      tpu.vector_store %arg9[%swap3A], %select_n3A {strides = array<i32>} : memref<16384xi32, #tpu.memory_space<vmem>>, vector<16xi32>,
      %mul3A_355 = arith.constant 128 : i32
      %mul3A_356 = arith.muli %scan3A_343, %mul3A_355 : i32
      %add3A_357 = arith.constant 16 : i32
      %add3A_358 = arith.addi %mul3A_356, %add3A_357 : i32
      %get3A_359 = arith.index_cast %add3A_358 : i32 to index
      %get3A_360 = tpu.vector_load %arg8[%get3A_359] {strides = array<i32>} : memref<16384xi32, #tpu.memory_space<vmem>>, vector<16xi32>,
      %ge3A_361 = vector.broadcast %mul3A_307 : i32 to vector<16xi32>
      %ge3A_362 = arith.cmpi sge, %get3A_360, %ge3A_361 : vector<16xi32>
      %lt3A_363 = vector.broadcast %add3A_309 : i32 to vector<16xi32>
      %lt3A_364 = arith.cmpi slt, %get3A_360, %lt3A_363 : vector<16xi32>
      %and3A_365 = arith.andi %ge3A_362, %lt3A_364 : vector<16xi1>
      %sub3A_366 = vector.broadcast %mul3A_307 : i32 to vector<16xi32>
      %sub3A_367 = arith.subi %get3A_360, %sub3A_366 : vector<16xi32>
      %jit3A_368 = arith.constant -1 : i32
      %broadcast_in_dim3A_369 = vector.broadcast %jit3A_368 : i32 to vector<16xi32>
      %select_n3A_370 = arith.select %and3A_365, %sub3A_367, %broadcast_in_dim3A_369 : vector<16xi1>, vector<16xi32>
      %swap3A_371 = arith.index_cast %add3A_358 : i32 to index
      %swap3A_372 = tpu.vector_load %arg9[%swap3A_371] {strides = array<i32>} : memref<16384xi32, #tpu.memory_space<vmem>>, vector<16xi32>,
      tpu.vector_store %arg9[%swap3A_371], %select_n3A_370 {strides = array<i32>} : memref<16384xi32, #tpu.memory_space<vmem>>, vector<16xi32>,
      %mul3A_373 = arith.constant 128 : i32
      %mul3A_374 = arith.muli %scan3A_343, %mul3A_373 : i32
      %add3A_375 = arith.constant 32 : i32
      %add3A_376 = arith.addi %mul3A_374, %add3A_375 : i32
      %get3A_377 = arith.index_cast %add3A_376 : i32 to index
      %get3A_378 = tpu.vector_load %arg8[%get3A_377] {strides = array<i32>} : memref<16384xi32, #tpu.memory_space<vmem>>, vector<16xi32>,
      %ge3A_379 = vector.broadcast %mul3A_307 : i32 to vector<16xi32>
      %ge3A_380 = arith.cmpi sge, %get3A_378, %ge3A_379 : vector<16xi32>
      %lt3A_381 = vector.broadcast %add3A_309 : i32 to vector<16xi32>
      %lt3A_382 = arith.cmpi slt, %get3A_378, %lt3A_381 : vector<16xi32>
      %and3A_383 = arith.andi %ge3A_380, %lt3A_382 : vector<16xi1>
      %sub3A_384 = vector.broadcast %mul3A_307 : i32 to vector<16xi32>
      %sub3A_385 = arith.subi %get3A_378, %sub3A_384 : vector<16xi32>
      %jit3A_386 = arith.constant -1 : i32
      %broadcast_in_dim3A_387 = vector.broadcast %jit3A_386 : i32 to vector<16xi32>
      %select_n3A_388 = arith.select %and3A_383, %sub3A_385, %broadcast_in_dim3A_387 : vector<16xi1>, vector<16xi32>
      %swap3A_389 = arith.index_cast %add3A_376 : i32 to index
      %swap3A_390 = tpu.vector_load %arg9[%swap3A_389] {strides = array<i32>} : memref<16384xi32, #tpu.memory_space<vmem>>, vector<16xi32>,
      tpu.vector_store %arg9[%swap3A_389], %select_n3A_388 {strides = array<i32>} : memref<16384xi32, #tpu.memory_space<vmem>>, vector<16xi32>,
      %mul3A_391 = arith.constant 128 : i32
      %mul3A_392 = arith.muli %scan3A_343, %mul3A_391 : i32
      %add3A_393 = arith.constant 48 : i32
      %add3A_394 = arith.addi %mul3A_392, %add3A_393 : i32
      %get3A_395 = arith.index_cast %add3A_394 : i32 to index
      %get3A_396 = tpu.vector_load %arg8[%get3A_395] {strides = array<i32>} : memref<16384xi32, #tpu.memory_space<vmem>>, vector<16xi32>,
      %ge3A_397 = vector.broadcast %mul3A_307 : i32 to vector<16xi32>
      %ge3A_398 = arith.cmpi sge, %get3A_396, %ge3A_397 : vector<16xi32>
      %lt3A_399 = vector.broadcast %add3A_309 : i32 to vector<16xi32>
      %lt3A_400 = arith.cmpi slt, %get3A_396, %lt3A_399 : vector<16xi32>
      %and3A_401 = arith.andi %ge3A_398, %lt3A_400 : vector<16xi1>
      %sub3A_402 = vector.broadcast %mul3A_307 : i32 to vector<16xi32>
      %sub3A_403 = arith.subi %get3A_396, %sub3A_402 : vector<16xi32>
      %jit3A_404 = arith.constant -1 : i32
      %broadcast_in_dim3A_405 = vector.broadcast %jit3A_404 : i32 to vector<16xi32>
      %select_n3A_406 = arith.select %and3A_401, %sub3A_403, %broadcast_in_dim3A_405 : vector<16xi1>, vector<16xi32>
      %swap3A_407 = arith.index_cast %add3A_394 : i32 to index
      %swap3A_408 = tpu.vector_load %arg9[%swap3A_407] {strides = array<i32>} : memref<16384xi32, #tpu.memory_space<vmem>>, vector<16xi32>,
      tpu.vector_store %arg9[%swap3A_407], %select_n3A_406 {strides = array<i32>} : memref<16384xi32, #tpu.memory_space<vmem>>, vector<16xi32>,
      %mul3A_409 = arith.constant 128 : i32
      %mul3A_410 = arith.muli %scan3A_343, %mul3A_409 : i32
      %add3A_411 = arith.constant 64 : i32
      %add3A_412 = arith.addi %mul3A_410, %add3A_411 : i32
      %get3A_413 = arith.index_cast %add3A_412 : i32 to index
      %get3A_414 = tpu.vector_load %arg8[%get3A_413] {strides = array<i32>} : memref<16384xi32, #tpu.memory_space<vmem>>, vector<16xi32>,
      %ge3A_415 = vector.broadcast %mul3A_307 : i32 to vector<16xi32>
      %ge3A_416 = arith.cmpi sge, %get3A_414, %ge3A_415 : vector<16xi32>
      %lt3A_417 = vector.broadcast %add3A_309 : i32 to vector<16xi32>
      %lt3A_418 = arith.cmpi slt, %get3A_414, %lt3A_417 : vector<16xi32>
      %and3A_419 = arith.andi %ge3A_416, %lt3A_418 : vector<16xi1>
      %sub3A_420 = vector.broadcast %mul3A_307 : i32 to vector<16xi32>
      %sub3A_421 = arith.subi %get3A_414, %sub3A_420 : vector<16xi32>
      %jit3A_422 = arith.constant -1 : i32
      %broadcast_in_dim3A_423 = vector.broadcast %jit3A_422 : i32 to vector<16xi32>
      %select_n3A_424 = arith.select %and3A_419, %sub3A_421, %broadcast_in_dim3A_423 : vector<16xi1>, vector<16xi32>
      %swap3A_425 = arith.index_cast %add3A_412 : i32 to index
      %swap3A_426 = tpu.vector_load %arg9[%swap3A_425] {strides = array<i32>} : memref<16384xi32, #tpu.memory_space<vmem>>, vector<16xi32>,
      tpu.vector_store %arg9[%swap3A_425], %select_n3A_424 {strides = array<i32>} : memref<16384xi32, #tpu.memory_space<vmem>>, vector<16xi32>,
      %mul3A_427 = arith.constant 128 : i32
      %mul3A_428 = arith.muli %scan3A_343, %mul3A_427 : i32
      %add3A_429 = arith.constant 80 : i32
      %add3A_430 = arith.addi %mul3A_428, %add3A_429 : i32
      %get3A_431 = arith.index_cast %add3A_430 : i32 to index
      %get3A_432 = tpu.vector_load %arg8[%get3A_431] {strides = array<i32>} : memref<16384xi32, #tpu.memory_space<vmem>>, vector<16xi32>,
      %ge3A_433 = vector.broadcast %mul3A_307 : i32 to vector<16xi32>
      %ge3A_434 = arith.cmpi sge, %get3A_432, %ge3A_433 : vector<16xi32>
      %lt3A_435 = vector.broadcast %add3A_309 : i32 to vector<16xi32>
      %lt3A_436 = arith.cmpi slt, %get3A_432, %lt3A_435 : vector<16xi32>
      %and3A_437 = arith.andi %ge3A_434, %lt3A_436 : vector<16xi1>
      %sub3A_438 = vector.broadcast %mul3A_307 : i32 to vector<16xi32>
      %sub3A_439 = arith.subi %get3A_432, %sub3A_438 : vector<16xi32>
      %jit3A_440 = arith.constant -1 : i32
      %broadcast_in_dim3A_441 = vector.broadcast %jit3A_440 : i32 to vector<16xi32>
      %select_n3A_442 = arith.select %and3A_437, %sub3A_439, %broadcast_in_dim3A_441 : vector<16xi1>, vector<16xi32>
      %swap3A_443 = arith.index_cast %add3A_430 : i32 to index
      %swap3A_444 = tpu.vector_load %arg9[%swap3A_443] {strides = array<i32>} : memref<16384xi32, #tpu.memory_space<vmem>>, vector<16xi32>,
      tpu.vector_store %arg9[%swap3A_443], %select_n3A_442 {strides = array<i32>} : memref<16384xi32, #tpu.memory_space<vmem>>, vector<16xi32>,
      %mul3A_445 = arith.constant 128 : i32
      %mul3A_446 = arith.muli %scan3A_343, %mul3A_445 : i32
      %add3A_447 = arith.constant 96 : i32
      %add3A_448 = arith.addi %mul3A_446, %add3A_447 : i32
      %get3A_449 = arith.index_cast %add3A_448 : i32 to index
      %get3A_450 = tpu.vector_load %arg8[%get3A_449] {strides = array<i32>} : memref<16384xi32, #tpu.memory_space<vmem>>, vector<16xi32>,
      %ge3A_451 = vector.broadcast %mul3A_307 : i32 to vector<16xi32>
      %ge3A_452 = arith.cmpi sge, %get3A_450, %ge3A_451 : vector<16xi32>
      %lt3A_453 = vector.broadcast %add3A_309 : i32 to vector<16xi32>
      %lt3A_454 = arith.cmpi slt, %get3A_450, %lt3A_453 : vector<16xi32>
      %and3A_455 = arith.andi %ge3A_452, %lt3A_454 : vector<16xi1>
      %sub3A_456 = vector.broadcast %mul3A_307 : i32 to vector<16xi32>
      %sub3A_457 = arith.subi %get3A_450, %sub3A_456 : vector<16xi32>
      %jit3A_458 = arith.constant -1 : i32
      %broadcast_in_dim3A_459 = vector.broadcast %jit3A_458 : i32 to vector<16xi32>
      %select_n3A_460 = arith.select %and3A_455, %sub3A_457, %broadcast_in_dim3A_459 : vector<16xi1>, vector<16xi32>
      %swap3A_461 = arith.index_cast %add3A_448 : i32 to index
      %swap3A_462 = tpu.vector_load %arg9[%swap3A_461] {strides = array<i32>} : memref<16384xi32, #tpu.memory_space<vmem>>, vector<16xi32>,
      tpu.vector_store %arg9[%swap3A_461], %select_n3A_460 {strides = array<i32>} : memref<16384xi32, #tpu.memory_space<vmem>>, vector<16xi32>,
      %mul3A_463 = arith.constant 128 : i32
      %mul3A_464 = arith.muli %scan3A_343, %mul3A_463 : i32
      %add3A_465 = arith.constant 112 : i32
      %add3A_466 = arith.addi %mul3A_464, %add3A_465 : i32
      %get3A_467 = arith.index_cast %add3A_466 : i32 to index
      %get3A_468 = tpu.vector_load %arg8[%get3A_467] {strides = array<i32>} : memref<16384xi32, #tpu.memory_space<vmem>>, vector<16xi32>,
      %ge3A_469 = vector.broadcast %mul3A_307 : i32 to vector<16xi32>
      %ge3A_470 = arith.cmpi sge, %get3A_468, %ge3A_469 : vector<16xi32>
      %lt3A_471 = vector.broadcast %add3A_309 : i32 to vector<16xi32>
      %lt3A_472 = arith.cmpi slt, %get3A_468, %lt3A_471 : vector<16xi32>
      %and3A_473 = arith.andi %ge3A_470, %lt3A_472 : vector<16xi1>
      %sub3A_474 = vector.broadcast %mul3A_307 : i32 to vector<16xi32>
      %sub3A_475 = arith.subi %get3A_468, %sub3A_474 : vector<16xi32>
      %jit3A_476 = arith.constant -1 : i32
      %broadcast_in_dim3A_477 = vector.broadcast %jit3A_476 : i32 to vector<16xi32>
      %select_n3A_478 = arith.select %and3A_473, %sub3A_475, %broadcast_in_dim3A_477 : vector<16xi1>, vector<16xi32>
      %swap3A_479 = arith.index_cast %add3A_466 : i32 to index
      %swap3A_480 = tpu.vector_load %arg9[%swap3A_479] {strides = array<i32>} : memref<16384xi32, #tpu.memory_space<vmem>>, vector<16xi32>,
      tpu.vector_store %arg9[%swap3A_479], %select_n3A_478 {strides = array<i32>} : memref<16384xi32, #tpu.memory_space<vmem>>, vector<16xi32>,
      %scan3A_481 = arith.constant 0 : i32
      scf.yield %scan3A_481 : i32
    }
    %scan3A_333 = arith.constant 128 : i32
    "tpu.region"() ({
      %run_scoped3A_343 = tpu.sem_alloc : memref<!tpu.dma_semaphore, #tpu.memory_space<semaphore_mem>>
      %dma_start3A = arith.constant 0 : i32
      %dma_start3A_344 = tpu.memref_slice %arg6[%dma_start3A] : memref<524288xf32, #tpu.memory_space<vmem_shared>> -> memref<524288xf32, #tpu.memory_space<vmem_shared>>
      %dma_start3A_345 = arith.constant -1 : i32
      tpu.enqueue_indirect_dma source(%arg10 : memref<16384xf32, #tpu.memory_space<vmem>>) target(%dma_start3A_344 : memref<524288xf32, #tpu.memory_space<vmem_shared>>) offsets(%arg9 : memref<16384xi32, #tpu.memory_space<vmem>>) offset_filter(%dma_start3A_345) semaphore(%run_scoped3A_343 : memref<!tpu.dma_semaphore, #tpu.memory_space<semaphore_mem>>) {add = true}
      %dma_wait3A = arith.constant 0 : i32
      %dma_wait3A_346 = tpu.memref_slice %arg6[%dma_wait3A] : memref<524288xf32, #tpu.memory_space<vmem_shared>> -> memref<524288xf32, #tpu.memory_space<vmem_shared>>
      tpu.wait_indirect_dma semaphore(%run_scoped3A_343 : memref<!tpu.dma_semaphore, #tpu.memory_space<semaphore_mem>>) src(%arg10 : memref<16384xf32, #tpu.memory_space<vmem>>) dst(%dma_wait3A_346 : memref<524288xf32, #tpu.memory_space<vmem_shared>>)
      tpu.yield
    }) : () -> ()
    %barrier3A_334 = arith.constant 0 : index
    tpu.barrier barrier_id(%barrier3A_334)
    %mul3A_335 = arith.constant 32768 : i32
    %mul3A_336 = arith.muli %arg1, %mul3A_335 : i32
    %mul3A_337 = arith.constant 524288 : i32
    %mul3A_338 = arith.muli %add3A_305, %mul3A_337 : i32
    %mul3A_339 = arith.constant 32768 : i32
    %mul3A_340 = arith.muli %arg1, %mul3A_339 : i32
    %add3A_341 = arith.addi %mul3A_338, %mul3A_340 : i32
    "tpu.region"() ({
      %run_scoped3A_343 = tpu.sem_alloc : memref<!tpu.dma_semaphore, #tpu.memory_space<semaphore_mem>>
      %dma_start3A = tpu.memref_slice %arg5[%add3A_341] : memref<4194304xf32, #tpu.memory_space<hbm>> -> memref<32768xf32, #tpu.memory_space<hbm>>
      %dma_start3A_344 = tpu.memref_slice %arg6[%mul3A_336] : memref<524288xf32, #tpu.memory_space<vmem_shared>> -> memref<32768xf32, #tpu.memory_space<vmem_shared>>
      tpu.enqueue_dma source(%dma_start3A_344 : memref<32768xf32, #tpu.memory_space<vmem_shared>>) target(%dma_start3A : memref<32768xf32, #tpu.memory_space<hbm>>) target_semaphore(%run_scoped3A_343 : memref<!tpu.dma_semaphore, #tpu.memory_space<semaphore_mem>>)
      %dma_wait3A = tpu.memref_slice %arg5[%add3A_341] : memref<4194304xf32, #tpu.memory_space<hbm>> -> memref<32768xf32, #tpu.memory_space<hbm>>
      %dma_wait3A_345 = tpu.memref_slice %arg6[%mul3A_336] : memref<524288xf32, #tpu.memory_space<vmem_shared>> -> memref<32768xf32, #tpu.memory_space<vmem_shared>>
      tpu.wait_dma2 semaphore(%run_scoped3A_343 : memref<!tpu.dma_semaphore, #tpu.memory_space<semaphore_mem>>) src(%dma_wait3A_345 : memref<32768xf32, #tpu.memory_space<vmem_shared>>) dst(%dma_wait3A : memref<32768xf32, #tpu.memory_space<hbm>>)
      tpu.yield
    }) : () -> ()
    %barrier3A_342 = arith.constant 0 : index
    tpu.barrier barrier_id(%barrier3A_342)
    return
  }
}

module attributes {stable_mosaic.version = 14 : i64} {
  func.func @_linear_body(%arg0: memref<1024x128xf32, #tpu.memory_space<vmem>>, %arg1: memref<128x128xf32, #tpu.memory_space<vmem>>, %arg2: memref<1x128xf32, #tpu.memory_space<vmem>>, %arg3: memref<1024x128xf32, #tpu.memory_space<vmem>>) attributes {dimension_semantics = [], scalar_prefetch = 0 : i64, scratch_operands = 0 : i64, tpu.core_type = #tpu.core_type<tc>} {
    %get3A = arith.constant 0 : index
    %get3A_0 = arith.constant 0 : index
    %get3A_1 = vector.load %arg0[%get3A, %get3A_0] : memref<1024x128xf32, #tpu.memory_space<vmem>>, vector<1024x128xf32>
    %get3A_2 = arith.constant 0 : index
    %get3A_3 = arith.constant 0 : index
    %get3A_4 = vector.load %arg1[%get3A_2, %get3A_3] : memref<128x128xf32, #tpu.memory_space<vmem>>, vector<128x128xf32>
    %dot_general3A = arith.constant dense<0.000000e+00> : vector<1024x128xf32>
    %dot_general3A_5 = tpu.matmul %get3A_1, %get3A_4, %dot_general3A {dimension_numbers = #tpu.dot_dimension_numbers<[1], [0], [0], [1], [0, 0, 1, 1], [], []>, transpose_lhs_hint = false} : vector<1024x128xf32>, vector<128x128xf32>, vector<1024x128xf32> -> vector<1024x128xf32>
    %get3A_6 = arith.constant 0 : index
    %get3A_7 = arith.constant 0 : index
    %get3A_8 = vector.load %arg2[%get3A_6, %get3A_7] : memref<1x128xf32, #tpu.memory_space<vmem>>, vector<1x128xf32>
    %add3A = vector.broadcast %get3A_8 : vector<1x128xf32> to vector<1024x128xf32>
    %add3A_9 = arith.addf %dot_general3A_5, %add3A : vector<1024x128xf32>
    %swap3A = arith.constant 0 : index
    %swap3A_10 = arith.constant 0 : index
    %swap3A_11 = vector.load %arg3[%swap3A, %swap3A_10] : memref<1024x128xf32, #tpu.memory_space<vmem>>, vector<1024x128xf32>
    tpu.vector_store %arg3[%swap3A, %swap3A_10], %add3A_9 {strides = array<i32>} : memref<1024x128xf32, #tpu.memory_space<vmem>>, vector<1024x128xf32>,
    return
  }
}

module attributes {stable_mosaic.version = 14 : i64} {
  func.func @_linear_body(%arg0: memref<4096x128xf32, #tpu.memory_space<vmem>>, %arg1: memref<128x128xf32, #tpu.memory_space<vmem>>, %arg2: memref<1x128xf32, #tpu.memory_space<vmem>>, %arg3: memref<4096x128xf32, #tpu.memory_space<vmem>>) attributes {dimension_semantics = [], scalar_prefetch = 0 : i64, scratch_operands = 0 : i64, tpu.core_type = #tpu.core_type<tc>} {
    %get3A = arith.constant 0 : index
    %get3A_0 = arith.constant 0 : index
    %get3A_1 = vector.load %arg0[%get3A, %get3A_0] : memref<4096x128xf32, #tpu.memory_space<vmem>>, vector<4096x128xf32>
    %get3A_2 = arith.constant 0 : index
    %get3A_3 = arith.constant 0 : index
    %get3A_4 = vector.load %arg1[%get3A_2, %get3A_3] : memref<128x128xf32, #tpu.memory_space<vmem>>, vector<128x128xf32>
    %dot_general3A = arith.constant dense<0.000000e+00> : vector<4096x128xf32>
    %dot_general3A_5 = tpu.matmul %get3A_1, %get3A_4, %dot_general3A {dimension_numbers = #tpu.dot_dimension_numbers<[1], [0], [0], [1], [0, 0, 1, 1], [], []>, transpose_lhs_hint = false} : vector<4096x128xf32>, vector<128x128xf32>, vector<4096x128xf32> -> vector<4096x128xf32>
    %get3A_6 = arith.constant 0 : index
    %get3A_7 = arith.constant 0 : index
    %get3A_8 = vector.load %arg2[%get3A_6, %get3A_7] : memref<1x128xf32, #tpu.memory_space<vmem>>, vector<1x128xf32>
    %add3A = vector.broadcast %get3A_8 : vector<1x128xf32> to vector<4096x128xf32>
    %add3A_9 = arith.addf %dot_general3A_5, %add3A : vector<4096x128xf32>
    %swap3A = arith.constant 0 : index
    %swap3A_10 = arith.constant 0 : index
    %swap3A_11 = vector.load %arg3[%swap3A, %swap3A_10] : memref<4096x128xf32, #tpu.memory_space<vmem>>, vector<4096x128xf32>
    tpu.vector_store %arg3[%swap3A, %swap3A_10], %add3A_9 {strides = array<i32>} : memref<4096x128xf32, #tpu.memory_space<vmem>>, vector<4096x128xf32>,
    return
  }
}

module attributes {stable_mosaic.version = 14 : i64} {
  func.func @body(%arg0: memref<4096x128xf32, #tpu.memory_space<vmem>>, %arg1: memref<128x128xf32, #tpu.memory_space<vmem>>, %arg2: memref<1x128xf32, #tpu.memory_space<vmem>>, %arg3: memref<128x128xf32, #tpu.memory_space<vmem>>, %arg4: memref<1x128xf32, #tpu.memory_space<vmem>>, %arg5: memref<128x128xf32, #tpu.memory_space<vmem>>, %arg6: memref<128x128xf32, #tpu.memory_space<vmem>>, %arg7: memref<1x128xf32, #tpu.memory_space<vmem>>, %arg8: memref<128x128xf32, #tpu.memory_space<vmem>>, %arg9: memref<128x128xf32, #tpu.memory_space<vmem>>, %arg10: memref<1x128xf32, #tpu.memory_space<vmem>>, %arg11: memref<4096x128xf32, #tpu.memory_space<vmem>>, %arg12: memref<4096x128xf32, #tpu.memory_space<vmem>>, %arg13: memref<4096x128xf32, #tpu.memory_space<vmem>>, %arg14: memref<4096x128xf32, #tpu.memory_space<vmem>>) attributes {dimension_semantics = [], scalar_prefetch = 0 : i64, scratch_operands = 0 : i64, tpu.core_type = #tpu.core_type<tc>} {
    %get3A = arith.constant 0 : index
    %get3A_0 = arith.constant 0 : index
    %get3A_1 = vector.load %arg0[%get3A, %get3A_0] : memref<4096x128xf32, #tpu.memory_space<vmem>>, vector<4096x128xf32>
    %get3A_2 = arith.constant 0 : index
    %get3A_3 = arith.constant 0 : index
    %get3A_4 = vector.load %arg1[%get3A_2, %get3A_3] : memref<128x128xf32, #tpu.memory_space<vmem>>, vector<128x128xf32>
    %dot_general3A = arith.constant dense<0.000000e+00> : vector<4096x128xf32>
    %dot_general3A_5 = tpu.matmul %get3A_1, %get3A_4, %dot_general3A {dimension_numbers = #tpu.dot_dimension_numbers<[1], [0], [0], [1], [0, 0, 1, 1], [], []>, transpose_lhs_hint = false} : vector<4096x128xf32>, vector<128x128xf32>, vector<4096x128xf32> -> vector<4096x128xf32>
    %get3A_6 = arith.constant 0 : index
    %get3A_7 = arith.constant 0 : index
    %get3A_8 = vector.load %arg2[%get3A_6, %get3A_7] : memref<1x128xf32, #tpu.memory_space<vmem>>, vector<1x128xf32>
    %add3A = vector.broadcast %get3A_8 : vector<1x128xf32> to vector<4096x128xf32>
    %add3A_9 = arith.addf %dot_general3A_5, %add3A : vector<4096x128xf32>
    %swap3A = arith.constant 0 : index
    %swap3A_10 = arith.constant 0 : index
    %swap3A_11 = vector.load %arg11[%swap3A, %swap3A_10] : memref<4096x128xf32, #tpu.memory_space<vmem>>, vector<4096x128xf32>
    tpu.vector_store %arg11[%swap3A, %swap3A_10], %add3A_9 {strides = array<i32>} : memref<4096x128xf32, #tpu.memory_space<vmem>>, vector<4096x128xf32>,
    %get3A_12 = arith.constant 0 : index
    %get3A_13 = arith.constant 0 : index
    %get3A_14 = vector.load %arg3[%get3A_12, %get3A_13] : memref<128x128xf32, #tpu.memory_space<vmem>>, vector<128x128xf32>
    %dot_general3A_15 = arith.constant dense<0.000000e+00> : vector<4096x128xf32>
    %dot_general3A_16 = tpu.matmul %get3A_1, %get3A_14, %dot_general3A_15 {dimension_numbers = #tpu.dot_dimension_numbers<[1], [0], [0], [1], [0, 0, 1, 1], [], []>, transpose_lhs_hint = false} : vector<4096x128xf32>, vector<128x128xf32>, vector<4096x128xf32> -> vector<4096x128xf32>
    %get3A_17 = arith.constant 0 : index
    %get3A_18 = arith.constant 0 : index
    %get3A_19 = vector.load %arg4[%get3A_17, %get3A_18] : memref<1x128xf32, #tpu.memory_space<vmem>>, vector<1x128xf32>
    %add3A_20 = vector.broadcast %get3A_19 : vector<1x128xf32> to vector<4096x128xf32>
    %add3A_21 = arith.addf %dot_general3A_16, %add3A_20 : vector<4096x128xf32>
    %get3A_22 = arith.constant 0 : index
    %get3A_23 = arith.constant 0 : index
    %get3A_24 = vector.load %arg5[%get3A_22, %get3A_23] : memref<128x128xf32, #tpu.memory_space<vmem>>, vector<128x128xf32>
    %dot_general3A_25 = arith.constant dense<0.000000e+00> : vector<4096x128xf32>
    %dot_general3A_26 = tpu.matmul %add3A_21, %get3A_24, %dot_general3A_25 {dimension_numbers = #tpu.dot_dimension_numbers<[1], [0], [0], [1], [0, 0, 1, 1], [], []>, transpose_lhs_hint = false} : vector<4096x128xf32>, vector<128x128xf32>, vector<4096x128xf32> -> vector<4096x128xf32>
    %swap3A_27 = arith.constant 0 : index
    %swap3A_28 = arith.constant 0 : index
    %swap3A_29 = vector.load %arg12[%swap3A_27, %swap3A_28] : memref<4096x128xf32, #tpu.memory_space<vmem>>, vector<4096x128xf32>
    tpu.vector_store %arg12[%swap3A_27, %swap3A_28], %dot_general3A_26 {strides = array<i32>} : memref<4096x128xf32, #tpu.memory_space<vmem>>, vector<4096x128xf32>,
    %get3A_30 = arith.constant 0 : index
    %get3A_31 = arith.constant 0 : index
    %get3A_32 = vector.load %arg6[%get3A_30, %get3A_31] : memref<128x128xf32, #tpu.memory_space<vmem>>, vector<128x128xf32>
    %dot_general3A_33 = arith.constant dense<0.000000e+00> : vector<4096x128xf32>
    %dot_general3A_34 = tpu.matmul %get3A_1, %get3A_32, %dot_general3A_33 {dimension_numbers = #tpu.dot_dimension_numbers<[1], [0], [0], [1], [0, 0, 1, 1], [], []>, transpose_lhs_hint = false} : vector<4096x128xf32>, vector<128x128xf32>, vector<4096x128xf32> -> vector<4096x128xf32>
    %get3A_35 = arith.constant 0 : index
    %get3A_36 = arith.constant 0 : index
    %get3A_37 = vector.load %arg7[%get3A_35, %get3A_36] : memref<1x128xf32, #tpu.memory_space<vmem>>, vector<1x128xf32>
    %add3A_38 = vector.broadcast %get3A_37 : vector<1x128xf32> to vector<4096x128xf32>
    %add3A_39 = arith.addf %dot_general3A_34, %add3A_38 : vector<4096x128xf32>
    %get3A_40 = arith.constant 0 : index
    %get3A_41 = arith.constant 0 : index
    %get3A_42 = vector.load %arg8[%get3A_40, %get3A_41] : memref<128x128xf32, #tpu.memory_space<vmem>>, vector<128x128xf32>
    %dot_general3A_43 = arith.constant dense<0.000000e+00> : vector<4096x128xf32>
    %dot_general3A_44 = tpu.matmul %add3A_39, %get3A_42, %dot_general3A_43 {dimension_numbers = #tpu.dot_dimension_numbers<[1], [0], [0], [1], [0, 0, 1, 1], [], []>, transpose_lhs_hint = false} : vector<4096x128xf32>, vector<128x128xf32>, vector<4096x128xf32> -> vector<4096x128xf32>
    %swap3A_45 = arith.constant 0 : index
    %swap3A_46 = arith.constant 0 : index
    %swap3A_47 = vector.load %arg13[%swap3A_45, %swap3A_46] : memref<4096x128xf32, #tpu.memory_space<vmem>>, vector<4096x128xf32>
    tpu.vector_store %arg13[%swap3A_45, %swap3A_46], %dot_general3A_44 {strides = array<i32>} : memref<4096x128xf32, #tpu.memory_space<vmem>>, vector<4096x128xf32>,
    %get3A_48 = arith.constant 0 : index
    %get3A_49 = arith.constant 0 : index
    %get3A_50 = vector.load %arg9[%get3A_48, %get3A_49] : memref<128x128xf32, #tpu.memory_space<vmem>>, vector<128x128xf32>
    %dot_general3A_51 = arith.constant dense<0.000000e+00> : vector<4096x128xf32>
    %dot_general3A_52 = tpu.matmul %get3A_1, %get3A_50, %dot_general3A_51 {dimension_numbers = #tpu.dot_dimension_numbers<[1], [0], [0], [1], [0, 0, 1, 1], [], []>, transpose_lhs_hint = false} : vector<4096x128xf32>, vector<128x128xf32>, vector<4096x128xf32> -> vector<4096x128xf32>
    %get3A_53 = arith.constant 0 : index
    %get3A_54 = arith.constant 0 : index
    %get3A_55 = vector.load %arg10[%get3A_53, %get3A_54] : memref<1x128xf32, #tpu.memory_space<vmem>>, vector<1x128xf32>
    %add3A_56 = vector.broadcast %get3A_55 : vector<1x128xf32> to vector<4096x128xf32>
    %add3A_57 = arith.addf %dot_general3A_52, %add3A_56 : vector<4096x128xf32>
    %swap3A_58 = arith.constant 0 : index
    %swap3A_59 = arith.constant 0 : index
    %swap3A_60 = vector.load %arg14[%swap3A_58, %swap3A_59] : memref<4096x128xf32, #tpu.memory_space<vmem>>, vector<4096x128xf32>
    tpu.vector_store %arg14[%swap3A_58, %swap3A_59], %add3A_57 {strides = array<i32>} : memref<4096x128xf32, #tpu.memory_space<vmem>>, vector<4096x128xf32>,
    return
  }
}

module attributes {stable_mosaic.version = 14 : i64} {
  func.func @body(%arg0: memref<1024x128xf32, #tpu.memory_space<vmem>>, %arg1: memref<128x128xf32, #tpu.memory_space<vmem>>, %arg2: memref<1x128xf32, #tpu.memory_space<vmem>>, %arg3: memref<128x128xf32, #tpu.memory_space<vmem>>, %arg4: memref<1x128xf32, #tpu.memory_space<vmem>>, %arg5: memref<128x128xf32, #tpu.memory_space<vmem>>, %arg6: memref<128x128xf32, #tpu.memory_space<vmem>>, %arg7: memref<1x128xf32, #tpu.memory_space<vmem>>, %arg8: memref<128x128xf32, #tpu.memory_space<vmem>>, %arg9: memref<128x128xf32, #tpu.memory_space<vmem>>, %arg10: memref<1x128xf32, #tpu.memory_space<vmem>>, %arg11: memref<128x128xf32, #tpu.memory_space<vmem>>, %arg12: memref<1x128xf32, #tpu.memory_space<vmem>>, %arg13: memref<1024x128xf32, #tpu.memory_space<vmem>>, %arg14: memref<1024x128xf32, #tpu.memory_space<vmem>>, %arg15: memref<1024x128xf32, #tpu.memory_space<vmem>>, %arg16: memref<1024x128xf32, #tpu.memory_space<vmem>>, %arg17: memref<1024x128xf32, #tpu.memory_space<vmem>>) attributes {dimension_semantics = [], scalar_prefetch = 0 : i64, scratch_operands = 0 : i64, tpu.core_type = #tpu.core_type<tc>} {
    %get3A = arith.constant 0 : index
    %get3A_0 = arith.constant 0 : index
    %get3A_1 = vector.load %arg0[%get3A, %get3A_0] : memref<1024x128xf32, #tpu.memory_space<vmem>>, vector<1024x128xf32>
    %get3A_2 = arith.constant 0 : index
    %get3A_3 = arith.constant 0 : index
    %get3A_4 = vector.load %arg1[%get3A_2, %get3A_3] : memref<128x128xf32, #tpu.memory_space<vmem>>, vector<128x128xf32>
    %dot_general3A = arith.constant dense<0.000000e+00> : vector<1024x128xf32>
    %dot_general3A_5 = tpu.matmul %get3A_1, %get3A_4, %dot_general3A {dimension_numbers = #tpu.dot_dimension_numbers<[1], [0], [0], [1], [0, 0, 1, 1], [], []>, transpose_lhs_hint = false} : vector<1024x128xf32>, vector<128x128xf32>, vector<1024x128xf32> -> vector<1024x128xf32>
    %get3A_6 = arith.constant 0 : index
    %get3A_7 = arith.constant 0 : index
    %get3A_8 = vector.load %arg2[%get3A_6, %get3A_7] : memref<1x128xf32, #tpu.memory_space<vmem>>, vector<1x128xf32>
    %add3A = vector.broadcast %get3A_8 : vector<1x128xf32> to vector<1024x128xf32>
    %add3A_9 = arith.addf %dot_general3A_5, %add3A : vector<1024x128xf32>
    %swap3A = arith.constant 0 : index
    %swap3A_10 = arith.constant 0 : index
    %swap3A_11 = vector.load %arg13[%swap3A, %swap3A_10] : memref<1024x128xf32, #tpu.memory_space<vmem>>, vector<1024x128xf32>
    tpu.vector_store %arg13[%swap3A, %swap3A_10], %add3A_9 {strides = array<i32>} : memref<1024x128xf32, #tpu.memory_space<vmem>>, vector<1024x128xf32>,
    %get3A_12 = arith.constant 0 : index
    %get3A_13 = arith.constant 0 : index
    %get3A_14 = vector.load %arg3[%get3A_12, %get3A_13] : memref<128x128xf32, #tpu.memory_space<vmem>>, vector<128x128xf32>
    %dot_general3A_15 = arith.constant dense<0.000000e+00> : vector<1024x128xf32>
    %dot_general3A_16 = tpu.matmul %get3A_1, %get3A_14, %dot_general3A_15 {dimension_numbers = #tpu.dot_dimension_numbers<[1], [0], [0], [1], [0, 0, 1, 1], [], []>, transpose_lhs_hint = false} : vector<1024x128xf32>, vector<128x128xf32>, vector<1024x128xf32> -> vector<1024x128xf32>
    %get3A_17 = arith.constant 0 : index
    %get3A_18 = arith.constant 0 : index
    %get3A_19 = vector.load %arg4[%get3A_17, %get3A_18] : memref<1x128xf32, #tpu.memory_space<vmem>>, vector<1x128xf32>
    %add3A_20 = vector.broadcast %get3A_19 : vector<1x128xf32> to vector<1024x128xf32>
    %add3A_21 = arith.addf %dot_general3A_16, %add3A_20 : vector<1024x128xf32>
    %get3A_22 = arith.constant 0 : index
    %get3A_23 = arith.constant 0 : index
    %get3A_24 = vector.load %arg5[%get3A_22, %get3A_23] : memref<128x128xf32, #tpu.memory_space<vmem>>, vector<128x128xf32>
    %dot_general3A_25 = arith.constant dense<0.000000e+00> : vector<1024x128xf32>
    %dot_general3A_26 = tpu.matmul %add3A_21, %get3A_24, %dot_general3A_25 {dimension_numbers = #tpu.dot_dimension_numbers<[1], [0], [0], [1], [0, 0, 1, 1], [], []>, transpose_lhs_hint = false} : vector<1024x128xf32>, vector<128x128xf32>, vector<1024x128xf32> -> vector<1024x128xf32>
    %swap3A_27 = arith.constant 0 : index
    %swap3A_28 = arith.constant 0 : index
    %swap3A_29 = vector.load %arg14[%swap3A_27, %swap3A_28] : memref<1024x128xf32, #tpu.memory_space<vmem>>, vector<1024x128xf32>
    tpu.vector_store %arg14[%swap3A_27, %swap3A_28], %dot_general3A_26 {strides = array<i32>} : memref<1024x128xf32, #tpu.memory_space<vmem>>, vector<1024x128xf32>,
    %get3A_30 = arith.constant 0 : index
    %get3A_31 = arith.constant 0 : index
    %get3A_32 = vector.load %arg6[%get3A_30, %get3A_31] : memref<128x128xf32, #tpu.memory_space<vmem>>, vector<128x128xf32>
    %dot_general3A_33 = arith.constant dense<0.000000e+00> : vector<1024x128xf32>
    %dot_general3A_34 = tpu.matmul %get3A_1, %get3A_32, %dot_general3A_33 {dimension_numbers = #tpu.dot_dimension_numbers<[1], [0], [0], [1], [0, 0, 1, 1], [], []>, transpose_lhs_hint = false} : vector<1024x128xf32>, vector<128x128xf32>, vector<1024x128xf32> -> vector<1024x128xf32>
    %get3A_35 = arith.constant 0 : index
    %get3A_36 = arith.constant 0 : index
    %get3A_37 = vector.load %arg7[%get3A_35, %get3A_36] : memref<1x128xf32, #tpu.memory_space<vmem>>, vector<1x128xf32>
    %add3A_38 = vector.broadcast %get3A_37 : vector<1x128xf32> to vector<1024x128xf32>
    %add3A_39 = arith.addf %dot_general3A_34, %add3A_38 : vector<1024x128xf32>
    %get3A_40 = arith.constant 0 : index
    %get3A_41 = arith.constant 0 : index
    %get3A_42 = vector.load %arg8[%get3A_40, %get3A_41] : memref<128x128xf32, #tpu.memory_space<vmem>>, vector<128x128xf32>
    %dot_general3A_43 = arith.constant dense<0.000000e+00> : vector<1024x128xf32>
    %dot_general3A_44 = tpu.matmul %add3A_39, %get3A_42, %dot_general3A_43 {dimension_numbers = #tpu.dot_dimension_numbers<[1], [0], [0], [1], [0, 0, 1, 1], [], []>, transpose_lhs_hint = false} : vector<1024x128xf32>, vector<128x128xf32>, vector<1024x128xf32> -> vector<1024x128xf32>
    %swap3A_45 = arith.constant 0 : index
    %swap3A_46 = arith.constant 0 : index
    %swap3A_47 = vector.load %arg15[%swap3A_45, %swap3A_46] : memref<1024x128xf32, #tpu.memory_space<vmem>>, vector<1024x128xf32>
    tpu.vector_store %arg15[%swap3A_45, %swap3A_46], %dot_general3A_44 {strides = array<i32>} : memref<1024x128xf32, #tpu.memory_space<vmem>>, vector<1024x128xf32>,
    %get3A_48 = arith.constant 0 : index
    %get3A_49 = arith.constant 0 : index
    %get3A_50 = vector.load %arg9[%get3A_48, %get3A_49] : memref<128x128xf32, #tpu.memory_space<vmem>>, vector<128x128xf32>
    %dot_general3A_51 = arith.constant dense<0.000000e+00> : vector<1024x128xf32>
    %dot_general3A_52 = tpu.matmul %get3A_1, %get3A_50, %dot_general3A_51 {dimension_numbers = #tpu.dot_dimension_numbers<[1], [0], [0], [1], [0, 0, 1, 1], [], []>, transpose_lhs_hint = false} : vector<1024x128xf32>, vector<128x128xf32>, vector<1024x128xf32> -> vector<1024x128xf32>
    %get3A_53 = arith.constant 0 : index
    %get3A_54 = arith.constant 0 : index
    %get3A_55 = vector.load %arg10[%get3A_53, %get3A_54] : memref<1x128xf32, #tpu.memory_space<vmem>>, vector<1x128xf32>
    %add3A_56 = vector.broadcast %get3A_55 : vector<1x128xf32> to vector<1024x128xf32>
    %add3A_57 = arith.addf %dot_general3A_52, %add3A_56 : vector<1024x128xf32>
    %swap3A_58 = arith.constant 0 : index
    %swap3A_59 = arith.constant 0 : index
    %swap3A_60 = vector.load %arg16[%swap3A_58, %swap3A_59] : memref<1024x128xf32, #tpu.memory_space<vmem>>, vector<1024x128xf32>
    tpu.vector_store %arg16[%swap3A_58, %swap3A_59], %add3A_57 {strides = array<i32>} : memref<1024x128xf32, #tpu.memory_space<vmem>>, vector<1024x128xf32>,
    %get3A_61 = arith.constant 0 : index
    %get3A_62 = arith.constant 0 : index
    %get3A_63 = vector.load %arg11[%get3A_61, %get3A_62] : memref<128x128xf32, #tpu.memory_space<vmem>>, vector<128x128xf32>
    %dot_general3A_64 = arith.constant dense<0.000000e+00> : vector<1024x128xf32>
    %dot_general3A_65 = tpu.matmul %get3A_1, %get3A_63, %dot_general3A_64 {dimension_numbers = #tpu.dot_dimension_numbers<[1], [0], [0], [1], [0, 0, 1, 1], [], []>, transpose_lhs_hint = false} : vector<1024x128xf32>, vector<128x128xf32>, vector<1024x128xf32> -> vector<1024x128xf32>
    %get3A_66 = arith.constant 0 : index
    %get3A_67 = arith.constant 0 : index
    %get3A_68 = vector.load %arg12[%get3A_66, %get3A_67] : memref<1x128xf32, #tpu.memory_space<vmem>>, vector<1x128xf32>
    %add3A_69 = vector.broadcast %get3A_68 : vector<1x128xf32> to vector<1024x128xf32>
    %add3A_70 = arith.addf %dot_general3A_65, %add3A_69 : vector<1024x128xf32>
    %swap3A_71 = arith.constant 0 : index
    %swap3A_72 = arith.constant 0 : index
    %swap3A_73 = vector.load %arg17[%swap3A_71, %swap3A_72] : memref<1024x128xf32, #tpu.memory_space<vmem>>, vector<1024x128xf32>
    tpu.vector_store %arg17[%swap3A_71, %swap3A_72], %add3A_70 {strides = array<i32>} : memref<1024x128xf32, #tpu.memory_space<vmem>>, vector<1024x128xf32>,
    return
  }
}

module attributes {stable_mosaic.version = 14 : i64} {
  func.func @body(%arg0: i32, %arg1: memref<512x1024xf32, #tpu.memory_space<vmem>>, %arg2: memref<128x4096xf32, #tpu.memory_space<vmem>>, %arg3: memref<512x1024xbf16, #tpu.memory_space<vmem>>, %arg4: memref<128x4096xbf16, #tpu.memory_space<vmem>>) attributes {dimension_semantics = [#tpu.dimension_semantics<arbitrary>], iteration_bounds = array<i64: 8>, scalar_prefetch = 0 : i64, scratch_operands = 0 : i64, tpu.core_type = #tpu.core_type<tc>, window_params = [{transform_indices = @transform_0, window_bounds = array<i64: 512, 1024>}, {transform_indices = @transform_1, window_bounds = array<i64: 128, 4096>}, {transform_indices = @transform_2, window_bounds = array<i64: 512, 1024>}, {transform_indices = @transform_3, window_bounds = array<i64: 128, 4096>}]} {
    %get3A = arith.constant 0 : index
    %get3A_0 = arith.constant 0 : index
    %get3A_1 = vector.load %arg1[%get3A, %get3A_0] : memref<512x1024xf32, #tpu.memory_space<vmem>>, vector<512x1024xf32>
    %log3A = math.log %get3A_1 : vector<512x1024xf32>
    %convert_element_type3A = arith.truncf %log3A : vector<512x1024xf32> to vector<512x1024xbf16>
    %swap3A = arith.constant 0 : index
    %swap3A_2 = arith.constant 0 : index
    %swap3A_3 = vector.load %arg3[%swap3A, %swap3A_2] : memref<512x1024xbf16, #tpu.memory_space<vmem>>, vector<512x1024xbf16>
    tpu.vector_store %arg3[%swap3A, %swap3A_2], %convert_element_type3A {strides = array<i32>} : memref<512x1024xbf16, #tpu.memory_space<vmem>>, vector<512x1024xbf16>,
    %get3A_4 = arith.constant 0 : index
    %get3A_5 = arith.constant 0 : index
    %get3A_6 = vector.load %arg2[%get3A_4, %get3A_5] : memref<128x4096xf32, #tpu.memory_space<vmem>>, vector<128x4096xf32>
    %log3A_7 = math.log %get3A_6 : vector<128x4096xf32>
    %convert_element_type3A_8 = arith.truncf %log3A_7 : vector<128x4096xf32> to vector<128x4096xbf16>
    %swap3A_9 = arith.constant 0 : index
    %swap3A_10 = arith.constant 0 : index
    %swap3A_11 = vector.load %arg4[%swap3A_9, %swap3A_10] : memref<128x4096xbf16, #tpu.memory_space<vmem>>, vector<128x4096xbf16>
    tpu.vector_store %arg4[%swap3A_9, %swap3A_10], %convert_element_type3A_8 {strides = array<i32>} : memref<128x4096xbf16, #tpu.memory_space<vmem>>, vector<128x4096xbf16>,
    return
  }
  func.func @transform_0(%arg0: i32) -> (i32, i32) {
    %c0_i32 = arith.constant 0 : i32
    %c0_i32_0 = arith.constant 0 : i32
    return %arg0, %c0_i32 : i32, i32
  }
  func.func @transform_1(%arg0: i32) -> (i32, i32) {
    %c0_i32 = arith.constant 0 : i32
    %c0_i32_0 = arith.constant 0 : i32
    return %arg0, %c0_i32 : i32, i32
  }
  func.func @transform_2(%arg0: i32) -> (i32, i32) {
    %c0_i32 = arith.constant 0 : i32
    %c0_i32_0 = arith.constant 0 : i32
    return %arg0, %c0_i32 : i32, i32
  }
  func.func @transform_3(%arg0: i32) -> (i32, i32) {
    %c0_i32 = arith.constant 0 : i32
    %c0_i32_0 = arith.constant 0 : i32
    return %arg0, %c0_i32 : i32, i32
  }
}

module attributes {stable_mosaic.version = 14 : i64} {
  func.func @body(%arg0: i32, %arg1: memref<256x128xf32, #tpu.memory_space<vmem>>, %arg2: memref<256x128xf32, #tpu.memory_space<vmem>>, %arg3: memref<4096x128xf32, #tpu.memory_space<vmem>>, %arg4: memref<4096x128xf32, #tpu.memory_space<vmem>>, %arg5: memref<256x4096xbf16, #tpu.memory_space<vmem>>, %arg6: memref<128x128xf32, #tpu.memory_space<vmem>>, %arg7: memref<1x128xf32, #tpu.memory_space<vmem>>, %arg8: memref<1x128xf32, #tpu.memory_space<vmem>>, %arg9: memref<1x128xf32, #tpu.memory_space<vmem>>, %arg10: memref<1x1xf32, #tpu.memory_space<vmem>>, %arg11: memref<256x128xf32, #tpu.memory_space<vmem>>) attributes {dimension_semantics = [#tpu.dimension_semantics<arbitrary>], iteration_bounds = array<i64: 4>, scalar_prefetch = 0 : i64, scratch_operands = 0 : i64, tpu.core_type = #tpu.core_type<tc>, window_params = [{transform_indices = @transform_0, window_bounds = array<i64: 256, 128>}, {transform_indices = @transform_1, window_bounds = array<i64: 256, 128>}, {pipeline_mode = #tpu.pipeline_mode<synchronous>, transform_indices = @transform_2, window_bounds = array<i64: 4096, 128>}, {pipeline_mode = #tpu.pipeline_mode<synchronous>, transform_indices = @transform_3, window_bounds = array<i64: 4096, 128>}, {transform_indices = @transform_4, window_bounds = array<i64: 256, 4096>}, {pipeline_mode = #tpu.pipeline_mode<synchronous>, transform_indices = @transform_5, window_bounds = array<i64: 128, 128>}, {pipeline_mode = #tpu.pipeline_mode<synchronous>, transform_indices = @transform_6, window_bounds = array<i64: 1, 128>}, {pipeline_mode = #tpu.pipeline_mode<synchronous>, transform_indices = @transform_7, window_bounds = array<i64: 1, 128>}, {pipeline_mode = #tpu.pipeline_mode<synchronous>, transform_indices = @transform_8, window_bounds = array<i64: 1, 128>}, {pipeline_mode = #tpu.pipeline_mode<synchronous>, transform_indices = @transform_9, window_bounds = array<i64: 1, 1>}, {transform_indices = @transform_10, window_bounds = array<i64: 256, 128>}]} {
    %get3A = arith.constant 0 : index
    %get3A_0 = arith.constant 0 : index
    %get3A_1 = vector.load %arg2[%get3A, %get3A_0] : memref<256x128xf32, #tpu.memory_space<vmem>>, vector<256x128xf32>
    %get3A_2 = arith.constant 0 : index
    %get3A_3 = arith.constant 0 : index
    %get3A_4 = vector.load %arg3[%get3A_2, %get3A_3] : memref<4096x128xf32, #tpu.memory_space<vmem>>, vector<4096x128xf32>
    %get3A_5 = arith.constant 0 : index
    %get3A_6 = arith.constant 0 : index
    %get3A_7 = vector.load %arg4[%get3A_5, %get3A_6] : memref<4096x128xf32, #tpu.memory_space<vmem>>, vector<4096x128xf32>
    %get3A_8 = arith.constant 0 : index
    %get3A_9 = arith.constant 0 : index
    %get3A_10 = vector.load %arg5[%get3A_8, %get3A_9] : memref<256x4096xbf16, #tpu.memory_space<vmem>>, vector<256x4096xbf16>
    %convert_element_type3A = arith.truncf %get3A_4 : vector<4096x128xf32> to vector<4096x128xbf16>
    %convert_element_type3A_11 = arith.truncf %get3A_7 : vector<4096x128xf32> to vector<4096x128xbf16>
    %convert_element_type3A_12 = arith.truncf %get3A_1 : vector<256x128xf32> to vector<256x128xbf16>
    %broadcast_in_dim3A = arith.constant 1.000000e+00 : bf16
    %broadcast_in_dim3A_13 = vector.broadcast %broadcast_in_dim3A : bf16 to vector<4096x1xbf16>
    %slice3A = vector.extract_strided_slice %convert_element_type3A_12 {offsets = [0, 0], sizes = [256, 32], strides = [1, 1]} : vector<256x128xbf16> to vector<256x32xbf16>
    %slice3A_14 = vector.extract_strided_slice %convert_element_type3A {offsets = [0, 0], sizes = [4096, 32], strides = [1, 1]} : vector<4096x128xbf16> to vector<4096x32xbf16>
    %dot_general3A = arith.constant dense<0.000000e+00> : vector<256x4096xf32>
    %dot_general3A_15 = tpu.matmul %slice3A, %slice3A_14, %dot_general3A {dimension_numbers = #tpu.dot_dimension_numbers<[1], [1], [0], [0], [0, 0, 1, 0], [], []>, transpose_lhs_hint = false} : vector<256x32xbf16>, vector<4096x32xbf16>, vector<256x4096xf32> -> vector<256x4096xf32>
    %convert_element_type3A_16 = arith.extf %get3A_10 : vector<256x4096xbf16> to vector<256x4096xf32>
    %add3A = arith.addf %dot_general3A_15, %convert_element_type3A_16 : vector<256x4096xf32>
    %exp3A = math.exp %add3A : vector<256x4096xf32>
    %convert_element_type3A_17 = arith.truncf %exp3A : vector<256x4096xf32> to vector<256x4096xbf16>
    %slice3A_18 = vector.extract_strided_slice %convert_element_type3A_11 {offsets = [0, 0], sizes = [4096, 32], strides = [1, 1]} : vector<4096x128xbf16> to vector<4096x32xbf16>
    %concatenate3A = tpu.concatenate %slice3A_18, %broadcast_in_dim3A_13 in 1 : vector<4096x32xbf16>, vector<4096x1xbf16> -> vector<4096x33xbf16>
    %dot_general3A_19 = arith.constant dense<0.000000e+00> : vector<256x33xf32>
    %dot_general3A_20 = tpu.matmul %convert_element_type3A_17, %concatenate3A, %dot_general3A_19 {dimension_numbers = #tpu.dot_dimension_numbers<[1], [0], [0], [1], [0, 0, 1, 1], [], []>, transpose_lhs_hint = false} : vector<256x4096xbf16>, vector<4096x33xbf16>, vector<256x33xf32> -> vector<256x33xf32>
    %slice3A_21 = vector.extract_strided_slice %dot_general3A_20 {offsets = [0, 0], sizes = [256, 32], strides = [1, 1]} : vector<256x33xf32> to vector<256x32xf32>
    %slice3A_22 = vector.extract_strided_slice %dot_general3A_20 {offsets = [0, 32], sizes = [256, 1], strides = [1, 1]} : vector<256x33xf32> to vector<256x1xf32>
    %add3A_23 = arith.constant 1.000000e-16 : f32
    %add3A_24 = vector.broadcast %add3A_23 : f32 to vector<256x1xf32>
    %add3A_25 = arith.addf %slice3A_22, %add3A_24 : vector<256x1xf32>
    %div3A = vector.broadcast %add3A_25 : vector<256x1xf32> to vector<256x32xf32>
    %div3A_26 = arith.divf %slice3A_21, %div3A : vector<256x32xf32>
    %slice3A_27 = vector.extract_strided_slice %convert_element_type3A_12 {offsets = [0, 32], sizes = [256, 32], strides = [1, 1]} : vector<256x128xbf16> to vector<256x32xbf16>
    %slice3A_28 = vector.extract_strided_slice %convert_element_type3A {offsets = [0, 32], sizes = [4096, 32], strides = [1, 1]} : vector<4096x128xbf16> to vector<4096x32xbf16>
    %dot_general3A_29 = arith.constant dense<0.000000e+00> : vector<256x4096xf32>
    %dot_general3A_30 = tpu.matmul %slice3A_27, %slice3A_28, %dot_general3A_29 {dimension_numbers = #tpu.dot_dimension_numbers<[1], [1], [0], [0], [0, 0, 1, 0], [], []>, transpose_lhs_hint = false} : vector<256x32xbf16>, vector<4096x32xbf16>, vector<256x4096xf32> -> vector<256x4096xf32>
    %convert_element_type3A_31 = arith.extf %get3A_10 : vector<256x4096xbf16> to vector<256x4096xf32>
    %add3A_32 = arith.addf %dot_general3A_30, %convert_element_type3A_31 : vector<256x4096xf32>
    %exp3A_33 = math.exp %add3A_32 : vector<256x4096xf32>
    %convert_element_type3A_34 = arith.truncf %exp3A_33 : vector<256x4096xf32> to vector<256x4096xbf16>
    %slice3A_35 = vector.extract_strided_slice %convert_element_type3A_11 {offsets = [0, 32], sizes = [4096, 32], strides = [1, 1]} : vector<4096x128xbf16> to vector<4096x32xbf16>
    %concatenate3A_36 = tpu.concatenate %slice3A_35, %broadcast_in_dim3A_13 in 1 : vector<4096x32xbf16>, vector<4096x1xbf16> -> vector<4096x33xbf16>
    %dot_general3A_37 = arith.constant dense<0.000000e+00> : vector<256x33xf32>
    %dot_general3A_38 = tpu.matmul %convert_element_type3A_34, %concatenate3A_36, %dot_general3A_37 {dimension_numbers = #tpu.dot_dimension_numbers<[1], [0], [0], [1], [0, 0, 1, 1], [], []>, transpose_lhs_hint = false} : vector<256x4096xbf16>, vector<4096x33xbf16>, vector<256x33xf32> -> vector<256x33xf32>
    %slice3A_39 = vector.extract_strided_slice %dot_general3A_38 {offsets = [0, 0], sizes = [256, 32], strides = [1, 1]} : vector<256x33xf32> to vector<256x32xf32>
    %slice3A_40 = vector.extract_strided_slice %dot_general3A_38 {offsets = [0, 32], sizes = [256, 1], strides = [1, 1]} : vector<256x33xf32> to vector<256x1xf32>
    %add3A_41 = arith.constant 1.000000e-16 : f32
    %add3A_42 = vector.broadcast %add3A_41 : f32 to vector<256x1xf32>
    %add3A_43 = arith.addf %slice3A_40, %add3A_42 : vector<256x1xf32>
    %div3A_44 = vector.broadcast %add3A_43 : vector<256x1xf32> to vector<256x32xf32>
    %div3A_45 = arith.divf %slice3A_39, %div3A_44 : vector<256x32xf32>
    %slice3A_46 = vector.extract_strided_slice %convert_element_type3A_12 {offsets = [0, 64], sizes = [256, 32], strides = [1, 1]} : vector<256x128xbf16> to vector<256x32xbf16>
    %slice3A_47 = vector.extract_strided_slice %convert_element_type3A {offsets = [0, 64], sizes = [4096, 32], strides = [1, 1]} : vector<4096x128xbf16> to vector<4096x32xbf16>
    %dot_general3A_48 = arith.constant dense<0.000000e+00> : vector<256x4096xf32>
    %dot_general3A_49 = tpu.matmul %slice3A_46, %slice3A_47, %dot_general3A_48 {dimension_numbers = #tpu.dot_dimension_numbers<[1], [1], [0], [0], [0, 0, 1, 0], [], []>, transpose_lhs_hint = false} : vector<256x32xbf16>, vector<4096x32xbf16>, vector<256x4096xf32> -> vector<256x4096xf32>
    %convert_element_type3A_50 = arith.extf %get3A_10 : vector<256x4096xbf16> to vector<256x4096xf32>
    %add3A_51 = arith.addf %dot_general3A_49, %convert_element_type3A_50 : vector<256x4096xf32>
    %exp3A_52 = math.exp %add3A_51 : vector<256x4096xf32>
    %convert_element_type3A_53 = arith.truncf %exp3A_52 : vector<256x4096xf32> to vector<256x4096xbf16>
    %slice3A_54 = vector.extract_strided_slice %convert_element_type3A_11 {offsets = [0, 64], sizes = [4096, 32], strides = [1, 1]} : vector<4096x128xbf16> to vector<4096x32xbf16>
    %concatenate3A_55 = tpu.concatenate %slice3A_54, %broadcast_in_dim3A_13 in 1 : vector<4096x32xbf16>, vector<4096x1xbf16> -> vector<4096x33xbf16>
    %dot_general3A_56 = arith.constant dense<0.000000e+00> : vector<256x33xf32>
    %dot_general3A_57 = tpu.matmul %convert_element_type3A_53, %concatenate3A_55, %dot_general3A_56 {dimension_numbers = #tpu.dot_dimension_numbers<[1], [0], [0], [1], [0, 0, 1, 1], [], []>, transpose_lhs_hint = false} : vector<256x4096xbf16>, vector<4096x33xbf16>, vector<256x33xf32> -> vector<256x33xf32>
    %slice3A_58 = vector.extract_strided_slice %dot_general3A_57 {offsets = [0, 0], sizes = [256, 32], strides = [1, 1]} : vector<256x33xf32> to vector<256x32xf32>
    %slice3A_59 = vector.extract_strided_slice %dot_general3A_57 {offsets = [0, 32], sizes = [256, 1], strides = [1, 1]} : vector<256x33xf32> to vector<256x1xf32>
    %add3A_60 = arith.constant 1.000000e-16 : f32
    %add3A_61 = vector.broadcast %add3A_60 : f32 to vector<256x1xf32>
    %add3A_62 = arith.addf %slice3A_59, %add3A_61 : vector<256x1xf32>
    %div3A_63 = vector.broadcast %add3A_62 : vector<256x1xf32> to vector<256x32xf32>
    %div3A_64 = arith.divf %slice3A_58, %div3A_63 : vector<256x32xf32>
    %slice3A_65 = vector.extract_strided_slice %convert_element_type3A_12 {offsets = [0, 96], sizes = [256, 32], strides = [1, 1]} : vector<256x128xbf16> to vector<256x32xbf16>
    %slice3A_66 = vector.extract_strided_slice %convert_element_type3A {offsets = [0, 96], sizes = [4096, 32], strides = [1, 1]} : vector<4096x128xbf16> to vector<4096x32xbf16>
    %dot_general3A_67 = arith.constant dense<0.000000e+00> : vector<256x4096xf32>
    %dot_general3A_68 = tpu.matmul %slice3A_65, %slice3A_66, %dot_general3A_67 {dimension_numbers = #tpu.dot_dimension_numbers<[1], [1], [0], [0], [0, 0, 1, 0], [], []>, transpose_lhs_hint = false} : vector<256x32xbf16>, vector<4096x32xbf16>, vector<256x4096xf32> -> vector<256x4096xf32>
    %convert_element_type3A_69 = arith.extf %get3A_10 : vector<256x4096xbf16> to vector<256x4096xf32>
    %add3A_70 = arith.addf %dot_general3A_68, %convert_element_type3A_69 : vector<256x4096xf32>
    %exp3A_71 = math.exp %add3A_70 : vector<256x4096xf32>
    %convert_element_type3A_72 = arith.truncf %exp3A_71 : vector<256x4096xf32> to vector<256x4096xbf16>
    %slice3A_73 = vector.extract_strided_slice %convert_element_type3A_11 {offsets = [0, 96], sizes = [4096, 32], strides = [1, 1]} : vector<4096x128xbf16> to vector<4096x32xbf16>
    %concatenate3A_74 = tpu.concatenate %slice3A_73, %broadcast_in_dim3A_13 in 1 : vector<4096x32xbf16>, vector<4096x1xbf16> -> vector<4096x33xbf16>
    %dot_general3A_75 = arith.constant dense<0.000000e+00> : vector<256x33xf32>
    %dot_general3A_76 = tpu.matmul %convert_element_type3A_72, %concatenate3A_74, %dot_general3A_75 {dimension_numbers = #tpu.dot_dimension_numbers<[1], [0], [0], [1], [0, 0, 1, 1], [], []>, transpose_lhs_hint = false} : vector<256x4096xbf16>, vector<4096x33xbf16>, vector<256x33xf32> -> vector<256x33xf32>
    %slice3A_77 = vector.extract_strided_slice %dot_general3A_76 {offsets = [0, 0], sizes = [256, 32], strides = [1, 1]} : vector<256x33xf32> to vector<256x32xf32>
    %slice3A_78 = vector.extract_strided_slice %dot_general3A_76 {offsets = [0, 32], sizes = [256, 1], strides = [1, 1]} : vector<256x33xf32> to vector<256x1xf32>
    %add3A_79 = arith.constant 1.000000e-16 : f32
    %add3A_80 = vector.broadcast %add3A_79 : f32 to vector<256x1xf32>
    %add3A_81 = arith.addf %slice3A_78, %add3A_80 : vector<256x1xf32>
    %div3A_82 = vector.broadcast %add3A_81 : vector<256x1xf32> to vector<256x32xf32>
    %div3A_83 = arith.divf %slice3A_77, %div3A_82 : vector<256x32xf32>
    %concatenate3A_84 = tpu.concatenate %div3A_26, %div3A_45, %div3A_64, %div3A_83 in 1 : vector<256x32xf32>, vector<256x32xf32>, vector<256x32xf32>, vector<256x32xf32> -> vector<256x128xf32>
    %integer_pow3A = arith.mulf %concatenate3A_84, %concatenate3A_84 : vector<256x128xf32>
    %integer_pow3A_85 = arith.mulf %concatenate3A_84, %integer_pow3A : vector<256x128xf32>
    %mul3A = arith.constant 4.471500e-02 : f32
    %mul3A_86 = vector.broadcast %mul3A : f32 to vector<256x128xf32>
    %mul3A_87 = arith.mulf %mul3A_86, %integer_pow3A_85 : vector<256x128xf32>
    %add3A_88 = arith.addf %concatenate3A_84, %mul3A_87 : vector<256x128xf32>
    %mul3A_89 = arith.constant 0.797884583 : f32
    %mul3A_90 = vector.broadcast %mul3A_89 : f32 to vector<256x128xf32>
    %mul3A_91 = arith.mulf %mul3A_90, %add3A_88 : vector<256x128xf32>
    %tanh3A = math.tanh %mul3A_91 : vector<256x128xf32>
    %add3A_92 = arith.constant 1.000000e+00 : f32
    %add3A_93 = vector.broadcast %add3A_92 : f32 to vector<256x128xf32>
    %add3A_94 = arith.addf %add3A_93, %tanh3A : vector<256x128xf32>
    %mul3A_95 = arith.constant 5.000000e-01 : f32
    %mul3A_96 = vector.broadcast %mul3A_95 : f32 to vector<256x128xf32>
    %mul3A_97 = arith.mulf %mul3A_96, %add3A_94 : vector<256x128xf32>
    %mul3A_98 = arith.mulf %concatenate3A_84, %mul3A_97 : vector<256x128xf32>
    %get3A_99 = arith.constant 0 : index
    %get3A_100 = arith.constant 0 : index
    %get3A_101 = vector.load %arg6[%get3A_99, %get3A_100] : memref<128x128xf32, #tpu.memory_space<vmem>>, vector<128x128xf32>
    %dot_general3A_102 = arith.constant dense<0.000000e+00> : vector<256x128xf32>
    %dot_general3A_103 = tpu.matmul %mul3A_98, %get3A_101, %dot_general3A_102 {dimension_numbers = #tpu.dot_dimension_numbers<[1], [0], [0], [1], [0, 0, 1, 1], [], []>, transpose_lhs_hint = false} : vector<256x128xf32>, vector<128x128xf32>, vector<256x128xf32> -> vector<256x128xf32>
    %get3A_104 = arith.constant 0 : index
    %get3A_105 = arith.constant 0 : index
    %get3A_106 = vector.load %arg7[%get3A_104, %get3A_105] : memref<1x128xf32, #tpu.memory_space<vmem>>, vector<1x128xf32>
    %add3A_107 = vector.broadcast %get3A_106 : vector<1x128xf32> to vector<256x128xf32>
    %add3A_108 = arith.addf %dot_general3A_103, %add3A_107 : vector<256x128xf32>
    %get3A_109 = arith.constant 0 : index
    %get3A_110 = arith.constant 0 : index
    %get3A_111 = vector.load %arg10[%get3A_109, %get3A_110] : memref<1x1xf32, #tpu.memory_space<vmem>>, vector<1x1xf32>
    %get3A_112 = vector.extract %get3A_111[0, 0] : f32 from vector<1x1xf32>
    %mul3A_113 = vector.broadcast %get3A_112 : f32 to vector<256x128xf32>
    %mul3A_114 = arith.mulf %mul3A_113, %add3A_108 : vector<256x128xf32>
    %sub3A = arith.constant 1.000000e+00 : f32
    %sub3A_115 = arith.subf %sub3A, %get3A_112 : f32
    %get3A_116 = arith.constant 0 : index
    %get3A_117 = arith.constant 0 : index
    %get3A_118 = vector.load %arg1[%get3A_116, %get3A_117] : memref<256x128xf32, #tpu.memory_space<vmem>>, vector<256x128xf32>
    %mul3A_119 = vector.broadcast %sub3A_115 : f32 to vector<256x128xf32>
    %mul3A_120 = arith.mulf %mul3A_119, %get3A_118 : vector<256x128xf32>
    %add3A_121 = arith.addf %mul3A_114, %mul3A_120 : vector<256x128xf32>
    %get3A_122 = arith.constant 0 : index
    %get3A_123 = arith.constant 0 : index
    %get3A_124 = vector.load %arg1[%get3A_122, %get3A_123] : memref<256x128xf32, #tpu.memory_space<vmem>>, vector<256x128xf32>
    %get3A_125 = arith.constant 0 : index
    %get3A_126 = arith.constant 0 : index
    %get3A_127 = vector.load %arg8[%get3A_125, %get3A_126] : memref<1x128xf32, #tpu.memory_space<vmem>>, vector<1x128xf32>
    %get3A_128 = arith.constant 0 : index
    %get3A_129 = arith.constant 0 : index
    %get3A_130 = vector.load %arg9[%get3A_128, %get3A_129] : memref<1x128xf32, #tpu.memory_space<vmem>>, vector<1x128xf32>
    %add3A_131 = arith.addf %get3A_124, %add3A_121 : vector<256x128xf32>
    %reduce_sum3A = arith.constant dense<0.000000e+00> : vector<256xf32>
    %reduce_sum3A_132 = vector.multi_reduction <add>, %add3A_131, %reduce_sum3A [1] : vector<256x128xf32> to vector<256xf32>
    %broadcast_in_dim3A_133 = vector.shape_cast %reduce_sum3A_132 : vector<256xf32> to vector<256x1xf32>
    %div3A_134 = arith.constant 1.280000e+02 : f32
    %div3A_135 = vector.broadcast %div3A_134 : f32 to vector<256x1xf32>
    %div3A_136 = arith.divf %broadcast_in_dim3A_133, %div3A_135 : vector<256x1xf32>
    %sub3A_137 = vector.broadcast %div3A_136 : vector<256x1xf32> to vector<256x128xf32>
    %sub3A_138 = arith.subf %add3A_131, %sub3A_137 : vector<256x128xf32>
    %integer_pow3A_139 = arith.mulf %sub3A_138, %sub3A_138 : vector<256x128xf32>
    %reduce_sum3A_140 = arith.constant dense<0.000000e+00> : vector<256xf32>
    %reduce_sum3A_141 = vector.multi_reduction <add>, %integer_pow3A_139, %reduce_sum3A_140 [1] : vector<256x128xf32> to vector<256xf32>
    %broadcast_in_dim3A_142 = vector.shape_cast %reduce_sum3A_141 : vector<256xf32> to vector<256x1xf32>
    %div3A_143 = arith.constant 1.280000e+02 : f32
    %div3A_144 = vector.broadcast %div3A_143 : f32 to vector<256x1xf32>
    %div3A_145 = arith.divf %broadcast_in_dim3A_142, %div3A_144 : vector<256x1xf32>
    %sub3A_146 = vector.broadcast %div3A_136 : vector<256x1xf32> to vector<256x128xf32>
    %sub3A_147 = arith.subf %add3A_131, %sub3A_146 : vector<256x128xf32>
    %add3A_148 = arith.constant 9.99999974E-6 : f32
    %add3A_149 = vector.broadcast %add3A_148 : f32 to vector<256x1xf32>
    %add3A_150 = arith.addf %div3A_145, %add3A_149 : vector<256x1xf32>
    %sqrt3A = math.sqrt %add3A_150 : vector<256x1xf32>
    %div3A_151 = vector.broadcast %sqrt3A : vector<256x1xf32> to vector<256x128xf32>
    %div3A_152 = arith.divf %sub3A_147, %div3A_151 : vector<256x128xf32>
    %mul3A_153 = vector.broadcast %get3A_127 : vector<1x128xf32> to vector<256x128xf32>
    %mul3A_154 = arith.mulf %div3A_152, %mul3A_153 : vector<256x128xf32>
    %add3A_155 = vector.broadcast %get3A_130 : vector<1x128xf32> to vector<256x128xf32>
    %add3A_156 = arith.addf %mul3A_154, %add3A_155 : vector<256x128xf32>
    %integer_pow3A_157 = arith.mulf %add3A_156, %add3A_156 : vector<256x128xf32>
    %integer_pow3A_158 = arith.mulf %add3A_156, %integer_pow3A_157 : vector<256x128xf32>
    %mul3A_159 = arith.constant 4.471500e-02 : f32
    %mul3A_160 = vector.broadcast %mul3A_159 : f32 to vector<256x128xf32>
    %mul3A_161 = arith.mulf %mul3A_160, %integer_pow3A_158 : vector<256x128xf32>
    %add3A_162 = arith.addf %add3A_156, %mul3A_161 : vector<256x128xf32>
    %mul3A_163 = arith.constant 0.797884583 : f32
    %mul3A_164 = vector.broadcast %mul3A_163 : f32 to vector<256x128xf32>
    %mul3A_165 = arith.mulf %mul3A_164, %add3A_162 : vector<256x128xf32>
    %tanh3A_166 = math.tanh %mul3A_165 : vector<256x128xf32>
    %add3A_167 = arith.constant 1.000000e+00 : f32
    %add3A_168 = vector.broadcast %add3A_167 : f32 to vector<256x128xf32>
    %add3A_169 = arith.addf %add3A_168, %tanh3A_166 : vector<256x128xf32>
    %mul3A_170 = arith.constant 5.000000e-01 : f32
    %mul3A_171 = vector.broadcast %mul3A_170 : f32 to vector<256x128xf32>
    %mul3A_172 = arith.mulf %mul3A_171, %add3A_169 : vector<256x128xf32>
    %mul3A_173 = arith.mulf %add3A_156, %mul3A_172 : vector<256x128xf32>
    %swap3A = arith.constant 0 : index
    %swap3A_174 = arith.constant 0 : index
    %swap3A_175 = vector.load %arg11[%swap3A, %swap3A_174] : memref<256x128xf32, #tpu.memory_space<vmem>>, vector<256x128xf32>
    tpu.vector_store %arg11[%swap3A, %swap3A_174], %mul3A_173 {strides = array<i32>} : memref<256x128xf32, #tpu.memory_space<vmem>>, vector<256x128xf32>,
    return
  }
  func.func @transform_0(%arg0: i32) -> (i32, i32) {
    %c0_i32 = arith.constant 0 : i32
    %c0_i32_0 = arith.constant 0 : i32
    return %arg0, %c0_i32 : i32, i32
  }
  func.func @transform_1(%arg0: i32) -> (i32, i32) {
    %c0_i32 = arith.constant 0 : i32
    %c0_i32_0 = arith.constant 0 : i32
    return %arg0, %c0_i32 : i32, i32
  }
  func.func @transform_2(%arg0: i32) -> (i32, i32) {
    %c0_i32 = arith.constant 0 : i32
    %c0_i32_0 = arith.constant 0 : i32
    %c0_i32_1 = arith.constant 0 : i32
    return %c0_i32, %c0_i32_0 : i32, i32
  }
  func.func @transform_3(%arg0: i32) -> (i32, i32) {
    %c0_i32 = arith.constant 0 : i32
    %c0_i32_0 = arith.constant 0 : i32
    %c0_i32_1 = arith.constant 0 : i32
    return %c0_i32, %c0_i32_0 : i32, i32
  }
  func.func @transform_4(%arg0: i32) -> (i32, i32) {
    %c0_i32 = arith.constant 0 : i32
    %c0_i32_0 = arith.constant 0 : i32
    return %arg0, %c0_i32 : i32, i32
  }
  func.func @transform_5(%arg0: i32) -> (i32, i32) {
    %c0_i32 = arith.constant 0 : i32
    %c0_i32_0 = arith.constant 0 : i32
    %c0_i32_1 = arith.constant 0 : i32
    return %c0_i32, %c0_i32_0 : i32, i32
  }
  func.func @transform_6(%arg0: i32) -> (i32, i32) {
    %c0_i32 = arith.constant 0 : i32
    %c0_i32_0 = arith.constant 0 : i32
    %c0_i32_1 = arith.constant 0 : i32
    return %c0_i32, %c0_i32_0 : i32, i32
  }
  func.func @transform_7(%arg0: i32) -> (i32, i32) {
    %c0_i32 = arith.constant 0 : i32
    %c0_i32_0 = arith.constant 0 : i32
    %c0_i32_1 = arith.constant 0 : i32
    return %c0_i32, %c0_i32_0 : i32, i32
  }
  func.func @transform_8(%arg0: i32) -> (i32, i32) {
    %c0_i32 = arith.constant 0 : i32
    %c0_i32_0 = arith.constant 0 : i32
    %c0_i32_1 = arith.constant 0 : i32
    return %c0_i32, %c0_i32_0 : i32, i32
  }
  func.func @transform_9(%arg0: i32) -> (i32, i32) {
    %c0_i32 = arith.constant 0 : i32
    %c0_i32_0 = arith.constant 0 : i32
    %c0_i32_1 = arith.constant 0 : i32
    return %c0_i32, %c0_i32_0 : i32, i32
  }
  func.func @transform_10(%arg0: i32) -> (i32, i32) {
    %c0_i32 = arith.constant 0 : i32
    %c0_i32_0 = arith.constant 0 : i32
    return %arg0, %c0_i32 : i32, i32
  }
}

module attributes {stable_mosaic.version = 14 : i64} {
  func.func @body(%arg0: i32, %arg1: memref<512x128xf32, #tpu.memory_space<vmem>>, %arg2: memref<512x128xf32, #tpu.memory_space<vmem>>, %arg3: memref<512x128xf32, #tpu.memory_space<vmem>>, %arg4: memref<1024x128xf32, #tpu.memory_space<vmem>>, %arg5: memref<1024x128xf32, #tpu.memory_space<vmem>>, %arg6: memref<1024x128xf32, #tpu.memory_space<vmem>>, %arg7: memref<1024x128xf32, #tpu.memory_space<vmem>>, %arg8: memref<512x1024xbf16, #tpu.memory_space<vmem>>, %arg9: memref<128x128xf32, #tpu.memory_space<vmem>>, %arg10: memref<1x128xf32, #tpu.memory_space<vmem>>, %arg11: memref<1x128xf32, #tpu.memory_space<vmem>>, %arg12: memref<1x128xf32, #tpu.memory_space<vmem>>, %arg13: memref<1x1xf32, #tpu.memory_space<vmem>>, %arg14: memref<128x128xf32, #tpu.memory_space<vmem>>, %arg15: memref<1x128xf32, #tpu.memory_space<vmem>>, %arg16: memref<512x128xf32, #tpu.memory_space<vmem>>) attributes {dimension_semantics = [#tpu.dimension_semantics<arbitrary>], iteration_bounds = array<i64: 8>, scalar_prefetch = 0 : i64, scratch_operands = 0 : i64, tpu.core_type = #tpu.core_type<tc>, window_params = [{transform_indices = @transform_0, window_bounds = array<i64: 512, 128>}, {transform_indices = @transform_1, window_bounds = array<i64: 512, 128>}, {transform_indices = @transform_2, window_bounds = array<i64: 512, 128>}, {pipeline_mode = #tpu.pipeline_mode<synchronous>, transform_indices = @transform_3, window_bounds = array<i64: 1024, 128>}, {pipeline_mode = #tpu.pipeline_mode<synchronous>, transform_indices = @transform_4, window_bounds = array<i64: 1024, 128>}, {pipeline_mode = #tpu.pipeline_mode<synchronous>, transform_indices = @transform_5, window_bounds = array<i64: 1024, 128>}, {pipeline_mode = #tpu.pipeline_mode<synchronous>, transform_indices = @transform_6, window_bounds = array<i64: 1024, 128>}, {transform_indices = @transform_7, window_bounds = array<i64: 512, 1024>}, {pipeline_mode = #tpu.pipeline_mode<synchronous>, transform_indices = @transform_8, window_bounds = array<i64: 128, 128>}, {pipeline_mode = #tpu.pipeline_mode<synchronous>, transform_indices = @transform_9, window_bounds = array<i64: 1, 128>}, {pipeline_mode = #tpu.pipeline_mode<synchronous>, transform_indices = @transform_10, window_bounds = array<i64: 1, 128>}, {pipeline_mode = #tpu.pipeline_mode<synchronous>, transform_indices = @transform_11, window_bounds = array<i64: 1, 128>}, {pipeline_mode = #tpu.pipeline_mode<synchronous>, transform_indices = @transform_12, window_bounds = array<i64: 1, 1>}, {pipeline_mode = #tpu.pipeline_mode<synchronous>, transform_indices = @transform_13, window_bounds = array<i64: 128, 128>}, {pipeline_mode = #tpu.pipeline_mode<synchronous>, transform_indices = @transform_14, window_bounds = array<i64: 1, 128>}, {transform_indices = @transform_15, window_bounds = array<i64: 512, 128>}]} {
    %get3A = arith.constant 0 : index
    %get3A_0 = arith.constant 0 : index
    %get3A_1 = vector.load %arg2[%get3A, %get3A_0] : memref<512x128xf32, #tpu.memory_space<vmem>>, vector<512x128xf32>
    %get3A_2 = arith.constant 0 : index
    %get3A_3 = arith.constant 0 : index
    %get3A_4 = vector.load %arg4[%get3A_2, %get3A_3] : memref<1024x128xf32, #tpu.memory_space<vmem>>, vector<1024x128xf32>
    %get3A_5 = arith.constant 0 : index
    %get3A_6 = arith.constant 0 : index
    %get3A_7 = vector.load %arg5[%get3A_5, %get3A_6] : memref<1024x128xf32, #tpu.memory_space<vmem>>, vector<1024x128xf32>
    %get3A_8 = arith.constant 0 : index
    %get3A_9 = arith.constant 0 : index
    %get3A_10 = vector.load %arg8[%get3A_8, %get3A_9] : memref<512x1024xbf16, #tpu.memory_space<vmem>>, vector<512x1024xbf16>
    %convert_element_type3A = arith.truncf %get3A_4 : vector<1024x128xf32> to vector<1024x128xbf16>
    %convert_element_type3A_11 = arith.truncf %get3A_7 : vector<1024x128xf32> to vector<1024x128xbf16>
    %convert_element_type3A_12 = arith.truncf %get3A_1 : vector<512x128xf32> to vector<512x128xbf16>
    %broadcast_in_dim3A = arith.constant 1.000000e+00 : bf16
    %broadcast_in_dim3A_13 = vector.broadcast %broadcast_in_dim3A : bf16 to vector<1024x1xbf16>
    %slice3A = vector.extract_strided_slice %convert_element_type3A_12 {offsets = [0, 0], sizes = [512, 32], strides = [1, 1]} : vector<512x128xbf16> to vector<512x32xbf16>
    %slice3A_14 = vector.extract_strided_slice %convert_element_type3A {offsets = [0, 0], sizes = [1024, 32], strides = [1, 1]} : vector<1024x128xbf16> to vector<1024x32xbf16>
    %dot_general3A = arith.constant dense<0.000000e+00> : vector<512x1024xf32>
    %dot_general3A_15 = tpu.matmul %slice3A, %slice3A_14, %dot_general3A {dimension_numbers = #tpu.dot_dimension_numbers<[1], [1], [0], [0], [0, 0, 1, 0], [], []>, transpose_lhs_hint = false} : vector<512x32xbf16>, vector<1024x32xbf16>, vector<512x1024xf32> -> vector<512x1024xf32>
    %convert_element_type3A_16 = arith.extf %get3A_10 : vector<512x1024xbf16> to vector<512x1024xf32>
    %add3A = arith.addf %dot_general3A_15, %convert_element_type3A_16 : vector<512x1024xf32>
    %exp3A = math.exp %add3A : vector<512x1024xf32>
    %convert_element_type3A_17 = arith.truncf %exp3A : vector<512x1024xf32> to vector<512x1024xbf16>
    %slice3A_18 = vector.extract_strided_slice %convert_element_type3A_11 {offsets = [0, 0], sizes = [1024, 32], strides = [1, 1]} : vector<1024x128xbf16> to vector<1024x32xbf16>
    %concatenate3A = tpu.concatenate %slice3A_18, %broadcast_in_dim3A_13 in 1 : vector<1024x32xbf16>, vector<1024x1xbf16> -> vector<1024x33xbf16>
    %dot_general3A_19 = arith.constant dense<0.000000e+00> : vector<512x33xf32>
    %dot_general3A_20 = tpu.matmul %convert_element_type3A_17, %concatenate3A, %dot_general3A_19 {dimension_numbers = #tpu.dot_dimension_numbers<[1], [0], [0], [1], [0, 0, 1, 1], [], []>, transpose_lhs_hint = false} : vector<512x1024xbf16>, vector<1024x33xbf16>, vector<512x33xf32> -> vector<512x33xf32>
    %slice3A_21 = vector.extract_strided_slice %dot_general3A_20 {offsets = [0, 0], sizes = [512, 32], strides = [1, 1]} : vector<512x33xf32> to vector<512x32xf32>
    %slice3A_22 = vector.extract_strided_slice %dot_general3A_20 {offsets = [0, 32], sizes = [512, 1], strides = [1, 1]} : vector<512x33xf32> to vector<512x1xf32>
    %add3A_23 = arith.constant 1.000000e-16 : f32
    %add3A_24 = vector.broadcast %add3A_23 : f32 to vector<512x1xf32>
    %add3A_25 = arith.addf %slice3A_22, %add3A_24 : vector<512x1xf32>
    %div3A = vector.broadcast %add3A_25 : vector<512x1xf32> to vector<512x32xf32>
    %div3A_26 = arith.divf %slice3A_21, %div3A : vector<512x32xf32>
    %slice3A_27 = vector.extract_strided_slice %convert_element_type3A_12 {offsets = [0, 32], sizes = [512, 32], strides = [1, 1]} : vector<512x128xbf16> to vector<512x32xbf16>
    %slice3A_28 = vector.extract_strided_slice %convert_element_type3A {offsets = [0, 32], sizes = [1024, 32], strides = [1, 1]} : vector<1024x128xbf16> to vector<1024x32xbf16>
    %dot_general3A_29 = arith.constant dense<0.000000e+00> : vector<512x1024xf32>
    %dot_general3A_30 = tpu.matmul %slice3A_27, %slice3A_28, %dot_general3A_29 {dimension_numbers = #tpu.dot_dimension_numbers<[1], [1], [0], [0], [0, 0, 1, 0], [], []>, transpose_lhs_hint = false} : vector<512x32xbf16>, vector<1024x32xbf16>, vector<512x1024xf32> -> vector<512x1024xf32>
    %convert_element_type3A_31 = arith.extf %get3A_10 : vector<512x1024xbf16> to vector<512x1024xf32>
    %add3A_32 = arith.addf %dot_general3A_30, %convert_element_type3A_31 : vector<512x1024xf32>
    %exp3A_33 = math.exp %add3A_32 : vector<512x1024xf32>
    %convert_element_type3A_34 = arith.truncf %exp3A_33 : vector<512x1024xf32> to vector<512x1024xbf16>
    %slice3A_35 = vector.extract_strided_slice %convert_element_type3A_11 {offsets = [0, 32], sizes = [1024, 32], strides = [1, 1]} : vector<1024x128xbf16> to vector<1024x32xbf16>
    %concatenate3A_36 = tpu.concatenate %slice3A_35, %broadcast_in_dim3A_13 in 1 : vector<1024x32xbf16>, vector<1024x1xbf16> -> vector<1024x33xbf16>
    %dot_general3A_37 = arith.constant dense<0.000000e+00> : vector<512x33xf32>
    %dot_general3A_38 = tpu.matmul %convert_element_type3A_34, %concatenate3A_36, %dot_general3A_37 {dimension_numbers = #tpu.dot_dimension_numbers<[1], [0], [0], [1], [0, 0, 1, 1], [], []>, transpose_lhs_hint = false} : vector<512x1024xbf16>, vector<1024x33xbf16>, vector<512x33xf32> -> vector<512x33xf32>
    %slice3A_39 = vector.extract_strided_slice %dot_general3A_38 {offsets = [0, 0], sizes = [512, 32], strides = [1, 1]} : vector<512x33xf32> to vector<512x32xf32>
    %slice3A_40 = vector.extract_strided_slice %dot_general3A_38 {offsets = [0, 32], sizes = [512, 1], strides = [1, 1]} : vector<512x33xf32> to vector<512x1xf32>
    %add3A_41 = arith.constant 1.000000e-16 : f32
    %add3A_42 = vector.broadcast %add3A_41 : f32 to vector<512x1xf32>
    %add3A_43 = arith.addf %slice3A_40, %add3A_42 : vector<512x1xf32>
    %div3A_44 = vector.broadcast %add3A_43 : vector<512x1xf32> to vector<512x32xf32>
    %div3A_45 = arith.divf %slice3A_39, %div3A_44 : vector<512x32xf32>
    %slice3A_46 = vector.extract_strided_slice %convert_element_type3A_12 {offsets = [0, 64], sizes = [512, 32], strides = [1, 1]} : vector<512x128xbf16> to vector<512x32xbf16>
    %slice3A_47 = vector.extract_strided_slice %convert_element_type3A {offsets = [0, 64], sizes = [1024, 32], strides = [1, 1]} : vector<1024x128xbf16> to vector<1024x32xbf16>
    %dot_general3A_48 = arith.constant dense<0.000000e+00> : vector<512x1024xf32>
    %dot_general3A_49 = tpu.matmul %slice3A_46, %slice3A_47, %dot_general3A_48 {dimension_numbers = #tpu.dot_dimension_numbers<[1], [1], [0], [0], [0, 0, 1, 0], [], []>, transpose_lhs_hint = false} : vector<512x32xbf16>, vector<1024x32xbf16>, vector<512x1024xf32> -> vector<512x1024xf32>
    %convert_element_type3A_50 = arith.extf %get3A_10 : vector<512x1024xbf16> to vector<512x1024xf32>
    %add3A_51 = arith.addf %dot_general3A_49, %convert_element_type3A_50 : vector<512x1024xf32>
    %exp3A_52 = math.exp %add3A_51 : vector<512x1024xf32>
    %convert_element_type3A_53 = arith.truncf %exp3A_52 : vector<512x1024xf32> to vector<512x1024xbf16>
    %slice3A_54 = vector.extract_strided_slice %convert_element_type3A_11 {offsets = [0, 64], sizes = [1024, 32], strides = [1, 1]} : vector<1024x128xbf16> to vector<1024x32xbf16>
    %concatenate3A_55 = tpu.concatenate %slice3A_54, %broadcast_in_dim3A_13 in 1 : vector<1024x32xbf16>, vector<1024x1xbf16> -> vector<1024x33xbf16>
    %dot_general3A_56 = arith.constant dense<0.000000e+00> : vector<512x33xf32>
    %dot_general3A_57 = tpu.matmul %convert_element_type3A_53, %concatenate3A_55, %dot_general3A_56 {dimension_numbers = #tpu.dot_dimension_numbers<[1], [0], [0], [1], [0, 0, 1, 1], [], []>, transpose_lhs_hint = false} : vector<512x1024xbf16>, vector<1024x33xbf16>, vector<512x33xf32> -> vector<512x33xf32>
    %slice3A_58 = vector.extract_strided_slice %dot_general3A_57 {offsets = [0, 0], sizes = [512, 32], strides = [1, 1]} : vector<512x33xf32> to vector<512x32xf32>
    %slice3A_59 = vector.extract_strided_slice %dot_general3A_57 {offsets = [0, 32], sizes = [512, 1], strides = [1, 1]} : vector<512x33xf32> to vector<512x1xf32>
    %add3A_60 = arith.constant 1.000000e-16 : f32
    %add3A_61 = vector.broadcast %add3A_60 : f32 to vector<512x1xf32>
    %add3A_62 = arith.addf %slice3A_59, %add3A_61 : vector<512x1xf32>
    %div3A_63 = vector.broadcast %add3A_62 : vector<512x1xf32> to vector<512x32xf32>
    %div3A_64 = arith.divf %slice3A_58, %div3A_63 : vector<512x32xf32>
    %slice3A_65 = vector.extract_strided_slice %convert_element_type3A_12 {offsets = [0, 96], sizes = [512, 32], strides = [1, 1]} : vector<512x128xbf16> to vector<512x32xbf16>
    %slice3A_66 = vector.extract_strided_slice %convert_element_type3A {offsets = [0, 96], sizes = [1024, 32], strides = [1, 1]} : vector<1024x128xbf16> to vector<1024x32xbf16>
    %dot_general3A_67 = arith.constant dense<0.000000e+00> : vector<512x1024xf32>
    %dot_general3A_68 = tpu.matmul %slice3A_65, %slice3A_66, %dot_general3A_67 {dimension_numbers = #tpu.dot_dimension_numbers<[1], [1], [0], [0], [0, 0, 1, 0], [], []>, transpose_lhs_hint = false} : vector<512x32xbf16>, vector<1024x32xbf16>, vector<512x1024xf32> -> vector<512x1024xf32>
    %convert_element_type3A_69 = arith.extf %get3A_10 : vector<512x1024xbf16> to vector<512x1024xf32>
    %add3A_70 = arith.addf %dot_general3A_68, %convert_element_type3A_69 : vector<512x1024xf32>
    %exp3A_71 = math.exp %add3A_70 : vector<512x1024xf32>
    %convert_element_type3A_72 = arith.truncf %exp3A_71 : vector<512x1024xf32> to vector<512x1024xbf16>
    %slice3A_73 = vector.extract_strided_slice %convert_element_type3A_11 {offsets = [0, 96], sizes = [1024, 32], strides = [1, 1]} : vector<1024x128xbf16> to vector<1024x32xbf16>
    %concatenate3A_74 = tpu.concatenate %slice3A_73, %broadcast_in_dim3A_13 in 1 : vector<1024x32xbf16>, vector<1024x1xbf16> -> vector<1024x33xbf16>
    %dot_general3A_75 = arith.constant dense<0.000000e+00> : vector<512x33xf32>
    %dot_general3A_76 = tpu.matmul %convert_element_type3A_72, %concatenate3A_74, %dot_general3A_75 {dimension_numbers = #tpu.dot_dimension_numbers<[1], [0], [0], [1], [0, 0, 1, 1], [], []>, transpose_lhs_hint = false} : vector<512x1024xbf16>, vector<1024x33xbf16>, vector<512x33xf32> -> vector<512x33xf32>
    %slice3A_77 = vector.extract_strided_slice %dot_general3A_76 {offsets = [0, 0], sizes = [512, 32], strides = [1, 1]} : vector<512x33xf32> to vector<512x32xf32>
    %slice3A_78 = vector.extract_strided_slice %dot_general3A_76 {offsets = [0, 32], sizes = [512, 1], strides = [1, 1]} : vector<512x33xf32> to vector<512x1xf32>
    %add3A_79 = arith.constant 1.000000e-16 : f32
    %add3A_80 = vector.broadcast %add3A_79 : f32 to vector<512x1xf32>
    %add3A_81 = arith.addf %slice3A_78, %add3A_80 : vector<512x1xf32>
    %div3A_82 = vector.broadcast %add3A_81 : vector<512x1xf32> to vector<512x32xf32>
    %div3A_83 = arith.divf %slice3A_77, %div3A_82 : vector<512x32xf32>
    %concatenate3A_84 = tpu.concatenate %div3A_26, %div3A_45, %div3A_64, %div3A_83 in 1 : vector<512x32xf32>, vector<512x32xf32>, vector<512x32xf32>, vector<512x32xf32> -> vector<512x128xf32>
    %get3A_85 = arith.constant 0 : index
    %get3A_86 = arith.constant 0 : index
    %get3A_87 = vector.load %arg3[%get3A_85, %get3A_86] : memref<512x128xf32, #tpu.memory_space<vmem>>, vector<512x128xf32>
    %get3A_88 = arith.constant 0 : index
    %get3A_89 = arith.constant 0 : index
    %get3A_90 = vector.load %arg6[%get3A_88, %get3A_89] : memref<1024x128xf32, #tpu.memory_space<vmem>>, vector<1024x128xf32>
    %get3A_91 = arith.constant 0 : index
    %get3A_92 = arith.constant 0 : index
    %get3A_93 = vector.load %arg7[%get3A_91, %get3A_92] : memref<1024x128xf32, #tpu.memory_space<vmem>>, vector<1024x128xf32>
    %convert_element_type3A_94 = arith.truncf %get3A_90 : vector<1024x128xf32> to vector<1024x128xbf16>
    %convert_element_type3A_95 = arith.truncf %get3A_93 : vector<1024x128xf32> to vector<1024x128xbf16>
    %convert_element_type3A_96 = arith.truncf %get3A_87 : vector<512x128xf32> to vector<512x128xbf16>
    %broadcast_in_dim3A_97 = arith.constant 1.000000e+00 : bf16
    %broadcast_in_dim3A_98 = vector.broadcast %broadcast_in_dim3A_97 : bf16 to vector<1024x1xbf16>
    %slice3A_99 = vector.extract_strided_slice %convert_element_type3A_96 {offsets = [0, 0], sizes = [512, 32], strides = [1, 1]} : vector<512x128xbf16> to vector<512x32xbf16>
    %slice3A_100 = vector.extract_strided_slice %convert_element_type3A_94 {offsets = [0, 0], sizes = [1024, 32], strides = [1, 1]} : vector<1024x128xbf16> to vector<1024x32xbf16>
    %dot_general3A_101 = arith.constant dense<0.000000e+00> : vector<512x1024xf32>
    %dot_general3A_102 = tpu.matmul %slice3A_99, %slice3A_100, %dot_general3A_101 {dimension_numbers = #tpu.dot_dimension_numbers<[1], [1], [0], [0], [0, 0, 1, 0], [], []>, transpose_lhs_hint = false} : vector<512x32xbf16>, vector<1024x32xbf16>, vector<512x1024xf32> -> vector<512x1024xf32>
    %exp3A_103 = math.exp %dot_general3A_102 : vector<512x1024xf32>
    %convert_element_type3A_104 = arith.truncf %exp3A_103 : vector<512x1024xf32> to vector<512x1024xbf16>
    %slice3A_105 = vector.extract_strided_slice %convert_element_type3A_95 {offsets = [0, 0], sizes = [1024, 32], strides = [1, 1]} : vector<1024x128xbf16> to vector<1024x32xbf16>
    %concatenate3A_106 = tpu.concatenate %slice3A_105, %broadcast_in_dim3A_98 in 1 : vector<1024x32xbf16>, vector<1024x1xbf16> -> vector<1024x33xbf16>
    %dot_general3A_107 = arith.constant dense<0.000000e+00> : vector<512x33xf32>
    %dot_general3A_108 = tpu.matmul %convert_element_type3A_104, %concatenate3A_106, %dot_general3A_107 {dimension_numbers = #tpu.dot_dimension_numbers<[1], [0], [0], [1], [0, 0, 1, 1], [], []>, transpose_lhs_hint = false} : vector<512x1024xbf16>, vector<1024x33xbf16>, vector<512x33xf32> -> vector<512x33xf32>
    %slice3A_109 = vector.extract_strided_slice %dot_general3A_108 {offsets = [0, 0], sizes = [512, 32], strides = [1, 1]} : vector<512x33xf32> to vector<512x32xf32>
    %slice3A_110 = vector.extract_strided_slice %dot_general3A_108 {offsets = [0, 32], sizes = [512, 1], strides = [1, 1]} : vector<512x33xf32> to vector<512x1xf32>
    %add3A_111 = arith.constant 1.000000e-16 : f32
    %add3A_112 = vector.broadcast %add3A_111 : f32 to vector<512x1xf32>
    %add3A_113 = arith.addf %slice3A_110, %add3A_112 : vector<512x1xf32>
    %div3A_114 = vector.broadcast %add3A_113 : vector<512x1xf32> to vector<512x32xf32>
    %div3A_115 = arith.divf %slice3A_109, %div3A_114 : vector<512x32xf32>
    %slice3A_116 = vector.extract_strided_slice %convert_element_type3A_96 {offsets = [0, 32], sizes = [512, 32], strides = [1, 1]} : vector<512x128xbf16> to vector<512x32xbf16>
    %slice3A_117 = vector.extract_strided_slice %convert_element_type3A_94 {offsets = [0, 32], sizes = [1024, 32], strides = [1, 1]} : vector<1024x128xbf16> to vector<1024x32xbf16>
    %dot_general3A_118 = arith.constant dense<0.000000e+00> : vector<512x1024xf32>
    %dot_general3A_119 = tpu.matmul %slice3A_116, %slice3A_117, %dot_general3A_118 {dimension_numbers = #tpu.dot_dimension_numbers<[1], [1], [0], [0], [0, 0, 1, 0], [], []>, transpose_lhs_hint = false} : vector<512x32xbf16>, vector<1024x32xbf16>, vector<512x1024xf32> -> vector<512x1024xf32>
    %exp3A_120 = math.exp %dot_general3A_119 : vector<512x1024xf32>
    %convert_element_type3A_121 = arith.truncf %exp3A_120 : vector<512x1024xf32> to vector<512x1024xbf16>
    %slice3A_122 = vector.extract_strided_slice %convert_element_type3A_95 {offsets = [0, 32], sizes = [1024, 32], strides = [1, 1]} : vector<1024x128xbf16> to vector<1024x32xbf16>
    %concatenate3A_123 = tpu.concatenate %slice3A_122, %broadcast_in_dim3A_98 in 1 : vector<1024x32xbf16>, vector<1024x1xbf16> -> vector<1024x33xbf16>
    %dot_general3A_124 = arith.constant dense<0.000000e+00> : vector<512x33xf32>
    %dot_general3A_125 = tpu.matmul %convert_element_type3A_121, %concatenate3A_123, %dot_general3A_124 {dimension_numbers = #tpu.dot_dimension_numbers<[1], [0], [0], [1], [0, 0, 1, 1], [], []>, transpose_lhs_hint = false} : vector<512x1024xbf16>, vector<1024x33xbf16>, vector<512x33xf32> -> vector<512x33xf32>
    %slice3A_126 = vector.extract_strided_slice %dot_general3A_125 {offsets = [0, 0], sizes = [512, 32], strides = [1, 1]} : vector<512x33xf32> to vector<512x32xf32>
    %slice3A_127 = vector.extract_strided_slice %dot_general3A_125 {offsets = [0, 32], sizes = [512, 1], strides = [1, 1]} : vector<512x33xf32> to vector<512x1xf32>
    %add3A_128 = arith.constant 1.000000e-16 : f32
    %add3A_129 = vector.broadcast %add3A_128 : f32 to vector<512x1xf32>
    %add3A_130 = arith.addf %slice3A_127, %add3A_129 : vector<512x1xf32>
    %div3A_131 = vector.broadcast %add3A_130 : vector<512x1xf32> to vector<512x32xf32>
    %div3A_132 = arith.divf %slice3A_126, %div3A_131 : vector<512x32xf32>
    %slice3A_133 = vector.extract_strided_slice %convert_element_type3A_96 {offsets = [0, 64], sizes = [512, 32], strides = [1, 1]} : vector<512x128xbf16> to vector<512x32xbf16>
    %slice3A_134 = vector.extract_strided_slice %convert_element_type3A_94 {offsets = [0, 64], sizes = [1024, 32], strides = [1, 1]} : vector<1024x128xbf16> to vector<1024x32xbf16>
    %dot_general3A_135 = arith.constant dense<0.000000e+00> : vector<512x1024xf32>
    %dot_general3A_136 = tpu.matmul %slice3A_133, %slice3A_134, %dot_general3A_135 {dimension_numbers = #tpu.dot_dimension_numbers<[1], [1], [0], [0], [0, 0, 1, 0], [], []>, transpose_lhs_hint = false} : vector<512x32xbf16>, vector<1024x32xbf16>, vector<512x1024xf32> -> vector<512x1024xf32>
    %exp3A_137 = math.exp %dot_general3A_136 : vector<512x1024xf32>
    %convert_element_type3A_138 = arith.truncf %exp3A_137 : vector<512x1024xf32> to vector<512x1024xbf16>
    %slice3A_139 = vector.extract_strided_slice %convert_element_type3A_95 {offsets = [0, 64], sizes = [1024, 32], strides = [1, 1]} : vector<1024x128xbf16> to vector<1024x32xbf16>
    %concatenate3A_140 = tpu.concatenate %slice3A_139, %broadcast_in_dim3A_98 in 1 : vector<1024x32xbf16>, vector<1024x1xbf16> -> vector<1024x33xbf16>
    %dot_general3A_141 = arith.constant dense<0.000000e+00> : vector<512x33xf32>
    %dot_general3A_142 = tpu.matmul %convert_element_type3A_138, %concatenate3A_140, %dot_general3A_141 {dimension_numbers = #tpu.dot_dimension_numbers<[1], [0], [0], [1], [0, 0, 1, 1], [], []>, transpose_lhs_hint = false} : vector<512x1024xbf16>, vector<1024x33xbf16>, vector<512x33xf32> -> vector<512x33xf32>
    %slice3A_143 = vector.extract_strided_slice %dot_general3A_142 {offsets = [0, 0], sizes = [512, 32], strides = [1, 1]} : vector<512x33xf32> to vector<512x32xf32>
    %slice3A_144 = vector.extract_strided_slice %dot_general3A_142 {offsets = [0, 32], sizes = [512, 1], strides = [1, 1]} : vector<512x33xf32> to vector<512x1xf32>
    %add3A_145 = arith.constant 1.000000e-16 : f32
    %add3A_146 = vector.broadcast %add3A_145 : f32 to vector<512x1xf32>
    %add3A_147 = arith.addf %slice3A_144, %add3A_146 : vector<512x1xf32>
    %div3A_148 = vector.broadcast %add3A_147 : vector<512x1xf32> to vector<512x32xf32>
    %div3A_149 = arith.divf %slice3A_143, %div3A_148 : vector<512x32xf32>
    %slice3A_150 = vector.extract_strided_slice %convert_element_type3A_96 {offsets = [0, 96], sizes = [512, 32], strides = [1, 1]} : vector<512x128xbf16> to vector<512x32xbf16>
    %slice3A_151 = vector.extract_strided_slice %convert_element_type3A_94 {offsets = [0, 96], sizes = [1024, 32], strides = [1, 1]} : vector<1024x128xbf16> to vector<1024x32xbf16>
    %dot_general3A_152 = arith.constant dense<0.000000e+00> : vector<512x1024xf32>
    %dot_general3A_153 = tpu.matmul %slice3A_150, %slice3A_151, %dot_general3A_152 {dimension_numbers = #tpu.dot_dimension_numbers<[1], [1], [0], [0], [0, 0, 1, 0], [], []>, transpose_lhs_hint = false} : vector<512x32xbf16>, vector<1024x32xbf16>, vector<512x1024xf32> -> vector<512x1024xf32>
    %exp3A_154 = math.exp %dot_general3A_153 : vector<512x1024xf32>
    %convert_element_type3A_155 = arith.truncf %exp3A_154 : vector<512x1024xf32> to vector<512x1024xbf16>
    %slice3A_156 = vector.extract_strided_slice %convert_element_type3A_95 {offsets = [0, 96], sizes = [1024, 32], strides = [1, 1]} : vector<1024x128xbf16> to vector<1024x32xbf16>
    %concatenate3A_157 = tpu.concatenate %slice3A_156, %broadcast_in_dim3A_98 in 1 : vector<1024x32xbf16>, vector<1024x1xbf16> -> vector<1024x33xbf16>
    %dot_general3A_158 = arith.constant dense<0.000000e+00> : vector<512x33xf32>
    %dot_general3A_159 = tpu.matmul %convert_element_type3A_155, %concatenate3A_157, %dot_general3A_158 {dimension_numbers = #tpu.dot_dimension_numbers<[1], [0], [0], [1], [0, 0, 1, 1], [], []>, transpose_lhs_hint = false} : vector<512x1024xbf16>, vector<1024x33xbf16>, vector<512x33xf32> -> vector<512x33xf32>
    %slice3A_160 = vector.extract_strided_slice %dot_general3A_159 {offsets = [0, 0], sizes = [512, 32], strides = [1, 1]} : vector<512x33xf32> to vector<512x32xf32>
    %slice3A_161 = vector.extract_strided_slice %dot_general3A_159 {offsets = [0, 32], sizes = [512, 1], strides = [1, 1]} : vector<512x33xf32> to vector<512x1xf32>
    %add3A_162 = arith.constant 1.000000e-16 : f32
    %add3A_163 = vector.broadcast %add3A_162 : f32 to vector<512x1xf32>
    %add3A_164 = arith.addf %slice3A_161, %add3A_163 : vector<512x1xf32>
    %div3A_165 = vector.broadcast %add3A_164 : vector<512x1xf32> to vector<512x32xf32>
    %div3A_166 = arith.divf %slice3A_160, %div3A_165 : vector<512x32xf32>
    %concatenate3A_167 = tpu.concatenate %div3A_115, %div3A_132, %div3A_149, %div3A_166 in 1 : vector<512x32xf32>, vector<512x32xf32>, vector<512x32xf32>, vector<512x32xf32> -> vector<512x128xf32>
    %integer_pow3A = arith.mulf %concatenate3A_84, %concatenate3A_84 : vector<512x128xf32>
    %integer_pow3A_168 = arith.mulf %concatenate3A_84, %integer_pow3A : vector<512x128xf32>
    %mul3A = arith.constant 4.471500e-02 : f32
    %mul3A_169 = vector.broadcast %mul3A : f32 to vector<512x128xf32>
    %mul3A_170 = arith.mulf %mul3A_169, %integer_pow3A_168 : vector<512x128xf32>
    %add3A_171 = arith.addf %concatenate3A_84, %mul3A_170 : vector<512x128xf32>
    %mul3A_172 = arith.constant 0.797884583 : f32
    %mul3A_173 = vector.broadcast %mul3A_172 : f32 to vector<512x128xf32>
    %mul3A_174 = arith.mulf %mul3A_173, %add3A_171 : vector<512x128xf32>
    %tanh3A = math.tanh %mul3A_174 : vector<512x128xf32>
    %add3A_175 = arith.constant 1.000000e+00 : f32
    %add3A_176 = vector.broadcast %add3A_175 : f32 to vector<512x128xf32>
    %add3A_177 = arith.addf %add3A_176, %tanh3A : vector<512x128xf32>
    %mul3A_178 = arith.constant 5.000000e-01 : f32
    %mul3A_179 = vector.broadcast %mul3A_178 : f32 to vector<512x128xf32>
    %mul3A_180 = arith.mulf %mul3A_179, %add3A_177 : vector<512x128xf32>
    %mul3A_181 = arith.mulf %concatenate3A_84, %mul3A_180 : vector<512x128xf32>
    %get3A_182 = arith.constant 0 : index
    %get3A_183 = arith.constant 0 : index
    %get3A_184 = vector.load %arg9[%get3A_182, %get3A_183] : memref<128x128xf32, #tpu.memory_space<vmem>>, vector<128x128xf32>
    %dot_general3A_185 = arith.constant dense<0.000000e+00> : vector<512x128xf32>
    %dot_general3A_186 = tpu.matmul %mul3A_181, %get3A_184, %dot_general3A_185 {dimension_numbers = #tpu.dot_dimension_numbers<[1], [0], [0], [1], [0, 0, 1, 1], [], []>, transpose_lhs_hint = false} : vector<512x128xf32>, vector<128x128xf32>, vector<512x128xf32> -> vector<512x128xf32>
    %get3A_187 = arith.constant 0 : index
    %get3A_188 = arith.constant 0 : index
    %get3A_189 = vector.load %arg10[%get3A_187, %get3A_188] : memref<1x128xf32, #tpu.memory_space<vmem>>, vector<1x128xf32>
    %add3A_190 = vector.broadcast %get3A_189 : vector<1x128xf32> to vector<512x128xf32>
    %add3A_191 = arith.addf %dot_general3A_186, %add3A_190 : vector<512x128xf32>
    %get3A_192 = arith.constant 0 : index
    %get3A_193 = arith.constant 0 : index
    %get3A_194 = vector.load %arg13[%get3A_192, %get3A_193] : memref<1x1xf32, #tpu.memory_space<vmem>>, vector<1x1xf32>
    %get3A_195 = vector.extract %get3A_194[0, 0] : f32 from vector<1x1xf32>
    %mul3A_196 = vector.broadcast %get3A_195 : f32 to vector<512x128xf32>
    %mul3A_197 = arith.mulf %mul3A_196, %add3A_191 : vector<512x128xf32>
    %sub3A = arith.constant 1.000000e+00 : f32
    %sub3A_198 = arith.subf %sub3A, %get3A_195 : f32
    %get3A_199 = arith.constant 0 : index
    %get3A_200 = arith.constant 0 : index
    %get3A_201 = vector.load %arg1[%get3A_199, %get3A_200] : memref<512x128xf32, #tpu.memory_space<vmem>>, vector<512x128xf32>
    %mul3A_202 = vector.broadcast %sub3A_198 : f32 to vector<512x128xf32>
    %mul3A_203 = arith.mulf %mul3A_202, %get3A_201 : vector<512x128xf32>
    %add3A_204 = arith.addf %mul3A_197, %mul3A_203 : vector<512x128xf32>
    %get3A_205 = arith.constant 0 : index
    %get3A_206 = arith.constant 0 : index
    %get3A_207 = vector.load %arg14[%get3A_205, %get3A_206] : memref<128x128xf32, #tpu.memory_space<vmem>>, vector<128x128xf32>
    %dot_general3A_208 = arith.constant dense<0.000000e+00> : vector<512x128xf32>
    %dot_general3A_209 = tpu.matmul %concatenate3A_167, %get3A_207, %dot_general3A_208 {dimension_numbers = #tpu.dot_dimension_numbers<[1], [0], [0], [1], [0, 0, 1, 1], [], []>, transpose_lhs_hint = false} : vector<512x128xf32>, vector<128x128xf32>, vector<512x128xf32> -> vector<512x128xf32>
    %get3A_210 = arith.constant 0 : index
    %get3A_211 = arith.constant 0 : index
    %get3A_212 = vector.load %arg15[%get3A_210, %get3A_211] : memref<1x128xf32, #tpu.memory_space<vmem>>, vector<1x128xf32>
    %add3A_213 = vector.broadcast %get3A_212 : vector<1x128xf32> to vector<512x128xf32>
    %add3A_214 = arith.addf %dot_general3A_209, %add3A_213 : vector<512x128xf32>
    %add3A_215 = arith.addf %add3A_204, %add3A_214 : vector<512x128xf32>
    %get3A_216 = arith.constant 0 : index
    %get3A_217 = arith.constant 0 : index
    %get3A_218 = vector.load %arg1[%get3A_216, %get3A_217] : memref<512x128xf32, #tpu.memory_space<vmem>>, vector<512x128xf32>
    %get3A_219 = arith.constant 0 : index
    %get3A_220 = arith.constant 0 : index
    %get3A_221 = vector.load %arg11[%get3A_219, %get3A_220] : memref<1x128xf32, #tpu.memory_space<vmem>>, vector<1x128xf32>
    %get3A_222 = arith.constant 0 : index
    %get3A_223 = arith.constant 0 : index
    %get3A_224 = vector.load %arg12[%get3A_222, %get3A_223] : memref<1x128xf32, #tpu.memory_space<vmem>>, vector<1x128xf32>
    %add3A_225 = arith.addf %get3A_218, %add3A_215 : vector<512x128xf32>
    %reduce_sum3A = arith.constant dense<0.000000e+00> : vector<512xf32>
    %reduce_sum3A_226 = vector.multi_reduction <add>, %add3A_225, %reduce_sum3A [1] : vector<512x128xf32> to vector<512xf32>
    %broadcast_in_dim3A_227 = vector.shape_cast %reduce_sum3A_226 : vector<512xf32> to vector<512x1xf32>
    %div3A_228 = arith.constant 1.280000e+02 : f32
    %div3A_229 = vector.broadcast %div3A_228 : f32 to vector<512x1xf32>
    %div3A_230 = arith.divf %broadcast_in_dim3A_227, %div3A_229 : vector<512x1xf32>
    %sub3A_231 = vector.broadcast %div3A_230 : vector<512x1xf32> to vector<512x128xf32>
    %sub3A_232 = arith.subf %add3A_225, %sub3A_231 : vector<512x128xf32>
    %integer_pow3A_233 = arith.mulf %sub3A_232, %sub3A_232 : vector<512x128xf32>
    %reduce_sum3A_234 = arith.constant dense<0.000000e+00> : vector<512xf32>
    %reduce_sum3A_235 = vector.multi_reduction <add>, %integer_pow3A_233, %reduce_sum3A_234 [1] : vector<512x128xf32> to vector<512xf32>
    %broadcast_in_dim3A_236 = vector.shape_cast %reduce_sum3A_235 : vector<512xf32> to vector<512x1xf32>
    %div3A_237 = arith.constant 1.280000e+02 : f32
    %div3A_238 = vector.broadcast %div3A_237 : f32 to vector<512x1xf32>
    %div3A_239 = arith.divf %broadcast_in_dim3A_236, %div3A_238 : vector<512x1xf32>
    %sub3A_240 = vector.broadcast %div3A_230 : vector<512x1xf32> to vector<512x128xf32>
    %sub3A_241 = arith.subf %add3A_225, %sub3A_240 : vector<512x128xf32>
    %add3A_242 = arith.constant 9.99999974E-6 : f32
    %add3A_243 = vector.broadcast %add3A_242 : f32 to vector<512x1xf32>
    %add3A_244 = arith.addf %div3A_239, %add3A_243 : vector<512x1xf32>
    %sqrt3A = math.sqrt %add3A_244 : vector<512x1xf32>
    %div3A_245 = vector.broadcast %sqrt3A : vector<512x1xf32> to vector<512x128xf32>
    %div3A_246 = arith.divf %sub3A_241, %div3A_245 : vector<512x128xf32>
    %mul3A_247 = vector.broadcast %get3A_221 : vector<1x128xf32> to vector<512x128xf32>
    %mul3A_248 = arith.mulf %div3A_246, %mul3A_247 : vector<512x128xf32>
    %add3A_249 = vector.broadcast %get3A_224 : vector<1x128xf32> to vector<512x128xf32>
    %add3A_250 = arith.addf %mul3A_248, %add3A_249 : vector<512x128xf32>
    %integer_pow3A_251 = arith.mulf %add3A_250, %add3A_250 : vector<512x128xf32>
    %integer_pow3A_252 = arith.mulf %add3A_250, %integer_pow3A_251 : vector<512x128xf32>
    %mul3A_253 = arith.constant 4.471500e-02 : f32
    %mul3A_254 = vector.broadcast %mul3A_253 : f32 to vector<512x128xf32>
    %mul3A_255 = arith.mulf %mul3A_254, %integer_pow3A_252 : vector<512x128xf32>
    %add3A_256 = arith.addf %add3A_250, %mul3A_255 : vector<512x128xf32>
    %mul3A_257 = arith.constant 0.797884583 : f32
    %mul3A_258 = vector.broadcast %mul3A_257 : f32 to vector<512x128xf32>
    %mul3A_259 = arith.mulf %mul3A_258, %add3A_256 : vector<512x128xf32>
    %tanh3A_260 = math.tanh %mul3A_259 : vector<512x128xf32>
    %add3A_261 = arith.constant 1.000000e+00 : f32
    %add3A_262 = vector.broadcast %add3A_261 : f32 to vector<512x128xf32>
    %add3A_263 = arith.addf %add3A_262, %tanh3A_260 : vector<512x128xf32>
    %mul3A_264 = arith.constant 5.000000e-01 : f32
    %mul3A_265 = vector.broadcast %mul3A_264 : f32 to vector<512x128xf32>
    %mul3A_266 = arith.mulf %mul3A_265, %add3A_263 : vector<512x128xf32>
    %mul3A_267 = arith.mulf %add3A_250, %mul3A_266 : vector<512x128xf32>
    %swap3A = arith.constant 0 : index
    %swap3A_268 = arith.constant 0 : index
    %swap3A_269 = vector.load %arg16[%swap3A, %swap3A_268] : memref<512x128xf32, #tpu.memory_space<vmem>>, vector<512x128xf32>
    tpu.vector_store %arg16[%swap3A, %swap3A_268], %mul3A_267 {strides = array<i32>} : memref<512x128xf32, #tpu.memory_space<vmem>>, vector<512x128xf32>,
    return
  }
  func.func @transform_0(%arg0: i32) -> (i32, i32) {
    %c0_i32 = arith.constant 0 : i32
    %c0_i32_0 = arith.constant 0 : i32
    return %arg0, %c0_i32 : i32, i32
  }
  func.func @transform_1(%arg0: i32) -> (i32, i32) {
    %c0_i32 = arith.constant 0 : i32
    %c0_i32_0 = arith.constant 0 : i32
    return %arg0, %c0_i32 : i32, i32
  }
  func.func @transform_2(%arg0: i32) -> (i32, i32) {
    %c0_i32 = arith.constant 0 : i32
    %c0_i32_0 = arith.constant 0 : i32
    return %arg0, %c0_i32 : i32, i32
  }
  func.func @transform_3(%arg0: i32) -> (i32, i32) {
    %c0_i32 = arith.constant 0 : i32
    %c0_i32_0 = arith.constant 0 : i32
    %c0_i32_1 = arith.constant 0 : i32
    return %c0_i32, %c0_i32_0 : i32, i32
  }
  func.func @transform_4(%arg0: i32) -> (i32, i32) {
    %c0_i32 = arith.constant 0 : i32
    %c0_i32_0 = arith.constant 0 : i32
    %c0_i32_1 = arith.constant 0 : i32
    return %c0_i32, %c0_i32_0 : i32, i32
  }
  func.func @transform_5(%arg0: i32) -> (i32, i32) {
    %c0_i32 = arith.constant 0 : i32
    %c0_i32_0 = arith.constant 0 : i32
    %c0_i32_1 = arith.constant 0 : i32
    return %c0_i32, %c0_i32_0 : i32, i32
  }
  func.func @transform_6(%arg0: i32) -> (i32, i32) {
    %c0_i32 = arith.constant 0 : i32
    %c0_i32_0 = arith.constant 0 : i32
    %c0_i32_1 = arith.constant 0 : i32
    return %c0_i32, %c0_i32_0 : i32, i32
  }
  func.func @transform_7(%arg0: i32) -> (i32, i32) {
    %c0_i32 = arith.constant 0 : i32
    %c0_i32_0 = arith.constant 0 : i32
    return %arg0, %c0_i32 : i32, i32
  }
  func.func @transform_8(%arg0: i32) -> (i32, i32) {
    %c0_i32 = arith.constant 0 : i32
    %c0_i32_0 = arith.constant 0 : i32
    %c0_i32_1 = arith.constant 0 : i32
    return %c0_i32, %c0_i32_0 : i32, i32
  }
  func.func @transform_9(%arg0: i32) -> (i32, i32) {
    %c0_i32 = arith.constant 0 : i32
    %c0_i32_0 = arith.constant 0 : i32
    %c0_i32_1 = arith.constant 0 : i32
    return %c0_i32, %c0_i32_0 : i32, i32
  }
  func.func @transform_10(%arg0: i32) -> (i32, i32) {
    %c0_i32 = arith.constant 0 : i32
    %c0_i32_0 = arith.constant 0 : i32
    %c0_i32_1 = arith.constant 0 : i32
    return %c0_i32, %c0_i32_0 : i32, i32
  }
  func.func @transform_11(%arg0: i32) -> (i32, i32) {
    %c0_i32 = arith.constant 0 : i32
    %c0_i32_0 = arith.constant 0 : i32
    %c0_i32_1 = arith.constant 0 : i32
    return %c0_i32, %c0_i32_0 : i32, i32
  }
  func.func @transform_12(%arg0: i32) -> (i32, i32) {
    %c0_i32 = arith.constant 0 : i32
    %c0_i32_0 = arith.constant 0 : i32
    %c0_i32_1 = arith.constant 0 : i32
    return %c0_i32, %c0_i32_0 : i32, i32
  }
  func.func @transform_13(%arg0: i32) -> (i32, i32) {
    %c0_i32 = arith.constant 0 : i32
    %c0_i32_0 = arith.constant 0 : i32
    %c0_i32_1 = arith.constant 0 : i32
    return %c0_i32, %c0_i32_0 : i32, i32
  }
  func.func @transform_14(%arg0: i32) -> (i32, i32) {
    %c0_i32 = arith.constant 0 : i32
    %c0_i32_0 = arith.constant 0 : i32
    %c0_i32_1 = arith.constant 0 : i32
    return %c0_i32, %c0_i32_0 : i32, i32
  }
  func.func @transform_15(%arg0: i32) -> (i32, i32) {
    %c0_i32 = arith.constant 0 : i32
    %c0_i32_0 = arith.constant 0 : i32
    return %arg0, %c0_i32 : i32, i32
  }
}

module attributes {stable_mosaic.version = 14 : i64} {
  func.func @body(%arg0: i32, %arg1: memref<256x128xf32, #tpu.memory_space<vmem>>, %arg2: memref<256x128xf32, #tpu.memory_space<vmem>>, %arg3: memref<4096x128xf32, #tpu.memory_space<vmem>>, %arg4: memref<4096x128xf32, #tpu.memory_space<vmem>>, %arg5: memref<256x4096xbf16, #tpu.memory_space<vmem>>, %arg6: memref<128x128xf32, #tpu.memory_space<vmem>>, %arg7: memref<1x128xf32, #tpu.memory_space<vmem>>, %arg8: memref<1x128xf32, #tpu.memory_space<vmem>>, %arg9: memref<1x128xf32, #tpu.memory_space<vmem>>, %arg10: memref<1x1xf32, #tpu.memory_space<vmem>>, %arg11: memref<128x128xf32, #tpu.memory_space<vmem>>, %arg12: memref<1x128xf32, #tpu.memory_space<vmem>>, %arg13: memref<256x128xf32, #tpu.memory_space<vmem>>) attributes {dimension_semantics = [#tpu.dimension_semantics<arbitrary>], iteration_bounds = array<i64: 4>, scalar_prefetch = 0 : i64, scratch_operands = 0 : i64, tpu.core_type = #tpu.core_type<tc>, window_params = [{transform_indices = @transform_0, window_bounds = array<i64: 256, 128>}, {transform_indices = @transform_1, window_bounds = array<i64: 256, 128>}, {pipeline_mode = #tpu.pipeline_mode<synchronous>, transform_indices = @transform_2, window_bounds = array<i64: 4096, 128>}, {pipeline_mode = #tpu.pipeline_mode<synchronous>, transform_indices = @transform_3, window_bounds = array<i64: 4096, 128>}, {transform_indices = @transform_4, window_bounds = array<i64: 256, 4096>}, {pipeline_mode = #tpu.pipeline_mode<synchronous>, transform_indices = @transform_5, window_bounds = array<i64: 128, 128>}, {pipeline_mode = #tpu.pipeline_mode<synchronous>, transform_indices = @transform_6, window_bounds = array<i64: 1, 128>}, {pipeline_mode = #tpu.pipeline_mode<synchronous>, transform_indices = @transform_7, window_bounds = array<i64: 1, 128>}, {pipeline_mode = #tpu.pipeline_mode<synchronous>, transform_indices = @transform_8, window_bounds = array<i64: 1, 128>}, {pipeline_mode = #tpu.pipeline_mode<synchronous>, transform_indices = @transform_9, window_bounds = array<i64: 1, 1>}, {pipeline_mode = #tpu.pipeline_mode<synchronous>, transform_indices = @transform_10, window_bounds = array<i64: 128, 128>}, {pipeline_mode = #tpu.pipeline_mode<synchronous>, transform_indices = @transform_11, window_bounds = array<i64: 1, 128>}, {transform_indices = @transform_12, window_bounds = array<i64: 256, 128>}]} {
    %get3A = arith.constant 0 : index
    %get3A_0 = arith.constant 0 : index
    %get3A_1 = vector.load %arg2[%get3A, %get3A_0] : memref<256x128xf32, #tpu.memory_space<vmem>>, vector<256x128xf32>
    %get3A_2 = arith.constant 0 : index
    %get3A_3 = arith.constant 0 : index
    %get3A_4 = vector.load %arg3[%get3A_2, %get3A_3] : memref<4096x128xf32, #tpu.memory_space<vmem>>, vector<4096x128xf32>
    %get3A_5 = arith.constant 0 : index
    %get3A_6 = arith.constant 0 : index
    %get3A_7 = vector.load %arg4[%get3A_5, %get3A_6] : memref<4096x128xf32, #tpu.memory_space<vmem>>, vector<4096x128xf32>
    %get3A_8 = arith.constant 0 : index
    %get3A_9 = arith.constant 0 : index
    %get3A_10 = vector.load %arg5[%get3A_8, %get3A_9] : memref<256x4096xbf16, #tpu.memory_space<vmem>>, vector<256x4096xbf16>
    %convert_element_type3A = arith.truncf %get3A_4 : vector<4096x128xf32> to vector<4096x128xbf16>
    %convert_element_type3A_11 = arith.truncf %get3A_7 : vector<4096x128xf32> to vector<4096x128xbf16>
    %convert_element_type3A_12 = arith.truncf %get3A_1 : vector<256x128xf32> to vector<256x128xbf16>
    %broadcast_in_dim3A = arith.constant 1.000000e+00 : bf16
    %broadcast_in_dim3A_13 = vector.broadcast %broadcast_in_dim3A : bf16 to vector<4096x1xbf16>
    %slice3A = vector.extract_strided_slice %convert_element_type3A_12 {offsets = [0, 0], sizes = [256, 32], strides = [1, 1]} : vector<256x128xbf16> to vector<256x32xbf16>
    %slice3A_14 = vector.extract_strided_slice %convert_element_type3A {offsets = [0, 0], sizes = [4096, 32], strides = [1, 1]} : vector<4096x128xbf16> to vector<4096x32xbf16>
    %dot_general3A = arith.constant dense<0.000000e+00> : vector<256x4096xf32>
    %dot_general3A_15 = tpu.matmul %slice3A, %slice3A_14, %dot_general3A {dimension_numbers = #tpu.dot_dimension_numbers<[1], [1], [0], [0], [0, 0, 1, 0], [], []>, transpose_lhs_hint = false} : vector<256x32xbf16>, vector<4096x32xbf16>, vector<256x4096xf32> -> vector<256x4096xf32>
    %convert_element_type3A_16 = arith.extf %get3A_10 : vector<256x4096xbf16> to vector<256x4096xf32>
    %add3A = arith.addf %dot_general3A_15, %convert_element_type3A_16 : vector<256x4096xf32>
    %exp3A = math.exp %add3A : vector<256x4096xf32>
    %convert_element_type3A_17 = arith.truncf %exp3A : vector<256x4096xf32> to vector<256x4096xbf16>
    %slice3A_18 = vector.extract_strided_slice %convert_element_type3A_11 {offsets = [0, 0], sizes = [4096, 32], strides = [1, 1]} : vector<4096x128xbf16> to vector<4096x32xbf16>
    %concatenate3A = tpu.concatenate %slice3A_18, %broadcast_in_dim3A_13 in 1 : vector<4096x32xbf16>, vector<4096x1xbf16> -> vector<4096x33xbf16>
    %dot_general3A_19 = arith.constant dense<0.000000e+00> : vector<256x33xf32>
    %dot_general3A_20 = tpu.matmul %convert_element_type3A_17, %concatenate3A, %dot_general3A_19 {dimension_numbers = #tpu.dot_dimension_numbers<[1], [0], [0], [1], [0, 0, 1, 1], [], []>, transpose_lhs_hint = false} : vector<256x4096xbf16>, vector<4096x33xbf16>, vector<256x33xf32> -> vector<256x33xf32>
    %slice3A_21 = vector.extract_strided_slice %dot_general3A_20 {offsets = [0, 0], sizes = [256, 32], strides = [1, 1]} : vector<256x33xf32> to vector<256x32xf32>
    %slice3A_22 = vector.extract_strided_slice %dot_general3A_20 {offsets = [0, 32], sizes = [256, 1], strides = [1, 1]} : vector<256x33xf32> to vector<256x1xf32>
    %add3A_23 = arith.constant 1.000000e-16 : f32
    %add3A_24 = vector.broadcast %add3A_23 : f32 to vector<256x1xf32>
    %add3A_25 = arith.addf %slice3A_22, %add3A_24 : vector<256x1xf32>
    %div3A = vector.broadcast %add3A_25 : vector<256x1xf32> to vector<256x32xf32>
    %div3A_26 = arith.divf %slice3A_21, %div3A : vector<256x32xf32>
    %slice3A_27 = vector.extract_strided_slice %convert_element_type3A_12 {offsets = [0, 32], sizes = [256, 32], strides = [1, 1]} : vector<256x128xbf16> to vector<256x32xbf16>
    %slice3A_28 = vector.extract_strided_slice %convert_element_type3A {offsets = [0, 32], sizes = [4096, 32], strides = [1, 1]} : vector<4096x128xbf16> to vector<4096x32xbf16>
    %dot_general3A_29 = arith.constant dense<0.000000e+00> : vector<256x4096xf32>
    %dot_general3A_30 = tpu.matmul %slice3A_27, %slice3A_28, %dot_general3A_29 {dimension_numbers = #tpu.dot_dimension_numbers<[1], [1], [0], [0], [0, 0, 1, 0], [], []>, transpose_lhs_hint = false} : vector<256x32xbf16>, vector<4096x32xbf16>, vector<256x4096xf32> -> vector<256x4096xf32>
    %convert_element_type3A_31 = arith.extf %get3A_10 : vector<256x4096xbf16> to vector<256x4096xf32>
    %add3A_32 = arith.addf %dot_general3A_30, %convert_element_type3A_31 : vector<256x4096xf32>
    %exp3A_33 = math.exp %add3A_32 : vector<256x4096xf32>
    %convert_element_type3A_34 = arith.truncf %exp3A_33 : vector<256x4096xf32> to vector<256x4096xbf16>
    %slice3A_35 = vector.extract_strided_slice %convert_element_type3A_11 {offsets = [0, 32], sizes = [4096, 32], strides = [1, 1]} : vector<4096x128xbf16> to vector<4096x32xbf16>
    %concatenate3A_36 = tpu.concatenate %slice3A_35, %broadcast_in_dim3A_13 in 1 : vector<4096x32xbf16>, vector<4096x1xbf16> -> vector<4096x33xbf16>
    %dot_general3A_37 = arith.constant dense<0.000000e+00> : vector<256x33xf32>
    %dot_general3A_38 = tpu.matmul %convert_element_type3A_34, %concatenate3A_36, %dot_general3A_37 {dimension_numbers = #tpu.dot_dimension_numbers<[1], [0], [0], [1], [0, 0, 1, 1], [], []>, transpose_lhs_hint = false} : vector<256x4096xbf16>, vector<4096x33xbf16>, vector<256x33xf32> -> vector<256x33xf32>
    %slice3A_39 = vector.extract_strided_slice %dot_general3A_38 {offsets = [0, 0], sizes = [256, 32], strides = [1, 1]} : vector<256x33xf32> to vector<256x32xf32>
    %slice3A_40 = vector.extract_strided_slice %dot_general3A_38 {offsets = [0, 32], sizes = [256, 1], strides = [1, 1]} : vector<256x33xf32> to vector<256x1xf32>
    %add3A_41 = arith.constant 1.000000e-16 : f32
    %add3A_42 = vector.broadcast %add3A_41 : f32 to vector<256x1xf32>
    %add3A_43 = arith.addf %slice3A_40, %add3A_42 : vector<256x1xf32>
    %div3A_44 = vector.broadcast %add3A_43 : vector<256x1xf32> to vector<256x32xf32>
    %div3A_45 = arith.divf %slice3A_39, %div3A_44 : vector<256x32xf32>
    %slice3A_46 = vector.extract_strided_slice %convert_element_type3A_12 {offsets = [0, 64], sizes = [256, 32], strides = [1, 1]} : vector<256x128xbf16> to vector<256x32xbf16>
    %slice3A_47 = vector.extract_strided_slice %convert_element_type3A {offsets = [0, 64], sizes = [4096, 32], strides = [1, 1]} : vector<4096x128xbf16> to vector<4096x32xbf16>
    %dot_general3A_48 = arith.constant dense<0.000000e+00> : vector<256x4096xf32>
    %dot_general3A_49 = tpu.matmul %slice3A_46, %slice3A_47, %dot_general3A_48 {dimension_numbers = #tpu.dot_dimension_numbers<[1], [1], [0], [0], [0, 0, 1, 0], [], []>, transpose_lhs_hint = false} : vector<256x32xbf16>, vector<4096x32xbf16>, vector<256x4096xf32> -> vector<256x4096xf32>
    %convert_element_type3A_50 = arith.extf %get3A_10 : vector<256x4096xbf16> to vector<256x4096xf32>
    %add3A_51 = arith.addf %dot_general3A_49, %convert_element_type3A_50 : vector<256x4096xf32>
    %exp3A_52 = math.exp %add3A_51 : vector<256x4096xf32>
    %convert_element_type3A_53 = arith.truncf %exp3A_52 : vector<256x4096xf32> to vector<256x4096xbf16>
    %slice3A_54 = vector.extract_strided_slice %convert_element_type3A_11 {offsets = [0, 64], sizes = [4096, 32], strides = [1, 1]} : vector<4096x128xbf16> to vector<4096x32xbf16>
    %concatenate3A_55 = tpu.concatenate %slice3A_54, %broadcast_in_dim3A_13 in 1 : vector<4096x32xbf16>, vector<4096x1xbf16> -> vector<4096x33xbf16>
    %dot_general3A_56 = arith.constant dense<0.000000e+00> : vector<256x33xf32>
    %dot_general3A_57 = tpu.matmul %convert_element_type3A_53, %concatenate3A_55, %dot_general3A_56 {dimension_numbers = #tpu.dot_dimension_numbers<[1], [0], [0], [1], [0, 0, 1, 1], [], []>, transpose_lhs_hint = false} : vector<256x4096xbf16>, vector<4096x33xbf16>, vector<256x33xf32> -> vector<256x33xf32>
    %slice3A_58 = vector.extract_strided_slice %dot_general3A_57 {offsets = [0, 0], sizes = [256, 32], strides = [1, 1]} : vector<256x33xf32> to vector<256x32xf32>
    %slice3A_59 = vector.extract_strided_slice %dot_general3A_57 {offsets = [0, 32], sizes = [256, 1], strides = [1, 1]} : vector<256x33xf32> to vector<256x1xf32>
    %add3A_60 = arith.constant 1.000000e-16 : f32
    %add3A_61 = vector.broadcast %add3A_60 : f32 to vector<256x1xf32>
    %add3A_62 = arith.addf %slice3A_59, %add3A_61 : vector<256x1xf32>
    %div3A_63 = vector.broadcast %add3A_62 : vector<256x1xf32> to vector<256x32xf32>
    %div3A_64 = arith.divf %slice3A_58, %div3A_63 : vector<256x32xf32>
    %slice3A_65 = vector.extract_strided_slice %convert_element_type3A_12 {offsets = [0, 96], sizes = [256, 32], strides = [1, 1]} : vector<256x128xbf16> to vector<256x32xbf16>
    %slice3A_66 = vector.extract_strided_slice %convert_element_type3A {offsets = [0, 96], sizes = [4096, 32], strides = [1, 1]} : vector<4096x128xbf16> to vector<4096x32xbf16>
    %dot_general3A_67 = arith.constant dense<0.000000e+00> : vector<256x4096xf32>
    %dot_general3A_68 = tpu.matmul %slice3A_65, %slice3A_66, %dot_general3A_67 {dimension_numbers = #tpu.dot_dimension_numbers<[1], [1], [0], [0], [0, 0, 1, 0], [], []>, transpose_lhs_hint = false} : vector<256x32xbf16>, vector<4096x32xbf16>, vector<256x4096xf32> -> vector<256x4096xf32>
    %convert_element_type3A_69 = arith.extf %get3A_10 : vector<256x4096xbf16> to vector<256x4096xf32>
    %add3A_70 = arith.addf %dot_general3A_68, %convert_element_type3A_69 : vector<256x4096xf32>
    %exp3A_71 = math.exp %add3A_70 : vector<256x4096xf32>
    %convert_element_type3A_72 = arith.truncf %exp3A_71 : vector<256x4096xf32> to vector<256x4096xbf16>
    %slice3A_73 = vector.extract_strided_slice %convert_element_type3A_11 {offsets = [0, 96], sizes = [4096, 32], strides = [1, 1]} : vector<4096x128xbf16> to vector<4096x32xbf16>
    %concatenate3A_74 = tpu.concatenate %slice3A_73, %broadcast_in_dim3A_13 in 1 : vector<4096x32xbf16>, vector<4096x1xbf16> -> vector<4096x33xbf16>
    %dot_general3A_75 = arith.constant dense<0.000000e+00> : vector<256x33xf32>
    %dot_general3A_76 = tpu.matmul %convert_element_type3A_72, %concatenate3A_74, %dot_general3A_75 {dimension_numbers = #tpu.dot_dimension_numbers<[1], [0], [0], [1], [0, 0, 1, 1], [], []>, transpose_lhs_hint = false} : vector<256x4096xbf16>, vector<4096x33xbf16>, vector<256x33xf32> -> vector<256x33xf32>
    %slice3A_77 = vector.extract_strided_slice %dot_general3A_76 {offsets = [0, 0], sizes = [256, 32], strides = [1, 1]} : vector<256x33xf32> to vector<256x32xf32>
    %slice3A_78 = vector.extract_strided_slice %dot_general3A_76 {offsets = [0, 32], sizes = [256, 1], strides = [1, 1]} : vector<256x33xf32> to vector<256x1xf32>
    %add3A_79 = arith.constant 1.000000e-16 : f32
    %add3A_80 = vector.broadcast %add3A_79 : f32 to vector<256x1xf32>
    %add3A_81 = arith.addf %slice3A_78, %add3A_80 : vector<256x1xf32>
    %div3A_82 = vector.broadcast %add3A_81 : vector<256x1xf32> to vector<256x32xf32>
    %div3A_83 = arith.divf %slice3A_77, %div3A_82 : vector<256x32xf32>
    %concatenate3A_84 = tpu.concatenate %div3A_26, %div3A_45, %div3A_64, %div3A_83 in 1 : vector<256x32xf32>, vector<256x32xf32>, vector<256x32xf32>, vector<256x32xf32> -> vector<256x128xf32>
    %integer_pow3A = arith.mulf %concatenate3A_84, %concatenate3A_84 : vector<256x128xf32>
    %integer_pow3A_85 = arith.mulf %concatenate3A_84, %integer_pow3A : vector<256x128xf32>
    %mul3A = arith.constant 4.471500e-02 : f32
    %mul3A_86 = vector.broadcast %mul3A : f32 to vector<256x128xf32>
    %mul3A_87 = arith.mulf %mul3A_86, %integer_pow3A_85 : vector<256x128xf32>
    %add3A_88 = arith.addf %concatenate3A_84, %mul3A_87 : vector<256x128xf32>
    %mul3A_89 = arith.constant 0.797884583 : f32
    %mul3A_90 = vector.broadcast %mul3A_89 : f32 to vector<256x128xf32>
    %mul3A_91 = arith.mulf %mul3A_90, %add3A_88 : vector<256x128xf32>
    %tanh3A = math.tanh %mul3A_91 : vector<256x128xf32>
    %add3A_92 = arith.constant 1.000000e+00 : f32
    %add3A_93 = vector.broadcast %add3A_92 : f32 to vector<256x128xf32>
    %add3A_94 = arith.addf %add3A_93, %tanh3A : vector<256x128xf32>
    %mul3A_95 = arith.constant 5.000000e-01 : f32
    %mul3A_96 = vector.broadcast %mul3A_95 : f32 to vector<256x128xf32>
    %mul3A_97 = arith.mulf %mul3A_96, %add3A_94 : vector<256x128xf32>
    %mul3A_98 = arith.mulf %concatenate3A_84, %mul3A_97 : vector<256x128xf32>
    %get3A_99 = arith.constant 0 : index
    %get3A_100 = arith.constant 0 : index
    %get3A_101 = vector.load %arg6[%get3A_99, %get3A_100] : memref<128x128xf32, #tpu.memory_space<vmem>>, vector<128x128xf32>
    %dot_general3A_102 = arith.constant dense<0.000000e+00> : vector<256x128xf32>
    %dot_general3A_103 = tpu.matmul %mul3A_98, %get3A_101, %dot_general3A_102 {dimension_numbers = #tpu.dot_dimension_numbers<[1], [0], [0], [1], [0, 0, 1, 1], [], []>, transpose_lhs_hint = false} : vector<256x128xf32>, vector<128x128xf32>, vector<256x128xf32> -> vector<256x128xf32>
    %get3A_104 = arith.constant 0 : index
    %get3A_105 = arith.constant 0 : index
    %get3A_106 = vector.load %arg7[%get3A_104, %get3A_105] : memref<1x128xf32, #tpu.memory_space<vmem>>, vector<1x128xf32>
    %add3A_107 = vector.broadcast %get3A_106 : vector<1x128xf32> to vector<256x128xf32>
    %add3A_108 = arith.addf %dot_general3A_103, %add3A_107 : vector<256x128xf32>
    %get3A_109 = arith.constant 0 : index
    %get3A_110 = arith.constant 0 : index
    %get3A_111 = vector.load %arg10[%get3A_109, %get3A_110] : memref<1x1xf32, #tpu.memory_space<vmem>>, vector<1x1xf32>
    %get3A_112 = vector.extract %get3A_111[0, 0] : f32 from vector<1x1xf32>
    %mul3A_113 = vector.broadcast %get3A_112 : f32 to vector<256x128xf32>
    %mul3A_114 = arith.mulf %mul3A_113, %add3A_108 : vector<256x128xf32>
    %sub3A = arith.constant 1.000000e+00 : f32
    %sub3A_115 = arith.subf %sub3A, %get3A_112 : f32
    %get3A_116 = arith.constant 0 : index
    %get3A_117 = arith.constant 0 : index
    %get3A_118 = vector.load %arg1[%get3A_116, %get3A_117] : memref<256x128xf32, #tpu.memory_space<vmem>>, vector<256x128xf32>
    %mul3A_119 = vector.broadcast %sub3A_115 : f32 to vector<256x128xf32>
    %mul3A_120 = arith.mulf %mul3A_119, %get3A_118 : vector<256x128xf32>
    %add3A_121 = arith.addf %mul3A_114, %mul3A_120 : vector<256x128xf32>
    %get3A_122 = arith.constant 0 : index
    %get3A_123 = arith.constant 0 : index
    %get3A_124 = vector.load %arg1[%get3A_122, %get3A_123] : memref<256x128xf32, #tpu.memory_space<vmem>>, vector<256x128xf32>
    %get3A_125 = arith.constant 0 : index
    %get3A_126 = arith.constant 0 : index
    %get3A_127 = vector.load %arg8[%get3A_125, %get3A_126] : memref<1x128xf32, #tpu.memory_space<vmem>>, vector<1x128xf32>
    %get3A_128 = arith.constant 0 : index
    %get3A_129 = arith.constant 0 : index
    %get3A_130 = vector.load %arg9[%get3A_128, %get3A_129] : memref<1x128xf32, #tpu.memory_space<vmem>>, vector<1x128xf32>
    %add3A_131 = arith.addf %get3A_124, %add3A_121 : vector<256x128xf32>
    %reduce_sum3A = arith.constant dense<0.000000e+00> : vector<256xf32>
    %reduce_sum3A_132 = vector.multi_reduction <add>, %add3A_131, %reduce_sum3A [1] : vector<256x128xf32> to vector<256xf32>
    %broadcast_in_dim3A_133 = vector.shape_cast %reduce_sum3A_132 : vector<256xf32> to vector<256x1xf32>
    %div3A_134 = arith.constant 1.280000e+02 : f32
    %div3A_135 = vector.broadcast %div3A_134 : f32 to vector<256x1xf32>
    %div3A_136 = arith.divf %broadcast_in_dim3A_133, %div3A_135 : vector<256x1xf32>
    %sub3A_137 = vector.broadcast %div3A_136 : vector<256x1xf32> to vector<256x128xf32>
    %sub3A_138 = arith.subf %add3A_131, %sub3A_137 : vector<256x128xf32>
    %integer_pow3A_139 = arith.mulf %sub3A_138, %sub3A_138 : vector<256x128xf32>
    %reduce_sum3A_140 = arith.constant dense<0.000000e+00> : vector<256xf32>
    %reduce_sum3A_141 = vector.multi_reduction <add>, %integer_pow3A_139, %reduce_sum3A_140 [1] : vector<256x128xf32> to vector<256xf32>
    %broadcast_in_dim3A_142 = vector.shape_cast %reduce_sum3A_141 : vector<256xf32> to vector<256x1xf32>
    %div3A_143 = arith.constant 1.280000e+02 : f32
    %div3A_144 = vector.broadcast %div3A_143 : f32 to vector<256x1xf32>
    %div3A_145 = arith.divf %broadcast_in_dim3A_142, %div3A_144 : vector<256x1xf32>
    %sub3A_146 = vector.broadcast %div3A_136 : vector<256x1xf32> to vector<256x128xf32>
    %sub3A_147 = arith.subf %add3A_131, %sub3A_146 : vector<256x128xf32>
    %add3A_148 = arith.constant 9.99999974E-6 : f32
    %add3A_149 = vector.broadcast %add3A_148 : f32 to vector<256x1xf32>
    %add3A_150 = arith.addf %div3A_145, %add3A_149 : vector<256x1xf32>
    %sqrt3A = math.sqrt %add3A_150 : vector<256x1xf32>
    %div3A_151 = vector.broadcast %sqrt3A : vector<256x1xf32> to vector<256x128xf32>
    %div3A_152 = arith.divf %sub3A_147, %div3A_151 : vector<256x128xf32>
    %mul3A_153 = vector.broadcast %get3A_127 : vector<1x128xf32> to vector<256x128xf32>
    %mul3A_154 = arith.mulf %div3A_152, %mul3A_153 : vector<256x128xf32>
    %add3A_155 = vector.broadcast %get3A_130 : vector<1x128xf32> to vector<256x128xf32>
    %add3A_156 = arith.addf %mul3A_154, %add3A_155 : vector<256x128xf32>
    %integer_pow3A_157 = arith.mulf %add3A_156, %add3A_156 : vector<256x128xf32>
    %integer_pow3A_158 = arith.mulf %add3A_156, %integer_pow3A_157 : vector<256x128xf32>
    %mul3A_159 = arith.constant 4.471500e-02 : f32
    %mul3A_160 = vector.broadcast %mul3A_159 : f32 to vector<256x128xf32>
    %mul3A_161 = arith.mulf %mul3A_160, %integer_pow3A_158 : vector<256x128xf32>
    %add3A_162 = arith.addf %add3A_156, %mul3A_161 : vector<256x128xf32>
    %mul3A_163 = arith.constant 0.797884583 : f32
    %mul3A_164 = vector.broadcast %mul3A_163 : f32 to vector<256x128xf32>
    %mul3A_165 = arith.mulf %mul3A_164, %add3A_162 : vector<256x128xf32>
    %tanh3A_166 = math.tanh %mul3A_165 : vector<256x128xf32>
    %add3A_167 = arith.constant 1.000000e+00 : f32
    %add3A_168 = vector.broadcast %add3A_167 : f32 to vector<256x128xf32>
    %add3A_169 = arith.addf %add3A_168, %tanh3A_166 : vector<256x128xf32>
    %mul3A_170 = arith.constant 5.000000e-01 : f32
    %mul3A_171 = vector.broadcast %mul3A_170 : f32 to vector<256x128xf32>
    %mul3A_172 = arith.mulf %mul3A_171, %add3A_169 : vector<256x128xf32>
    %mul3A_173 = arith.mulf %add3A_156, %mul3A_172 : vector<256x128xf32>
    %get3A_174 = arith.constant 0 : index
    %get3A_175 = arith.constant 0 : index
    %get3A_176 = vector.load %arg11[%get3A_174, %get3A_175] : memref<128x128xf32, #tpu.memory_space<vmem>>, vector<128x128xf32>
    %dot_general3A_177 = arith.constant dense<0.000000e+00> : vector<256x128xf32>
    %dot_general3A_178 = tpu.matmul %mul3A_173, %get3A_176, %dot_general3A_177 {dimension_numbers = #tpu.dot_dimension_numbers<[1], [0], [0], [1], [0, 0, 1, 1], [], []>, transpose_lhs_hint = false} : vector<256x128xf32>, vector<128x128xf32>, vector<256x128xf32> -> vector<256x128xf32>
    %get3A_179 = arith.constant 0 : index
    %get3A_180 = arith.constant 0 : index
    %get3A_181 = vector.load %arg12[%get3A_179, %get3A_180] : memref<1x128xf32, #tpu.memory_space<vmem>>, vector<1x128xf32>
    %add3A_182 = vector.broadcast %get3A_181 : vector<1x128xf32> to vector<256x128xf32>
    %add3A_183 = arith.addf %dot_general3A_178, %add3A_182 : vector<256x128xf32>
    %swap3A = arith.constant 0 : index
    %swap3A_184 = arith.constant 0 : index
    %swap3A_185 = vector.load %arg13[%swap3A, %swap3A_184] : memref<256x128xf32, #tpu.memory_space<vmem>>, vector<256x128xf32>
    tpu.vector_store %arg13[%swap3A, %swap3A_184], %add3A_183 {strides = array<i32>} : memref<256x128xf32, #tpu.memory_space<vmem>>, vector<256x128xf32>,
    return
  }
  func.func @transform_0(%arg0: i32) -> (i32, i32) {
    %c0_i32 = arith.constant 0 : i32
    %c0_i32_0 = arith.constant 0 : i32
    return %arg0, %c0_i32 : i32, i32
  }
  func.func @transform_1(%arg0: i32) -> (i32, i32) {
    %c0_i32 = arith.constant 0 : i32
    %c0_i32_0 = arith.constant 0 : i32
    return %arg0, %c0_i32 : i32, i32
  }
  func.func @transform_2(%arg0: i32) -> (i32, i32) {
    %c0_i32 = arith.constant 0 : i32
    %c0_i32_0 = arith.constant 0 : i32
    %c0_i32_1 = arith.constant 0 : i32
    return %c0_i32, %c0_i32_0 : i32, i32
  }
  func.func @transform_3(%arg0: i32) -> (i32, i32) {
    %c0_i32 = arith.constant 0 : i32
    %c0_i32_0 = arith.constant 0 : i32
    %c0_i32_1 = arith.constant 0 : i32
    return %c0_i32, %c0_i32_0 : i32, i32
  }
  func.func @transform_4(%arg0: i32) -> (i32, i32) {
    %c0_i32 = arith.constant 0 : i32
    %c0_i32_0 = arith.constant 0 : i32
    return %arg0, %c0_i32 : i32, i32
  }
  func.func @transform_5(%arg0: i32) -> (i32, i32) {
    %c0_i32 = arith.constant 0 : i32
    %c0_i32_0 = arith.constant 0 : i32
    %c0_i32_1 = arith.constant 0 : i32
    return %c0_i32, %c0_i32_0 : i32, i32
  }
  func.func @transform_6(%arg0: i32) -> (i32, i32) {
    %c0_i32 = arith.constant 0 : i32
    %c0_i32_0 = arith.constant 0 : i32
    %c0_i32_1 = arith.constant 0 : i32
    return %c0_i32, %c0_i32_0 : i32, i32
  }
  func.func @transform_7(%arg0: i32) -> (i32, i32) {
    %c0_i32 = arith.constant 0 : i32
    %c0_i32_0 = arith.constant 0 : i32
    %c0_i32_1 = arith.constant 0 : i32
    return %c0_i32, %c0_i32_0 : i32, i32
  }
  func.func @transform_8(%arg0: i32) -> (i32, i32) {
    %c0_i32 = arith.constant 0 : i32
    %c0_i32_0 = arith.constant 0 : i32
    %c0_i32_1 = arith.constant 0 : i32
    return %c0_i32, %c0_i32_0 : i32, i32
  }
  func.func @transform_9(%arg0: i32) -> (i32, i32) {
    %c0_i32 = arith.constant 0 : i32
    %c0_i32_0 = arith.constant 0 : i32
    %c0_i32_1 = arith.constant 0 : i32
    return %c0_i32, %c0_i32_0 : i32, i32
  }
  func.func @transform_10(%arg0: i32) -> (i32, i32) {
    %c0_i32 = arith.constant 0 : i32
    %c0_i32_0 = arith.constant 0 : i32
    %c0_i32_1 = arith.constant 0 : i32
    return %c0_i32, %c0_i32_0 : i32, i32
  }
  func.func @transform_11(%arg0: i32) -> (i32, i32) {
    %c0_i32 = arith.constant 0 : i32
    %c0_i32_0 = arith.constant 0 : i32
    %c0_i32_1 = arith.constant 0 : i32
    return %c0_i32, %c0_i32_0 : i32, i32
  }
  func.func @transform_12(%arg0: i32) -> (i32, i32) {
    %c0_i32 = arith.constant 0 : i32
    %c0_i32_0 = arith.constant 0 : i32
    return %arg0, %c0_i32 : i32, i32
  }
}

module attributes {stable_mosaic.version = 14 : i64} {
  func.func @body(%arg0: i32, %arg1: memref<512x128xf32, #tpu.memory_space<vmem>>, %arg2: memref<512x128xf32, #tpu.memory_space<vmem>>, %arg3: memref<512x128xf32, #tpu.memory_space<vmem>>, %arg4: memref<1024x128xf32, #tpu.memory_space<vmem>>, %arg5: memref<1024x128xf32, #tpu.memory_space<vmem>>, %arg6: memref<1024x128xf32, #tpu.memory_space<vmem>>, %arg7: memref<1024x128xf32, #tpu.memory_space<vmem>>, %arg8: memref<512x1024xbf16, #tpu.memory_space<vmem>>, %arg9: memref<128x128xf32, #tpu.memory_space<vmem>>, %arg10: memref<1x128xf32, #tpu.memory_space<vmem>>, %arg11: memref<1x128xf32, #tpu.memory_space<vmem>>, %arg12: memref<1x128xf32, #tpu.memory_space<vmem>>, %arg13: memref<1x1xf32, #tpu.memory_space<vmem>>, %arg14: memref<128x128xf32, #tpu.memory_space<vmem>>, %arg15: memref<1x128xf32, #tpu.memory_space<vmem>>, %arg16: memref<128x128xf32, #tpu.memory_space<vmem>>, %arg17: memref<1x128xf32, #tpu.memory_space<vmem>>, %arg18: memref<512x128xf32, #tpu.memory_space<vmem>>) attributes {dimension_semantics = [#tpu.dimension_semantics<arbitrary>], iteration_bounds = array<i64: 8>, scalar_prefetch = 0 : i64, scratch_operands = 0 : i64, tpu.core_type = #tpu.core_type<tc>, window_params = [{transform_indices = @transform_0, window_bounds = array<i64: 512, 128>}, {transform_indices = @transform_1, window_bounds = array<i64: 512, 128>}, {transform_indices = @transform_2, window_bounds = array<i64: 512, 128>}, {pipeline_mode = #tpu.pipeline_mode<synchronous>, transform_indices = @transform_3, window_bounds = array<i64: 1024, 128>}, {pipeline_mode = #tpu.pipeline_mode<synchronous>, transform_indices = @transform_4, window_bounds = array<i64: 1024, 128>}, {pipeline_mode = #tpu.pipeline_mode<synchronous>, transform_indices = @transform_5, window_bounds = array<i64: 1024, 128>}, {pipeline_mode = #tpu.pipeline_mode<synchronous>, transform_indices = @transform_6, window_bounds = array<i64: 1024, 128>}, {transform_indices = @transform_7, window_bounds = array<i64: 512, 1024>}, {pipeline_mode = #tpu.pipeline_mode<synchronous>, transform_indices = @transform_8, window_bounds = array<i64: 128, 128>}, {pipeline_mode = #tpu.pipeline_mode<synchronous>, transform_indices = @transform_9, window_bounds = array<i64: 1, 128>}, {pipeline_mode = #tpu.pipeline_mode<synchronous>, transform_indices = @transform_10, window_bounds = array<i64: 1, 128>}, {pipeline_mode = #tpu.pipeline_mode<synchronous>, transform_indices = @transform_11, window_bounds = array<i64: 1, 128>}, {pipeline_mode = #tpu.pipeline_mode<synchronous>, transform_indices = @transform_12, window_bounds = array<i64: 1, 1>}, {pipeline_mode = #tpu.pipeline_mode<synchronous>, transform_indices = @transform_13, window_bounds = array<i64: 128, 128>}, {pipeline_mode = #tpu.pipeline_mode<synchronous>, transform_indices = @transform_14, window_bounds = array<i64: 1, 128>}, {pipeline_mode = #tpu.pipeline_mode<synchronous>, transform_indices = @transform_15, window_bounds = array<i64: 128, 128>}, {pipeline_mode = #tpu.pipeline_mode<synchronous>, transform_indices = @transform_16, window_bounds = array<i64: 1, 128>}, {transform_indices = @transform_17, window_bounds = array<i64: 512, 128>}]} {
    %get3A = arith.constant 0 : index
    %get3A_0 = arith.constant 0 : index
    %get3A_1 = vector.load %arg2[%get3A, %get3A_0] : memref<512x128xf32, #tpu.memory_space<vmem>>, vector<512x128xf32>
    %get3A_2 = arith.constant 0 : index
    %get3A_3 = arith.constant 0 : index
    %get3A_4 = vector.load %arg4[%get3A_2, %get3A_3] : memref<1024x128xf32, #tpu.memory_space<vmem>>, vector<1024x128xf32>
    %get3A_5 = arith.constant 0 : index
    %get3A_6 = arith.constant 0 : index
    %get3A_7 = vector.load %arg5[%get3A_5, %get3A_6] : memref<1024x128xf32, #tpu.memory_space<vmem>>, vector<1024x128xf32>
    %get3A_8 = arith.constant 0 : index
    %get3A_9 = arith.constant 0 : index
    %get3A_10 = vector.load %arg8[%get3A_8, %get3A_9] : memref<512x1024xbf16, #tpu.memory_space<vmem>>, vector<512x1024xbf16>
    %convert_element_type3A = arith.truncf %get3A_4 : vector<1024x128xf32> to vector<1024x128xbf16>
    %convert_element_type3A_11 = arith.truncf %get3A_7 : vector<1024x128xf32> to vector<1024x128xbf16>
    %convert_element_type3A_12 = arith.truncf %get3A_1 : vector<512x128xf32> to vector<512x128xbf16>
    %broadcast_in_dim3A = arith.constant 1.000000e+00 : bf16
    %broadcast_in_dim3A_13 = vector.broadcast %broadcast_in_dim3A : bf16 to vector<1024x1xbf16>
    %slice3A = vector.extract_strided_slice %convert_element_type3A_12 {offsets = [0, 0], sizes = [512, 32], strides = [1, 1]} : vector<512x128xbf16> to vector<512x32xbf16>
    %slice3A_14 = vector.extract_strided_slice %convert_element_type3A {offsets = [0, 0], sizes = [1024, 32], strides = [1, 1]} : vector<1024x128xbf16> to vector<1024x32xbf16>
    %dot_general3A = arith.constant dense<0.000000e+00> : vector<512x1024xf32>
    %dot_general3A_15 = tpu.matmul %slice3A, %slice3A_14, %dot_general3A {dimension_numbers = #tpu.dot_dimension_numbers<[1], [1], [0], [0], [0, 0, 1, 0], [], []>, transpose_lhs_hint = false} : vector<512x32xbf16>, vector<1024x32xbf16>, vector<512x1024xf32> -> vector<512x1024xf32>
    %convert_element_type3A_16 = arith.extf %get3A_10 : vector<512x1024xbf16> to vector<512x1024xf32>
    %add3A = arith.addf %dot_general3A_15, %convert_element_type3A_16 : vector<512x1024xf32>
    %exp3A = math.exp %add3A : vector<512x1024xf32>
    %convert_element_type3A_17 = arith.truncf %exp3A : vector<512x1024xf32> to vector<512x1024xbf16>
    %slice3A_18 = vector.extract_strided_slice %convert_element_type3A_11 {offsets = [0, 0], sizes = [1024, 32], strides = [1, 1]} : vector<1024x128xbf16> to vector<1024x32xbf16>
    %concatenate3A = tpu.concatenate %slice3A_18, %broadcast_in_dim3A_13 in 1 : vector<1024x32xbf16>, vector<1024x1xbf16> -> vector<1024x33xbf16>
    %dot_general3A_19 = arith.constant dense<0.000000e+00> : vector<512x33xf32>
    %dot_general3A_20 = tpu.matmul %convert_element_type3A_17, %concatenate3A, %dot_general3A_19 {dimension_numbers = #tpu.dot_dimension_numbers<[1], [0], [0], [1], [0, 0, 1, 1], [], []>, transpose_lhs_hint = false} : vector<512x1024xbf16>, vector<1024x33xbf16>, vector<512x33xf32> -> vector<512x33xf32>
    %slice3A_21 = vector.extract_strided_slice %dot_general3A_20 {offsets = [0, 0], sizes = [512, 32], strides = [1, 1]} : vector<512x33xf32> to vector<512x32xf32>
    %slice3A_22 = vector.extract_strided_slice %dot_general3A_20 {offsets = [0, 32], sizes = [512, 1], strides = [1, 1]} : vector<512x33xf32> to vector<512x1xf32>
    %add3A_23 = arith.constant 1.000000e-16 : f32
    %add3A_24 = vector.broadcast %add3A_23 : f32 to vector<512x1xf32>
    %add3A_25 = arith.addf %slice3A_22, %add3A_24 : vector<512x1xf32>
    %div3A = vector.broadcast %add3A_25 : vector<512x1xf32> to vector<512x32xf32>
    %div3A_26 = arith.divf %slice3A_21, %div3A : vector<512x32xf32>
    %slice3A_27 = vector.extract_strided_slice %convert_element_type3A_12 {offsets = [0, 32], sizes = [512, 32], strides = [1, 1]} : vector<512x128xbf16> to vector<512x32xbf16>
    %slice3A_28 = vector.extract_strided_slice %convert_element_type3A {offsets = [0, 32], sizes = [1024, 32], strides = [1, 1]} : vector<1024x128xbf16> to vector<1024x32xbf16>
    %dot_general3A_29 = arith.constant dense<0.000000e+00> : vector<512x1024xf32>
    %dot_general3A_30 = tpu.matmul %slice3A_27, %slice3A_28, %dot_general3A_29 {dimension_numbers = #tpu.dot_dimension_numbers<[1], [1], [0], [0], [0, 0, 1, 0], [], []>, transpose_lhs_hint = false} : vector<512x32xbf16>, vector<1024x32xbf16>, vector<512x1024xf32> -> vector<512x1024xf32>
    %convert_element_type3A_31 = arith.extf %get3A_10 : vector<512x1024xbf16> to vector<512x1024xf32>
    %add3A_32 = arith.addf %dot_general3A_30, %convert_element_type3A_31 : vector<512x1024xf32>
    %exp3A_33 = math.exp %add3A_32 : vector<512x1024xf32>
    %convert_element_type3A_34 = arith.truncf %exp3A_33 : vector<512x1024xf32> to vector<512x1024xbf16>
    %slice3A_35 = vector.extract_strided_slice %convert_element_type3A_11 {offsets = [0, 32], sizes = [1024, 32], strides = [1, 1]} : vector<1024x128xbf16> to vector<1024x32xbf16>
    %concatenate3A_36 = tpu.concatenate %slice3A_35, %broadcast_in_dim3A_13 in 1 : vector<1024x32xbf16>, vector<1024x1xbf16> -> vector<1024x33xbf16>
    %dot_general3A_37 = arith.constant dense<0.000000e+00> : vector<512x33xf32>
    %dot_general3A_38 = tpu.matmul %convert_element_type3A_34, %concatenate3A_36, %dot_general3A_37 {dimension_numbers = #tpu.dot_dimension_numbers<[1], [0], [0], [1], [0, 0, 1, 1], [], []>, transpose_lhs_hint = false} : vector<512x1024xbf16>, vector<1024x33xbf16>, vector<512x33xf32> -> vector<512x33xf32>
    %slice3A_39 = vector.extract_strided_slice %dot_general3A_38 {offsets = [0, 0], sizes = [512, 32], strides = [1, 1]} : vector<512x33xf32> to vector<512x32xf32>
    %slice3A_40 = vector.extract_strided_slice %dot_general3A_38 {offsets = [0, 32], sizes = [512, 1], strides = [1, 1]} : vector<512x33xf32> to vector<512x1xf32>
    %add3A_41 = arith.constant 1.000000e-16 : f32
    %add3A_42 = vector.broadcast %add3A_41 : f32 to vector<512x1xf32>
    %add3A_43 = arith.addf %slice3A_40, %add3A_42 : vector<512x1xf32>
    %div3A_44 = vector.broadcast %add3A_43 : vector<512x1xf32> to vector<512x32xf32>
    %div3A_45 = arith.divf %slice3A_39, %div3A_44 : vector<512x32xf32>
    %slice3A_46 = vector.extract_strided_slice %convert_element_type3A_12 {offsets = [0, 64], sizes = [512, 32], strides = [1, 1]} : vector<512x128xbf16> to vector<512x32xbf16>
    %slice3A_47 = vector.extract_strided_slice %convert_element_type3A {offsets = [0, 64], sizes = [1024, 32], strides = [1, 1]} : vector<1024x128xbf16> to vector<1024x32xbf16>
    %dot_general3A_48 = arith.constant dense<0.000000e+00> : vector<512x1024xf32>
    %dot_general3A_49 = tpu.matmul %slice3A_46, %slice3A_47, %dot_general3A_48 {dimension_numbers = #tpu.dot_dimension_numbers<[1], [1], [0], [0], [0, 0, 1, 0], [], []>, transpose_lhs_hint = false} : vector<512x32xbf16>, vector<1024x32xbf16>, vector<512x1024xf32> -> vector<512x1024xf32>
    %convert_element_type3A_50 = arith.extf %get3A_10 : vector<512x1024xbf16> to vector<512x1024xf32>
    %add3A_51 = arith.addf %dot_general3A_49, %convert_element_type3A_50 : vector<512x1024xf32>
    %exp3A_52 = math.exp %add3A_51 : vector<512x1024xf32>
    %convert_element_type3A_53 = arith.truncf %exp3A_52 : vector<512x1024xf32> to vector<512x1024xbf16>
    %slice3A_54 = vector.extract_strided_slice %convert_element_type3A_11 {offsets = [0, 64], sizes = [1024, 32], strides = [1, 1]} : vector<1024x128xbf16> to vector<1024x32xbf16>
    %concatenate3A_55 = tpu.concatenate %slice3A_54, %broadcast_in_dim3A_13 in 1 : vector<1024x32xbf16>, vector<1024x1xbf16> -> vector<1024x33xbf16>
    %dot_general3A_56 = arith.constant dense<0.000000e+00> : vector<512x33xf32>
    %dot_general3A_57 = tpu.matmul %convert_element_type3A_53, %concatenate3A_55, %dot_general3A_56 {dimension_numbers = #tpu.dot_dimension_numbers<[1], [0], [0], [1], [0, 0, 1, 1], [], []>, transpose_lhs_hint = false} : vector<512x1024xbf16>, vector<1024x33xbf16>, vector<512x33xf32> -> vector<512x33xf32>
    %slice3A_58 = vector.extract_strided_slice %dot_general3A_57 {offsets = [0, 0], sizes = [512, 32], strides = [1, 1]} : vector<512x33xf32> to vector<512x32xf32>
    %slice3A_59 = vector.extract_strided_slice %dot_general3A_57 {offsets = [0, 32], sizes = [512, 1], strides = [1, 1]} : vector<512x33xf32> to vector<512x1xf32>
    %add3A_60 = arith.constant 1.000000e-16 : f32
    %add3A_61 = vector.broadcast %add3A_60 : f32 to vector<512x1xf32>
    %add3A_62 = arith.addf %slice3A_59, %add3A_61 : vector<512x1xf32>
    %div3A_63 = vector.broadcast %add3A_62 : vector<512x1xf32> to vector<512x32xf32>
    %div3A_64 = arith.divf %slice3A_58, %div3A_63 : vector<512x32xf32>
    %slice3A_65 = vector.extract_strided_slice %convert_element_type3A_12 {offsets = [0, 96], sizes = [512, 32], strides = [1, 1]} : vector<512x128xbf16> to vector<512x32xbf16>
    %slice3A_66 = vector.extract_strided_slice %convert_element_type3A {offsets = [0, 96], sizes = [1024, 32], strides = [1, 1]} : vector<1024x128xbf16> to vector<1024x32xbf16>
    %dot_general3A_67 = arith.constant dense<0.000000e+00> : vector<512x1024xf32>
    %dot_general3A_68 = tpu.matmul %slice3A_65, %slice3A_66, %dot_general3A_67 {dimension_numbers = #tpu.dot_dimension_numbers<[1], [1], [0], [0], [0, 0, 1, 0], [], []>, transpose_lhs_hint = false} : vector<512x32xbf16>, vector<1024x32xbf16>, vector<512x1024xf32> -> vector<512x1024xf32>
    %convert_element_type3A_69 = arith.extf %get3A_10 : vector<512x1024xbf16> to vector<512x1024xf32>
    %add3A_70 = arith.addf %dot_general3A_68, %convert_element_type3A_69 : vector<512x1024xf32>
    %exp3A_71 = math.exp %add3A_70 : vector<512x1024xf32>
    %convert_element_type3A_72 = arith.truncf %exp3A_71 : vector<512x1024xf32> to vector<512x1024xbf16>
    %slice3A_73 = vector.extract_strided_slice %convert_element_type3A_11 {offsets = [0, 96], sizes = [1024, 32], strides = [1, 1]} : vector<1024x128xbf16> to vector<1024x32xbf16>
    %concatenate3A_74 = tpu.concatenate %slice3A_73, %broadcast_in_dim3A_13 in 1 : vector<1024x32xbf16>, vector<1024x1xbf16> -> vector<1024x33xbf16>
    %dot_general3A_75 = arith.constant dense<0.000000e+00> : vector<512x33xf32>
    %dot_general3A_76 = tpu.matmul %convert_element_type3A_72, %concatenate3A_74, %dot_general3A_75 {dimension_numbers = #tpu.dot_dimension_numbers<[1], [0], [0], [1], [0, 0, 1, 1], [], []>, transpose_lhs_hint = false} : vector<512x1024xbf16>, vector<1024x33xbf16>, vector<512x33xf32> -> vector<512x33xf32>
    %slice3A_77 = vector.extract_strided_slice %dot_general3A_76 {offsets = [0, 0], sizes = [512, 32], strides = [1, 1]} : vector<512x33xf32> to vector<512x32xf32>
    %slice3A_78 = vector.extract_strided_slice %dot_general3A_76 {offsets = [0, 32], sizes = [512, 1], strides = [1, 1]} : vector<512x33xf32> to vector<512x1xf32>
    %add3A_79 = arith.constant 1.000000e-16 : f32
    %add3A_80 = vector.broadcast %add3A_79 : f32 to vector<512x1xf32>
    %add3A_81 = arith.addf %slice3A_78, %add3A_80 : vector<512x1xf32>
    %div3A_82 = vector.broadcast %add3A_81 : vector<512x1xf32> to vector<512x32xf32>
    %div3A_83 = arith.divf %slice3A_77, %div3A_82 : vector<512x32xf32>
    %concatenate3A_84 = tpu.concatenate %div3A_26, %div3A_45, %div3A_64, %div3A_83 in 1 : vector<512x32xf32>, vector<512x32xf32>, vector<512x32xf32>, vector<512x32xf32> -> vector<512x128xf32>
    %get3A_85 = arith.constant 0 : index
    %get3A_86 = arith.constant 0 : index
    %get3A_87 = vector.load %arg3[%get3A_85, %get3A_86] : memref<512x128xf32, #tpu.memory_space<vmem>>, vector<512x128xf32>
    %get3A_88 = arith.constant 0 : index
    %get3A_89 = arith.constant 0 : index
    %get3A_90 = vector.load %arg6[%get3A_88, %get3A_89] : memref<1024x128xf32, #tpu.memory_space<vmem>>, vector<1024x128xf32>
    %get3A_91 = arith.constant 0 : index
    %get3A_92 = arith.constant 0 : index
    %get3A_93 = vector.load %arg7[%get3A_91, %get3A_92] : memref<1024x128xf32, #tpu.memory_space<vmem>>, vector<1024x128xf32>
    %convert_element_type3A_94 = arith.truncf %get3A_90 : vector<1024x128xf32> to vector<1024x128xbf16>
    %convert_element_type3A_95 = arith.truncf %get3A_93 : vector<1024x128xf32> to vector<1024x128xbf16>
    %convert_element_type3A_96 = arith.truncf %get3A_87 : vector<512x128xf32> to vector<512x128xbf16>
    %broadcast_in_dim3A_97 = arith.constant 1.000000e+00 : bf16
    %broadcast_in_dim3A_98 = vector.broadcast %broadcast_in_dim3A_97 : bf16 to vector<1024x1xbf16>
    %slice3A_99 = vector.extract_strided_slice %convert_element_type3A_96 {offsets = [0, 0], sizes = [512, 32], strides = [1, 1]} : vector<512x128xbf16> to vector<512x32xbf16>
    %slice3A_100 = vector.extract_strided_slice %convert_element_type3A_94 {offsets = [0, 0], sizes = [1024, 32], strides = [1, 1]} : vector<1024x128xbf16> to vector<1024x32xbf16>
    %dot_general3A_101 = arith.constant dense<0.000000e+00> : vector<512x1024xf32>
    %dot_general3A_102 = tpu.matmul %slice3A_99, %slice3A_100, %dot_general3A_101 {dimension_numbers = #tpu.dot_dimension_numbers<[1], [1], [0], [0], [0, 0, 1, 0], [], []>, transpose_lhs_hint = false} : vector<512x32xbf16>, vector<1024x32xbf16>, vector<512x1024xf32> -> vector<512x1024xf32>
    %exp3A_103 = math.exp %dot_general3A_102 : vector<512x1024xf32>
    %convert_element_type3A_104 = arith.truncf %exp3A_103 : vector<512x1024xf32> to vector<512x1024xbf16>
    %slice3A_105 = vector.extract_strided_slice %convert_element_type3A_95 {offsets = [0, 0], sizes = [1024, 32], strides = [1, 1]} : vector<1024x128xbf16> to vector<1024x32xbf16>
    %concatenate3A_106 = tpu.concatenate %slice3A_105, %broadcast_in_dim3A_98 in 1 : vector<1024x32xbf16>, vector<1024x1xbf16> -> vector<1024x33xbf16>
    %dot_general3A_107 = arith.constant dense<0.000000e+00> : vector<512x33xf32>
    %dot_general3A_108 = tpu.matmul %convert_element_type3A_104, %concatenate3A_106, %dot_general3A_107 {dimension_numbers = #tpu.dot_dimension_numbers<[1], [0], [0], [1], [0, 0, 1, 1], [], []>, transpose_lhs_hint = false} : vector<512x1024xbf16>, vector<1024x33xbf16>, vector<512x33xf32> -> vector<512x33xf32>
    %slice3A_109 = vector.extract_strided_slice %dot_general3A_108 {offsets = [0, 0], sizes = [512, 32], strides = [1, 1]} : vector<512x33xf32> to vector<512x32xf32>
    %slice3A_110 = vector.extract_strided_slice %dot_general3A_108 {offsets = [0, 32], sizes = [512, 1], strides = [1, 1]} : vector<512x33xf32> to vector<512x1xf32>
    %add3A_111 = arith.constant 1.000000e-16 : f32
    %add3A_112 = vector.broadcast %add3A_111 : f32 to vector<512x1xf32>
    %add3A_113 = arith.addf %slice3A_110, %add3A_112 : vector<512x1xf32>
    %div3A_114 = vector.broadcast %add3A_113 : vector<512x1xf32> to vector<512x32xf32>
    %div3A_115 = arith.divf %slice3A_109, %div3A_114 : vector<512x32xf32>
    %slice3A_116 = vector.extract_strided_slice %convert_element_type3A_96 {offsets = [0, 32], sizes = [512, 32], strides = [1, 1]} : vector<512x128xbf16> to vector<512x32xbf16>
    %slice3A_117 = vector.extract_strided_slice %convert_element_type3A_94 {offsets = [0, 32], sizes = [1024, 32], strides = [1, 1]} : vector<1024x128xbf16> to vector<1024x32xbf16>
    %dot_general3A_118 = arith.constant dense<0.000000e+00> : vector<512x1024xf32>
    %dot_general3A_119 = tpu.matmul %slice3A_116, %slice3A_117, %dot_general3A_118 {dimension_numbers = #tpu.dot_dimension_numbers<[1], [1], [0], [0], [0, 0, 1, 0], [], []>, transpose_lhs_hint = false} : vector<512x32xbf16>, vector<1024x32xbf16>, vector<512x1024xf32> -> vector<512x1024xf32>
    %exp3A_120 = math.exp %dot_general3A_119 : vector<512x1024xf32>
    %convert_element_type3A_121 = arith.truncf %exp3A_120 : vector<512x1024xf32> to vector<512x1024xbf16>
    %slice3A_122 = vector.extract_strided_slice %convert_element_type3A_95 {offsets = [0, 32], sizes = [1024, 32], strides = [1, 1]} : vector<1024x128xbf16> to vector<1024x32xbf16>
    %concatenate3A_123 = tpu.concatenate %slice3A_122, %broadcast_in_dim3A_98 in 1 : vector<1024x32xbf16>, vector<1024x1xbf16> -> vector<1024x33xbf16>
    %dot_general3A_124 = arith.constant dense<0.000000e+00> : vector<512x33xf32>
    %dot_general3A_125 = tpu.matmul %convert_element_type3A_121, %concatenate3A_123, %dot_general3A_124 {dimension_numbers = #tpu.dot_dimension_numbers<[1], [0], [0], [1], [0, 0, 1, 1], [], []>, transpose_lhs_hint = false} : vector<512x1024xbf16>, vector<1024x33xbf16>, vector<512x33xf32> -> vector<512x33xf32>
    %slice3A_126 = vector.extract_strided_slice %dot_general3A_125 {offsets = [0, 0], sizes = [512, 32], strides = [1, 1]} : vector<512x33xf32> to vector<512x32xf32>
    %slice3A_127 = vector.extract_strided_slice %dot_general3A_125 {offsets = [0, 32], sizes = [512, 1], strides = [1, 1]} : vector<512x33xf32> to vector<512x1xf32>
    %add3A_128 = arith.constant 1.000000e-16 : f32
    %add3A_129 = vector.broadcast %add3A_128 : f32 to vector<512x1xf32>
    %add3A_130 = arith.addf %slice3A_127, %add3A_129 : vector<512x1xf32>
    %div3A_131 = vector.broadcast %add3A_130 : vector<512x1xf32> to vector<512x32xf32>
    %div3A_132 = arith.divf %slice3A_126, %div3A_131 : vector<512x32xf32>
    %slice3A_133 = vector.extract_strided_slice %convert_element_type3A_96 {offsets = [0, 64], sizes = [512, 32], strides = [1, 1]} : vector<512x128xbf16> to vector<512x32xbf16>
    %slice3A_134 = vector.extract_strided_slice %convert_element_type3A_94 {offsets = [0, 64], sizes = [1024, 32], strides = [1, 1]} : vector<1024x128xbf16> to vector<1024x32xbf16>
    %dot_general3A_135 = arith.constant dense<0.000000e+00> : vector<512x1024xf32>
    %dot_general3A_136 = tpu.matmul %slice3A_133, %slice3A_134, %dot_general3A_135 {dimension_numbers = #tpu.dot_dimension_numbers<[1], [1], [0], [0], [0, 0, 1, 0], [], []>, transpose_lhs_hint = false} : vector<512x32xbf16>, vector<1024x32xbf16>, vector<512x1024xf32> -> vector<512x1024xf32>
    %exp3A_137 = math.exp %dot_general3A_136 : vector<512x1024xf32>
    %convert_element_type3A_138 = arith.truncf %exp3A_137 : vector<512x1024xf32> to vector<512x1024xbf16>
    %slice3A_139 = vector.extract_strided_slice %convert_element_type3A_95 {offsets = [0, 64], sizes = [1024, 32], strides = [1, 1]} : vector<1024x128xbf16> to vector<1024x32xbf16>
    %concatenate3A_140 = tpu.concatenate %slice3A_139, %broadcast_in_dim3A_98 in 1 : vector<1024x32xbf16>, vector<1024x1xbf16> -> vector<1024x33xbf16>
    %dot_general3A_141 = arith.constant dense<0.000000e+00> : vector<512x33xf32>
    %dot_general3A_142 = tpu.matmul %convert_element_type3A_138, %concatenate3A_140, %dot_general3A_141 {dimension_numbers = #tpu.dot_dimension_numbers<[1], [0], [0], [1], [0, 0, 1, 1], [], []>, transpose_lhs_hint = false} : vector<512x1024xbf16>, vector<1024x33xbf16>, vector<512x33xf32> -> vector<512x33xf32>
    %slice3A_143 = vector.extract_strided_slice %dot_general3A_142 {offsets = [0, 0], sizes = [512, 32], strides = [1, 1]} : vector<512x33xf32> to vector<512x32xf32>
    %slice3A_144 = vector.extract_strided_slice %dot_general3A_142 {offsets = [0, 32], sizes = [512, 1], strides = [1, 1]} : vector<512x33xf32> to vector<512x1xf32>
    %add3A_145 = arith.constant 1.000000e-16 : f32
    %add3A_146 = vector.broadcast %add3A_145 : f32 to vector<512x1xf32>
    %add3A_147 = arith.addf %slice3A_144, %add3A_146 : vector<512x1xf32>
    %div3A_148 = vector.broadcast %add3A_147 : vector<512x1xf32> to vector<512x32xf32>
    %div3A_149 = arith.divf %slice3A_143, %div3A_148 : vector<512x32xf32>
    %slice3A_150 = vector.extract_strided_slice %convert_element_type3A_96 {offsets = [0, 96], sizes = [512, 32], strides = [1, 1]} : vector<512x128xbf16> to vector<512x32xbf16>
    %slice3A_151 = vector.extract_strided_slice %convert_element_type3A_94 {offsets = [0, 96], sizes = [1024, 32], strides = [1, 1]} : vector<1024x128xbf16> to vector<1024x32xbf16>
    %dot_general3A_152 = arith.constant dense<0.000000e+00> : vector<512x1024xf32>
    %dot_general3A_153 = tpu.matmul %slice3A_150, %slice3A_151, %dot_general3A_152 {dimension_numbers = #tpu.dot_dimension_numbers<[1], [1], [0], [0], [0, 0, 1, 0], [], []>, transpose_lhs_hint = false} : vector<512x32xbf16>, vector<1024x32xbf16>, vector<512x1024xf32> -> vector<512x1024xf32>
    %exp3A_154 = math.exp %dot_general3A_153 : vector<512x1024xf32>
    %convert_element_type3A_155 = arith.truncf %exp3A_154 : vector<512x1024xf32> to vector<512x1024xbf16>
    %slice3A_156 = vector.extract_strided_slice %convert_element_type3A_95 {offsets = [0, 96], sizes = [1024, 32], strides = [1, 1]} : vector<1024x128xbf16> to vector<1024x32xbf16>
    %concatenate3A_157 = tpu.concatenate %slice3A_156, %broadcast_in_dim3A_98 in 1 : vector<1024x32xbf16>, vector<1024x1xbf16> -> vector<1024x33xbf16>
    %dot_general3A_158 = arith.constant dense<0.000000e+00> : vector<512x33xf32>
    %dot_general3A_159 = tpu.matmul %convert_element_type3A_155, %concatenate3A_157, %dot_general3A_158 {dimension_numbers = #tpu.dot_dimension_numbers<[1], [0], [0], [1], [0, 0, 1, 1], [], []>, transpose_lhs_hint = false} : vector<512x1024xbf16>, vector<1024x33xbf16>, vector<512x33xf32> -> vector<512x33xf32>
    %slice3A_160 = vector.extract_strided_slice %dot_general3A_159 {offsets = [0, 0], sizes = [512, 32], strides = [1, 1]} : vector<512x33xf32> to vector<512x32xf32>
    %slice3A_161 = vector.extract_strided_slice %dot_general3A_159 {offsets = [0, 32], sizes = [512, 1], strides = [1, 1]} : vector<512x33xf32> to vector<512x1xf32>
    %add3A_162 = arith.constant 1.000000e-16 : f32
    %add3A_163 = vector.broadcast %add3A_162 : f32 to vector<512x1xf32>
    %add3A_164 = arith.addf %slice3A_161, %add3A_163 : vector<512x1xf32>
    %div3A_165 = vector.broadcast %add3A_164 : vector<512x1xf32> to vector<512x32xf32>
    %div3A_166 = arith.divf %slice3A_160, %div3A_165 : vector<512x32xf32>
    %concatenate3A_167 = tpu.concatenate %div3A_115, %div3A_132, %div3A_149, %div3A_166 in 1 : vector<512x32xf32>, vector<512x32xf32>, vector<512x32xf32>, vector<512x32xf32> -> vector<512x128xf32>
    %integer_pow3A = arith.mulf %concatenate3A_84, %concatenate3A_84 : vector<512x128xf32>
    %integer_pow3A_168 = arith.mulf %concatenate3A_84, %integer_pow3A : vector<512x128xf32>
    %mul3A = arith.constant 4.471500e-02 : f32
    %mul3A_169 = vector.broadcast %mul3A : f32 to vector<512x128xf32>
    %mul3A_170 = arith.mulf %mul3A_169, %integer_pow3A_168 : vector<512x128xf32>
    %add3A_171 = arith.addf %concatenate3A_84, %mul3A_170 : vector<512x128xf32>
    %mul3A_172 = arith.constant 0.797884583 : f32
    %mul3A_173 = vector.broadcast %mul3A_172 : f32 to vector<512x128xf32>
    %mul3A_174 = arith.mulf %mul3A_173, %add3A_171 : vector<512x128xf32>
    %tanh3A = math.tanh %mul3A_174 : vector<512x128xf32>
    %add3A_175 = arith.constant 1.000000e+00 : f32
    %add3A_176 = vector.broadcast %add3A_175 : f32 to vector<512x128xf32>
    %add3A_177 = arith.addf %add3A_176, %tanh3A : vector<512x128xf32>
    %mul3A_178 = arith.constant 5.000000e-01 : f32
    %mul3A_179 = vector.broadcast %mul3A_178 : f32 to vector<512x128xf32>
    %mul3A_180 = arith.mulf %mul3A_179, %add3A_177 : vector<512x128xf32>
    %mul3A_181 = arith.mulf %concatenate3A_84, %mul3A_180 : vector<512x128xf32>
    %get3A_182 = arith.constant 0 : index
    %get3A_183 = arith.constant 0 : index
    %get3A_184 = vector.load %arg9[%get3A_182, %get3A_183] : memref<128x128xf32, #tpu.memory_space<vmem>>, vector<128x128xf32>
    %dot_general3A_185 = arith.constant dense<0.000000e+00> : vector<512x128xf32>
    %dot_general3A_186 = tpu.matmul %mul3A_181, %get3A_184, %dot_general3A_185 {dimension_numbers = #tpu.dot_dimension_numbers<[1], [0], [0], [1], [0, 0, 1, 1], [], []>, transpose_lhs_hint = false} : vector<512x128xf32>, vector<128x128xf32>, vector<512x128xf32> -> vector<512x128xf32>
    %get3A_187 = arith.constant 0 : index
    %get3A_188 = arith.constant 0 : index
    %get3A_189 = vector.load %arg10[%get3A_187, %get3A_188] : memref<1x128xf32, #tpu.memory_space<vmem>>, vector<1x128xf32>
    %add3A_190 = vector.broadcast %get3A_189 : vector<1x128xf32> to vector<512x128xf32>
    %add3A_191 = arith.addf %dot_general3A_186, %add3A_190 : vector<512x128xf32>
    %get3A_192 = arith.constant 0 : index
    %get3A_193 = arith.constant 0 : index
    %get3A_194 = vector.load %arg13[%get3A_192, %get3A_193] : memref<1x1xf32, #tpu.memory_space<vmem>>, vector<1x1xf32>
    %get3A_195 = vector.extract %get3A_194[0, 0] : f32 from vector<1x1xf32>
    %mul3A_196 = vector.broadcast %get3A_195 : f32 to vector<512x128xf32>
    %mul3A_197 = arith.mulf %mul3A_196, %add3A_191 : vector<512x128xf32>
    %sub3A = arith.constant 1.000000e+00 : f32
    %sub3A_198 = arith.subf %sub3A, %get3A_195 : f32
    %get3A_199 = arith.constant 0 : index
    %get3A_200 = arith.constant 0 : index
    %get3A_201 = vector.load %arg1[%get3A_199, %get3A_200] : memref<512x128xf32, #tpu.memory_space<vmem>>, vector<512x128xf32>
    %mul3A_202 = vector.broadcast %sub3A_198 : f32 to vector<512x128xf32>
    %mul3A_203 = arith.mulf %mul3A_202, %get3A_201 : vector<512x128xf32>
    %add3A_204 = arith.addf %mul3A_197, %mul3A_203 : vector<512x128xf32>
    %get3A_205 = arith.constant 0 : index
    %get3A_206 = arith.constant 0 : index
    %get3A_207 = vector.load %arg14[%get3A_205, %get3A_206] : memref<128x128xf32, #tpu.memory_space<vmem>>, vector<128x128xf32>
    %dot_general3A_208 = arith.constant dense<0.000000e+00> : vector<512x128xf32>
    %dot_general3A_209 = tpu.matmul %concatenate3A_167, %get3A_207, %dot_general3A_208 {dimension_numbers = #tpu.dot_dimension_numbers<[1], [0], [0], [1], [0, 0, 1, 1], [], []>, transpose_lhs_hint = false} : vector<512x128xf32>, vector<128x128xf32>, vector<512x128xf32> -> vector<512x128xf32>
    %get3A_210 = arith.constant 0 : index
    %get3A_211 = arith.constant 0 : index
    %get3A_212 = vector.load %arg15[%get3A_210, %get3A_211] : memref<1x128xf32, #tpu.memory_space<vmem>>, vector<1x128xf32>
    %add3A_213 = vector.broadcast %get3A_212 : vector<1x128xf32> to vector<512x128xf32>
    %add3A_214 = arith.addf %dot_general3A_209, %add3A_213 : vector<512x128xf32>
    %add3A_215 = arith.addf %add3A_204, %add3A_214 : vector<512x128xf32>
    %get3A_216 = arith.constant 0 : index
    %get3A_217 = arith.constant 0 : index
    %get3A_218 = vector.load %arg1[%get3A_216, %get3A_217] : memref<512x128xf32, #tpu.memory_space<vmem>>, vector<512x128xf32>
    %get3A_219 = arith.constant 0 : index
    %get3A_220 = arith.constant 0 : index
    %get3A_221 = vector.load %arg11[%get3A_219, %get3A_220] : memref<1x128xf32, #tpu.memory_space<vmem>>, vector<1x128xf32>
    %get3A_222 = arith.constant 0 : index
    %get3A_223 = arith.constant 0 : index
    %get3A_224 = vector.load %arg12[%get3A_222, %get3A_223] : memref<1x128xf32, #tpu.memory_space<vmem>>, vector<1x128xf32>
    %add3A_225 = arith.addf %get3A_218, %add3A_215 : vector<512x128xf32>
    %reduce_sum3A = arith.constant dense<0.000000e+00> : vector<512xf32>
    %reduce_sum3A_226 = vector.multi_reduction <add>, %add3A_225, %reduce_sum3A [1] : vector<512x128xf32> to vector<512xf32>
    %broadcast_in_dim3A_227 = vector.shape_cast %reduce_sum3A_226 : vector<512xf32> to vector<512x1xf32>
    %div3A_228 = arith.constant 1.280000e+02 : f32
    %div3A_229 = vector.broadcast %div3A_228 : f32 to vector<512x1xf32>
    %div3A_230 = arith.divf %broadcast_in_dim3A_227, %div3A_229 : vector<512x1xf32>
    %sub3A_231 = vector.broadcast %div3A_230 : vector<512x1xf32> to vector<512x128xf32>
    %sub3A_232 = arith.subf %add3A_225, %sub3A_231 : vector<512x128xf32>
    %integer_pow3A_233 = arith.mulf %sub3A_232, %sub3A_232 : vector<512x128xf32>
    %reduce_sum3A_234 = arith.constant dense<0.000000e+00> : vector<512xf32>
    %reduce_sum3A_235 = vector.multi_reduction <add>, %integer_pow3A_233, %reduce_sum3A_234 [1] : vector<512x128xf32> to vector<512xf32>
    %broadcast_in_dim3A_236 = vector.shape_cast %reduce_sum3A_235 : vector<512xf32> to vector<512x1xf32>
    %div3A_237 = arith.constant 1.280000e+02 : f32
    %div3A_238 = vector.broadcast %div3A_237 : f32 to vector<512x1xf32>
    %div3A_239 = arith.divf %broadcast_in_dim3A_236, %div3A_238 : vector<512x1xf32>
    %sub3A_240 = vector.broadcast %div3A_230 : vector<512x1xf32> to vector<512x128xf32>
    %sub3A_241 = arith.subf %add3A_225, %sub3A_240 : vector<512x128xf32>
    %add3A_242 = arith.constant 9.99999974E-6 : f32
    %add3A_243 = vector.broadcast %add3A_242 : f32 to vector<512x1xf32>
    %add3A_244 = arith.addf %div3A_239, %add3A_243 : vector<512x1xf32>
    %sqrt3A = math.sqrt %add3A_244 : vector<512x1xf32>
    %div3A_245 = vector.broadcast %sqrt3A : vector<512x1xf32> to vector<512x128xf32>
    %div3A_246 = arith.divf %sub3A_241, %div3A_245 : vector<512x128xf32>
    %mul3A_247 = vector.broadcast %get3A_221 : vector<1x128xf32> to vector<512x128xf32>
    %mul3A_248 = arith.mulf %div3A_246, %mul3A_247 : vector<512x128xf32>
    %add3A_249 = vector.broadcast %get3A_224 : vector<1x128xf32> to vector<512x128xf32>
    %add3A_250 = arith.addf %mul3A_248, %add3A_249 : vector<512x128xf32>
    %integer_pow3A_251 = arith.mulf %add3A_250, %add3A_250 : vector<512x128xf32>
    %integer_pow3A_252 = arith.mulf %add3A_250, %integer_pow3A_251 : vector<512x128xf32>
    %mul3A_253 = arith.constant 4.471500e-02 : f32
    %mul3A_254 = vector.broadcast %mul3A_253 : f32 to vector<512x128xf32>
    %mul3A_255 = arith.mulf %mul3A_254, %integer_pow3A_252 : vector<512x128xf32>
    %add3A_256 = arith.addf %add3A_250, %mul3A_255 : vector<512x128xf32>
    %mul3A_257 = arith.constant 0.797884583 : f32
    %mul3A_258 = vector.broadcast %mul3A_257 : f32 to vector<512x128xf32>
    %mul3A_259 = arith.mulf %mul3A_258, %add3A_256 : vector<512x128xf32>
    %tanh3A_260 = math.tanh %mul3A_259 : vector<512x128xf32>
    %add3A_261 = arith.constant 1.000000e+00 : f32
    %add3A_262 = vector.broadcast %add3A_261 : f32 to vector<512x128xf32>
    %add3A_263 = arith.addf %add3A_262, %tanh3A_260 : vector<512x128xf32>
    %mul3A_264 = arith.constant 5.000000e-01 : f32
    %mul3A_265 = vector.broadcast %mul3A_264 : f32 to vector<512x128xf32>
    %mul3A_266 = arith.mulf %mul3A_265, %add3A_263 : vector<512x128xf32>
    %mul3A_267 = arith.mulf %add3A_250, %mul3A_266 : vector<512x128xf32>
    %get3A_268 = arith.constant 0 : index
    %get3A_269 = arith.constant 0 : index
    %get3A_270 = vector.load %arg16[%get3A_268, %get3A_269] : memref<128x128xf32, #tpu.memory_space<vmem>>, vector<128x128xf32>
    %dot_general3A_271 = arith.constant dense<0.000000e+00> : vector<512x128xf32>
    %dot_general3A_272 = tpu.matmul %mul3A_267, %get3A_270, %dot_general3A_271 {dimension_numbers = #tpu.dot_dimension_numbers<[1], [0], [0], [1], [0, 0, 1, 1], [], []>, transpose_lhs_hint = false} : vector<512x128xf32>, vector<128x128xf32>, vector<512x128xf32> -> vector<512x128xf32>
    %get3A_273 = arith.constant 0 : index
    %get3A_274 = arith.constant 0 : index
    %get3A_275 = vector.load %arg17[%get3A_273, %get3A_274] : memref<1x128xf32, #tpu.memory_space<vmem>>, vector<1x128xf32>
    %add3A_276 = vector.broadcast %get3A_275 : vector<1x128xf32> to vector<512x128xf32>
    %add3A_277 = arith.addf %dot_general3A_272, %add3A_276 : vector<512x128xf32>
    %swap3A = arith.constant 0 : index
    %swap3A_278 = arith.constant 0 : index
    %swap3A_279 = vector.load %arg18[%swap3A, %swap3A_278] : memref<512x128xf32, #tpu.memory_space<vmem>>, vector<512x128xf32>
    tpu.vector_store %arg18[%swap3A, %swap3A_278], %add3A_277 {strides = array<i32>} : memref<512x128xf32, #tpu.memory_space<vmem>>, vector<512x128xf32>,
    return
  }
  func.func @transform_0(%arg0: i32) -> (i32, i32) {
    %c0_i32 = arith.constant 0 : i32
    %c0_i32_0 = arith.constant 0 : i32
    return %arg0, %c0_i32 : i32, i32
  }
  func.func @transform_1(%arg0: i32) -> (i32, i32) {
    %c0_i32 = arith.constant 0 : i32
    %c0_i32_0 = arith.constant 0 : i32
    return %arg0, %c0_i32 : i32, i32
  }
  func.func @transform_2(%arg0: i32) -> (i32, i32) {
    %c0_i32 = arith.constant 0 : i32
    %c0_i32_0 = arith.constant 0 : i32
    return %arg0, %c0_i32 : i32, i32
  }
  func.func @transform_3(%arg0: i32) -> (i32, i32) {
    %c0_i32 = arith.constant 0 : i32
    %c0_i32_0 = arith.constant 0 : i32
    %c0_i32_1 = arith.constant 0 : i32
    return %c0_i32, %c0_i32_0 : i32, i32
  }
  func.func @transform_4(%arg0: i32) -> (i32, i32) {
    %c0_i32 = arith.constant 0 : i32
    %c0_i32_0 = arith.constant 0 : i32
    %c0_i32_1 = arith.constant 0 : i32
    return %c0_i32, %c0_i32_0 : i32, i32
  }
  func.func @transform_5(%arg0: i32) -> (i32, i32) {
    %c0_i32 = arith.constant 0 : i32
    %c0_i32_0 = arith.constant 0 : i32
    %c0_i32_1 = arith.constant 0 : i32
    return %c0_i32, %c0_i32_0 : i32, i32
  }
  func.func @transform_6(%arg0: i32) -> (i32, i32) {
    %c0_i32 = arith.constant 0 : i32
    %c0_i32_0 = arith.constant 0 : i32
    %c0_i32_1 = arith.constant 0 : i32
    return %c0_i32, %c0_i32_0 : i32, i32
  }
  func.func @transform_7(%arg0: i32) -> (i32, i32) {
    %c0_i32 = arith.constant 0 : i32
    %c0_i32_0 = arith.constant 0 : i32
    return %arg0, %c0_i32 : i32, i32
  }
  func.func @transform_8(%arg0: i32) -> (i32, i32) {
    %c0_i32 = arith.constant 0 : i32
    %c0_i32_0 = arith.constant 0 : i32
    %c0_i32_1 = arith.constant 0 : i32
    return %c0_i32, %c0_i32_0 : i32, i32
  }
  func.func @transform_9(%arg0: i32) -> (i32, i32) {
    %c0_i32 = arith.constant 0 : i32
    %c0_i32_0 = arith.constant 0 : i32
    %c0_i32_1 = arith.constant 0 : i32
    return %c0_i32, %c0_i32_0 : i32, i32
  }
  func.func @transform_10(%arg0: i32) -> (i32, i32) {
    %c0_i32 = arith.constant 0 : i32
    %c0_i32_0 = arith.constant 0 : i32
    %c0_i32_1 = arith.constant 0 : i32
    return %c0_i32, %c0_i32_0 : i32, i32
  }
  func.func @transform_11(%arg0: i32) -> (i32, i32) {
    %c0_i32 = arith.constant 0 : i32
    %c0_i32_0 = arith.constant 0 : i32
    %c0_i32_1 = arith.constant 0 : i32
    return %c0_i32, %c0_i32_0 : i32, i32
  }
  func.func @transform_12(%arg0: i32) -> (i32, i32) {
    %c0_i32 = arith.constant 0 : i32
    %c0_i32_0 = arith.constant 0 : i32
    %c0_i32_1 = arith.constant 0 : i32
    return %c0_i32, %c0_i32_0 : i32, i32
  }
  func.func @transform_13(%arg0: i32) -> (i32, i32) {
    %c0_i32 = arith.constant 0 : i32
    %c0_i32_0 = arith.constant 0 : i32
    %c0_i32_1 = arith.constant 0 : i32
    return %c0_i32, %c0_i32_0 : i32, i32
  }
  func.func @transform_14(%arg0: i32) -> (i32, i32) {
    %c0_i32 = arith.constant 0 : i32
    %c0_i32_0 = arith.constant 0 : i32
    %c0_i32_1 = arith.constant 0 : i32
    return %c0_i32, %c0_i32_0 : i32, i32
  }
  func.func @transform_15(%arg0: i32) -> (i32, i32) {
    %c0_i32 = arith.constant 0 : i32
    %c0_i32_0 = arith.constant 0 : i32
    %c0_i32_1 = arith.constant 0 : i32
    return %c0_i32, %c0_i32_0 : i32, i32
  }
  func.func @transform_16(%arg0: i32) -> (i32, i32) {
    %c0_i32 = arith.constant 0 : i32
    %c0_i32_0 = arith.constant 0 : i32
    %c0_i32_1 = arith.constant 0 : i32
    return %c0_i32, %c0_i32_0 : i32, i32
  }
  func.func @transform_17(%arg0: i32) -> (i32, i32) {
    %c0_i32 = arith.constant 0 : i32
    %c0_i32_0 = arith.constant 0 : i32
    return %arg0, %c0_i32 : i32, i32
  }
}

</mosaic_0001>

<sc_bundles>
// kernel: kernel.14.cloned.1.call-start
scs
__scs_entry_jumppad:
0x0: {  	(pc) =	sbr.rel $0x88, $3  }
0x1: {  	(tag) =	ssettag $0x0;
	lr =	simm.s32 $0x1  }
0x2: {  	[smem:$0x3F59] =	sst lr;
	_ =	strace $0xD0000000  }
0x3: {  	_ = 	snop  }
0x4: {  	_ = 	snop  }
0x5: {  	_ = 	snop  }
0x6: {  	_ = 	snop  }
0x7: {  	_ = 	snop  }
__scs_overlays_trampoline_lowered:
0x8: {  	[smem:$0x3F68] =	sst s0  }
0x9: {  	[smem:$0x3F69] =	sst s1  }
0xa: {  	[smem:$0x3F6A] =	sst s2  }
0xb: {  	[smem:$0x3F6B] =	sst s3  }
0xc: {  	[smem:$0x3F6C] =	sst s4  }
0xd: {  	[smem:$0x3F6D] =	sst s5  }
0xe: {  	[smem:$0x3F6E] =	sst s6  }
0xf: {  	[smem:$0x3F6F] =	sst s7  }
0x10: {  	[smem:$0x3F70] =	sst s8  }
0x11: {  	[smem:$0x3F71] =	sst s9;
	s0 =	simm.s32 @!p0 $0x0  }
0x12: {  	s1 =	sld [smem:$0x3F57];
	s0 =	simm.s32 @p0 $0x1  }
0x13: {  	[smem:$0x3F72] =	sst s0;
	s0 =	simm.s32 @!p1 $0x0  }
0x14: {  	s2 =	sld [smem:$0x3F56];
	s0 =	simm.s32 @p1 $0x1  }
0x15: {  	[smem:$0x3F73] =	sst s0;
	s0 =	simm.s32 @!p2 $0x0  }
0x16: {  	s3 =	sld [smem:$0x3FDB];
	s0 =	simm.s32 @p2 $0x1  }
0x17: {  	s4 =	simm.s32 $0x1BF5;
	[smem:$0x3F75] =	sst s0  }
0x18: {  	s0 =	sld [smem:$0x3F58];
	_ =	swait.ge [sflag:s4], $0x0  }
0x19: {  	s7 =	sld [smem:$0x3F59]  }
0x1a: {  	s8 =	sadd.s32 $0xFFFFE003, lr  }
0x1b: {  	s9 =	sadd.s32 $0xFFFFFEF7, lr;
	s5 =	simm.s32 $0xFFFFFFFF;
	p2 =	slt.u32 s8, $0xFFFFF086  }
0x1c: {  	p1 =	slt.u32 s9, $0xF7A;
	s5 =	simm.s32 @!p2 $0x0  }
0x1d: {  	s5 =	simm.s32 @p1 $0x1;
	p0 =	seq.s32 s7, s2  }
0x1e: {  	s7 =	smul.u32 @!p0 $0xF7A, s2;
	p2 =	seq.s32 @!p0 s5, $0x0  }
0x1f: {  	s9 =	smul.u32 $0xF7A, s1;
	s8 =	simm.s32 @!p0 $0x1BF5;
	p2 =	por !p2, p0  }
0x20: {  	[sflag:s8] =	ssyncset.s32 @!p0 $0xFFFFF086;
	s6 =	sadd.s32 @!p0 s3, s7;
	s7 =	simm.s32 @!p0 $0x108  }
0x21: {  	s3 =	sadd.s32 s3, s9;
	s6 =	sadd.s32 @!p0 $0x88, s6;
	s7 =	simm.s32 @p2 $0x1082  }
0x22: {  	[simem:s7], [sflag:s8] =	dma.local @!p0 [hbm:s6], $0xF7A  }
0x23: {  	s9 =	sor.u32 $0xD0000000, s2;
	s6 =	simm.s32 $0x108;
	_ =	swait.ge @!p0 [sflag:s8], $0x0  }
0x24: {  	s3 =	sadd.s32 $0x88, s3;
	s6 =	simm.s32 @!p1 $0x1082;
	[sflag:s4] =	ssyncset.s32 $0xFFFFF086  }
0x25: {  	[simem:s6], [sflag:s4] =	dma.local [hbm:s3], $0xF7A  }
0x26: {  	[smem:$0x3F59] =	sst s1;
	(tag) =	ssettag s2;
	_ =	strace s9  }
0x27: {  	s1 =	sld [smem:$0x3F69]  }
0x28: {  	s2 =	sld [smem:$0x3F6A]  }
0x29: {  	s4 =	sld [smem:$0x3F6C]  }
0x2a: {  	p0 =	seq.s32 s5, $0x0;
	s5 =	sld [smem:$0x3F6D]  }
0x2b: {  	s6 =	sld [smem:$0x3F6E]  }
0x2c: {  	s7 =	sld [smem:$0x3F6F]  }
0x2d: {  	s3 =	simm.s32 $0x108;
	s8 =	sld [smem:$0x3F70]  }
0x2e: {  	s3 =	simm.s32 @!p0 $0x1082;
	s9 =	sld [smem:$0x3F71]  }
0x2f: {  	lr =	sadd.s32 s0, s3;
	s0 =	sld [smem:$0x3F68]  }
0x30: {  	s3 =	sld [smem:$0x3F6B]  }
0x31: {  	[smem:$0x3F74] =	sst s10  }
0x32: {  	s10 =	sld [smem:$0x3F72];
	_ =	sdelay $0x3  }
0x33: {  	p0 =	seq.s32 s10, $0x1;
	s10 =	sld [smem:$0x3F74];
	_ =	sdelay $0x3  }
0x34: {  	[smem:$0x3F74] =	sst s10  }
0x35: {  	s10 =	sld [smem:$0x3F73];
	_ =	sdelay $0x3  }
0x36: {  	p1 =	seq.s32 s10, $0x1;
	s10 =	sld [smem:$0x3F74];
	_ =	sdelay $0x3  }
0x37: {  	[smem:$0x3F74] =	sst s10  }
0x38: {  	s10 =	sld [smem:$0x3F75]  }
0x39: {  	_ = 	snop;
	(pc) =	sbr.ind lr, $3  }
0x3a: {  	_ = 	snop  }
0x3b: {  	_ = 	snop  }
0x3c: {  	p2 =	seq.s32 s10, $0x1;
	s10 =	sld [smem:$0x3F74]  }
0x3d: {  	_ =	shalt  }
0x3e: {  	_ =	shalt  }
0x3f: {  	_ =	shalt  }
0x40: {  	_ =	shalt  }
0x41: {  	_ =	shalt  }
0x42: {  	_ =	shalt  }
0x43: {  	_ =	shalt  }
0x44: {  	_ =	shalt  }
0x45: {  	_ =	shalt  }
0x46: {  	_ =	shalt  }
0x47: {  	_ =	shalt  }
0x48: {  	_ =	shalt  }
0x49: {  	_ =	shalt  }
0x4a: {  	_ =	shalt  }
0x4b: {  	_ =	shalt  }
0x4c: {  	_ =	shalt  }
0x4d: {  	_ =	shalt  }
0x4e: {  	_ =	shalt  }
0x4f: {  	_ =	shalt  }
0x50: {  	_ =	shalt  }
0x51: {  	_ =	shalt  }
0x52: {  	_ =	shalt  }
0x53: {  	_ =	shalt  }
0x54: {  	_ =	shalt  }
0x55: {  	_ =	shalt  }
0x56: {  	_ =	shalt  }
0x57: {  	_ =	shalt  }
0x58: {  	_ =	shalt  }
0x59: {  	_ =	shalt  }
0x5a: {  	_ =	shalt  }
0x5b: {  	_ =	shalt  }
0x5c: {  	_ =	shalt  }
0x5d: {  	_ =	shalt  }
0x5e: {  	_ =	shalt  }
0x5f: {  	_ =	shalt  }
0x60: {  	_ =	shalt  }
0x61: {  	_ =	shalt  }
0x62: {  	_ =	shalt  }
0x63: {  	_ =	shalt  }
0x64: {  	_ =	shalt  }
0x65: {  	_ =	shalt  }
0x66: {  	_ =	shalt  }
0x67: {  	_ =	shalt  }
0x68: {  	_ =	shalt  }
0x69: {  	_ =	shalt  }
0x6a: {  	_ =	shalt  }
0x6b: {  	_ =	shalt  }
0x6c: {  	_ =	shalt  }
0x6d: {  	_ =	shalt  }
0x6e: {  	_ =	shalt  }
0x6f: {  	_ =	shalt  }
0x70: {  	_ =	shalt  }
0x71: {  	_ =	shalt  }
0x72: {  	_ =	shalt  }
0x73: {  	_ =	shalt  }
0x74: {  	_ =	shalt  }
0x75: {  	_ =	shalt  }
0x76: {  	_ =	shalt  }
0x77: {  	_ =	shalt  }
0x78: {  	_ =	shalt  }
0x79: {  	_ =	shalt  }
0x7a: {  	_ =	shalt  }
0x7b: {  	_ =	shalt  }
0x7c: {  	_ =	shalt  }
0x7d: {  	_ =	shalt  }
0x7e: {  	_ =	shalt  }
0x7f: {  	_ =	shalt  }
0x80: {  	_ =	shalt  }
0x81: {  	_ =	shalt  }
0x82: {  	_ =	shalt  }
0x83: {  	_ =	shalt  }
0x84: {  	_ =	shalt  }
0x85: {  	_ =	shalt  }
0x86: {  	_ =	shalt  }
0x87: {  	_ =	shalt  }
.Lfunc_end0:
.L_simem_size_0:
called_computation_lowered:
.L_overlay_start_0:
0x88: {  	s2 =	sld [smem:$0x3FD9]  }
0x89: {  	s3 =	sld [smem:$0x3FFE];
	_ =	sdelay $0x1  }
0x8a: {  	s1 =	srdreg.scid  }
0x8b: {  	s0 =	sand.u32 $0x1, s1  }
0x8c: {  	s17 =	sshll.u32 s0, $0xA;
	s2 =	sadd.s32 s3, s2  }
0x8d: {  	s2 =	sadd.s32 s2, s17  }
0x8e: {  	[smem:$0x3F80] =	sst s2  }
0x8f: {  	_ = 	snop  }
0x90: {  	s2 =	sld [smem:$0x3FC7]  }
0x91: {  	s18 =	sld [smem:$0x3FC6];
	(tm) =	ssettm $0x1  }
0x92: {  	s4 =	sld [smem:$0x3FFB];
	_ =	sdelay $0x3  }
0x93: {  	_ =	strace s4  }
0x94: {  	s4 =	sld [smem:$0x3FFC];
	_ =	sdelay $0x3  }
0x95: {  	_ =	strace s4  }
0x96: {  	s4 =	sld [smem:$0x3FFD];
	_ =	sdelay $0x3  }
0x97: {  	_ =	strace s4  }
0x98: {  	_ =	strace $0x8FFFFFFF  }
0x99: {  	s19 =	sld [smem:$0x3FDB];
	_ =	sdelay $0x1  }
0x9a: {  	s5 =	simm.s32 $_scs_section_size  }
0x9b: {  	s6 =	simm.s32 $_size__tile_overlayer_lowered;
	s7 =	simm.s32 $_tile_overlayer_lowered  }
0x9c: {  	s22 =	simm.s32 $0x1BFF;
	s21 =	sshll.u32 s7, $0x1;
	s4 =	sadd.s32 s5, s19  }
0x9d: {  	s8 =	simm.s32 $0x0;
	s20 =	sshll.u32 s6, $0x1;
	s6 =	sadd.s32 s21, s4  }
0x9e: {  	[timem:s8], [sflag:s22] =	dma.local [hbm:s6], s20  }
0x9f: {  	_ =	swait.ge [sflag:s22], s20  }
0xa0: {  	s5 =	ssub.s32 $0x0, s20;
	[sflag:s22] =	ssyncset.done $0x0  }
0xa1: {  	[sflag:s22] =	ssyncadd.s32 s5;
	_ =	sdelay $0x1  }
0xa2: {  	s23 =	simm.s32 $0x1B8B  }
0xa3: {  	_ =	swait.ge [sflag:s23], $0x1  }
0xa4: {  	[sflag:s23] =	ssyncset.done $0x0  }
0xa5: {  	s25 =	simm.s32 $0x1B8E;
	s24 =	sld [smem:$0x3FFE];
	[sflag:s23] =	ssyncadd.s32 $0xFFFFFFFF  }
0xa6: {  	s26 =	simm.s32 $execute0_lowered;
	[smem:$0x3FD2] =	sst s25  }
0xa7: {  	s6 =	sshll.u32 s26, $0x1;
	_ =	strace $0x80000046;
	[dreg:$0x1] =	wrdreg $0xFFFFFFFF  }
0xa8: {  	s28 =	simm.s32 $_size_execute0_lowered;
	s4 =	sadd.s32 s4, s6;
	[dreg:$0x0] =	wrdreg $0x0  }
0xa9: {  	s6 =	sshll.u32 s28, $0x1;
	[dreg:$0x2] =	wrdreg s4  }
0xaa: {  	[dreg:$0x3] =	wrdreg s6  }
0xab: {  	[dreg:$0x4] =	wrdreg $0xC0  }
0xac: {  	_ =	task [dreg:s8], $0x5FFFF  }
0xad: {  	[dreg:$0x1] =	wrdreg $0xFFFFFFFF  }
0xae: {  	[dreg:$0x0] =	wrdreg $0x60  }
0xaf: {  	[dreg:$0x2] =	wrdreg s2  }
0xb0: {  	[dreg:$0x3] =	wrdreg s18  }
0xb1: {  	[dreg:$0x4] =	wrdreg s24  }
0xb2: {  	[dreg:$0x5] =	wrdreg $0x0  }
0xb3: {  	[dreg:$0x6] =	wrdreg $0x9  }
0xb4: {  	_ =	task.clear_ibuf [dreg:s8], $0x7FFFF;
	_ =	strace $0x90000046  }
0xb5: {  	s29 =	simm.s32 $0x9;
	_ =	strace $0x80000048  }
0xb6: {  	_ =	swait.ge [sflag:s29], $0x1  }
0xb7: {  	[sflag:s29] =	ssyncadd.s32 $0xFFFFFFFF  }
0xb8: {  	_ =	strace $0x90000048  }
0xb9: {  	_ =	sfence  }
0xba: {  	s30 =	sld [smem:$0x0];
	_ =	sdelay $0x2  }
0xbb: {  	s31 =	sshll.u32 s1, $0xD;
	s1 =	sshrl.u32 s1, $0x2  }
0xbc: {  	s3 =	sand.u32 $0x4000, s31;
	s1 =	sadd.s32 s1, s30  }
0xbd: {  	s0 =	sor.u32 s3, s0;
	s1 =	sshll.u32 s1, $0x11  }
0xbe: {  	s0 =	sor.u32 s1, s0  }
0xbf: {  	s0 =	sadd.s32 $0x8F2B, s0  }
0xc0: {  	[sflag:s0] =	ssyncadd.remote.s32 $0x1  }
0xc1: {  	_ =	sfence.sel $0xFFFF  }
0xc2: {  	[dreg:$0x0] =	wrdreg $0xFFFFFFFF;
	(pc) =	sbr.abs _section_cstart, $3  }
0xc3: {  	[dreg:$0x1] =	wrdreg $0xFFFFFFFF  }
0xc4: {  	_ =	task.clear_ibuf [dreg:s8], $0x2FFFF;
	_ =	strace $0x9FFFFFFF  }
0xc5: {  	(tm) =	ssettm $0x7FFFFFFF  }
tec
execute0_lowered:
.L_overlay_start_1:
0x0: {  	(tag) =	ssettag $0x1  }
0x1: {  	s0 =	rddreg [dreg:$0x0]  }
0x2: {  	s3 =	rddreg [dreg:$0x1]  }
0x3: {  	s4 =	rddreg [dreg:$0x2]  }
0x4: {  	s1 =	rddreg [dreg:$0x3];
	s2 =	simm.s32 $0x0  }
0x5: {  	s5 =	srdreg.scid;
	s8 =	stileid.u32;
	s28 =	simm.s32 $0x4000  }
0x6: {  	s29 =	simm.s32 $0x10000;
	s30 =	simm.s32 $0x14000;
	[smem:$0x7FF] =	sst s2  }
0x7: {  	s5 =	sand.u32 $0x1, s5;
	s13 =	sadd.s32 $0xA800, s4;
	s4 =	sadd.s32 $0x8A800, s4  }
0x8: {  	s10 =	sshll.u32 s8, $0xC;
	s20 =	sshll.u32 s8, $0xF;
	_ =	strace $0x80000047  }
0x9: {  	s6 =	ssub.s32 $0x2, s5;
	s17 =	sadd.s32 s0, s10;
	s11 =	sor.u32 $0x10, s10  }
0xa: {  	s19 =	sshll.u32 s5, $0x13;
	s10 =	sadd.s32 s3, s10;
	s7 =	sshrl.u32 s6, $0x1  }
0xb: {  	[dreg:$0x5] =	wrdreg s17;
	s0 =	sadd.s32 s0, s11;
	s21 =	sadd.s32 $0x80000, s19  }
0xc: {  	s8 =	sor.u32 s20, s19;
	s22 =	sor.u32 $0x100000, s19;
	s23 =	sadd.s32 $0x180000, s19  }
0xd: {  	s24 =	sor.u32 $0x200000, s19;
	s25 =	sor.u32 $0x300000, s19;
	s11 =	sadd.s32 s3, s11  }
0xe: {  	s26 =	sadd.s32 $0x280000, s19;
	s31 =	sadd.s32 $0x380000, s19;
	s18 =	ssub.s32 s6, s7  }
0xf: {  	[dreg:$0x6] =	wrdreg s0;
	s6 =	sadd.s32 s20, s1;
	s14 =	sshrl.u32 s8, $0x3  }
0x10: {  	s9 =	sor.u32 s20, s22;
	s12 =	sor.u32 s20, s24;
	s5 =	sor.u32 s20, s25  }
0x11: {  	v1 =	vmov s21;
	v2 =	vmov s22;
	v3 =	vmov s23;
	s21 =	simm.s32 $0x80;
	s22 =	simm.s32 $0x100;
	s23 =	simm.s32 $0x8000  }
0x12: {  	v4 =	vmov s24;
	v5 =	vmov s26;
	v6 =	vmov s25;
	s24 =	simm.s32 $0x1;
	s25 =	simm.s32 $0xC000;
	s26 =	simm.s32 $0x18000  }
0x13: {  	s7 =	sadd.s32 $0x2000, s6;
	s8 =	sadd.s32 s13, s14;
	s15 =	sshrl.u32 s9, $0x3  }
0x14: {  	s16 =	sshrl.u32 s12, $0x3;
	s5 =	sshrl.u32 s5, $0x3;
	s14 =	sadd.s32 s4, s14  }
0x15: {  	v0 =	vmov s19;
	s18 =	smax.u32 s18, $0x1;
	s19 =	sadd.s32 $0x4000, s6;
	s20 =	sadd.s32 $0x6000, s6  }
0x16: {  	s9 =	sadd.s32 s13, s15;
	s12 =	sadd.s32 s13, s16;
	s13 =	sadd.s32 s13, s5  }
0x17: {  	v8 =	vimm.f32 $1.000000000e+00;
	v9 =	vimm.f32 $0.0e+00;
	v7 =	vmov s31;
	s15 =	sadd.s32 s4, s15;
	s16 =	sadd.s32 s4, s16;
	s17 =	sadd.s32 s4, s5  }
.LBB2_1:
0x18: {  	s0 =	simm.s32 $0x14040  }
0x19: {  	[tilespmem:s0+$0x20] =	vst v8  }
0x1a: {  	[tilespmem:s0+$0x10] =	vst v8  }
0x1b: {  	[tilespmem:s0+$0x0] =	vst v8  }
0x1c: {  	[tilespmem:s0+$0xFFFFFFF0] =	vst v8  }
0x1d: {  	[tilespmem:s0+$0xFFFFFFE0] =	vst v8  }
0x1e: {  	[tilespmem:s0+$0xFFFFFFD0] =	vst v8  }
0x1f: {  	[tilespmem:s0+$0xFFFFFFC0] =	vst v8  }
0x20: {  	s4 =	simm.s32 $0x0;
	s3 =	simm.s32 $0x80;
	[tilespmem:s0+$0x30] =	vst v8  }
.LBB2_2:
0x21: {  	p0 =	sne.s32 s3, $0x3F80;
	[tilespmem:s4+$0x18010] =	vst v9  }
0x22: {  	s0 =	sadd.s32 $0x80, s0;
	[tilespmem:s4+$0x18000] =	vst v9  }
0x23: {  	[tilespmem:s0+$0x20] =	vst v8  }
0x24: {  	[tilespmem:s0+$0x10] =	vst v8  }
0x25: {  	[tilespmem:s0+$0x0] =	vst v8  }
.Ltmp0:
0x26: {  	[tilespmem:s0+$0xFFFFFFF0] =	vst v8;
	(pc) =	sbr.rel @p0 .LBB2_2-.Ltmp0, $4  }
0x27: {  	[tilespmem:s0+$0xFFFFFFE0] =	vst v8  }
0x28: {  	[tilespmem:s0+$0xFFFFFFD0] =	vst v8  }
0x29: {  	[tilespmem:s0+$0xFFFFFFC0] =	vst v8  }
0x2a: {  	s4 =	sshra.s32 s3, $0x2;
	s3 =	sadd.s32 $0x80, s3;
	[tilespmem:s0+$0x30] =	vst v8  }
0x2b: {  	[tilespmem:s4+$0x18010] =	vst v9  }
0x2c: {  	[tilespmem:s4+$0x18000] =	vst v9;
	s0 =	rddreg [dreg:$0x5]  }
0x2d: {  	[tilespmem:s23], [sflag:$0x1] =	stream.strided.gather [hbm4b:s0+s21], $0x4000, s22, s21, $0x38;
	[tilespmem:$0x1A000] =	vst v63  }
0x2e: {  	_ =	swait.ge [sflag:s24], $0x4000  }
0x2f: {  	[sflag:s24] =	ssyncset.done $0x0  }
0x30: {  	s31 =	rddreg [dreg:$0x6];
	[sflag:s24] =	ssyncadd.s32 $0xFFFFC000  }
0x31: {  	[tilespmem:s25], [sflag:$0x1] =	stream.strided.gather [hbm4b:s31+s21], $0x4000, s22, s21, $0x38;
	[tilespmem:$0x1A000] =	vst v63  }
0x32: {  	_ =	swait.ge [sflag:s24], $0x4000  }
0x33: {  	[sflag:s24] =	ssyncset.done $0x0  }
0x34: {  	s0 =	simm.s32 $0x0;
	[sflag:s24] =	ssyncadd.s32 $0xFFFFC000  }
0x35: {  	v16 =	vld [tilespmem:s0+$0x8000]  }
0x36: {  	v15 =	vld [tilespmem:s0+$0x8010]  }
0x37: {  	v14 =	vld [tilespmem:s0+$0x8020]  }
0x38: {  	v13 =	vld [tilespmem:s0+$0x8030]  }
0x39: {  	v12 =	vld [tilespmem:s0+$0x8040]  }
0x3a: {  	v11 =	vld [tilespmem:s0+$0x8050]  }
0x3b: {  	v10 =	vld [tilespmem:s0+$0x8060]  }
0x3c: {  	v17 =	vld [tilespmem:s0+$0xC000]  }
0x3d: {  	v22 =	vld [tilespmem:s0+$0xC010]  }
0x3e: {  	v20 =	vld [tilespmem:s0+$0xC020]  }
0x3f: {  	v19 =	vld [tilespmem:s0+$0xC030]  }
0x40: {  	v18 =	vld [tilespmem:s0+$0xC040]  }
0x41: {  	v21 =	vshll.u32 v17, $0xA;
	v17 =	vld [tilespmem:s0+$0xC050]  }
0x42: {  	s3 =	simm.s32 $0x200;
	v22 =	vshll.u32 v22, $0xA;
	v21 =	vadd.s32 v16, v21;
	v16 =	vld [tilespmem:s0+$0xC060]  }
.LBB2_4:
0x43: {  	p0 =	sne.s32 s3, $0xFE00;
	[tilespmem:s0+$0xC000] =	vst v21;
	v15 =	vadd.s32 v15, v22;
	v20 =	vshll.u32 v20, $0xA;
	v21 =	vld [tilespmem:s0+$0xC070]  }
0x44: {  	s4 =	sshra.s32 s3, $0x2;
	[tilespmem:s0+$0xC010] =	vst v15;
	v14 =	vadd.s32 v14, v20;
	v15 =	vshll.u32 v19, $0xA;
	v19 =	vld [tilespmem:s0+$0x8070]  }
0x45: {  	v22 =	vld [tilespmem:s4+$0x8000];
	[tilespmem:s0+$0xC020] =	vst v14;
	v13 =	vadd.s32 v13, v15;
	v14 =	vshll.u32 v18, $0xA  }
0x46: {  	v15 =	vld [tilespmem:s4+$0x8010];
	[tilespmem:s0+$0xC030] =	vst v13;
	v12 =	vadd.s32 v12, v14;
	v13 =	vshll.u32 v17, $0xA  }
0x47: {  	v14 =	vld [tilespmem:s4+$0x8020];
	[tilespmem:s0+$0xC040] =	vst v12;
	v11 =	vadd.s32 v11, v13;
	v12 =	vshll.u32 v16, $0xA  }
0x48: {  	v13 =	vld [tilespmem:s4+$0x8030];
	[tilespmem:s0+$0xC050] =	vst v11;
	v10 =	vadd.s32 v10, v12;
	v11 =	vshll.u32 v21, $0xA  }
0x49: {  	v12 =	vld [tilespmem:s4+$0x8040];
	[tilespmem:s0+$0xC060] =	vst v10;
	v10 =	vadd.s32 v19, v11  }
0x4a: {  	v11 =	vld [tilespmem:s4+$0x8050];
	[tilespmem:s0+$0xC070] =	vst v10;
	s0 =	smov.u32 s4  }
0x4b: {  	v10 =	vld [tilespmem:s0+$0x8060]  }
0x4c: {  	v16 =	vld [tilespmem:s0+$0xC000]  }
0x4d: {  	v23 =	vld [tilespmem:s0+$0xC010]  }
.Ltmp1:
0x4e: {  	v20 =	vld [tilespmem:s0+$0xC020];
	(pc) =	sbr.rel @p0 .LBB2_4-.Ltmp1, $4  }
0x4f: {  	v19 =	vld [tilespmem:s0+$0xC030]  }
0x50: {  	v18 =	vld [tilespmem:s0+$0xC040]  }
0x51: {  	v16 =	vshll.u32 v16, $0xA;
	v17 =	vld [tilespmem:s0+$0xC050]  }
0x52: {  	s3 =	sadd.s32 $0x200, s3;
	v21 =	vadd.s32 v22, v16;
	v22 =	vshll.u32 v23, $0xA;
	v16 =	vld [tilespmem:s0+$0xC060]  }
0x53: {  	[tilespmem:s0+$0xC000] =	vst v21;
	v15 =	vadd.s32 v15, v22;
	v63 =	vld [tilespmem:s0+$0xC070];
	v20 =	vshll.u32 v20, $0xA  }
0x54: {  	[tilespmem:s0+$0xC010] =	vst v15;
	v14 =	vadd.s32 v14, v20;
	v15 =	vshll.u32 v19, $0xA;
	v19 =	vld [tilespmem:s0+$0x8070]  }
0x55: {  	[tilespmem:s0+$0xC020] =	vst v14;
	v13 =	vadd.s32 v13, v15;
	v14 =	vshll.u32 v18, $0xA  }
0x56: {  	[tilespmem:s0+$0xC030] =	vst v13;
	v12 =	vadd.s32 v12, v14;
	v13 =	vshll.u32 v17, $0xA  }
0x57: {  	[tilespmem:s0+$0xC040] =	vst v12;
	v11 =	vadd.s32 v11, v13;
	v12 =	vshll.u32 v16, $0xA  }
0x58: {  	[tilespmem:s0+$0xC050] =	vst v11;
	v10 =	vadd.s32 v10, v12;
	v11 =	vshll.u32 v63, $0xA  }
0x59: {  	[tilespmem:s0+$0xC060] =	vst v10;
	v10 =	vadd.s32 v19, v11  }
0x5a: {  	[tilespmem:s0+$0xC070] =	vst v10  }
0x5b: {  	[spmem:s6] =	stream.linear.scatter [tilespmem:s26], [sflag:$0x1], $0x2000, $0x38;
	[tilespmem:$0x1A000] =	vst v63  }
0x5c: {  	_ =	swait.ge [sflag:s24], $0x2000  }
0x5d: {  	[sflag:s24] =	ssyncset.done $0x0  }
0x5e: {  	[sflag:s24] =	ssyncadd.s32 $0xFFFFE000  }
0x5f: {  	[spmem:s7] =	stream.linear.scatter [tilespmem:s26], [sflag:$0x1], $0x2000, $0x38;
	[tilespmem:$0x1A000] =	vst v63  }
0x60: {  	_ =	swait.ge [sflag:s24], $0x2000  }
0x61: {  	[sflag:s24] =	ssyncset.done $0x0  }
0x62: {  	[sflag:s24] =	ssyncadd.s32 $0xFFFFE000  }
0x63: {  	[spmem:s19] =	stream.linear.scatter [tilespmem:s26], [sflag:$0x1], $0x2000, $0x38;
	[tilespmem:$0x1A000] =	vst v63  }
0x64: {  	_ =	swait.ge [sflag:s24], $0x2000  }
0x65: {  	[sflag:s24] =	ssyncset.done $0x0  }
0x66: {  	[sflag:s24] =	ssyncadd.s32 $0xFFFFE000  }
0x67: {  	[spmem:s20] =	stream.linear.scatter [tilespmem:s26], [sflag:$0x1], $0x2000, $0x38;
	[tilespmem:$0x1A000] =	vst v63  }
0x68: {  	_ =	swait.ge [sflag:s24], $0x2000  }
0x69: {  	[sflag:s24] =	ssyncset.done $0x0  }
0x6a: {  	[sflag:s24] =	ssyncadd.s32 $0xFFFFE000  }
0x6b: {  	s0 =	simm.s32 $0x0;
	[bflag:$0x0] =	sbarrier.arrive $0xFFFF  }
0x6c: {  	v16 =	vld [tilespmem:s0+$0xC070]  }
0x6d: {  	v10 =	vld [tilespmem:s0+$0xC000]  }
0x6e: {  	v11 =	vld [tilespmem:s0+$0xC010]  }
0x6f: {  	v12 =	vld [tilespmem:s0+$0xC020]  }
0x70: {  	v13 =	vld [tilespmem:s0+$0xC030]  }
0x71: {  	v14 =	vld [tilespmem:s0+$0xC040];
	_ =	sdelay $0x1  }
0x72: {  	vm0 =	vge.s32 v16, v0;
	vm1 =	vlt.s32 v16, v1  }
0x73: {  	v15 =	vld [tilespmem:s0+$0xC050];
	vm2 =	vge.s32 v10, v0;
	v17 =	vsub.s32 v16, v0;
	vm3 =	vge.s32 v11, v0  }
0x74: {  	v16 =	vld [tilespmem:s0+$0xC060];
	vm4 =	vge.s32 v12, v0;
	vm5 =	vlt.s32 v12, v1;
	vm6 =	vge.s32 v13, v0  }
0x75: {  	vm7 =	vlt.s32 v13, v1;
	vm8 =	vge.s32 v14, v0;
	vm0 =	vmand vm0, vm1  }
0x76: {  	vm9 =	vlt.s32 v14, v1;
	vm1 =	vlt.s32 v10, v1;
	v17 =	vnsel vm0, $0xFFFFFFFF, v17  }
0x77: {  	vm0 =	vlt.s32 v11, v1;
	vm1 =	vmand vm2, vm1;
	vm2 =	vmand vm4, vm5  }
0x78: {  	vm4 =	vge.s32 v15, v0;
	vm5 =	vlt.s32 v15, v1;
	vm0 =	vmand vm3, vm0  }
0x79: {  	vm3 =	vmand vm6, vm7;
	vm7 =	vge.s32 v16, v0;
	vm10 =	vlt.s32 v16, v1  }
0x7a: {  	s3 =	simm.s32 $0x80;
	s4 =	simm.s32 $0x400;
	[tilespmem:s0+$0x10070] =	vst v17;
	vm6 =	vmand vm8, vm9;
	vm4 =	vmand vm4, vm5;
	vm5 =	vmand vm7, vm10  }
.LBB2_6:
0x7b: {  	p0 =	sne.s32 s4, $0xFE00;
	v17 =	vld [tilespmem:s3+$0xC070];
	v18 =	vsub.s32 v10, v0;
	v19 =	vsub.s32 v11, v0;
	v20 =	vsub.s32 v12, v0  }
0x7c: {  	v13 =	vsub.s32 v13, v0;
	v14 =	vsub.s32 v14, v0;
	v15 =	vsub.s32 v15, v0;
	v10 =	vld [tilespmem:s3+$0xC000]  }
0x7d: {  	v16 =	vsub.s32 v16, v0;
	v18 =	vnsel vm1, $0xFFFFFFFF, v18;
	v19 =	vnsel vm0, $0xFFFFFFFF, v19;
	v11 =	vld [tilespmem:s3+$0xC010]  }
0x7e: {  	v21 =	vnsel vm6, $0xFFFFFFFF, v14;
	v12 =	vld [tilespmem:s3+$0xC020];
	[tilespmem:s0+$0x10000] =	vst v18;
	v18 =	vnsel vm2, $0xFFFFFFFF, v20;
	v20 =	vnsel vm3, $0xFFFFFFFF, v13  }
0x7f: {  	v22 =	vnsel vm5, $0xFFFFFFFF, v16;
	v13 =	vld [tilespmem:s3+$0xC030];
	[tilespmem:s0+$0x10010] =	vst v19;
	v19 =	vnsel vm4, $0xFFFFFFFF, v15  }
0x80: {  	v14 =	vld [tilespmem:s3+$0xC040];
	vm0 =	vge.s32 v17, v0;
	vm1 =	vlt.s32 v17, v1;
	[tilespmem:s0+$0x10020] =	vst v18  }
0x81: {  	v17 =	vsub.s32 v17, v0;
	vm2 =	vge.s32 v10, v0;
	v15 =	vld [tilespmem:s3+$0xC050];
	vm0 =	vmand vm0, vm1;
	[tilespmem:s0+$0x10030] =	vst v20  }
0x82: {  	vm1 =	vlt.s32 v10, v1;
	vm3 =	vge.s32 v11, v0;
	v16 =	vld [tilespmem:s3+$0xC060];
	v17 =	vnsel vm0, $0xFFFFFFFF, v17;
	[tilespmem:s0+$0x10040] =	vst v21  }
0x83: {  	vm0 =	vlt.s32 v11, v1;
	vm4 =	vge.s32 v12, v0;
	vm5 =	vlt.s32 v12, v1;
	[tilespmem:s3+$0x10070] =	vst v17  }
.Ltmp2:
0x84: {  	vm1 =	vmand vm2, vm1;
	vm6 =	vge.s32 v13, v0;
	vm7 =	vlt.s32 v13, v1;
	[tilespmem:s0+$0x10050] =	vst v19;
	(pc) =	sbr.rel @p0 .LBB2_6-.Ltmp2, $4  }
0x85: {  	vm0 =	vmand vm3, vm0;
	vm8 =	vge.s32 v14, v0;
	vm9 =	vlt.s32 v14, v1;
	[tilespmem:s0+$0x10060] =	vst v22;
	s0 =	smov.u32 s3  }
0x86: {  	vm2 =	vmand vm4, vm5;
	vm4 =	vge.s32 v15, v0;
	vm5 =	vlt.s32 v15, v1  }
0x87: {  	vm3 =	vmand vm6, vm7;
	vm7 =	vge.s32 v16, v0;
	vm10 =	vlt.s32 v16, v1  }
0x88: {  	s3 =	sshra.s32 s4, $0x2;
	s4 =	sadd.s32 $0x200, s4;
	vm6 =	vmand vm8, vm9;
	vm4 =	vmand vm4, vm5;
	vm5 =	vmand vm7, vm10  }
0x89: {  	v17 =	vld [tilespmem:s3+$0xC070]  }
0x8a: {  	v18 =	vld [tilespmem:s3+$0xC000]  }
0x8b: {  	v10 =	vsub.s32 v10, v0;
	v19 =	vld [tilespmem:s3+$0xC010];
	v11 =	vsub.s32 v11, v0  }
0x8c: {  	v20 =	vld [tilespmem:s3+$0xC020];
	v12 =	vsub.s32 v12, v0;
	v13 =	vsub.s32 v13, v0;
	v16 =	vsub.s32 v16, v0  }
0x8d: {  	v10 =	vnsel vm1, $0xFFFFFFFF, v10;
	v11 =	vnsel vm0, $0xFFFFFFFF, v11;
	v12 =	vnsel vm2, $0xFFFFFFFF, v12  }
0x8e: {  	v13 =	vnsel vm3, $0xFFFFFFFF, v13;
	[tilespmem:s0+$0x10000] =	vst v10;
	v10 =	vsub.s32 v14, v0;
	v14 =	vsub.s32 v15, v0  }
0x8f: {  	v15 =	vld [tilespmem:s3+$0xC030];
	[tilespmem:s0+$0x10010] =	vst v11;
	v10 =	vnsel vm6, $0xFFFFFFFF, v10;
	v11 =	vnsel vm4, $0xFFFFFFFF, v14;
	v14 =	vnsel vm5, $0xFFFFFFFF, v16  }
0x90: {  	vm0 =	vge.s32 v17, v0;
	vm1 =	vlt.s32 v17, v1;
	vm2 =	vge.s32 v18, v0  }
0x91: {  	v16 =	vld [tilespmem:s3+$0xC040];
	v17 =	vsub.s32 v17, v0;
	vm3 =	vge.s32 v19, v0;
	vm4 =	vge.s32 v20, v0  }
0x92: {  	[tilespmem:s0+$0x10020] =	vst v12;
	vm5 =	vlt.s32 v20, v1;
	vm0 =	vmand vm0, vm1;
	vm1 =	vlt.s32 v18, v1  }
0x93: {  	v12 =	vld [tilespmem:s3+$0xC050];
	[tilespmem:s0+$0x10030] =	vst v13;
	vm4 =	vmand vm4, vm5;
	v13 =	vnsel vm0, $0xFFFFFFFF, v17;
	vm0 =	vlt.s32 v19, v1  }
0x94: {  	v17 =	vld [tilespmem:s3+$0xC060];
	vm1 =	vmand vm2, vm1;
	[tilespmem:s0+$0x10040] =	vst v10;
	v10 =	vsub.s32 v18, v0;
	vm2 =	vge.s32 v15, v0  }
0x95: {  	vm6 =	vlt.s32 v15, v1;
	vm0 =	vmand vm3, vm0;
	[tilespmem:s3+$0x10070] =	vst v13;
	v10 =	vnsel vm1, $0xFFFFFFFF, v10  }
0x96: {  	v13 =	vsub.s32 v20, v0;
	vm3 =	vge.s32 v16, v0;
	vm7 =	vlt.s32 v16, v1;
	[tilespmem:s0+$0x10050] =	vst v11  }
0x97: {  	[tilespmem:s0+$0x10060] =	vst v14;
	vm2 =	vmand vm2, vm6;
	v11 =	vsub.s32 v19, v0;
	v13 =	vnsel vm4, $0xFFFFFFFF, v13  }
0x98: {  	vm5 =	vge.s32 v12, v0;
	vm8 =	vlt.s32 v12, v1;
	v11 =	vnsel vm0, $0xFFFFFFFF, v11;
	[tilespmem:s3+$0x10000] =	vst v10  }
0x99: {  	v10 =	vsub.s32 v15, v0;
	vm3 =	vmand vm3, vm7;
	[tilespmem:s3+$0x10020] =	vst v13;
	v12 =	vsub.s32 v12, v0  }
0x9a: {  	[tilespmem:s3+$0x10010] =	vst v11;
	v11 =	vsub.s32 v16, v0;
	v10 =	vnsel vm2, $0xFFFFFFFF, v10;
	vm2 =	vmand vm5, vm8  }
0x9b: {  	vm1 =	vge.s32 v17, v0;
	vm0 =	vlt.s32 v17, v1;
	v11 =	vnsel vm3, $0xFFFFFFFF, v11;
	[tilespmem:s3+$0x10030] =	vst v10  }
0x9c: {  	v10 =	vsub.s32 v17, v0;
	v12 =	vnsel vm2, $0xFFFFFFFF, v12;
	vm0 =	vmand vm1, vm0;
	[tilespmem:s3+$0x10040] =	vst v11  }
0x9d: {  	[tilespmem:s3+$0x10050] =	vst v12;
	v10 =	vnsel vm0, $0xFFFFFFFF, v10  }
0x9e: {  	[tilespmem:s3+$0x10060] =	vst v10;
	(ifvalue) =	ssetifvalue $0xFFFFFFFF  }
0x9f: {  	[spmem:s1] =	stream.indirect.scatter.add.f32 [tilespmem:s30], [sflag:$0x1], $0x1, s29, s28, $0x40b8;
	[tilespmem:$0x1A000] =	vst v63  }
0xa0: {  	_ =	swait.ge [sflag:s24], $0x4000  }
0xa1: {  	s5 =	stileid.u32;
	[sflag:s24] =	ssyncset.done $0x0  }
0xa2: {  	s0 =	sshll.u32 s5, $0x6;
	[sflag:s24] =	ssyncadd.s32 $0xFFFFC000  }
0xa3: {  	s31 =	sor.u32 $0x1C01, s0;
	s0 =	sshrl.u32 s6, $0x3;
	[bflag:$0x0] =	sbarrier.arrive $0xFFFF  }
0xa4: {  	[hbm:s8], [sflag:s31] =	dma.local [spmem:s0], $0x1000  }
0xa5: {  	_ =	swait.ge [sflag:s24], $0x1000  }
0xa6: {  	[sflag:s24] =	ssyncset.done $0x0  }
0xa7: {  	[sflag:s24] =	ssyncadd.s32 $0xFFFFF000  }
0xa8: {  	[bflag:$0x0] =	sbarrier.arrive $0xFFFF  }
0xa9: {  	[spmem:s6] =	stream.linear.scatter [tilespmem:s26], [sflag:$0x1], $0x2000, $0x38;
	[tilespmem:$0x1A000] =	vst v63  }
0xaa: {  	_ =	swait.ge [sflag:s24], $0x2000  }
0xab: {  	[sflag:s24] =	ssyncset.done $0x0  }
0xac: {  	[sflag:s24] =	ssyncadd.s32 $0xFFFFE000  }
0xad: {  	[spmem:s7] =	stream.linear.scatter [tilespmem:s26], [sflag:$0x1], $0x2000, $0x38;
	[tilespmem:$0x1A000] =	vst v63  }
0xae: {  	_ =	swait.ge [sflag:s24], $0x2000  }
0xaf: {  	[sflag:s24] =	ssyncset.done $0x0  }
0xb0: {  	[sflag:s24] =	ssyncadd.s32 $0xFFFFE000  }
0xb1: {  	[spmem:s19] =	stream.linear.scatter [tilespmem:s26], [sflag:$0x1], $0x2000, $0x38;
	[tilespmem:$0x1A000] =	vst v63  }
0xb2: {  	_ =	swait.ge [sflag:s24], $0x2000  }
0xb3: {  	[sflag:s24] =	ssyncset.done $0x0  }
0xb4: {  	[sflag:s24] =	ssyncadd.s32 $0xFFFFE000  }
0xb5: {  	[spmem:s20] =	stream.linear.scatter [tilespmem:s26], [sflag:$0x1], $0x2000, $0x38;
	[tilespmem:$0x1A000] =	vst v63  }
0xb6: {  	_ =	swait.ge [sflag:s24], $0x2000  }
0xb7: {  	[sflag:s24] =	ssyncset.done $0x0  }
0xb8: {  	[sflag:s24] =	ssyncadd.s32 $0xFFFFE000  }
0xb9: {  	s3 =	simm.s32 $0x0;
	[bflag:$0x0] =	sbarrier.arrive $0xFFFF  }
0xba: {  	v16 =	vld [tilespmem:s3+$0xC070]  }
0xbb: {  	v10 =	vld [tilespmem:s3+$0xC000]  }
0xbc: {  	v11 =	vld [tilespmem:s3+$0xC010]  }
0xbd: {  	v12 =	vld [tilespmem:s3+$0xC020]  }
0xbe: {  	v13 =	vld [tilespmem:s3+$0xC030]  }
0xbf: {  	v14 =	vld [tilespmem:s3+$0xC040];
	_ =	sdelay $0x1  }
0xc0: {  	vm0 =	vge.s32 v16, v2;
	vm1 =	vlt.s32 v16, v3  }
0xc1: {  	v15 =	vld [tilespmem:s3+$0xC050];
	vm2 =	vge.s32 v10, v2;
	v17 =	vsub.s32 v16, v2;
	vm3 =	vge.s32 v11, v2  }
0xc2: {  	v16 =	vld [tilespmem:s3+$0xC060];
	vm4 =	vge.s32 v12, v2;
	vm5 =	vlt.s32 v12, v3;
	vm6 =	vge.s32 v13, v2  }
0xc3: {  	vm7 =	vlt.s32 v13, v3;
	vm8 =	vge.s32 v14, v2;
	vm0 =	vmand vm0, vm1  }
0xc4: {  	vm9 =	vlt.s32 v14, v3;
	vm1 =	vlt.s32 v10, v3;
	v17 =	vnsel vm0, $0xFFFFFFFF, v17  }
0xc5: {  	vm0 =	vlt.s32 v11, v3;
	vm1 =	vmand vm2, vm1;
	vm2 =	vmand vm4, vm5  }
0xc6: {  	vm4 =	vge.s32 v15, v2;
	vm5 =	vlt.s32 v15, v3;
	vm0 =	vmand vm3, vm0  }
0xc7: {  	vm3 =	vmand vm6, vm7;
	vm7 =	vge.s32 v16, v2;
	vm10 =	vlt.s32 v16, v3  }
0xc8: {  	s4 =	simm.s32 $0x80;
	s5 =	simm.s32 $0x400;
	[tilespmem:s3+$0x10070] =	vst v17;
	vm6 =	vmand vm8, vm9;
	vm4 =	vmand vm4, vm5;
	vm5 =	vmand vm7, vm10  }
.LBB2_8:
0xc9: {  	p0 =	sne.s32 s5, $0xFE00;
	v17 =	vld [tilespmem:s4+$0xC070];
	v18 =	vsub.s32 v10, v2;
	v19 =	vsub.s32 v11, v2;
	v20 =	vsub.s32 v12, v2  }
0xca: {  	v13 =	vsub.s32 v13, v2;
	v14 =	vsub.s32 v14, v2;
	v15 =	vsub.s32 v15, v2;
	v10 =	vld [tilespmem:s4+$0xC000]  }
0xcb: {  	v16 =	vsub.s32 v16, v2;
	v18 =	vnsel vm1, $0xFFFFFFFF, v18;
	v19 =	vnsel vm0, $0xFFFFFFFF, v19;
	v11 =	vld [tilespmem:s4+$0xC010]  }
0xcc: {  	v21 =	vnsel vm6, $0xFFFFFFFF, v14;
	v12 =	vld [tilespmem:s4+$0xC020];
	[tilespmem:s3+$0x10000] =	vst v18;
	v18 =	vnsel vm2, $0xFFFFFFFF, v20;
	v20 =	vnsel vm3, $0xFFFFFFFF, v13  }
0xcd: {  	v22 =	vnsel vm5, $0xFFFFFFFF, v16;
	v13 =	vld [tilespmem:s4+$0xC030];
	[tilespmem:s3+$0x10010] =	vst v19;
	v19 =	vnsel vm4, $0xFFFFFFFF, v15  }
0xce: {  	v14 =	vld [tilespmem:s4+$0xC040];
	vm0 =	vge.s32 v17, v2;
	vm1 =	vlt.s32 v17, v3;
	[tilespmem:s3+$0x10020] =	vst v18  }
0xcf: {  	v17 =	vsub.s32 v17, v2;
	vm2 =	vge.s32 v10, v2;
	v15 =	vld [tilespmem:s4+$0xC050];
	vm0 =	vmand vm0, vm1;
	[tilespmem:s3+$0x10030] =	vst v20  }
0xd0: {  	vm1 =	vlt.s32 v10, v3;
	vm3 =	vge.s32 v11, v2;
	v16 =	vld [tilespmem:s4+$0xC060];
	v17 =	vnsel vm0, $0xFFFFFFFF, v17;
	[tilespmem:s3+$0x10040] =	vst v21  }
0xd1: {  	vm0 =	vlt.s32 v11, v3;
	vm4 =	vge.s32 v12, v2;
	vm5 =	vlt.s32 v12, v3;
	[tilespmem:s4+$0x10070] =	vst v17  }
.Ltmp3:
0xd2: {  	vm1 =	vmand vm2, vm1;
	vm6 =	vge.s32 v13, v2;
	vm7 =	vlt.s32 v13, v3;
	[tilespmem:s3+$0x10050] =	vst v19;
	(pc) =	sbr.rel @p0 .LBB2_8-.Ltmp3, $4  }
0xd3: {  	vm0 =	vmand vm3, vm0;
	vm8 =	vge.s32 v14, v2;
	vm9 =	vlt.s32 v14, v3;
	[tilespmem:s3+$0x10060] =	vst v22;
	s3 =	smov.u32 s4  }
0xd4: {  	vm2 =	vmand vm4, vm5;
	vm4 =	vge.s32 v15, v2;
	vm5 =	vlt.s32 v15, v3  }
0xd5: {  	vm3 =	vmand vm6, vm7;
	vm7 =	vge.s32 v16, v2;
	vm10 =	vlt.s32 v16, v3  }
0xd6: {  	s4 =	sshra.s32 s5, $0x2;
	s5 =	sadd.s32 $0x200, s5;
	vm6 =	vmand vm8, vm9;
	vm4 =	vmand vm4, vm5;
	vm5 =	vmand vm7, vm10  }
0xd7: {  	v17 =	vld [tilespmem:s4+$0xC070]  }
0xd8: {  	v18 =	vld [tilespmem:s4+$0xC000]  }
0xd9: {  	v10 =	vsub.s32 v10, v2;
	v19 =	vld [tilespmem:s4+$0xC010];
	v11 =	vsub.s32 v11, v2  }
0xda: {  	v20 =	vld [tilespmem:s4+$0xC020];
	v12 =	vsub.s32 v12, v2;
	v13 =	vsub.s32 v13, v2;
	v16 =	vsub.s32 v16, v2  }
0xdb: {  	v10 =	vnsel vm1, $0xFFFFFFFF, v10;
	v11 =	vnsel vm0, $0xFFFFFFFF, v11;
	v12 =	vnsel vm2, $0xFFFFFFFF, v12  }
0xdc: {  	v13 =	vnsel vm3, $0xFFFFFFFF, v13;
	[tilespmem:s3+$0x10000] =	vst v10;
	v10 =	vsub.s32 v14, v2;
	v14 =	vsub.s32 v15, v2  }
0xdd: {  	v15 =	vld [tilespmem:s4+$0xC030];
	[tilespmem:s3+$0x10010] =	vst v11;
	v10 =	vnsel vm6, $0xFFFFFFFF, v10;
	v11 =	vnsel vm4, $0xFFFFFFFF, v14;
	v14 =	vnsel vm5, $0xFFFFFFFF, v16  }
0xde: {  	vm0 =	vge.s32 v17, v2;
	vm1 =	vlt.s32 v17, v3;
	vm2 =	vge.s32 v18, v2  }
0xdf: {  	v16 =	vld [tilespmem:s4+$0xC040];
	v17 =	vsub.s32 v17, v2;
	vm3 =	vge.s32 v19, v2;
	vm4 =	vge.s32 v20, v2  }
0xe0: {  	[tilespmem:s3+$0x10020] =	vst v12;
	vm5 =	vlt.s32 v20, v3;
	vm0 =	vmand vm0, vm1;
	vm1 =	vlt.s32 v18, v3  }
0xe1: {  	v12 =	vld [tilespmem:s4+$0xC050];
	[tilespmem:s3+$0x10030] =	vst v13;
	vm4 =	vmand vm4, vm5;
	v13 =	vnsel vm0, $0xFFFFFFFF, v17;
	vm0 =	vlt.s32 v19, v3  }
0xe2: {  	v17 =	vld [tilespmem:s4+$0xC060];
	vm1 =	vmand vm2, vm1;
	[tilespmem:s3+$0x10040] =	vst v10;
	v10 =	vsub.s32 v18, v2;
	vm2 =	vge.s32 v15, v2  }
0xe3: {  	vm6 =	vlt.s32 v15, v3;
	vm0 =	vmand vm3, vm0;
	[tilespmem:s4+$0x10070] =	vst v13;
	v10 =	vnsel vm1, $0xFFFFFFFF, v10  }
0xe4: {  	v13 =	vsub.s32 v20, v2;
	vm3 =	vge.s32 v16, v2;
	vm7 =	vlt.s32 v16, v3;
	[tilespmem:s3+$0x10050] =	vst v11  }
0xe5: {  	[tilespmem:s3+$0x10060] =	vst v14;
	vm2 =	vmand vm2, vm6;
	v11 =	vsub.s32 v19, v2;
	v13 =	vnsel vm4, $0xFFFFFFFF, v13  }
0xe6: {  	vm5 =	vge.s32 v12, v2;
	vm8 =	vlt.s32 v12, v3;
	v11 =	vnsel vm0, $0xFFFFFFFF, v11;
	[tilespmem:s4+$0x10000] =	vst v10  }
0xe7: {  	v10 =	vsub.s32 v15, v2;
	vm3 =	vmand vm3, vm7;
	[tilespmem:s4+$0x10020] =	vst v13;
	v12 =	vsub.s32 v12, v2  }
0xe8: {  	[tilespmem:s4+$0x10010] =	vst v11;
	v11 =	vsub.s32 v16, v2;
	v10 =	vnsel vm2, $0xFFFFFFFF, v10;
	vm2 =	vmand vm5, vm8  }
0xe9: {  	vm1 =	vge.s32 v17, v2;
	vm0 =	vlt.s32 v17, v3;
	v11 =	vnsel vm3, $0xFFFFFFFF, v11;
	[tilespmem:s4+$0x10030] =	vst v10  }
0xea: {  	v10 =	vsub.s32 v17, v2;
	v12 =	vnsel vm2, $0xFFFFFFFF, v12;
	vm0 =	vmand vm1, vm0;
	[tilespmem:s4+$0x10040] =	vst v11  }
0xeb: {  	[tilespmem:s4+$0x10050] =	vst v12;
	v10 =	vnsel vm0, $0xFFFFFFFF, v10  }
0xec: {  	[tilespmem:s4+$0x10060] =	vst v10;
	(ifvalue) =	ssetifvalue $0xFFFFFFFF  }
0xed: {  	[spmem:s1] =	stream.indirect.scatter.add.f32 [tilespmem:s30], [sflag:$0x1], $0x1, s29, s28, $0x40b8;
	[tilespmem:$0x1A000] =	vst v63  }
0xee: {  	_ =	swait.ge [sflag:s24], $0x4000  }
0xef: {  	[sflag:s24] =	ssyncset.done $0x0  }
0xf0: {  	[sflag:s24] =	ssyncadd.s32 $0xFFFFC000  }
0xf1: {  	[bflag:$0x0] =	sbarrier.arrive $0xFFFF  }
0xf2: {  	[hbm:s9], [sflag:s31] =	dma.local [spmem:s0], $0x1000  }
0xf3: {  	_ =	swait.ge [sflag:s24], $0x1000  }
0xf4: {  	[sflag:s24] =	ssyncset.done $0x0  }
0xf5: {  	[sflag:s24] =	ssyncadd.s32 $0xFFFFF000  }
0xf6: {  	[bflag:$0x0] =	sbarrier.arrive $0xFFFF  }
0xf7: {  	[spmem:s6] =	stream.linear.scatter [tilespmem:s26], [sflag:$0x1], $0x2000, $0x38;
	[tilespmem:$0x1A000] =	vst v63  }
0xf8: {  	_ =	swait.ge [sflag:s24], $0x2000  }
0xf9: {  	[sflag:s24] =	ssyncset.done $0x0  }
0xfa: {  	[sflag:s24] =	ssyncadd.s32 $0xFFFFE000  }
0xfb: {  	[spmem:s7] =	stream.linear.scatter [tilespmem:s26], [sflag:$0x1], $0x2000, $0x38;
	[tilespmem:$0x1A000] =	vst v63  }
0xfc: {  	_ =	swait.ge [sflag:s24], $0x2000  }
0xfd: {  	[sflag:s24] =	ssyncset.done $0x0  }
0xfe: {  	[sflag:s24] =	ssyncadd.s32 $0xFFFFE000  }
0xff: {  	[spmem:s19] =	stream.linear.scatter [tilespmem:s26], [sflag:$0x1], $0x2000, $0x38;
	[tilespmem:$0x1A000] =	vst v63  }
0x100: {  	_ =	swait.ge [sflag:s24], $0x2000  }
0x101: {  	[sflag:s24] =	ssyncset.done $0x0  }
0x102: {  	[sflag:s24] =	ssyncadd.s32 $0xFFFFE000  }
0x103: {  	[spmem:s20] =	stream.linear.scatter [tilespmem:s26], [sflag:$0x1], $0x2000, $0x38;
	[tilespmem:$0x1A000] =	vst v63  }
0x104: {  	_ =	swait.ge [sflag:s24], $0x2000  }
0x105: {  	[sflag:s24] =	ssyncset.done $0x0  }
0x106: {  	[sflag:s24] =	ssyncadd.s32 $0xFFFFE000  }
0x107: {  	s3 =	simm.s32 $0x0;
	[bflag:$0x0] =	sbarrier.arrive $0xFFFF  }
0x108: {  	v16 =	vld [tilespmem:s3+$0xC070]  }
0x109: {  	v10 =	vld [tilespmem:s3+$0xC000]  }
0x10a: {  	v11 =	vld [tilespmem:s3+$0xC010]  }
0x10b: {  	v12 =	vld [tilespmem:s3+$0xC020]  }
0x10c: {  	v13 =	vld [tilespmem:s3+$0xC030]  }
0x10d: {  	v14 =	vld [tilespmem:s3+$0xC040];
	_ =	sdelay $0x1  }
0x10e: {  	vm0 =	vge.s32 v16, v4;
	vm1 =	vlt.s32 v16, v5  }
0x10f: {  	v15 =	vld [tilespmem:s3+$0xC050];
	vm2 =	vge.s32 v10, v4;
	v17 =	vsub.s32 v16, v4;
	vm3 =	vge.s32 v11, v4  }
0x110: {  	v16 =	vld [tilespmem:s3+$0xC060];
	vm4 =	vge.s32 v12, v4;
	vm5 =	vlt.s32 v12, v5;
	vm6 =	vge.s32 v13, v4  }
0x111: {  	vm7 =	vlt.s32 v13, v5;
	vm8 =	vge.s32 v14, v4;
	vm0 =	vmand vm0, vm1  }
0x112: {  	vm9 =	vlt.s32 v14, v5;
	vm1 =	vlt.s32 v10, v5;
	v17 =	vnsel vm0, $0xFFFFFFFF, v17  }
0x113: {  	vm0 =	vlt.s32 v11, v5;
	vm1 =	vmand vm2, vm1;
	vm2 =	vmand vm4, vm5  }
0x114: {  	vm4 =	vge.s32 v15, v4;
	vm5 =	vlt.s32 v15, v5;
	vm0 =	vmand vm3, vm0  }
0x115: {  	vm3 =	vmand vm6, vm7;
	vm7 =	vge.s32 v16, v4;
	vm10 =	vlt.s32 v16, v5  }
0x116: {  	s5 =	simm.s32 $0x400;
	s4 =	simm.s32 $0x80;
	[tilespmem:s3+$0x10070] =	vst v17;
	vm6 =	vmand vm8, vm9;
	vm4 =	vmand vm4, vm5;
	vm5 =	vmand vm7, vm10  }
.LBB2_10:
0x117: {  	p0 =	sne.s32 s5, $0xFE00;
	v17 =	vld [tilespmem:s4+$0xC070];
	v18 =	vsub.s32 v10, v4;
	v19 =	vsub.s32 v11, v4;
	v20 =	vsub.s32 v12, v4  }
0x118: {  	v13 =	vsub.s32 v13, v4;
	v14 =	vsub.s32 v14, v4;
	v15 =	vsub.s32 v15, v4;
	v10 =	vld [tilespmem:s4+$0xC000]  }
0x119: {  	v16 =	vsub.s32 v16, v4;
	v18 =	vnsel vm1, $0xFFFFFFFF, v18;
	v19 =	vnsel vm0, $0xFFFFFFFF, v19;
	v11 =	vld [tilespmem:s4+$0xC010]  }
0x11a: {  	v21 =	vnsel vm6, $0xFFFFFFFF, v14;
	v12 =	vld [tilespmem:s4+$0xC020];
	[tilespmem:s3+$0x10000] =	vst v18;
	v18 =	vnsel vm2, $0xFFFFFFFF, v20;
	v20 =	vnsel vm3, $0xFFFFFFFF, v13  }
0x11b: {  	v22 =	vnsel vm5, $0xFFFFFFFF, v16;
	v13 =	vld [tilespmem:s4+$0xC030];
	[tilespmem:s3+$0x10010] =	vst v19;
	v19 =	vnsel vm4, $0xFFFFFFFF, v15  }
0x11c: {  	v14 =	vld [tilespmem:s4+$0xC040];
	vm0 =	vge.s32 v17, v4;
	vm1 =	vlt.s32 v17, v5;
	[tilespmem:s3+$0x10020] =	vst v18  }
0x11d: {  	v17 =	vsub.s32 v17, v4;
	vm2 =	vge.s32 v10, v4;
	v15 =	vld [tilespmem:s4+$0xC050];
	vm0 =	vmand vm0, vm1;
	[tilespmem:s3+$0x10030] =	vst v20  }
0x11e: {  	vm1 =	vlt.s32 v10, v5;
	vm3 =	vge.s32 v11, v4;
	v16 =	vld [tilespmem:s4+$0xC060];
	v17 =	vnsel vm0, $0xFFFFFFFF, v17;
	[tilespmem:s3+$0x10040] =	vst v21  }
0x11f: {  	vm0 =	vlt.s32 v11, v5;
	vm4 =	vge.s32 v12, v4;
	vm5 =	vlt.s32 v12, v5;
	[tilespmem:s4+$0x10070] =	vst v17  }
.Ltmp4:
0x120: {  	vm1 =	vmand vm2, vm1;
	vm6 =	vge.s32 v13, v4;
	vm7 =	vlt.s32 v13, v5;
	[tilespmem:s3+$0x10050] =	vst v19;
	(pc) =	sbr.rel @p0 .LBB2_10-.Ltmp4, $4  }
0x121: {  	vm0 =	vmand vm3, vm0;
	vm8 =	vge.s32 v14, v4;
	vm9 =	vlt.s32 v14, v5;
	[tilespmem:s3+$0x10060] =	vst v22;
	s3 =	smov.u32 s4  }
0x122: {  	vm2 =	vmand vm4, vm5;
	vm4 =	vge.s32 v15, v4;
	vm5 =	vlt.s32 v15, v5  }
0x123: {  	vm3 =	vmand vm6, vm7;
	vm7 =	vge.s32 v16, v4;
	vm10 =	vlt.s32 v16, v5  }
0x124: {  	s4 =	sshra.s32 s5, $0x2;
	s5 =	sadd.s32 $0x200, s5;
	vm6 =	vmand vm8, vm9;
	vm4 =	vmand vm4, vm5;
	vm5 =	vmand vm7, vm10  }
0x125: {  	v17 =	vld [tilespmem:s4+$0xC070]  }
0x126: {  	v18 =	vld [tilespmem:s4+$0xC000]  }
0x127: {  	v10 =	vsub.s32 v10, v4;
	v19 =	vld [tilespmem:s4+$0xC010];
	v11 =	vsub.s32 v11, v4  }
0x128: {  	v20 =	vld [tilespmem:s4+$0xC020];
	v12 =	vsub.s32 v12, v4;
	v13 =	vsub.s32 v13, v4;
	v16 =	vsub.s32 v16, v4  }
0x129: {  	v10 =	vnsel vm1, $0xFFFFFFFF, v10;
	v11 =	vnsel vm0, $0xFFFFFFFF, v11;
	v12 =	vnsel vm2, $0xFFFFFFFF, v12  }
0x12a: {  	v13 =	vnsel vm3, $0xFFFFFFFF, v13;
	[tilespmem:s3+$0x10000] =	vst v10;
	v10 =	vsub.s32 v14, v4;
	v14 =	vsub.s32 v15, v4  }
0x12b: {  	v15 =	vld [tilespmem:s4+$0xC030];
	[tilespmem:s3+$0x10010] =	vst v11;
	v10 =	vnsel vm6, $0xFFFFFFFF, v10;
	v11 =	vnsel vm4, $0xFFFFFFFF, v14;
	v14 =	vnsel vm5, $0xFFFFFFFF, v16  }
0x12c: {  	vm0 =	vge.s32 v17, v4;
	vm1 =	vlt.s32 v17, v5;
	vm2 =	vge.s32 v18, v4  }
0x12d: {  	v16 =	vld [tilespmem:s4+$0xC040];
	v17 =	vsub.s32 v17, v4;
	vm3 =	vge.s32 v19, v4;
	vm4 =	vge.s32 v20, v4  }
0x12e: {  	[tilespmem:s3+$0x10020] =	vst v12;
	vm5 =	vlt.s32 v20, v5;
	vm0 =	vmand vm0, vm1;
	vm1 =	vlt.s32 v18, v5  }
0x12f: {  	v12 =	vld [tilespmem:s4+$0xC050];
	[tilespmem:s3+$0x10030] =	vst v13;
	vm4 =	vmand vm4, vm5;
	v13 =	vnsel vm0, $0xFFFFFFFF, v17;
	vm0 =	vlt.s32 v19, v5  }
0x130: {  	v17 =	vld [tilespmem:s4+$0xC060];
	vm1 =	vmand vm2, vm1;
	[tilespmem:s3+$0x10040] =	vst v10;
	v10 =	vsub.s32 v18, v4;
	vm2 =	vge.s32 v15, v4  }
0x131: {  	vm6 =	vlt.s32 v15, v5;
	vm0 =	vmand vm3, vm0;
	[tilespmem:s4+$0x10070] =	vst v13;
	v10 =	vnsel vm1, $0xFFFFFFFF, v10  }
0x132: {  	v13 =	vsub.s32 v20, v4;
	vm3 =	vge.s32 v16, v4;
	vm7 =	vlt.s32 v16, v5;
	[tilespmem:s3+$0x10050] =	vst v11  }
0x133: {  	[tilespmem:s3+$0x10060] =	vst v14;
	vm2 =	vmand vm2, vm6;
	v11 =	vsub.s32 v19, v4;
	v13 =	vnsel vm4, $0xFFFFFFFF, v13  }
0x134: {  	vm5 =	vge.s32 v12, v4;
	vm8 =	vlt.s32 v12, v5;
	v11 =	vnsel vm0, $0xFFFFFFFF, v11;
	[tilespmem:s4+$0x10000] =	vst v10  }
0x135: {  	v10 =	vsub.s32 v15, v4;
	vm3 =	vmand vm3, vm7;
	[tilespmem:s4+$0x10020] =	vst v13;
	v12 =	vsub.s32 v12, v4  }
0x136: {  	[tilespmem:s4+$0x10010] =	vst v11;
	v11 =	vsub.s32 v16, v4;
	v10 =	vnsel vm2, $0xFFFFFFFF, v10;
	vm2 =	vmand vm5, vm8  }
0x137: {  	vm1 =	vge.s32 v17, v4;
	vm0 =	vlt.s32 v17, v5;
	v11 =	vnsel vm3, $0xFFFFFFFF, v11;
	[tilespmem:s4+$0x10030] =	vst v10  }
0x138: {  	v10 =	vsub.s32 v17, v4;
	v12 =	vnsel vm2, $0xFFFFFFFF, v12;
	vm0 =	vmand vm1, vm0;
	[tilespmem:s4+$0x10040] =	vst v11  }
0x139: {  	[tilespmem:s4+$0x10050] =	vst v12;
	v10 =	vnsel vm0, $0xFFFFFFFF, v10  }
0x13a: {  	[tilespmem:s4+$0x10060] =	vst v10;
	(ifvalue) =	ssetifvalue $0xFFFFFFFF  }
0x13b: {  	[spmem:s1] =	stream.indirect.scatter.add.f32 [tilespmem:s30], [sflag:$0x1], $0x1, s29, s28, $0x40b8;
	[tilespmem:$0x1A000] =	vst v63  }
0x13c: {  	_ =	swait.ge [sflag:s24], $0x4000  }
0x13d: {  	[sflag:s24] =	ssyncset.done $0x0  }
0x13e: {  	[sflag:s24] =	ssyncadd.s32 $0xFFFFC000  }
0x13f: {  	[bflag:$0x0] =	sbarrier.arrive $0xFFFF  }
0x140: {  	[hbm:s12], [sflag:s31] =	dma.local [spmem:s0], $0x1000  }
0x141: {  	_ =	swait.ge [sflag:s24], $0x1000  }
0x142: {  	[sflag:s24] =	ssyncset.done $0x0  }
0x143: {  	[sflag:s24] =	ssyncadd.s32 $0xFFFFF000  }
0x144: {  	[bflag:$0x0] =	sbarrier.arrive $0xFFFF  }
0x145: {  	[spmem:s6] =	stream.linear.scatter [tilespmem:s26], [sflag:$0x1], $0x2000, $0x38;
	[tilespmem:$0x1A000] =	vst v63  }
0x146: {  	_ =	swait.ge [sflag:s24], $0x2000  }
0x147: {  	[sflag:s24] =	ssyncset.done $0x0  }
0x148: {  	[sflag:s24] =	ssyncadd.s32 $0xFFFFE000  }
0x149: {  	[spmem:s7] =	stream.linear.scatter [tilespmem:s26], [sflag:$0x1], $0x2000, $0x38;
	[tilespmem:$0x1A000] =	vst v63  }
0x14a: {  	_ =	swait.ge [sflag:s24], $0x2000  }
0x14b: {  	[sflag:s24] =	ssyncset.done $0x0  }
0x14c: {  	[sflag:s24] =	ssyncadd.s32 $0xFFFFE000  }
0x14d: {  	[spmem:s19] =	stream.linear.scatter [tilespmem:s26], [sflag:$0x1], $0x2000, $0x38;
	[tilespmem:$0x1A000] =	vst v63  }
0x14e: {  	_ =	swait.ge [sflag:s24], $0x2000  }
0x14f: {  	[sflag:s24] =	ssyncset.done $0x0  }
0x150: {  	[sflag:s24] =	ssyncadd.s32 $0xFFFFE000  }
0x151: {  	[spmem:s20] =	stream.linear.scatter [tilespmem:s26], [sflag:$0x1], $0x2000, $0x38;
	[tilespmem:$0x1A000] =	vst v63  }
0x152: {  	_ =	swait.ge [sflag:s24], $0x2000  }
0x153: {  	[sflag:s24] =	ssyncset.done $0x0  }
0x154: {  	[sflag:s24] =	ssyncadd.s32 $0xFFFFE000  }
0x155: {  	s3 =	simm.s32 $0x0;
	[bflag:$0x0] =	sbarrier.arrive $0xFFFF  }
0x156: {  	v16 =	vld [tilespmem:s3+$0xC070]  }
0x157: {  	v10 =	vld [tilespmem:s3+$0xC000]  }
0x158: {  	v11 =	vld [tilespmem:s3+$0xC010]  }
0x159: {  	v12 =	vld [tilespmem:s3+$0xC020]  }
0x15a: {  	v13 =	vld [tilespmem:s3+$0xC030]  }
0x15b: {  	v14 =	vld [tilespmem:s3+$0xC040];
	_ =	sdelay $0x1  }
0x15c: {  	vm0 =	vge.s32 v16, v6;
	vm1 =	vlt.s32 v16, v7  }
0x15d: {  	v15 =	vld [tilespmem:s3+$0xC050];
	vm2 =	vge.s32 v10, v6;
	v17 =	vsub.s32 v16, v6;
	vm3 =	vge.s32 v11, v6  }
0x15e: {  	v16 =	vld [tilespmem:s3+$0xC060];
	vm4 =	vge.s32 v12, v6;
	vm5 =	vlt.s32 v12, v7;
	vm6 =	vge.s32 v13, v6  }
0x15f: {  	vm7 =	vlt.s32 v13, v7;
	vm8 =	vge.s32 v14, v6;
	vm0 =	vmand vm0, vm1  }
0x160: {  	vm9 =	vlt.s32 v14, v7;
	vm1 =	vlt.s32 v10, v7;
	v17 =	vnsel vm0, $0xFFFFFFFF, v17  }
0x161: {  	vm0 =	vlt.s32 v11, v7;
	vm1 =	vmand vm2, vm1;
	vm2 =	vmand vm4, vm5  }
0x162: {  	vm4 =	vge.s32 v15, v6;
	vm5 =	vlt.s32 v15, v7;
	vm0 =	vmand vm3, vm0  }
0x163: {  	vm3 =	vmand vm6, vm7;
	vm7 =	vge.s32 v16, v6;
	vm10 =	vlt.s32 v16, v7  }
0x164: {  	s5 =	simm.s32 $0x400;
	s4 =	simm.s32 $0x80;
	[tilespmem:s3+$0x10070] =	vst v17;
	vm6 =	vmand vm8, vm9;
	vm4 =	vmand vm4, vm5;
	vm5 =	vmand vm7, vm10  }
.LBB2_12:
0x165: {  	p0 =	sne.s32 s5, $0xFE00;
	v17 =	vld [tilespmem:s4+$0xC070];
	v18 =	vsub.s32 v10, v6;
	v19 =	vsub.s32 v11, v6;
	v20 =	vsub.s32 v12, v6  }
0x166: {  	v13 =	vsub.s32 v13, v6;
	v14 =	vsub.s32 v14, v6;
	v15 =	vsub.s32 v15, v6;
	v10 =	vld [tilespmem:s4+$0xC000]  }
0x167: {  	v16 =	vsub.s32 v16, v6;
	v18 =	vnsel vm1, $0xFFFFFFFF, v18;
	v19 =	vnsel vm0, $0xFFFFFFFF, v19;
	v11 =	vld [tilespmem:s4+$0xC010]  }
0x168: {  	v21 =	vnsel vm6, $0xFFFFFFFF, v14;
	v12 =	vld [tilespmem:s4+$0xC020];
	[tilespmem:s3+$0x10000] =	vst v18;
	v18 =	vnsel vm2, $0xFFFFFFFF, v20;
	v20 =	vnsel vm3, $0xFFFFFFFF, v13  }
0x169: {  	v22 =	vnsel vm5, $0xFFFFFFFF, v16;
	v13 =	vld [tilespmem:s4+$0xC030];
	[tilespmem:s3+$0x10010] =	vst v19;
	v19 =	vnsel vm4, $0xFFFFFFFF, v15  }
0x16a: {  	v14 =	vld [tilespmem:s4+$0xC040];
	vm0 =	vge.s32 v17, v6;
	vm1 =	vlt.s32 v17, v7;
	[tilespmem:s3+$0x10020] =	vst v18  }
0x16b: {  	v17 =	vsub.s32 v17, v6;
	vm2 =	vge.s32 v10, v6;
	v15 =	vld [tilespmem:s4+$0xC050];
	vm0 =	vmand vm0, vm1;
	[tilespmem:s3+$0x10030] =	vst v20  }
0x16c: {  	vm1 =	vlt.s32 v10, v7;
	vm3 =	vge.s32 v11, v6;
	v16 =	vld [tilespmem:s4+$0xC060];
	v17 =	vnsel vm0, $0xFFFFFFFF, v17;
	[tilespmem:s3+$0x10040] =	vst v21  }
0x16d: {  	vm0 =	vlt.s32 v11, v7;
	vm4 =	vge.s32 v12, v6;
	vm5 =	vlt.s32 v12, v7;
	[tilespmem:s4+$0x10070] =	vst v17  }
.Ltmp5:
0x16e: {  	vm1 =	vmand vm2, vm1;
	vm6 =	vge.s32 v13, v6;
	vm7 =	vlt.s32 v13, v7;
	[tilespmem:s3+$0x10050] =	vst v19;
	(pc) =	sbr.rel @p0 .LBB2_12-.Ltmp5, $4  }
0x16f: {  	vm0 =	vmand vm3, vm0;
	vm8 =	vge.s32 v14, v6;
	vm9 =	vlt.s32 v14, v7;
	[tilespmem:s3+$0x10060] =	vst v22;
	s3 =	smov.u32 s4  }
0x170: {  	vm2 =	vmand vm4, vm5;
	vm4 =	vge.s32 v15, v6;
	vm5 =	vlt.s32 v15, v7  }
0x171: {  	vm3 =	vmand vm6, vm7;
	vm7 =	vge.s32 v16, v6;
	vm10 =	vlt.s32 v16, v7  }
0x172: {  	s4 =	sshra.s32 s5, $0x2;
	s5 =	sadd.s32 $0x200, s5;
	vm6 =	vmand vm8, vm9;
	vm4 =	vmand vm4, vm5;
	vm5 =	vmand vm7, vm10  }
0x173: {  	v17 =	vld [tilespmem:s4+$0xC070]  }
0x174: {  	v18 =	vld [tilespmem:s4+$0xC000];
	v10 =	vsub.s32 v10, v6;
	v11 =	vsub.s32 v11, v6  }
0x175: {  	v19 =	vld [tilespmem:s4+$0xC010];
	v12 =	vsub.s32 v12, v6;
	v13 =	vsub.s32 v13, v6;
	v16 =	vsub.s32 v16, v6  }
0x176: {  	v20 =	vld [tilespmem:s4+$0xC020];
	v10 =	vnsel vm1, $0xFFFFFFFF, v10;
	v11 =	vnsel vm0, $0xFFFFFFFF, v11;
	v12 =	vnsel vm2, $0xFFFFFFFF, v12  }
0x177: {  	v13 =	vnsel vm3, $0xFFFFFFFF, v13;
	[tilespmem:s3+$0x10000] =	vst v10;
	v10 =	vsub.s32 v14, v6;
	v14 =	vsub.s32 v15, v6  }
0x178: {  	v15 =	vld [tilespmem:s4+$0xC030];
	[tilespmem:s3+$0x10010] =	vst v11;
	v10 =	vnsel vm6, $0xFFFFFFFF, v10;
	v11 =	vnsel vm4, $0xFFFFFFFF, v14;
	v14 =	vnsel vm5, $0xFFFFFFFF, v16  }
0x179: {  	vm13 =	vge.s32 v17, v6;
	vm14 =	vlt.s32 v17, v7;
	vm15 =	vge.s32 v18, v6  }
0x17a: {  	v16 =	vld [tilespmem:s4+$0xC040];
	v17 =	vsub.s32 v17, v6;
	vm8 =	vlt.s32 v18, v7;
	vm9 =	vge.s32 v19, v6  }
0x17b: {  	[tilespmem:s3+$0x10020] =	vst v12;
	vm10 =	vlt.s32 v19, v7;
	vm11 =	vge.s32 v20, v6;
	vm12 =	vlt.s32 v20, v7  }
0x17c: {  	v12 =	vld [tilespmem:s4+$0xC050];
	[tilespmem:s3+$0x10030] =	vst v13;
	vm0 =	vmand vm13, vm14;
	vm1 =	vmand vm15, vm8;
	vm4 =	vmand vm11, vm12  }
0x17d: {  	v13 =	vnsel vm0, $0xFFFFFFFF, v17;
	v17 =	vld [tilespmem:s4+$0xC060];
	[tilespmem:s3+$0x10040] =	vst v10;
	vm0 =	vmand vm9, vm10;
	v10 =	vsub.s32 v18, v6  }
0x17e: {  	vm13 =	vge.s32 v15, v6;
	vm14 =	vlt.s32 v15, v7;
	[tilespmem:s4+$0x10070] =	vst v13;
	v10 =	vnsel vm1, $0xFFFFFFFF, v10  }
0x17f: {  	v13 =	vsub.s32 v20, v6;
	vm15 =	vge.s32 v16, v6;
	vm7 =	vlt.s32 v16, v7;
	[tilespmem:s3+$0x10050] =	vst v11  }
0x180: {  	[tilespmem:s3+$0x10060] =	vst v14;
	vm2 =	vmand vm13, vm14;
	v11 =	vsub.s32 v19, v6;
	v13 =	vnsel vm4, $0xFFFFFFFF, v13  }
0x181: {  	vm12 =	vge.s32 v12, v6;
	vm8 =	vlt.s32 v12, v7;
	v11 =	vnsel vm0, $0xFFFFFFFF, v11;
	[tilespmem:s4+$0x10000] =	vst v10  }
0x182: {  	v10 =	vsub.s32 v15, v6;
	vm3 =	vmand vm15, vm7;
	[tilespmem:s4+$0x10020] =	vst v13;
	v12 =	vsub.s32 v12, v6  }
0x183: {  	[tilespmem:s4+$0x10010] =	vst v11;
	v11 =	vsub.s32 v16, v6;
	v10 =	vnsel vm2, $0xFFFFFFFF, v10;
	vm15 =	vmand vm12, vm8  }
0x184: {  	vm13 =	vge.s32 v17, v6;
	vm14 =	vlt.s32 v17, v7;
	v11 =	vnsel vm3, $0xFFFFFFFF, v11;
	[tilespmem:s4+$0x10030] =	vst v10  }
0x185: {  	v10 =	vsub.s32 v17, v6;
	v12 =	vnsel vm15, $0xFFFFFFFF, v12;
	vm0 =	vmand vm13, vm14;
	[tilespmem:s4+$0x10040] =	vst v11  }
0x186: {  	[tilespmem:s4+$0x10050] =	vst v12;
	v10 =	vnsel vm0, $0xFFFFFFFF, v10  }
0x187: {  	[tilespmem:s4+$0x10060] =	vst v10;
	(ifvalue) =	ssetifvalue $0xFFFFFFFF  }
0x188: {  	[spmem:s1] =	stream.indirect.scatter.add.f32 [tilespmem:s30], [sflag:$0x1], $0x1, s29, s28, $0x40b8;
	[tilespmem:$0x1A000] =	vst v63  }
0x189: {  	_ =	swait.ge [sflag:s24], $0x4000  }
0x18a: {  	[sflag:s24] =	ssyncset.done $0x0  }
0x18b: {  	[sflag:s24] =	ssyncadd.s32 $0xFFFFC000  }
0x18c: {  	[bflag:$0x0] =	sbarrier.arrive $0xFFFF  }
0x18d: {  	[hbm:s13], [sflag:s31] =	dma.local [spmem:s0], $0x1000  }
0x18e: {  	_ =	swait.ge [sflag:s24], $0x1000  }
0x18f: {  	[sflag:s24] =	ssyncset.done $0x0  }
0x190: {  	[sflag:s24] =	ssyncadd.s32 $0xFFFFF000  }
0x191: {  	[bflag:$0x0] =	sbarrier.arrive $0xFFFF  }
0x192: {  	[tilespmem:s23], [sflag:$0x1] =	stream.strided.gather [hbm4b:s10+s21], $0x4000, s22, s21, $0x38;
	[tilespmem:$0x1A000] =	vst v63  }
0x193: {  	_ =	swait.ge [sflag:s24], $0x4000  }
0x194: {  	[sflag:s24] =	ssyncset.done $0x0  }
0x195: {  	[sflag:s24] =	ssyncadd.s32 $0xFFFFC000  }
0x196: {  	[tilespmem:s25], [sflag:$0x1] =	stream.strided.gather [hbm4b:s11+s21], $0x4000, s22, s21, $0x38;
	[tilespmem:$0x1A000] =	vst v63  }
0x197: {  	_ =	swait.ge [sflag:s24], $0x4000  }
0x198: {  	[sflag:s24] =	ssyncset.done $0x0  }
0x199: {  	s3 =	simm.s32 $0x0;
	[sflag:s24] =	ssyncadd.s32 $0xFFFFC000  }
0x19a: {  	v16 =	vld [tilespmem:s3+$0x8000]  }
0x19b: {  	v15 =	vld [tilespmem:s3+$0x8010]  }
0x19c: {  	v14 =	vld [tilespmem:s3+$0x8020]  }
0x19d: {  	v13 =	vld [tilespmem:s3+$0x8030]  }
0x19e: {  	v12 =	vld [tilespmem:s3+$0x8040]  }
0x19f: {  	v11 =	vld [tilespmem:s3+$0x8050]  }
0x1a0: {  	v10 =	vld [tilespmem:s3+$0x8060]  }
0x1a1: {  	v17 =	vld [tilespmem:s3+$0xC000]  }
0x1a2: {  	v22 =	vld [tilespmem:s3+$0xC010]  }
0x1a3: {  	v20 =	vld [tilespmem:s3+$0xC020]  }
0x1a4: {  	v19 =	vld [tilespmem:s3+$0xC030]  }
0x1a5: {  	v18 =	vld [tilespmem:s3+$0xC040]  }
0x1a6: {  	v21 =	vshll.u32 v17, $0xC;
	v17 =	vld [tilespmem:s3+$0xC050]  }
0x1a7: {  	s4 =	simm.s32 $0x200;
	v22 =	vshll.u32 v22, $0xC;
	v21 =	vadd.s32 v16, v21;
	v16 =	vld [tilespmem:s3+$0xC060]  }
.LBB2_14:
0x1a8: {  	p0 =	sne.s32 s4, $0xFE00;
	[tilespmem:s3+$0xC000] =	vst v21;
	v15 =	vadd.s32 v15, v22;
	v20 =	vshll.u32 v20, $0xC;
	v21 =	vld [tilespmem:s3+$0xC070]  }
0x1a9: {  	s5 =	sshra.s32 s4, $0x2;
	[tilespmem:s3+$0xC010] =	vst v15;
	v14 =	vadd.s32 v14, v20;
	v15 =	vshll.u32 v19, $0xC;
	v19 =	vld [tilespmem:s3+$0x8070]  }
0x1aa: {  	v22 =	vld [tilespmem:s5+$0x8000];
	[tilespmem:s3+$0xC020] =	vst v14;
	v13 =	vadd.s32 v13, v15;
	v14 =	vshll.u32 v18, $0xC  }
0x1ab: {  	v15 =	vld [tilespmem:s5+$0x8010];
	[tilespmem:s3+$0xC030] =	vst v13;
	v12 =	vadd.s32 v12, v14;
	v13 =	vshll.u32 v17, $0xC  }
0x1ac: {  	v14 =	vld [tilespmem:s5+$0x8020];
	[tilespmem:s3+$0xC040] =	vst v12;
	v11 =	vadd.s32 v11, v13;
	v12 =	vshll.u32 v16, $0xC  }
0x1ad: {  	v13 =	vld [tilespmem:s5+$0x8030];
	[tilespmem:s3+$0xC050] =	vst v11;
	v10 =	vadd.s32 v10, v12;
	v11 =	vshll.u32 v21, $0xC  }
0x1ae: {  	v12 =	vld [tilespmem:s5+$0x8040];
	[tilespmem:s3+$0xC060] =	vst v10;
	v10 =	vadd.s32 v19, v11  }
0x1af: {  	v11 =	vld [tilespmem:s5+$0x8050];
	[tilespmem:s3+$0xC070] =	vst v10;
	s3 =	smov.u32 s5  }
0x1b0: {  	v10 =	vld [tilespmem:s3+$0x8060]  }
0x1b1: {  	v16 =	vld [tilespmem:s3+$0xC000]  }
0x1b2: {  	v23 =	vld [tilespmem:s3+$0xC010]  }
.Ltmp6:
0x1b3: {  	v20 =	vld [tilespmem:s3+$0xC020];
	(pc) =	sbr.rel @p0 .LBB2_14-.Ltmp6, $4  }
0x1b4: {  	v19 =	vld [tilespmem:s3+$0xC030]  }
0x1b5: {  	v18 =	vld [tilespmem:s3+$0xC040]  }
0x1b6: {  	v16 =	vshll.u32 v16, $0xC;
	v17 =	vld [tilespmem:s3+$0xC050]  }
0x1b7: {  	s4 =	sadd.s32 $0x200, s4;
	v21 =	vadd.s32 v22, v16;
	v22 =	vshll.u32 v23, $0xC;
	v16 =	vld [tilespmem:s3+$0xC060]  }
0x1b8: {  	[tilespmem:s3+$0xC000] =	vst v21;
	v15 =	vadd.s32 v15, v22;
	v63 =	vld [tilespmem:s3+$0xC070];
	v20 =	vshll.u32 v20, $0xC  }
0x1b9: {  	[tilespmem:s3+$0xC010] =	vst v15;
	v14 =	vadd.s32 v14, v20;
	v15 =	vshll.u32 v19, $0xC;
	v19 =	vld [tilespmem:s3+$0x8070]  }
0x1ba: {  	[tilespmem:s3+$0xC020] =	vst v14;
	v13 =	vadd.s32 v13, v15;
	v14 =	vshll.u32 v18, $0xC  }
0x1bb: {  	[tilespmem:s3+$0xC030] =	vst v13;
	v12 =	vadd.s32 v12, v14;
	v13 =	vshll.u32 v17, $0xC  }
0x1bc: {  	[tilespmem:s3+$0xC040] =	vst v12;
	v11 =	vadd.s32 v11, v13;
	v12 =	vshll.u32 v16, $0xC  }
0x1bd: {  	[tilespmem:s3+$0xC050] =	vst v11;
	v10 =	vadd.s32 v10, v12;
	v11 =	vshll.u32 v63, $0xC  }
0x1be: {  	[tilespmem:s3+$0xC060] =	vst v10;
	v10 =	vadd.s32 v19, v11  }
0x1bf: {  	[tilespmem:s3+$0xC070] =	vst v10  }
0x1c0: {  	[spmem:s6] =	stream.linear.scatter [tilespmem:s26], [sflag:$0x1], $0x2000, $0x38;
	[tilespmem:$0x1A000] =	vst v63  }
0x1c1: {  	_ =	swait.ge [sflag:s24], $0x2000  }
0x1c2: {  	[sflag:s24] =	ssyncset.done $0x0  }
0x1c3: {  	[sflag:s24] =	ssyncadd.s32 $0xFFFFE000  }
0x1c4: {  	[spmem:s7] =	stream.linear.scatter [tilespmem:s26], [sflag:$0x1], $0x2000, $0x38;
	[tilespmem:$0x1A000] =	vst v63  }
0x1c5: {  	_ =	swait.ge [sflag:s24], $0x2000  }
0x1c6: {  	[sflag:s24] =	ssyncset.done $0x0  }
0x1c7: {  	[sflag:s24] =	ssyncadd.s32 $0xFFFFE000  }
0x1c8: {  	[spmem:s19] =	stream.linear.scatter [tilespmem:s26], [sflag:$0x1], $0x2000, $0x38;
	[tilespmem:$0x1A000] =	vst v63  }
0x1c9: {  	_ =	swait.ge [sflag:s24], $0x2000  }
0x1ca: {  	[sflag:s24] =	ssyncset.done $0x0  }
0x1cb: {  	[sflag:s24] =	ssyncadd.s32 $0xFFFFE000  }
0x1cc: {  	[spmem:s20] =	stream.linear.scatter [tilespmem:s26], [sflag:$0x1], $0x2000, $0x38;
	[tilespmem:$0x1A000] =	vst v63  }
0x1cd: {  	_ =	swait.ge [sflag:s24], $0x2000  }
0x1ce: {  	[sflag:s24] =	ssyncset.done $0x0  }
0x1cf: {  	[sflag:s24] =	ssyncadd.s32 $0xFFFFE000  }
0x1d0: {  	s3 =	simm.s32 $0x0;
	[bflag:$0x0] =	sbarrier.arrive $0xFFFF  }
0x1d1: {  	v16 =	vld [tilespmem:s3+$0xC070]  }
0x1d2: {  	v10 =	vld [tilespmem:s3+$0xC000]  }
0x1d3: {  	v11 =	vld [tilespmem:s3+$0xC010]  }
0x1d4: {  	v12 =	vld [tilespmem:s3+$0xC020]  }
0x1d5: {  	v13 =	vld [tilespmem:s3+$0xC030]  }
0x1d6: {  	v14 =	vld [tilespmem:s3+$0xC040];
	_ =	sdelay $0x1  }
0x1d7: {  	vm0 =	vge.s32 v16, v0;
	vm1 =	vlt.s32 v16, v1  }
0x1d8: {  	v15 =	vld [tilespmem:s3+$0xC050];
	vm2 =	vge.s32 v10, v0;
	v17 =	vsub.s32 v16, v0;
	vm3 =	vge.s32 v11, v0  }
0x1d9: {  	v16 =	vld [tilespmem:s3+$0xC060];
	vm4 =	vge.s32 v12, v0;
	vm5 =	vlt.s32 v12, v1;
	vm6 =	vge.s32 v13, v0  }
0x1da: {  	vm7 =	vlt.s32 v13, v1;
	vm8 =	vge.s32 v14, v0;
	vm0 =	vmand vm0, vm1  }
0x1db: {  	vm9 =	vlt.s32 v14, v1;
	vm1 =	vlt.s32 v10, v1;
	v17 =	vnsel vm0, $0xFFFFFFFF, v17  }
0x1dc: {  	vm0 =	vlt.s32 v11, v1;
	vm1 =	vmand vm2, vm1;
	vm2 =	vmand vm4, vm5  }
0x1dd: {  	vm4 =	vge.s32 v15, v0;
	vm5 =	vlt.s32 v15, v1;
	vm0 =	vmand vm3, vm0  }
0x1de: {  	vm3 =	vmand vm6, vm7;
	vm7 =	vge.s32 v16, v0;
	vm10 =	vlt.s32 v16, v1  }
0x1df: {  	s4 =	simm.s32 $0x80;
	s5 =	simm.s32 $0x400;
	[tilespmem:s3+$0x10070] =	vst v17;
	vm6 =	vmand vm8, vm9;
	vm4 =	vmand vm4, vm5;
	vm5 =	vmand vm7, vm10  }
.LBB2_16:
0x1e0: {  	p0 =	sne.s32 s5, $0xFE00;
	v17 =	vld [tilespmem:s4+$0xC070];
	v18 =	vsub.s32 v10, v0;
	v19 =	vsub.s32 v11, v0;
	v20 =	vsub.s32 v12, v0  }
0x1e1: {  	v13 =	vsub.s32 v13, v0;
	v14 =	vsub.s32 v14, v0;
	v15 =	vsub.s32 v15, v0;
	v10 =	vld [tilespmem:s4+$0xC000]  }
0x1e2: {  	v16 =	vsub.s32 v16, v0;
	v18 =	vnsel vm1, $0xFFFFFFFF, v18;
	v19 =	vnsel vm0, $0xFFFFFFFF, v19;
	v11 =	vld [tilespmem:s4+$0xC010]  }
0x1e3: {  	v21 =	vnsel vm6, $0xFFFFFFFF, v14;
	v12 =	vld [tilespmem:s4+$0xC020];
	[tilespmem:s3+$0x10000] =	vst v18;
	v18 =	vnsel vm2, $0xFFFFFFFF, v20;
	v20 =	vnsel vm3, $0xFFFFFFFF, v13  }
0x1e4: {  	v22 =	vnsel vm5, $0xFFFFFFFF, v16;
	v13 =	vld [tilespmem:s4+$0xC030];
	[tilespmem:s3+$0x10010] =	vst v19;
	v19 =	vnsel vm4, $0xFFFFFFFF, v15  }
0x1e5: {  	v14 =	vld [tilespmem:s4+$0xC040];
	vm0 =	vge.s32 v17, v0;
	vm1 =	vlt.s32 v17, v1;
	[tilespmem:s3+$0x10020] =	vst v18  }
0x1e6: {  	v17 =	vsub.s32 v17, v0;
	vm2 =	vge.s32 v10, v0;
	v15 =	vld [tilespmem:s4+$0xC050];
	vm0 =	vmand vm0, vm1;
	[tilespmem:s3+$0x10030] =	vst v20  }
0x1e7: {  	vm1 =	vlt.s32 v10, v1;
	vm3 =	vge.s32 v11, v0;
	v16 =	vld [tilespmem:s4+$0xC060];
	v17 =	vnsel vm0, $0xFFFFFFFF, v17;
	[tilespmem:s3+$0x10040] =	vst v21  }
0x1e8: {  	vm0 =	vlt.s32 v11, v1;
	vm4 =	vge.s32 v12, v0;
	vm5 =	vlt.s32 v12, v1;
	[tilespmem:s4+$0x10070] =	vst v17  }
.Ltmp7:
0x1e9: {  	vm1 =	vmand vm2, vm1;
	vm6 =	vge.s32 v13, v0;
	vm7 =	vlt.s32 v13, v1;
	[tilespmem:s3+$0x10050] =	vst v19;
	(pc) =	sbr.rel @p0 .LBB2_16-.Ltmp7, $4  }
0x1ea: {  	vm0 =	vmand vm3, vm0;
	vm8 =	vge.s32 v14, v0;
	vm9 =	vlt.s32 v14, v1;
	[tilespmem:s3+$0x10060] =	vst v22;
	s3 =	smov.u32 s4  }
0x1eb: {  	vm2 =	vmand vm4, vm5;
	vm4 =	vge.s32 v15, v0;
	vm5 =	vlt.s32 v15, v1  }
0x1ec: {  	vm3 =	vmand vm6, vm7;
	vm7 =	vge.s32 v16, v0;
	vm10 =	vlt.s32 v16, v1  }
0x1ed: {  	s4 =	sshra.s32 s5, $0x2;
	s5 =	sadd.s32 $0x200, s5;
	vm6 =	vmand vm8, vm9;
	vm4 =	vmand vm4, vm5;
	vm5 =	vmand vm7, vm10  }
0x1ee: {  	v17 =	vld [tilespmem:s4+$0xC070]  }
0x1ef: {  	v18 =	vld [tilespmem:s4+$0xC000]  }
0x1f0: {  	v10 =	vsub.s32 v10, v0;
	v19 =	vld [tilespmem:s4+$0xC010];
	v11 =	vsub.s32 v11, v0  }
0x1f1: {  	v20 =	vld [tilespmem:s4+$0xC020];
	v12 =	vsub.s32 v12, v0;
	v13 =	vsub.s32 v13, v0;
	v16 =	vsub.s32 v16, v0  }
0x1f2: {  	v10 =	vnsel vm1, $0xFFFFFFFF, v10;
	v11 =	vnsel vm0, $0xFFFFFFFF, v11;
	v12 =	vnsel vm2, $0xFFFFFFFF, v12  }
0x1f3: {  	v13 =	vnsel vm3, $0xFFFFFFFF, v13;
	[tilespmem:s3+$0x10000] =	vst v10;
	v10 =	vsub.s32 v14, v0;
	v14 =	vsub.s32 v15, v0  }
0x1f4: {  	v15 =	vld [tilespmem:s4+$0xC030];
	[tilespmem:s3+$0x10010] =	vst v11;
	v10 =	vnsel vm6, $0xFFFFFFFF, v10;
	v11 =	vnsel vm4, $0xFFFFFFFF, v14;
	v14 =	vnsel vm5, $0xFFFFFFFF, v16  }
0x1f5: {  	vm0 =	vge.s32 v17, v0;
	vm1 =	vlt.s32 v17, v1;
	vm2 =	vge.s32 v18, v0  }
0x1f6: {  	v16 =	vld [tilespmem:s4+$0xC040];
	v17 =	vsub.s32 v17, v0;
	vm3 =	vge.s32 v19, v0;
	vm4 =	vge.s32 v20, v0  }
0x1f7: {  	[tilespmem:s3+$0x10020] =	vst v12;
	vm5 =	vlt.s32 v20, v1;
	vm0 =	vmand vm0, vm1;
	vm1 =	vlt.s32 v18, v1  }
0x1f8: {  	v12 =	vld [tilespmem:s4+$0xC050];
	[tilespmem:s3+$0x10030] =	vst v13;
	vm4 =	vmand vm4, vm5;
	v13 =	vnsel vm0, $0xFFFFFFFF, v17;
	vm0 =	vlt.s32 v19, v1  }
0x1f9: {  	v17 =	vld [tilespmem:s4+$0xC060];
	vm1 =	vmand vm2, vm1;
	[tilespmem:s3+$0x10040] =	vst v10;
	v10 =	vsub.s32 v18, v0;
	vm2 =	vge.s32 v15, v0  }
0x1fa: {  	vm6 =	vlt.s32 v15, v1;
	vm0 =	vmand vm3, vm0;
	[tilespmem:s4+$0x10070] =	vst v13;
	v10 =	vnsel vm1, $0xFFFFFFFF, v10  }
0x1fb: {  	v13 =	vsub.s32 v20, v0;
	vm3 =	vge.s32 v16, v0;
	vm7 =	vlt.s32 v16, v1;
	[tilespmem:s3+$0x10050] =	vst v11  }
0x1fc: {  	[tilespmem:s3+$0x10060] =	vst v14;
	vm2 =	vmand vm2, vm6;
	v11 =	vsub.s32 v19, v0;
	v13 =	vnsel vm4, $0xFFFFFFFF, v13  }
0x1fd: {  	vm5 =	vge.s32 v12, v0;
	vm8 =	vlt.s32 v12, v1;
	v11 =	vnsel vm0, $0xFFFFFFFF, v11;
	[tilespmem:s4+$0x10000] =	vst v10  }
0x1fe: {  	v10 =	vsub.s32 v15, v0;
	vm3 =	vmand vm3, vm7;
	[tilespmem:s4+$0x10020] =	vst v13;
	v12 =	vsub.s32 v12, v0  }
0x1ff: {  	[tilespmem:s4+$0x10010] =	vst v11;
	v11 =	vsub.s32 v16, v0;
	v10 =	vnsel vm2, $0xFFFFFFFF, v10;
	vm2 =	vmand vm5, vm8  }
0x200: {  	vm1 =	vge.s32 v17, v0;
	vm0 =	vlt.s32 v17, v1;
	v11 =	vnsel vm3, $0xFFFFFFFF, v11;
	[tilespmem:s4+$0x10030] =	vst v10  }
0x201: {  	v10 =	vsub.s32 v17, v0;
	v12 =	vnsel vm2, $0xFFFFFFFF, v12;
	vm0 =	vmand vm1, vm0;
	[tilespmem:s4+$0x10040] =	vst v11  }
0x202: {  	[tilespmem:s4+$0x10050] =	vst v12;
	v10 =	vnsel vm0, $0xFFFFFFFF, v10  }
0x203: {  	[tilespmem:s4+$0x10060] =	vst v10;
	(ifvalue) =	ssetifvalue $0xFFFFFFFF  }
0x204: {  	[spmem:s1] =	stream.indirect.scatter.add.f32 [tilespmem:s30], [sflag:$0x1], $0x1, s29, s28, $0x40b8;
	[tilespmem:$0x1A000] =	vst v63  }
0x205: {  	_ =	swait.ge [sflag:s24], $0x4000  }
0x206: {  	[sflag:s24] =	ssyncset.done $0x0  }
0x207: {  	[sflag:s24] =	ssyncadd.s32 $0xFFFFC000  }
0x208: {  	[bflag:$0x0] =	sbarrier.arrive $0xFFFF  }
0x209: {  	[hbm:s14], [sflag:s31] =	dma.local [spmem:s0], $0x1000  }
0x20a: {  	_ =	swait.ge [sflag:s24], $0x1000  }
0x20b: {  	[sflag:s24] =	ssyncset.done $0x0  }
0x20c: {  	[sflag:s24] =	ssyncadd.s32 $0xFFFFF000  }
0x20d: {  	[bflag:$0x0] =	sbarrier.arrive $0xFFFF  }
0x20e: {  	[spmem:s6] =	stream.linear.scatter [tilespmem:s26], [sflag:$0x1], $0x2000, $0x38;
	[tilespmem:$0x1A000] =	vst v63  }
0x20f: {  	_ =	swait.ge [sflag:s24], $0x2000  }
0x210: {  	[sflag:s24] =	ssyncset.done $0x0  }
0x211: {  	[sflag:s24] =	ssyncadd.s32 $0xFFFFE000  }
0x212: {  	[spmem:s7] =	stream.linear.scatter [tilespmem:s26], [sflag:$0x1], $0x2000, $0x38;
	[tilespmem:$0x1A000] =	vst v63  }
0x213: {  	_ =	swait.ge [sflag:s24], $0x2000  }
0x214: {  	[sflag:s24] =	ssyncset.done $0x0  }
0x215: {  	[sflag:s24] =	ssyncadd.s32 $0xFFFFE000  }
0x216: {  	[spmem:s19] =	stream.linear.scatter [tilespmem:s26], [sflag:$0x1], $0x2000, $0x38;
	[tilespmem:$0x1A000] =	vst v63  }
0x217: {  	_ =	swait.ge [sflag:s24], $0x2000  }
0x218: {  	[sflag:s24] =	ssyncset.done $0x0  }
0x219: {  	[sflag:s24] =	ssyncadd.s32 $0xFFFFE000  }
0x21a: {  	[spmem:s20] =	stream.linear.scatter [tilespmem:s26], [sflag:$0x1], $0x2000, $0x38;
	[tilespmem:$0x1A000] =	vst v63  }
0x21b: {  	_ =	swait.ge [sflag:s24], $0x2000  }
0x21c: {  	[sflag:s24] =	ssyncset.done $0x0  }
0x21d: {  	[sflag:s24] =	ssyncadd.s32 $0xFFFFE000  }
0x21e: {  	s3 =	simm.s32 $0x0;
	[bflag:$0x0] =	sbarrier.arrive $0xFFFF  }
0x21f: {  	v16 =	vld [tilespmem:s3+$0xC070]  }
0x220: {  	v10 =	vld [tilespmem:s3+$0xC000]  }
0x221: {  	v11 =	vld [tilespmem:s3+$0xC010]  }
0x222: {  	v12 =	vld [tilespmem:s3+$0xC020]  }
0x223: {  	v13 =	vld [tilespmem:s3+$0xC030]  }
0x224: {  	v14 =	vld [tilespmem:s3+$0xC040];
	_ =	sdelay $0x1  }
0x225: {  	vm0 =	vge.s32 v16, v2;
	vm1 =	vlt.s32 v16, v3  }
0x226: {  	v15 =	vld [tilespmem:s3+$0xC050];
	vm2 =	vge.s32 v10, v2;
	v17 =	vsub.s32 v16, v2;
	vm3 =	vge.s32 v11, v2  }
0x227: {  	v16 =	vld [tilespmem:s3+$0xC060];
	vm4 =	vge.s32 v12, v2;
	vm5 =	vlt.s32 v12, v3;
	vm6 =	vge.s32 v13, v2  }
0x228: {  	vm7 =	vlt.s32 v13, v3;
	vm8 =	vge.s32 v14, v2;
	vm0 =	vmand vm0, vm1  }
0x229: {  	vm9 =	vlt.s32 v14, v3;
	vm1 =	vlt.s32 v10, v3;
	v17 =	vnsel vm0, $0xFFFFFFFF, v17  }
0x22a: {  	vm0 =	vlt.s32 v11, v3;
	vm1 =	vmand vm2, vm1;
	vm2 =	vmand vm4, vm5  }
0x22b: {  	vm4 =	vge.s32 v15, v2;
	vm5 =	vlt.s32 v15, v3;
	vm0 =	vmand vm3, vm0  }
0x22c: {  	vm3 =	vmand vm6, vm7;
	vm7 =	vge.s32 v16, v2;
	vm10 =	vlt.s32 v16, v3  }
0x22d: {  	s5 =	simm.s32 $0x400;
	s4 =	simm.s32 $0x80;
	[tilespmem:s3+$0x10070] =	vst v17;
	vm6 =	vmand vm8, vm9;
	vm4 =	vmand vm4, vm5;
	vm5 =	vmand vm7, vm10  }
.LBB2_18:
0x22e: {  	p0 =	sne.s32 s5, $0xFE00;
	v17 =	vld [tilespmem:s4+$0xC070];
	v18 =	vsub.s32 v10, v2;
	v19 =	vsub.s32 v11, v2;
	v20 =	vsub.s32 v12, v2  }
0x22f: {  	v13 =	vsub.s32 v13, v2;
	v14 =	vsub.s32 v14, v2;
	v15 =	vsub.s32 v15, v2;
	v10 =	vld [tilespmem:s4+$0xC000]  }
0x230: {  	v16 =	vsub.s32 v16, v2;
	v18 =	vnsel vm1, $0xFFFFFFFF, v18;
	v19 =	vnsel vm0, $0xFFFFFFFF, v19;
	v11 =	vld [tilespmem:s4+$0xC010]  }
0x231: {  	v21 =	vnsel vm6, $0xFFFFFFFF, v14;
	v12 =	vld [tilespmem:s4+$0xC020];
	[tilespmem:s3+$0x10000] =	vst v18;
	v18 =	vnsel vm2, $0xFFFFFFFF, v20;
	v20 =	vnsel vm3, $0xFFFFFFFF, v13  }
0x232: {  	v22 =	vnsel vm5, $0xFFFFFFFF, v16;
	v13 =	vld [tilespmem:s4+$0xC030];
	[tilespmem:s3+$0x10010] =	vst v19;
	v19 =	vnsel vm4, $0xFFFFFFFF, v15  }
0x233: {  	v14 =	vld [tilespmem:s4+$0xC040];
	vm0 =	vge.s32 v17, v2;
	vm1 =	vlt.s32 v17, v3;
	[tilespmem:s3+$0x10020] =	vst v18  }
0x234: {  	v17 =	vsub.s32 v17, v2;
	vm2 =	vge.s32 v10, v2;
	v15 =	vld [tilespmem:s4+$0xC050];
	vm0 =	vmand vm0, vm1;
	[tilespmem:s3+$0x10030] =	vst v20  }
0x235: {  	vm1 =	vlt.s32 v10, v3;
	vm3 =	vge.s32 v11, v2;
	v16 =	vld [tilespmem:s4+$0xC060];
	v17 =	vnsel vm0, $0xFFFFFFFF, v17;
	[tilespmem:s3+$0x10040] =	vst v21  }
0x236: {  	vm0 =	vlt.s32 v11, v3;
	vm4 =	vge.s32 v12, v2;
	vm5 =	vlt.s32 v12, v3;
	[tilespmem:s4+$0x10070] =	vst v17  }
.Ltmp8:
0x237: {  	vm1 =	vmand vm2, vm1;
	vm6 =	vge.s32 v13, v2;
	vm7 =	vlt.s32 v13, v3;
	[tilespmem:s3+$0x10050] =	vst v19;
	(pc) =	sbr.rel @p0 .LBB2_18-.Ltmp8, $4  }
0x238: {  	vm0 =	vmand vm3, vm0;
	vm8 =	vge.s32 v14, v2;
	vm9 =	vlt.s32 v14, v3;
	[tilespmem:s3+$0x10060] =	vst v22;
	s3 =	smov.u32 s4  }
0x239: {  	vm2 =	vmand vm4, vm5;
	vm4 =	vge.s32 v15, v2;
	vm5 =	vlt.s32 v15, v3  }
0x23a: {  	vm3 =	vmand vm6, vm7;
	vm7 =	vge.s32 v16, v2;
	vm10 =	vlt.s32 v16, v3  }
0x23b: {  	s4 =	sshra.s32 s5, $0x2;
	s5 =	sadd.s32 $0x200, s5;
	vm6 =	vmand vm8, vm9;
	vm4 =	vmand vm4, vm5;
	vm5 =	vmand vm7, vm10  }
0x23c: {  	v17 =	vld [tilespmem:s4+$0xC070]  }
0x23d: {  	v18 =	vld [tilespmem:s4+$0xC000]  }
0x23e: {  	v10 =	vsub.s32 v10, v2;
	v19 =	vld [tilespmem:s4+$0xC010];
	v11 =	vsub.s32 v11, v2  }
0x23f: {  	v20 =	vld [tilespmem:s4+$0xC020];
	v12 =	vsub.s32 v12, v2;
	v13 =	vsub.s32 v13, v2;
	v16 =	vsub.s32 v16, v2  }
0x240: {  	v10 =	vnsel vm1, $0xFFFFFFFF, v10;
	v11 =	vnsel vm0, $0xFFFFFFFF, v11;
	v12 =	vnsel vm2, $0xFFFFFFFF, v12  }
0x241: {  	v13 =	vnsel vm3, $0xFFFFFFFF, v13;
	[tilespmem:s3+$0x10000] =	vst v10;
	v10 =	vsub.s32 v14, v2;
	v14 =	vsub.s32 v15, v2  }
0x242: {  	v15 =	vld [tilespmem:s4+$0xC030];
	[tilespmem:s3+$0x10010] =	vst v11;
	v10 =	vnsel vm6, $0xFFFFFFFF, v10;
	v11 =	vnsel vm4, $0xFFFFFFFF, v14;
	v14 =	vnsel vm5, $0xFFFFFFFF, v16  }
0x243: {  	vm0 =	vge.s32 v17, v2;
	vm1 =	vlt.s32 v17, v3;
	vm2 =	vge.s32 v18, v2  }
0x244: {  	v16 =	vld [tilespmem:s4+$0xC040];
	v17 =	vsub.s32 v17, v2;
	vm3 =	vge.s32 v19, v2;
	vm4 =	vge.s32 v20, v2  }
0x245: {  	[tilespmem:s3+$0x10020] =	vst v12;
	vm5 =	vlt.s32 v20, v3;
	vm0 =	vmand vm0, vm1;
	vm1 =	vlt.s32 v18, v3  }
0x246: {  	v12 =	vld [tilespmem:s4+$0xC050];
	[tilespmem:s3+$0x10030] =	vst v13;
	vm4 =	vmand vm4, vm5;
	v13 =	vnsel vm0, $0xFFFFFFFF, v17;
	vm0 =	vlt.s32 v19, v3  }
0x247: {  	v17 =	vld [tilespmem:s4+$0xC060];
	vm1 =	vmand vm2, vm1;
	[tilespmem:s3+$0x10040] =	vst v10;
	v10 =	vsub.s32 v18, v2;
	vm2 =	vge.s32 v15, v2  }
0x248: {  	vm6 =	vlt.s32 v15, v3;
	vm0 =	vmand vm3, vm0;
	[tilespmem:s4+$0x10070] =	vst v13;
	v10 =	vnsel vm1, $0xFFFFFFFF, v10  }
0x249: {  	v13 =	vsub.s32 v20, v2;
	vm3 =	vge.s32 v16, v2;
	vm7 =	vlt.s32 v16, v3;
	[tilespmem:s3+$0x10050] =	vst v11  }
0x24a: {  	[tilespmem:s3+$0x10060] =	vst v14;
	vm2 =	vmand vm2, vm6;
	v11 =	vsub.s32 v19, v2;
	v13 =	vnsel vm4, $0xFFFFFFFF, v13  }
0x24b: {  	vm5 =	vge.s32 v12, v2;
	vm8 =	vlt.s32 v12, v3;
	v11 =	vnsel vm0, $0xFFFFFFFF, v11;
	[tilespmem:s4+$0x10000] =	vst v10  }
0x24c: {  	v10 =	vsub.s32 v15, v2;
	vm3 =	vmand vm3, vm7;
	[tilespmem:s4+$0x10020] =	vst v13;
	v12 =	vsub.s32 v12, v2  }
0x24d: {  	[tilespmem:s4+$0x10010] =	vst v11;
	v11 =	vsub.s32 v16, v2;
	v10 =	vnsel vm2, $0xFFFFFFFF, v10;
	vm2 =	vmand vm5, vm8  }
0x24e: {  	vm1 =	vge.s32 v17, v2;
	vm0 =	vlt.s32 v17, v3;
	v11 =	vnsel vm3, $0xFFFFFFFF, v11;
	[tilespmem:s4+$0x10030] =	vst v10  }
0x24f: {  	v10 =	vsub.s32 v17, v2;
	v12 =	vnsel vm2, $0xFFFFFFFF, v12;
	vm0 =	vmand vm1, vm0;
	[tilespmem:s4+$0x10040] =	vst v11  }
0x250: {  	[tilespmem:s4+$0x10050] =	vst v12;
	v10 =	vnsel vm0, $0xFFFFFFFF, v10  }
0x251: {  	[tilespmem:s4+$0x10060] =	vst v10;
	(ifvalue) =	ssetifvalue $0xFFFFFFFF  }
0x252: {  	[spmem:s1] =	stream.indirect.scatter.add.f32 [tilespmem:s30], [sflag:$0x1], $0x1, s29, s28, $0x40b8;
	[tilespmem:$0x1A000] =	vst v63  }
0x253: {  	_ =	swait.ge [sflag:s24], $0x4000  }
0x254: {  	[sflag:s24] =	ssyncset.done $0x0  }
0x255: {  	[sflag:s24] =	ssyncadd.s32 $0xFFFFC000  }
0x256: {  	[bflag:$0x0] =	sbarrier.arrive $0xFFFF  }
0x257: {  	[hbm:s15], [sflag:s31] =	dma.local [spmem:s0], $0x1000  }
0x258: {  	_ =	swait.ge [sflag:s24], $0x1000  }
0x259: {  	[sflag:s24] =	ssyncset.done $0x0  }
0x25a: {  	[sflag:s24] =	ssyncadd.s32 $0xFFFFF000  }
0x25b: {  	[bflag:$0x0] =	sbarrier.arrive $0xFFFF  }
0x25c: {  	[spmem:s6] =	stream.linear.scatter [tilespmem:s26], [sflag:$0x1], $0x2000, $0x38;
	[tilespmem:$0x1A000] =	vst v63  }
0x25d: {  	_ =	swait.ge [sflag:s24], $0x2000  }
0x25e: {  	[sflag:s24] =	ssyncset.done $0x0  }
0x25f: {  	[sflag:s24] =	ssyncadd.s32 $0xFFFFE000  }
0x260: {  	[spmem:s7] =	stream.linear.scatter [tilespmem:s26], [sflag:$0x1], $0x2000, $0x38;
	[tilespmem:$0x1A000] =	vst v63  }
0x261: {  	_ =	swait.ge [sflag:s24], $0x2000  }
0x262: {  	[sflag:s24] =	ssyncset.done $0x0  }
0x263: {  	[sflag:s24] =	ssyncadd.s32 $0xFFFFE000  }
0x264: {  	[spmem:s19] =	stream.linear.scatter [tilespmem:s26], [sflag:$0x1], $0x2000, $0x38;
	[tilespmem:$0x1A000] =	vst v63  }
0x265: {  	_ =	swait.ge [sflag:s24], $0x2000  }
0x266: {  	[sflag:s24] =	ssyncset.done $0x0  }
0x267: {  	[sflag:s24] =	ssyncadd.s32 $0xFFFFE000  }
0x268: {  	[spmem:s20] =	stream.linear.scatter [tilespmem:s26], [sflag:$0x1], $0x2000, $0x38;
	[tilespmem:$0x1A000] =	vst v63  }
0x269: {  	_ =	swait.ge [sflag:s24], $0x2000  }
0x26a: {  	[sflag:s24] =	ssyncset.done $0x0  }
0x26b: {  	[sflag:s24] =	ssyncadd.s32 $0xFFFFE000  }
0x26c: {  	s3 =	simm.s32 $0x0;
	[bflag:$0x0] =	sbarrier.arrive $0xFFFF  }
0x26d: {  	v16 =	vld [tilespmem:s3+$0xC070]  }
0x26e: {  	v10 =	vld [tilespmem:s3+$0xC000]  }
0x26f: {  	v11 =	vld [tilespmem:s3+$0xC010]  }
0x270: {  	v12 =	vld [tilespmem:s3+$0xC020]  }
0x271: {  	v13 =	vld [tilespmem:s3+$0xC030]  }
0x272: {  	v14 =	vld [tilespmem:s3+$0xC040];
	_ =	sdelay $0x1  }
0x273: {  	vm0 =	vge.s32 v16, v4;
	vm1 =	vlt.s32 v16, v5  }
0x274: {  	v15 =	vld [tilespmem:s3+$0xC050];
	vm2 =	vge.s32 v10, v4;
	v17 =	vsub.s32 v16, v4;
	vm3 =	vge.s32 v11, v4  }
0x275: {  	v16 =	vld [tilespmem:s3+$0xC060];
	vm4 =	vge.s32 v12, v4;
	vm5 =	vlt.s32 v12, v5;
	vm6 =	vge.s32 v13, v4  }
0x276: {  	vm7 =	vlt.s32 v13, v5;
	vm8 =	vge.s32 v14, v4;
	vm0 =	vmand vm0, vm1  }
0x277: {  	vm9 =	vlt.s32 v14, v5;
	vm1 =	vlt.s32 v10, v5;
	v17 =	vnsel vm0, $0xFFFFFFFF, v17  }
0x278: {  	vm0 =	vlt.s32 v11, v5;
	vm1 =	vmand vm2, vm1;
	vm2 =	vmand vm4, vm5  }
0x279: {  	vm4 =	vge.s32 v15, v4;
	vm5 =	vlt.s32 v15, v5;
	vm0 =	vmand vm3, vm0  }
0x27a: {  	vm3 =	vmand vm6, vm7;
	vm7 =	vge.s32 v16, v4;
	vm10 =	vlt.s32 v16, v5  }
0x27b: {  	s5 =	simm.s32 $0x400;
	s4 =	simm.s32 $0x80;
	[tilespmem:s3+$0x10070] =	vst v17;
	vm6 =	vmand vm8, vm9;
	vm4 =	vmand vm4, vm5;
	vm5 =	vmand vm7, vm10  }
.LBB2_20:
0x27c: {  	p0 =	sne.s32 s5, $0xFE00;
	v17 =	vld [tilespmem:s4+$0xC070];
	v18 =	vsub.s32 v10, v4;
	v19 =	vsub.s32 v11, v4;
	v20 =	vsub.s32 v12, v4  }
0x27d: {  	v13 =	vsub.s32 v13, v4;
	v14 =	vsub.s32 v14, v4;
	v15 =	vsub.s32 v15, v4;
	v10 =	vld [tilespmem:s4+$0xC000]  }
0x27e: {  	v16 =	vsub.s32 v16, v4;
	v18 =	vnsel vm1, $0xFFFFFFFF, v18;
	v19 =	vnsel vm0, $0xFFFFFFFF, v19;
	v11 =	vld [tilespmem:s4+$0xC010]  }
0x27f: {  	v21 =	vnsel vm6, $0xFFFFFFFF, v14;
	v12 =	vld [tilespmem:s4+$0xC020];
	[tilespmem:s3+$0x10000] =	vst v18;
	v18 =	vnsel vm2, $0xFFFFFFFF, v20;
	v20 =	vnsel vm3, $0xFFFFFFFF, v13  }
0x280: {  	v22 =	vnsel vm5, $0xFFFFFFFF, v16;
	v13 =	vld [tilespmem:s4+$0xC030];
	[tilespmem:s3+$0x10010] =	vst v19;
	v19 =	vnsel vm4, $0xFFFFFFFF, v15  }
0x281: {  	v14 =	vld [tilespmem:s4+$0xC040];
	vm0 =	vge.s32 v17, v4;
	vm1 =	vlt.s32 v17, v5;
	[tilespmem:s3+$0x10020] =	vst v18  }
0x282: {  	v17 =	vsub.s32 v17, v4;
	vm2 =	vge.s32 v10, v4;
	v15 =	vld [tilespmem:s4+$0xC050];
	vm0 =	vmand vm0, vm1;
	[tilespmem:s3+$0x10030] =	vst v20  }
0x283: {  	vm1 =	vlt.s32 v10, v5;
	vm3 =	vge.s32 v11, v4;
	v16 =	vld [tilespmem:s4+$0xC060];
	v17 =	vnsel vm0, $0xFFFFFFFF, v17;
	[tilespmem:s3+$0x10040] =	vst v21  }
0x284: {  	vm0 =	vlt.s32 v11, v5;
	vm4 =	vge.s32 v12, v4;
	vm5 =	vlt.s32 v12, v5;
	[tilespmem:s4+$0x10070] =	vst v17  }
.Ltmp9:
0x285: {  	vm1 =	vmand vm2, vm1;
	vm6 =	vge.s32 v13, v4;
	vm7 =	vlt.s32 v13, v5;
	[tilespmem:s3+$0x10050] =	vst v19;
	(pc) =	sbr.rel @p0 .LBB2_20-.Ltmp9, $4  }
0x286: {  	vm0 =	vmand vm3, vm0;
	vm8 =	vge.s32 v14, v4;
	vm9 =	vlt.s32 v14, v5;
	[tilespmem:s3+$0x10060] =	vst v22;
	s3 =	smov.u32 s4  }
0x287: {  	vm2 =	vmand vm4, vm5;
	vm4 =	vge.s32 v15, v4;
	vm5 =	vlt.s32 v15, v5  }
0x288: {  	vm3 =	vmand vm6, vm7;
	vm7 =	vge.s32 v16, v4;
	vm10 =	vlt.s32 v16, v5  }
0x289: {  	s4 =	sshra.s32 s5, $0x2;
	s5 =	sadd.s32 $0x200, s5;
	vm6 =	vmand vm8, vm9;
	vm4 =	vmand vm4, vm5;
	vm5 =	vmand vm7, vm10  }
0x28a: {  	v17 =	vld [tilespmem:s4+$0xC070]  }
0x28b: {  	v18 =	vld [tilespmem:s4+$0xC000]  }
0x28c: {  	v10 =	vsub.s32 v10, v4;
	v19 =	vld [tilespmem:s4+$0xC010];
	v11 =	vsub.s32 v11, v4  }
0x28d: {  	v20 =	vld [tilespmem:s4+$0xC020];
	v12 =	vsub.s32 v12, v4;
	v13 =	vsub.s32 v13, v4;
	v16 =	vsub.s32 v16, v4  }
0x28e: {  	v10 =	vnsel vm1, $0xFFFFFFFF, v10;
	v11 =	vnsel vm0, $0xFFFFFFFF, v11;
	v12 =	vnsel vm2, $0xFFFFFFFF, v12  }
0x28f: {  	v13 =	vnsel vm3, $0xFFFFFFFF, v13;
	[tilespmem:s3+$0x10000] =	vst v10;
	v10 =	vsub.s32 v14, v4;
	v14 =	vsub.s32 v15, v4  }
0x290: {  	v15 =	vld [tilespmem:s4+$0xC030];
	[tilespmem:s3+$0x10010] =	vst v11;
	v10 =	vnsel vm6, $0xFFFFFFFF, v10;
	v11 =	vnsel vm4, $0xFFFFFFFF, v14;
	v14 =	vnsel vm5, $0xFFFFFFFF, v16  }
0x291: {  	vm0 =	vge.s32 v17, v4;
	vm1 =	vlt.s32 v17, v5;
	vm2 =	vge.s32 v18, v4  }
0x292: {  	v16 =	vld [tilespmem:s4+$0xC040];
	v17 =	vsub.s32 v17, v4;
	vm3 =	vge.s32 v19, v4;
	vm4 =	vge.s32 v20, v4  }
0x293: {  	[tilespmem:s3+$0x10020] =	vst v12;
	vm5 =	vlt.s32 v20, v5;
	vm0 =	vmand vm0, vm1;
	vm1 =	vlt.s32 v18, v5  }
0x294: {  	v12 =	vld [tilespmem:s4+$0xC050];
	[tilespmem:s3+$0x10030] =	vst v13;
	vm4 =	vmand vm4, vm5;
	v13 =	vnsel vm0, $0xFFFFFFFF, v17;
	vm0 =	vlt.s32 v19, v5  }
0x295: {  	v17 =	vld [tilespmem:s4+$0xC060];
	vm1 =	vmand vm2, vm1;
	[tilespmem:s3+$0x10040] =	vst v10;
	v10 =	vsub.s32 v18, v4;
	vm2 =	vge.s32 v15, v4  }
0x296: {  	vm6 =	vlt.s32 v15, v5;
	vm0 =	vmand vm3, vm0;
	[tilespmem:s4+$0x10070] =	vst v13;
	v10 =	vnsel vm1, $0xFFFFFFFF, v10  }
0x297: {  	v13 =	vsub.s32 v20, v4;
	vm3 =	vge.s32 v16, v4;
	vm7 =	vlt.s32 v16, v5;
	[tilespmem:s3+$0x10050] =	vst v11  }
0x298: {  	[tilespmem:s3+$0x10060] =	vst v14;
	vm2 =	vmand vm2, vm6;
	v11 =	vsub.s32 v19, v4;
	v13 =	vnsel vm4, $0xFFFFFFFF, v13  }
0x299: {  	vm5 =	vge.s32 v12, v4;
	vm8 =	vlt.s32 v12, v5;
	v11 =	vnsel vm0, $0xFFFFFFFF, v11;
	[tilespmem:s4+$0x10000] =	vst v10  }
0x29a: {  	v10 =	vsub.s32 v15, v4;
	vm3 =	vmand vm3, vm7;
	[tilespmem:s4+$0x10020] =	vst v13;
	v12 =	vsub.s32 v12, v4  }
0x29b: {  	[tilespmem:s4+$0x10010] =	vst v11;
	v11 =	vsub.s32 v16, v4;
	v10 =	vnsel vm2, $0xFFFFFFFF, v10;
	vm2 =	vmand vm5, vm8  }
0x29c: {  	vm1 =	vge.s32 v17, v4;
	vm0 =	vlt.s32 v17, v5;
	v11 =	vnsel vm3, $0xFFFFFFFF, v11;
	[tilespmem:s4+$0x10030] =	vst v10  }
0x29d: {  	v10 =	vsub.s32 v17, v4;
	v12 =	vnsel vm2, $0xFFFFFFFF, v12;
	vm0 =	vmand vm1, vm0;
	[tilespmem:s4+$0x10040] =	vst v11  }
0x29e: {  	[tilespmem:s4+$0x10050] =	vst v12;
	v10 =	vnsel vm0, $0xFFFFFFFF, v10  }
0x29f: {  	[tilespmem:s4+$0x10060] =	vst v10;
	(ifvalue) =	ssetifvalue $0xFFFFFFFF  }
0x2a0: {  	[spmem:s1] =	stream.indirect.scatter.add.f32 [tilespmem:s30], [sflag:$0x1], $0x1, s29, s28, $0x40b8;
	[tilespmem:$0x1A000] =	vst v63  }
0x2a1: {  	_ =	swait.ge [sflag:s24], $0x4000  }
0x2a2: {  	[sflag:s24] =	ssyncset.done $0x0  }
0x2a3: {  	[sflag:s24] =	ssyncadd.s32 $0xFFFFC000  }
0x2a4: {  	[bflag:$0x0] =	sbarrier.arrive $0xFFFF  }
0x2a5: {  	[hbm:s16], [sflag:s31] =	dma.local [spmem:s0], $0x1000  }
0x2a6: {  	_ =	swait.ge [sflag:s24], $0x1000  }
0x2a7: {  	[sflag:s24] =	ssyncset.done $0x0  }
0x2a8: {  	[sflag:s24] =	ssyncadd.s32 $0xFFFFF000  }
0x2a9: {  	[bflag:$0x0] =	sbarrier.arrive $0xFFFF  }
0x2aa: {  	[spmem:s6] =	stream.linear.scatter [tilespmem:s26], [sflag:$0x1], $0x2000, $0x38;
	[tilespmem:$0x1A000] =	vst v63  }
0x2ab: {  	_ =	swait.ge [sflag:s24], $0x2000  }
0x2ac: {  	[sflag:s24] =	ssyncset.done $0x0  }
0x2ad: {  	[sflag:s24] =	ssyncadd.s32 $0xFFFFE000  }
0x2ae: {  	[spmem:s7] =	stream.linear.scatter [tilespmem:s26], [sflag:$0x1], $0x2000, $0x38;
	[tilespmem:$0x1A000] =	vst v63  }
0x2af: {  	_ =	swait.ge [sflag:s24], $0x2000  }
0x2b0: {  	[sflag:s24] =	ssyncset.done $0x0  }
0x2b1: {  	[sflag:s24] =	ssyncadd.s32 $0xFFFFE000  }
0x2b2: {  	[spmem:s19] =	stream.linear.scatter [tilespmem:s26], [sflag:$0x1], $0x2000, $0x38;
	[tilespmem:$0x1A000] =	vst v63  }
0x2b3: {  	_ =	swait.ge [sflag:s24], $0x2000  }
0x2b4: {  	[sflag:s24] =	ssyncset.done $0x0  }
0x2b5: {  	[sflag:s24] =	ssyncadd.s32 $0xFFFFE000  }
0x2b6: {  	[spmem:s20] =	stream.linear.scatter [tilespmem:s26], [sflag:$0x1], $0x2000, $0x38;
	[tilespmem:$0x1A000] =	vst v63  }
0x2b7: {  	_ =	swait.ge [sflag:s24], $0x2000  }
0x2b8: {  	[sflag:s24] =	ssyncset.done $0x0  }
0x2b9: {  	[sflag:s24] =	ssyncadd.s32 $0xFFFFE000  }
0x2ba: {  	s3 =	simm.s32 $0x0;
	[bflag:$0x0] =	sbarrier.arrive $0xFFFF  }
0x2bb: {  	v16 =	vld [tilespmem:s3+$0xC070]  }
0x2bc: {  	v10 =	vld [tilespmem:s3+$0xC000]  }
0x2bd: {  	v11 =	vld [tilespmem:s3+$0xC010]  }
0x2be: {  	v12 =	vld [tilespmem:s3+$0xC020]  }
0x2bf: {  	v13 =	vld [tilespmem:s3+$0xC030]  }
0x2c0: {  	v14 =	vld [tilespmem:s3+$0xC040];
	_ =	sdelay $0x1  }
0x2c1: {  	vm0 =	vge.s32 v16, v6;
	vm1 =	vlt.s32 v16, v7  }
0x2c2: {  	v15 =	vld [tilespmem:s3+$0xC050];
	vm2 =	vge.s32 v10, v6;
	v17 =	vsub.s32 v16, v6;
	vm3 =	vge.s32 v11, v6  }
0x2c3: {  	v16 =	vld [tilespmem:s3+$0xC060];
	vm4 =	vge.s32 v12, v6;
	vm5 =	vlt.s32 v12, v7;
	vm6 =	vge.s32 v13, v6  }
0x2c4: {  	vm7 =	vlt.s32 v13, v7;
	vm8 =	vge.s32 v14, v6;
	vm0 =	vmand vm0, vm1  }
0x2c5: {  	vm9 =	vlt.s32 v14, v7;
	vm1 =	vlt.s32 v10, v7;
	v17 =	vnsel vm0, $0xFFFFFFFF, v17  }
0x2c6: {  	vm0 =	vlt.s32 v11, v7;
	vm1 =	vmand vm2, vm1;
	vm2 =	vmand vm4, vm5  }
0x2c7: {  	vm4 =	vge.s32 v15, v6;
	vm5 =	vlt.s32 v15, v7;
	vm0 =	vmand vm3, vm0  }
0x2c8: {  	vm3 =	vmand vm6, vm7;
	vm7 =	vge.s32 v16, v6;
	vm10 =	vlt.s32 v16, v7  }
0x2c9: {  	s5 =	simm.s32 $0x400;
	s4 =	simm.s32 $0x80;
	[tilespmem:s3+$0x10070] =	vst v17;
	vm6 =	vmand vm8, vm9;
	vm4 =	vmand vm4, vm5;
	vm5 =	vmand vm7, vm10  }
.LBB2_22:
0x2ca: {  	p0 =	sne.s32 s5, $0xFE00;
	v17 =	vld [tilespmem:s4+$0xC070];
	v18 =	vsub.s32 v10, v6;
	v19 =	vsub.s32 v11, v6;
	v20 =	vsub.s32 v12, v6  }
0x2cb: {  	v13 =	vsub.s32 v13, v6;
	v14 =	vsub.s32 v14, v6;
	v15 =	vsub.s32 v15, v6;
	v10 =	vld [tilespmem:s4+$0xC000]  }
0x2cc: {  	v16 =	vsub.s32 v16, v6;
	v18 =	vnsel vm1, $0xFFFFFFFF, v18;
	v19 =	vnsel vm0, $0xFFFFFFFF, v19;
	v11 =	vld [tilespmem:s4+$0xC010]  }
0x2cd: {  	v21 =	vnsel vm6, $0xFFFFFFFF, v14;
	v12 =	vld [tilespmem:s4+$0xC020];
	[tilespmem:s3+$0x10000] =	vst v18;
	v18 =	vnsel vm2, $0xFFFFFFFF, v20;
	v20 =	vnsel vm3, $0xFFFFFFFF, v13  }
0x2ce: {  	v22 =	vnsel vm5, $0xFFFFFFFF, v16;
	v13 =	vld [tilespmem:s4+$0xC030];
	[tilespmem:s3+$0x10010] =	vst v19;
	v19 =	vnsel vm4, $0xFFFFFFFF, v15  }
0x2cf: {  	v14 =	vld [tilespmem:s4+$0xC040];
	vm0 =	vge.s32 v17, v6;
	vm1 =	vlt.s32 v17, v7;
	[tilespmem:s3+$0x10020] =	vst v18  }
0x2d0: {  	v17 =	vsub.s32 v17, v6;
	vm2 =	vge.s32 v10, v6;
	v15 =	vld [tilespmem:s4+$0xC050];
	vm0 =	vmand vm0, vm1;
	[tilespmem:s3+$0x10030] =	vst v20  }
0x2d1: {  	vm1 =	vlt.s32 v10, v7;
	vm3 =	vge.s32 v11, v6;
	v16 =	vld [tilespmem:s4+$0xC060];
	v17 =	vnsel vm0, $0xFFFFFFFF, v17;
	[tilespmem:s3+$0x10040] =	vst v21  }
0x2d2: {  	vm0 =	vlt.s32 v11, v7;
	vm4 =	vge.s32 v12, v6;
	vm5 =	vlt.s32 v12, v7;
	[tilespmem:s4+$0x10070] =	vst v17  }
.Ltmp10:
0x2d3: {  	vm1 =	vmand vm2, vm1;
	vm6 =	vge.s32 v13, v6;
	vm7 =	vlt.s32 v13, v7;
	[tilespmem:s3+$0x10050] =	vst v19;
	(pc) =	sbr.rel @p0 .LBB2_22-.Ltmp10, $4  }
0x2d4: {  	vm0 =	vmand vm3, vm0;
	vm8 =	vge.s32 v14, v6;
	vm9 =	vlt.s32 v14, v7;
	[tilespmem:s3+$0x10060] =	vst v22;
	s3 =	smov.u32 s4  }
0x2d5: {  	vm2 =	vmand vm4, vm5;
	vm4 =	vge.s32 v15, v6;
	vm5 =	vlt.s32 v15, v7  }
0x2d6: {  	vm3 =	vmand vm6, vm7;
	vm7 =	vge.s32 v16, v6;
	vm10 =	vlt.s32 v16, v7  }
0x2d7: {  	s4 =	sshra.s32 s5, $0x2;
	s5 =	sadd.s32 $0x200, s5;
	vm6 =	vmand vm8, vm9;
	vm4 =	vmand vm4, vm5;
	vm5 =	vmand vm7, vm10  }
0x2d8: {  	v17 =	vld [tilespmem:s4+$0xC070]  }
0x2d9: {  	v18 =	vld [tilespmem:s4+$0xC000];
	v10 =	vsub.s32 v10, v6;
	v11 =	vsub.s32 v11, v6  }
0x2da: {  	v19 =	vld [tilespmem:s4+$0xC010];
	v12 =	vsub.s32 v12, v6;
	v13 =	vsub.s32 v13, v6;
	v57 =	vsub.s32 v15, v6  }
0x2db: {  	v20 =	vld [tilespmem:s4+$0xC020];
	v16 =	vsub.s32 v16, v6;
	v10 =	vnsel vm1, $0xFFFFFFFF, v10;
	v11 =	vnsel vm0, $0xFFFFFFFF, v11  }
0x2dc: {  	v12 =	vnsel vm2, $0xFFFFFFFF, v12;
	v13 =	vnsel vm3, $0xFFFFFFFF, v13;
	[tilespmem:s3+$0x10000] =	vst v10;
	v10 =	vsub.s32 v14, v6  }
0x2dd: {  	v59 =	vnsel vm5, $0xFFFFFFFF, v16;
	v58 =	vld [tilespmem:s4+$0xC030];
	[tilespmem:s3+$0x10010] =	vst v11;
	v10 =	vnsel vm6, $0xFFFFFFFF, v10;
	v11 =	vnsel vm4, $0xFFFFFFFF, v57  }
0x2de: {  	vm13 =	vge.s32 v17, v6;
	vm14 =	vlt.s32 v17, v7;
	vm15 =	vge.s32 v18, v6  }
0x2df: {  	v60 =	vld [tilespmem:s4+$0xC040];
	v17 =	vsub.s32 v17, v6;
	vm8 =	vlt.s32 v18, v7;
	vm9 =	vge.s32 v19, v6  }
0x2e0: {  	[tilespmem:s3+$0x10020] =	vst v12;
	vm10 =	vlt.s32 v19, v7;
	vm11 =	vge.s32 v20, v6;
	vm12 =	vlt.s32 v20, v7  }
0x2e1: {  	v12 =	vld [tilespmem:s4+$0xC050];
	[tilespmem:s3+$0x10030] =	vst v13;
	v63 =	vsub.s32 v20, v6;
	vm0 =	vmand vm13, vm14;
	vm1 =	vmand vm15, vm8  }
0x2e2: {  	v62 =	vld [tilespmem:s4+$0xC060];
	[tilespmem:s3+$0x10040] =	vst v10;
	vm4 =	vmand vm11, vm12;
	v10 =	vsub.s32 v18, v6;
	v61 =	vnsel vm0, $0xFFFFFFFF, v17  }
0x2e3: {  	vm0 =	vmand vm9, vm10;
	v10 =	vnsel vm1, $0xFFFFFFFF, v10;
	v13 =	vnsel vm4, $0xFFFFFFFF, v63;
	[tilespmem:s4+$0x10070] =	vst v61  }
0x2e4: {  	vm13 =	vge.s32 v58, v6;
	vm14 =	vlt.s32 v58, v7;
	vm15 =	vge.s32 v60, v6;
	[tilespmem:s3+$0x10050] =	vst v11  }
0x2e5: {  	vm7 =	vlt.s32 v60, v7;
	[tilespmem:s3+$0x10060] =	vst v59;
	vm2 =	vmand vm13, vm14;
	v11 =	vsub.s32 v19, v6  }
0x2e6: {  	vm12 =	vge.s32 v12, v6;
	vm8 =	vlt.s32 v12, v7;
	v11 =	vnsel vm0, $0xFFFFFFFF, v11;
	[tilespmem:s4+$0x10000] =	vst v10  }
0x2e7: {  	v10 =	vsub.s32 v58, v6;
	vm3 =	vmand vm15, vm7;
	[tilespmem:s4+$0x10020] =	vst v13;
	v12 =	vsub.s32 v12, v6  }
0x2e8: {  	vm13 =	vge.s32 v62, v6;
	[tilespmem:s4+$0x10010] =	vst v11;
	v11 =	vsub.s32 v60, v6;
	v10 =	vnsel vm2, $0xFFFFFFFF, v10  }
0x2e9: {  	vm14 =	vlt.s32 v62, v7;
	vm15 =	vmand vm12, vm8;
	v11 =	vnsel vm3, $0xFFFFFFFF, v11;
	[tilespmem:s4+$0x10030] =	vst v10  }
0x2ea: {  	vm0 =	vmand vm13, vm14;
	v10 =	vsub.s32 v62, v6;
	v12 =	vnsel vm15, $0xFFFFFFFF, v12;
	[tilespmem:s4+$0x10040] =	vst v11  }
0x2eb: {  	v10 =	vnsel vm0, $0xFFFFFFFF, v10;
	[tilespmem:s4+$0x10050] =	vst v12  }
0x2ec: {  	[tilespmem:s4+$0x10060] =	vst v10;
	(ifvalue) =	ssetifvalue $0xFFFFFFFF  }
0x2ed: {  	[spmem:s1] =	stream.indirect.scatter.add.f32 [tilespmem:s30], [sflag:$0x1], $0x1, s29, s28, $0x40b8;
	[tilespmem:$0x1A000] =	vst v63  }
0x2ee: {  	_ =	swait.ge [sflag:s24], $0x4000  }
0x2ef: {  	[sflag:s24] =	ssyncset.done $0x0  }
0x2f0: {  	s2 =	sadd.s32 $0x1, s2;
	[sflag:s24] =	ssyncadd.s32 $0xFFFFC000  }
0x2f1: {  	p0 =	sne.s32 s2, s18;
	[bflag:$0x0] =	sbarrier.arrive $0xFFFF  }
0x2f2: {  	[hbm:s17], [sflag:s31] =	dma.local [spmem:s0], $0x1000  }
.Ltmp11:
0x2f3: {  	_ =	swait.ge [sflag:s24], $0x1000;
	(pc) =	sbr.rel @p0 .LBB2_1-.Ltmp11, $3  }
0x2f4: {  	[sflag:s24] =	ssyncset.done $0x0  }
0x2f5: {  	[sflag:s24] =	ssyncadd.s32 $0xFFFFF000  }
0x2f6: {  	[bflag:$0x0] =	sbarrier.arrive $0xFFFF;
	_ =	sdelay $0x1  }
0x2f7: {  	_ =	sfence.sel $0x180000  }
0x2f8: {  	[bflag:$0x0] =	sbarrier.arrive $0xFFFF  }
0x2f9: {  	_ =	strace $0x90000047  }
0x2fa: {  	s0 =	stileid.u32;
	[bflag:$0x2] =	sbarrier.arrive $0xFFFF  }
0x2fb: {  	p0 =	sne.s32 s0, $0x0;
	s0 =	rddreg [dreg:$0x4]  }
0x2fc: {  	s0 =	sadd.s32 @!p0 $0x100000, s0  }
0x2fd: {  	[sflag:s0] =	ssyncadd.tile.s32 @!p0 $0x1;
	_ =	shalt  }
.Lfunc_end2:
_tile_overlayer_lowered:
.L_overlay_start_2:
0x2fe: {  	(tag) =	ssettag $0x2  }
0x2ff: {  	s0 =	rddreg [dreg:$0x0];
	s2 =	stileid.u32  }
0x300: {  	s1 =	rddreg [dreg:$0x1];
	p0 =	sne.s32 s2, $0x0  }
0x301: {  	s3 =	rddreg [dreg:$0x2];
	[bflag:$0x3] =	sbarrier.arrive $0xFFFF;
	s2 =	simm.s32 @!p0 $0x1C01  }
0x302: {  	[timem:s3], [sflag:s2] =	dma.local @!p0 [hbm:s0], s1  }
0x303: {  	s0 =	simm.s32 @!p0 $0x1  }
0x304: {  	_ =	swait.ge @!p0 [sflag:s0], s1  }
0x305: {  	s1 =	ssub.s32 @!p0 $0x0, s1;
	[sflag:s0] =	ssyncset.done @!p0 $0x0  }
0x306: {  	[sflag:s0] =	ssyncadd.s32 @!p0 s1  }
0x307: {  	[bflag:$0x3] =	sbarrier.arrive $0xFFFF  }
0x308: {  	_ =	shalt  }

</sc_bundles>
